<compile_context>
chip_gen: v7x
topology: tpu7x:2x2x1
jax: 0.10.2.dev20260603
libtpu: 0.0.44.dev20260713+nightly
codegen_flags: <defaults>
</compile_context>

<pallas_src>
import functools

import jax
import jax.numpy as jnp
from jax import lax
from jax.experimental import pallas as pl
from jax.experimental.pallas import tpu as pltpu
from jax.experimental.pallas import tpu_sc as plsc

N = 100000
E = 1600000
NODE_FIELDS = 8
EDGE_FIELDS = 4
D = 32
H = 64

NC = 2
NS = 16
SUB = 128

HALF = N // NC
TRASH = HALF
ACC_ROWS = 50176
NODE_FULL = HALF // SUB
NODE_TAIL = HALF - NODE_FULL * SUB
NODE_TAIL_BASE = NODE_FULL * SUB
ESUB = E // SUB
ZROWS = 16
ZSUB = ACC_ROWS // ZROWS


def _sc_embed_aggregate(node_tables, edge_tables, xT, attr_i, ei_flat):
  mesh = plsc.VectorSubcoreMesh(
      core_axis_name="c", subcore_axis_name="s", num_cores=NC, num_subcores=NS)

  @functools.partial(
      pl.kernel,
      out_type=jax.ShapeDtypeStruct((N, D), jnp.float32),
      mesh=mesh,
      compiler_params=pltpu.CompilerParams(use_tc_tiling_on_sc=False),
      scratch_types=[
          pltpu.VMEM_SHARED((ACC_ROWS, D), jnp.float32),
          pltpu.VMEM((ZROWS, D), jnp.float32),
          pltpu.VMEM((2, NODE_FIELDS, SUB), jnp.int32),
          pltpu.VMEM((3, EDGE_FIELDS, SUB), jnp.int32),
          pltpu.VMEM((3, SUB), jnp.int32),
          pltpu.VMEM((3, SUB), jnp.int32),
          pltpu.VMEM((2, SUB), jnp.int32),
          pltpu.VMEM((NODE_TAIL,), jnp.int32),
          pltpu.VMEM((6, SUB, D), jnp.float32),
          pltpu.SemaphoreType.DMA,
          pltpu.SemaphoreType.DMA,
          pltpu.SemaphoreType.DMA,
          pltpu.SemaphoreType.DMA,
      ],
  )
  def k(node_tbl, edge_tbl, xT_h, attr_h, ei_h, out, acc, zbuf, xbuf, abuf,
        dbuf, dloc, lin, lin_tail, rows, sem_in, sem_g0, sem_g1, sem_s):
    c = lax.axis_index("c")
    s = lax.axis_index("s")
    nbase = c * HALF
    iota = lax.iota(jnp.int32, 16)
    zero16 = jnp.zeros((16,), jnp.float32)

    def zrow(i, _):
      zbuf[i, pl.ds(0, 16)] = zero16
      zbuf[i, pl.ds(16, 16)] = zero16
      return 0
    lax.fori_loop(0, ZROWS, zrow, 0)

    nz = (ZSUB - s + NS - 1) // NS
    def zbody(i, _):
      j = s + i * NS
      pltpu.async_copy(zbuf, acc.at[pl.ds(j * ZROWS, ZROWS)], sem_s)
      return 0
    lax.fori_loop(0, nz, zbody, 0)
    def zdrain(i, _):
      pltpu.make_async_copy(zbuf, acc.at[pl.ds(s * ZROWS, ZROWS)], sem_s).wait()
      return 0
    lax.fori_loop(0, nz, zdrain, 0)
    plsc.subcore_barrier()

    nn = (NODE_FULL - s + NS - 1) // NS

    def fire_inputs_n(j, b):
      for f in range(NODE_FIELDS):
        pltpu.async_copy(xT_h.at[pl.ds(f * N + nbase + j * SUB, SUB)],
                         xbuf.at[b, f], sem_in)

    fire_inputs_n(s, 0)

    def nbody(i, _):
      j = s + i * NS
      b = i & 1
      p0, p1 = 2 * b, 2 * b + 1
      for f in range(NODE_FIELDS):
        pltpu.make_async_copy(xT_h.at[pl.ds(f * N + nbase + j * SUB, SUB)],
                              xbuf.at[b, f], sem_in).wait()

      @pl.when(i + 1 < nn)
      def _prefetch():
        fire_inputs_n(j + NS, 1 - b)

      lbase = j * SUB
      for kk in range(SUB // 16):
        lin[b, pl.ds(kk * 16, 16)] = lbase + kk * 16 + iota

      for w in range(NODE_FIELDS // 2):
        add = w > 0
        gcps = [pltpu.async_copy(node_tbl.at[2 * w].at[xbuf.at[b, 2 * w]],
                                 rows.at[p0], sem_g0, add=add),
                pltpu.async_copy(node_tbl.at[2 * w + 1].at[xbuf.at[b, 2 * w + 1]],
                                 rows.at[p1], sem_g0, add=add)]
        for cp in gcps:
          cp.wait()
      @pl.when(i >= 1)
      def _drain_prev():
        for p in (2 * (1 - b), 2 * (1 - b) + 1):
          pltpu.make_async_copy(rows.at[p], acc.at[lin.at[1 - b]], sem_s).wait()
      for p in (p0, p1):
        pltpu.async_copy(rows.at[p], acc.at[lin.at[b]], sem_s, add=True)
      return 0
    lax.fori_loop(0, nn, nbody, 0)

    blast_n = (nn - 1) & 1
    for p in (2 * blast_n, 2 * blast_n + 1):
      pltpu.make_async_copy(rows.at[p], acc.at[lin.at[blast_n]], sem_s).wait()

    @pl.when(s == 0)
    def _node_tail():
      for kk in range(NODE_TAIL // 16):
        lin_tail[pl.ds(kk * 16, 16)] = NODE_TAIL_BASE + kk * 16 + iota
      gbase = nbase + NODE_TAIL_BASE
      cps = [pltpu.async_copy(xT_h.at[pl.ds(f * N + gbase, NODE_TAIL)],
                              xbuf.at[0, f, pl.ds(0, NODE_TAIL)], sem_in)
             for f in range(NODE_FIELDS)]
      for cp in cps:
        cp.wait()
      for w in range(NODE_FIELDS // 2):
        gcps = [pltpu.async_copy(
            node_tbl.at[2 * w + q].at[xbuf.at[0, 2 * w + q, pl.ds(0, NODE_TAIL)]],
            rows.at[q, pl.ds(0, NODE_TAIL)], sem_g0, add=w > 0) for q in (0, 1)]
        for cp in gcps:
          cp.wait()
      for q in (0, 1):
        pltpu.sync_copy(rows.at[q, pl.ds(0, NODE_TAIL)], acc.at[lin_tail],
                        add=True)

    ne = (ESUB - s + NS - 1) // NS

    def fire_inputs_e(j, r):
      pltpu.async_copy(attr_h.at[pl.ds(j * EDGE_FIELDS, EDGE_FIELDS)],
                       abuf.at[r], sem_in)
      pltpu.async_copy(ei_h.at[pl.ds(E + j * SUB, SUB)], dbuf.at[r], sem_in)

    def wait_inputs_e(j, r):
      pltpu.make_async_copy(attr_h.at[pl.ds(j * EDGE_FIELDS, EDGE_FIELDS)],
                            abuf.at[r], sem_in).wait()
      pltpu.make_async_copy(ei_h.at[pl.ds(E + j * SUB, SUB)], dbuf.at[r],
                            sem_in).wait()

    def fire_wave0_e(r):
      pltpu.async_copy(edge_tbl.at[0].at[abuf.at[r, 0]], rows.at[2 * r], sem_g0)
      pltpu.async_copy(edge_tbl.at[1].at[abuf.at[r, 1]], rows.at[2 * r + 1],
                       sem_g0)

    def wait_wave0_e(r):
      for q in (0, 1):
        pltpu.make_async_copy(edge_tbl.at[q].at[abuf.at[r, q]],
                              rows.at[2 * r + q], sem_g0).wait()

    def wait_wave1_e(r):
      for q in (0, 1):
        pltpu.make_async_copy(edge_tbl.at[q].at[abuf.at[r, q]],
                              rows.at[2 * r + q], sem_g1).wait()

    def fire_wave1_e(r):
      pltpu.async_copy(edge_tbl.at[2].at[abuf.at[r, 2]], rows.at[2 * r],
                       sem_g1, add=True)
      pltpu.async_copy(edge_tbl.at[3].at[abuf.at[r, 3]], rows.at[2 * r + 1],
                       sem_g1, add=True)

    def fire_scatter_e(r):
      for q in (0, 1):
        pltpu.async_copy(rows.at[2 * r + q], acc.at[dloc.at[r]], sem_s,
                         add=True)

    def drain_scatter_e(r):
      for q in (0, 1):
        pltpu.make_async_copy(rows.at[2 * r + q], acc.at[dloc.at[r]],
                              sem_s).wait()

    fire_inputs_e(s, 0)
    wait_inputs_e(s, 0)
    fire_wave0_e(0)
    fire_inputs_e(s + NS, 1)

    def ebody(i, _):
      j = s + i * NS
      r = lax.rem(i, 3)
      r_prev = lax.rem(i + 2, 3)
      r_next = lax.rem(i + 1, 3)

      @pl.when(i + 1 < ne)
      def _wait_next_inputs():
        wait_inputs_e(j + NS, r_next)

      for kk in range(SUB // 16):
        v = dbuf[r, pl.ds(kk * 16, 16)]
        loc = v - nbase
        ok = (v >= nbase) & (loc < HALF)
        dloc[r, pl.ds(kk * 16, 16)] = jnp.where(ok, loc, TRASH + kk * 16 + iota)

      @pl.when(i >= 2)
      def _drain():
        drain_scatter_e(r_next)

      @pl.when(i >= 1)
      def _scatter_prev():
        wait_wave1_e(r_prev)
        fire_scatter_e(r_prev)

      @pl.when(i + 2 < ne)
      def _prefetch():
        fire_inputs_e(j + 2 * NS, r_prev)

      wait_wave0_e(r)
      fire_wave1_e(r)

      @pl.when(i + 1 < ne)
      def _next_wave0():
        fire_wave0_e(r_next)
      return 0
    lax.fori_loop(0, ne, ebody, 0)

    blast = ne - 1
    rl = lax.rem(blast, 3)
    drain_scatter_e(lax.rem(blast + 2, 3))
    wait_wave1_e(rl)
    fire_scatter_e(rl)
    drain_scatter_e(rl)

    plsc.subcore_barrier()

    def xbody(i, _):
      j = s + i * NS
      pltpu.async_copy(acc.at[pl.ds(j * SUB, SUB)],
                       out.at[pl.ds(nbase + j * SUB, SUB)], sem_s)
      return 0
    lax.fori_loop(0, nn, xbody, 0)
    def xdrain(i, _):
      pltpu.make_async_copy(acc.at[pl.ds(s * SUB, SUB)],
                            out.at[pl.ds(nbase + s * SUB, SUB)], sem_s).wait()
      return 0
    lax.fori_loop(0, nn, xdrain, 0)

    @pl.when(s == 0)
    def _exp_tail():
      pltpu.sync_copy(acc.at[pl.ds(NODE_TAIL_BASE, NODE_TAIL)],
                      out.at[pl.ds(nbase + NODE_TAIL_BASE, NODE_TAIL)])

  return k(node_tables, edge_tables, xT, attr_i, ei_flat)


MLP_BLK = 2000


def _mlp(agg, W_enc, W_dec):
  def body(a_ref, we_ref, wd_ref, o_ref):
    h = jnp.maximum(
        jnp.dot(a_ref[...], we_ref[...], preferred_element_type=jnp.float32),
        0.0)
    o_ref[...] = jnp.dot(h, wd_ref[...], preferred_element_type=jnp.float32)

  return pl.pallas_call(
      body,
      grid=(N // MLP_BLK,),
      in_specs=[
          pl.BlockSpec((MLP_BLK, D), lambda i: (i, 0)),
          pl.BlockSpec((D, H), lambda i: (0, 0)),
          pl.BlockSpec((H, D), lambda i: (0, 0)),
      ],
      out_specs=pl.BlockSpec((MLP_BLK, D), lambda i: (i, 0)),
      out_shape=jax.ShapeDtypeStruct((N, D), jnp.float32),
  )(agg, W_enc, W_dec)


def kernel(x, edge_attr, edge_index, node_tables, edge_tables, W_enc, W_dec):
  xT = jnp.transpose(x).reshape(-1)
  attr_i = edge_attr.reshape(ESUB, SUB, EDGE_FIELDS).transpose(0, 2, 1)
  attr_i = attr_i.reshape(ESUB * EDGE_FIELDS, SUB)
  ei_flat = edge_index.reshape(-1)
  agg = _sc_embed_aggregate(node_tables, edge_tables, xT, attr_i, ei_flat)
  return _mlp(agg, W_enc, W_dec)

# --- scband reference (transcript-rebuilt; emitter-appended) ---
"""Pipeline reference for scband-graph-deep-neural-network-6528350290281 (READ-ONLY COPY).

The authoritative reference and input builder live on the scoring server;
editing this copy changes nothing except your own understanding.
"""

import jax, jax.numpy as jnp
import numpy as np

N = 100000
E = 1600000
NODE_FIELDS = 8
EDGE_FIELDS = 4
NODE_VOCAB = 100000
EDGE_VOCAB = 1000
D = 32
H = 64


def setup_inputs(seed: int = 0) -> dict:
    key = jax.random.key(seed)
    ks = jax.random.split(key, 7)
    x = jax.random.randint(ks[0], (N, NODE_FIELDS), 0, NODE_VOCAB, dtype=jnp.int32)
    edge_attr = jax.random.randint(ks[1], (E, EDGE_FIELDS), 0, EDGE_VOCAB, dtype=jnp.int32)
    edge_index = jax.random.randint(ks[2], (2, E), 0, N, dtype=jnp.int32)
    node_tables = jax.random.normal(ks[3], (NODE_FIELDS, NODE_VOCAB, D), dtype=jnp.float32) * 0.02
    edge_tables = jax.random.normal(ks[4], (EDGE_FIELDS, EDGE_VOCAB, D), dtype=jnp.float32) * 0.02
    W_enc = jax.random.normal(ks[5], (D, H), dtype=jnp.float32) * 0.05
    W_dec = jax.random.normal(ks[6], (H, D), dtype=jnp.float32) * 0.05
    return {"x": x, "edge_attr": edge_attr, "edge_index": edge_index,
            "node_tables": node_tables, "edge_tables": edge_tables,
            "W_enc": W_enc, "W_dec": W_dec}


def reference(x, edge_attr, edge_index, node_tables, edge_tables, W_enc, W_dec):
    # embedding_aggregation == 'sum': per-field embedding lookup then sum over fields
    node_emb = jnp.zeros((x.shape[0], D), dtype=jnp.float32)
    for i in range(NODE_FIELDS):
        node_emb = node_emb + jnp.take(node_tables[i], x[:, i], axis=0)
    edge_emb = jnp.zeros((edge_attr.shape[0], D), dtype=jnp.float32)
    for i in range(EDGE_FIELDS):
        edge_emb = edge_emb + jnp.take(edge_tables[i], edge_attr[:, i], axis=0)
    # encoder: message-passing style aggregation of edge embeddings to dst nodes + MLP
    agg = node_emb + jax.ops.segment_sum(edge_emb, edge_index[1], num_segments=N)
    h = jax.nn.relu(agg @ W_enc)
    # decoder: linear projection back to embedding_dim
    return h @ W_dec

if __name__ == "__main__":
    import jax
    _d = setup_inputs()
    print(jax.jit(kernel)(*tuple(_d.values())))

</pallas_src>

<mosaic_0001>
#map = affine_map<(d0, d1) -> (0, 0, 0)>
#map1 = affine_map<(d0, d1) -> (0)>
#map2 = affine_map<(d0, d1) -> (0, 0)>
module attributes {stable_mosaic.version = 14 : i64} {
  func.func @k(%arg0: i32, %arg1: i32, %arg2: memref<8x100000x32xf32, #tpu.memory_space<hbm>>, %arg3: memref<4x1000x32xf32, #tpu.memory_space<hbm>>, %arg4: memref<800000xi32, #tpu.memory_space<hbm>>, %arg5: memref<50000x128xi32, #tpu.memory_space<hbm>>, %arg6: memref<3200000xi32, #tpu.memory_space<hbm>>, %arg7: memref<100000x32xf32, #tpu.memory_space<hbm>>, %arg8: memref<50176x32xf32, #tpu.memory_space<vmem_shared>>, %arg9: memref<16x32xf32, #tpu.memory_space<vmem>>, %arg10: memref<2x8x128xi32, #tpu.memory_space<vmem>>, %arg11: memref<3x4x128xi32, #tpu.memory_space<vmem>>, %arg12: memref<3x128xi32, #tpu.memory_space<vmem>>, %arg13: memref<3x128xi32, #tpu.memory_space<vmem>>, %arg14: memref<2x128xi32, #tpu.memory_space<vmem>>, %arg15: memref<80xi32, #tpu.memory_space<vmem>>, %arg16: memref<6x128x32xf32, #tpu.memory_space<vmem>>, %arg17: memref<!tpu.dma_semaphore, #tpu.memory_space<semaphore_mem>>, %arg18: memref<!tpu.dma_semaphore, #tpu.memory_space<semaphore_mem>>, %arg19: memref<!tpu.dma_semaphore, #tpu.memory_space<semaphore_mem>>, %arg20: memref<!tpu.dma_semaphore, #tpu.memory_space<semaphore_mem>>) attributes {dimension_semantics = [#tpu.dimension_semantics<core_parallel>, #tpu.dimension_semantics<subcore_parallel>], iteration_bounds = array<i64: 2, 16>, scalar_prefetch = 0 : i64, scratch_operands = 13 : i64, tpu.core_type = #tpu.core_type<sc_vector_subcore>, window_params = [{transform_indices = #map}, {transform_indices = #map}, {transform_indices = #map1}, {transform_indices = #map2}, {transform_indices = #map1}, {transform_indices = #map2}]} {
    %mul3A = arith.constant 50000 : i32
    %mul3A_0 = arith.muli %arg0, %mul3A : i32
    %iota3A = tpu.iota {dimensions = array<i32: 0>} : vector<16xi32>
    %broadcast_in_dim3A = arith.constant 0.000000e+00 : f32
    %broadcast_in_dim3A_1 = vector.broadcast %broadcast_in_dim3A : f32 to vector<16xf32>
    %scan3A = arith.constant 0 : i32
    %scan3A_2 = arith.constant 0 : i32
    %scan3A_3 = arith.constant 16 : i32
    %scan3A_4 = arith.addi %scan3A_2, %scan3A_3 : i32
    %scan3A_5 = arith.constant 1 : i32
    %scan3A_6 = scf.for %scan3A_570 = %scan3A_2 to %scan3A_4 step %scan3A_5 iter_args(%scan3A_571 = %scan3A) -> (i32)  : i32 {
      %swap3A = arith.index_cast %scan3A_570 : i32 to index
      %swap3A_572 = arith.constant 0 : index
      %swap3A_573 = tpu.vector_load %arg9[%swap3A, %swap3A_572] {strides = array<i32>} : memref<16x32xf32, #tpu.memory_space<vmem>>, vector<1x16xf32>,
      %swap3A_574 = vector.shape_cast %swap3A_573 : vector<1x16xf32> to vector<16xf32>
      %swap3A_575 = vector.shape_cast %broadcast_in_dim3A_1 : vector<16xf32> to vector<1x16xf32>
      tpu.vector_store %arg9[%swap3A, %swap3A_572], %swap3A_575 {strides = array<i32>} : memref<16x32xf32, #tpu.memory_space<vmem>>, vector<1x16xf32>,
      %swap3A_576 = arith.index_cast %scan3A_570 : i32 to index
      %swap3A_577 = arith.constant 16 : index
      %swap3A_578 = tpu.vector_load %arg9[%swap3A_576, %swap3A_577] {strides = array<i32>} : memref<16x32xf32, #tpu.memory_space<vmem>>, vector<1x16xf32>,
      %swap3A_579 = vector.shape_cast %swap3A_578 : vector<1x16xf32> to vector<16xf32>
      %swap3A_580 = vector.shape_cast %broadcast_in_dim3A_1 : vector<16xf32> to vector<1x16xf32>
      tpu.vector_store %arg9[%swap3A_576, %swap3A_577], %swap3A_580 {strides = array<i32>} : memref<16x32xf32, #tpu.memory_space<vmem>>, vector<1x16xf32>,
      %scan3A_581 = arith.constant 0 : i32
      scf.yield %scan3A_581 : i32
    }
    %scan3A_7 = arith.constant 16 : i32
    %sub3A = arith.constant 3136 : i32
    %sub3A_8 = arith.subi %sub3A, %arg1 : i32
    %add3A = arith.constant 16 : i32
    %add3A_9 = arith.addi %sub3A_8, %add3A : i32
    %sub3A_10 = arith.constant 1 : i32
    %sub3A_11 = arith.subi %add3A_9, %sub3A_10 : i32
    %jit3A = arith.constant 16 : i32
    %div3A = arith.divsi %sub3A_11, %jit3A : i32
    %sign3A = arith.constant 0 : i32
    %sign3A_12 = arith.cmpi sgt, %sub3A_11, %sign3A : i32
    %sign3A_13 = arith.extui %sign3A_12 : i1 to i32
    %sign3A_14 = arith.constant 0 : i32
    %sign3A_15 = arith.cmpi slt, %sub3A_11, %sign3A_14 : i32
    %sign3A_16 = arith.extui %sign3A_15 : i1 to i32
    %sign3A_17 = arith.subi %sign3A_13, %sign3A_16 : i32
    %sign3A_18 = arith.constant 0 : i32
    %sign3A_19 = arith.cmpi sgt, %jit3A, %sign3A_18 : i32
    %sign3A_20 = arith.extui %sign3A_19 : i1 to i32
    %sign3A_21 = arith.constant 0 : i32
    %sign3A_22 = arith.cmpi slt, %jit3A, %sign3A_21 : i32
    %sign3A_23 = arith.extui %sign3A_22 : i1 to i32
    %sign3A_24 = arith.subi %sign3A_20, %sign3A_23 : i32
    %ne3A = arith.cmpi ne, %sign3A_17, %sign3A_24 : i32
    %rem3A = arith.remsi %sub3A_11, %jit3A : i32
    %ne3A_25 = arith.constant 0 : i32
    %ne3A_26 = arith.cmpi ne, %rem3A, %ne3A_25 : i32
    %and3A = arith.andi %ne3A, %ne3A_26 : i1
    %sub3A_27 = arith.constant 1 : i32
    %sub3A_28 = arith.subi %div3A, %sub3A_27 : i32
    %select_n3A = arith.select %and3A, %sub3A_28, %div3A : i32
    %while3A = arith.constant 0 : i32
    %while3A_29 = arith.constant 0 : i32
    %while3A_30 = arith.subi %select_n3A, %while3A : i32
    %while3A_31 = arith.addi %while3A, %while3A_30 : i32
    %while3A_32 = arith.constant 1 : i32
    %while3A_33 = arith.divsi %while3A_30, %while3A_32 : i32
    %while3A_34 = arith.muli %while3A_33, %while3A_32 : i32
    %while3A_35 = arith.addi %while3A, %while3A_34 : i32
    %while3A_36 = arith.constant 1 : i32
    %while3A_37 = scf.for %while3A_570 = %while3A to %while3A_35 step %while3A_36 iter_args(%while3A_571 = %while3A_29) -> (i32)  : i32 {
      %mul3A_572 = arith.constant 16 : i32
      %mul3A_573 = arith.muli %while3A_570, %mul3A_572 : i32
      %add3A_574 = arith.addi %arg1, %mul3A_573 : i32
      %mul3A_575 = arith.constant 16 : i32
      %mul3A_576 = arith.muli %add3A_574, %mul3A_575 : i32
      %dma_start3A_577 = arith.constant 0 : i32
      %dma_start3A_578 = tpu.memref_slice %arg8[%mul3A_576, %dma_start3A_577] : memref<50176x32xf32, #tpu.memory_space<vmem_shared>> -> memref<16x32xf32, #tpu.memory_space<vmem_shared>>
      %dma_start3A_579 = arith.constant 0 : i32
      %dma_start3A_580 = tpu.memref_slice %arg8[%mul3A_576, %dma_start3A_579] : memref<50176x32xf32, #tpu.memory_space<vmem_shared>> -> memref<16x32xf32, #tpu.memory_space<vmem_shared>>
      tpu.enqueue_dma source(%arg9 : memref<16x32xf32, #tpu.memory_space<vmem>>) target(%dma_start3A_580 : memref<16x32xf32, #tpu.memory_space<vmem_shared>>) target_semaphore(%arg20 : memref<!tpu.dma_semaphore, #tpu.memory_space<semaphore_mem>>)
      %while3A_581 = arith.constant 0 : i32
      scf.yield %while3A_581 : i32
    }
    %while3A_38 = arith.constant 1 : i32
    %while3A_39 = scf.for %while3A_570 = %while3A_35 to %while3A_31 step %while3A_38 iter_args(%while3A_571 = %while3A_37) -> (i32)  : i32 {
      %mul3A_572 = arith.constant 16 : i32
      %mul3A_573 = arith.muli %while3A_570, %mul3A_572 : i32
      %add3A_574 = arith.addi %arg1, %mul3A_573 : i32
      %mul3A_575 = arith.constant 16 : i32
      %mul3A_576 = arith.muli %add3A_574, %mul3A_575 : i32
      %dma_start3A_577 = arith.constant 0 : i32
      %dma_start3A_578 = tpu.memref_slice %arg8[%mul3A_576, %dma_start3A_577] : memref<50176x32xf32, #tpu.memory_space<vmem_shared>> -> memref<16x32xf32, #tpu.memory_space<vmem_shared>>
      %dma_start3A_579 = arith.constant 0 : i32
      %dma_start3A_580 = tpu.memref_slice %arg8[%mul3A_576, %dma_start3A_579] : memref<50176x32xf32, #tpu.memory_space<vmem_shared>> -> memref<16x32xf32, #tpu.memory_space<vmem_shared>>
      tpu.enqueue_dma source(%arg9 : memref<16x32xf32, #tpu.memory_space<vmem>>) target(%dma_start3A_580 : memref<16x32xf32, #tpu.memory_space<vmem_shared>>) target_semaphore(%arg20 : memref<!tpu.dma_semaphore, #tpu.memory_space<semaphore_mem>>)
      %while3A_581 = arith.constant 0 : i32
      scf.yield %while3A_581 : i32
    }
    %while3A_40 = arith.constant 0 : i32
    %while3A_41 = arith.constant 0 : i32
    %while3A_42 = arith.subi %select_n3A, %while3A_40 : i32
    %while3A_43 = arith.addi %while3A_40, %while3A_42 : i32
    %while3A_44 = arith.constant 1 : i32
    %while3A_45 = arith.divsi %while3A_42, %while3A_44 : i32
    %while3A_46 = arith.muli %while3A_45, %while3A_44 : i32
    %while3A_47 = arith.addi %while3A_40, %while3A_46 : i32
    %while3A_48 = arith.constant 1 : i32
    %while3A_49 = scf.for %while3A_570 = %while3A_40 to %while3A_47 step %while3A_48 iter_args(%while3A_571 = %while3A_41) -> (i32)  : i32 {
      %mul3A_572 = arith.constant 16 : i32
      %mul3A_573 = arith.muli %arg1, %mul3A_572 : i32
      %dma_wait3A_574 = arith.constant 0 : i32
      %dma_wait3A_575 = tpu.memref_slice %arg8[%mul3A_573, %dma_wait3A_574] : memref<50176x32xf32, #tpu.memory_space<vmem_shared>> -> memref<16x32xf32, #tpu.memory_space<vmem_shared>>
      %dma_wait3A_576 = arith.constant 0 : i32
      %dma_wait3A_577 = tpu.memref_slice %arg8[%mul3A_573, %dma_wait3A_576] : memref<50176x32xf32, #tpu.memory_space<vmem_shared>> -> memref<16x32xf32, #tpu.memory_space<vmem_shared>>
      tpu.wait_dma2 semaphore(%arg20 : memref<!tpu.dma_semaphore, #tpu.memory_space<semaphore_mem>>) src(%arg9 : memref<16x32xf32, #tpu.memory_space<vmem>>) dst(%dma_wait3A_577 : memref<16x32xf32, #tpu.memory_space<vmem_shared>>)
      %while3A_578 = arith.constant 0 : i32
      scf.yield %while3A_578 : i32
    }
    %while3A_50 = arith.constant 1 : i32
    %while3A_51 = scf.for %while3A_570 = %while3A_47 to %while3A_43 step %while3A_50 iter_args(%while3A_571 = %while3A_49) -> (i32)  : i32 {
      %mul3A_572 = arith.constant 16 : i32
      %mul3A_573 = arith.muli %arg1, %mul3A_572 : i32
      %dma_wait3A_574 = arith.constant 0 : i32
      %dma_wait3A_575 = tpu.memref_slice %arg8[%mul3A_573, %dma_wait3A_574] : memref<50176x32xf32, #tpu.memory_space<vmem_shared>> -> memref<16x32xf32, #tpu.memory_space<vmem_shared>>
      %dma_wait3A_576 = arith.constant 0 : i32
      %dma_wait3A_577 = tpu.memref_slice %arg8[%mul3A_573, %dma_wait3A_576] : memref<50176x32xf32, #tpu.memory_space<vmem_shared>> -> memref<16x32xf32, #tpu.memory_space<vmem_shared>>
      tpu.wait_dma2 semaphore(%arg20 : memref<!tpu.dma_semaphore, #tpu.memory_space<semaphore_mem>>) src(%arg9 : memref<16x32xf32, #tpu.memory_space<vmem>>) dst(%dma_wait3A_577 : memref<16x32xf32, #tpu.memory_space<vmem_shared>>)
      %while3A_578 = arith.constant 0 : i32
      scf.yield %while3A_578 : i32
    }
    %barrier3A = arith.constant 0 : index
    tpu.barrier barrier_id(%barrier3A)
    %sub3A_52 = arith.constant 390 : i32
    %sub3A_53 = arith.subi %sub3A_52, %arg1 : i32
    %add3A_54 = arith.constant 16 : i32
    %add3A_55 = arith.addi %sub3A_53, %add3A_54 : i32
    %sub3A_56 = arith.constant 1 : i32
    %sub3A_57 = arith.subi %add3A_55, %sub3A_56 : i32
    %jit3A_58 = arith.constant 16 : i32
    %div3A_59 = arith.divsi %sub3A_57, %jit3A_58 : i32
    %sign3A_60 = arith.constant 0 : i32
    %sign3A_61 = arith.cmpi sgt, %sub3A_57, %sign3A_60 : i32
    %sign3A_62 = arith.extui %sign3A_61 : i1 to i32
    %sign3A_63 = arith.constant 0 : i32
    %sign3A_64 = arith.cmpi slt, %sub3A_57, %sign3A_63 : i32
    %sign3A_65 = arith.extui %sign3A_64 : i1 to i32
    %sign3A_66 = arith.subi %sign3A_62, %sign3A_65 : i32
    %sign3A_67 = arith.constant 0 : i32
    %sign3A_68 = arith.cmpi sgt, %jit3A_58, %sign3A_67 : i32
    %sign3A_69 = arith.extui %sign3A_68 : i1 to i32
    %sign3A_70 = arith.constant 0 : i32
    %sign3A_71 = arith.cmpi slt, %jit3A_58, %sign3A_70 : i32
    %sign3A_72 = arith.extui %sign3A_71 : i1 to i32
    %sign3A_73 = arith.subi %sign3A_69, %sign3A_72 : i32
    %ne3A_74 = arith.cmpi ne, %sign3A_66, %sign3A_73 : i32
    %rem3A_75 = arith.remsi %sub3A_57, %jit3A_58 : i32
    %ne3A_76 = arith.constant 0 : i32
    %ne3A_77 = arith.cmpi ne, %rem3A_75, %ne3A_76 : i32
    %and3A_78 = arith.andi %ne3A_74, %ne3A_77 : i1
    %sub3A_79 = arith.constant 1 : i32
    %sub3A_80 = arith.subi %div3A_59, %sub3A_79 : i32
    %select_n3A_81 = arith.select %and3A_78, %sub3A_80, %div3A_59 : i32
    %add3A_82 = arith.constant 0 : i32
    %add3A_83 = arith.addi %add3A_82, %mul3A_0 : i32
    %mul3A_84 = arith.constant 128 : i32
    %mul3A_85 = arith.muli %arg1, %mul3A_84 : i32
    %add3A_86 = arith.addi %add3A_83, %mul3A_85 : i32
    %dma_start3A = arith.constant 0 : i32
    %dma_start3A_87 = arith.constant 0 : i32
    %dma_start3A_88 = arith.constant 0 : i32
    %dma_start3A_89 = tpu.memref_slice %arg10[%dma_start3A, %dma_start3A_87, %dma_start3A_88] : memref<2x8x128xi32, #tpu.memory_space<vmem>> -> memref<1x1x128xi32, #tpu.memory_space<vmem>>
    %dma_start3A_90 = tpu.memref_squeeze %dma_start3A_89 : memref<1x1x128xi32, #tpu.memory_space<vmem>> -> memref<128xi32, #tpu.memory_space<vmem>>
    %dma_start3A_91 = tpu.memref_slice %arg4[%add3A_86] : memref<800000xi32, #tpu.memory_space<hbm>> -> memref<128xi32, #tpu.memory_space<hbm>>
    %dma_start3A_92 = arith.constant 0 : i32
    %dma_start3A_93 = tpu.memref_slice %arg10[%dma_start3A, %dma_start3A_87, %dma_start3A_92] : memref<2x8x128xi32, #tpu.memory_space<vmem>> -> memref<1x1x128xi32, #tpu.memory_space<vmem>>
    %dma_start3A_94 = tpu.memref_squeeze %dma_start3A_93 : memref<1x1x128xi32, #tpu.memory_space<vmem>> -> memref<128xi32, #tpu.memory_space<vmem>>
    %dma_start3A_95 = tpu.memref_slice %arg4[%add3A_86] : memref<800000xi32, #tpu.memory_space<hbm>> -> memref<128xi32, #tpu.memory_space<hbm>>
    tpu.enqueue_dma source(%dma_start3A_95 : memref<128xi32, #tpu.memory_space<hbm>>) target(%dma_start3A_94 : memref<128xi32, #tpu.memory_space<vmem>>) target_semaphore(%arg17 : memref<!tpu.dma_semaphore, #tpu.memory_space<semaphore_mem>>)
    %add3A_96 = arith.constant 100000 : i32
    %add3A_97 = arith.addi %add3A_96, %mul3A_0 : i32
    %mul3A_98 = arith.constant 128 : i32
    %mul3A_99 = arith.muli %arg1, %mul3A_98 : i32
    %add3A_100 = arith.addi %add3A_97, %mul3A_99 : i32
    %dma_start3A_101 = arith.constant 0 : i32
    %dma_start3A_102 = arith.constant 1 : i32
    %dma_start3A_103 = arith.constant 0 : i32
    %dma_start3A_104 = tpu.memref_slice %arg10[%dma_start3A_101, %dma_start3A_102, %dma_start3A_103] : memref<2x8x128xi32, #tpu.memory_space<vmem>> -> memref<1x1x128xi32, #tpu.memory_space<vmem>>
    %dma_start3A_105 = tpu.memref_squeeze %dma_start3A_104 : memref<1x1x128xi32, #tpu.memory_space<vmem>> -> memref<128xi32, #tpu.memory_space<vmem>>
    %dma_start3A_106 = tpu.memref_slice %arg4[%add3A_100] : memref<800000xi32, #tpu.memory_space<hbm>> -> memref<128xi32, #tpu.memory_space<hbm>>
    %dma_start3A_107 = arith.constant 0 : i32
    %dma_start3A_108 = tpu.memref_slice %arg10[%dma_start3A_101, %dma_start3A_102, %dma_start3A_107] : memref<2x8x128xi32, #tpu.memory_space<vmem>> -> memref<1x1x128xi32, #tpu.memory_space<vmem>>
    %dma_start3A_109 = tpu.memref_squeeze %dma_start3A_108 : memref<1x1x128xi32, #tpu.memory_space<vmem>> -> memref<128xi32, #tpu.memory_space<vmem>>
    %dma_start3A_110 = tpu.memref_slice %arg4[%add3A_100] : memref<800000xi32, #tpu.memory_space<hbm>> -> memref<128xi32, #tpu.memory_space<hbm>>
    tpu.enqueue_dma source(%dma_start3A_110 : memref<128xi32, #tpu.memory_space<hbm>>) target(%dma_start3A_109 : memref<128xi32, #tpu.memory_space<vmem>>) target_semaphore(%arg17 : memref<!tpu.dma_semaphore, #tpu.memory_space<semaphore_mem>>)
    %add3A_111 = arith.constant 200000 : i32
    %add3A_112 = arith.addi %add3A_111, %mul3A_0 : i32
    %mul3A_113 = arith.constant 128 : i32
    %mul3A_114 = arith.muli %arg1, %mul3A_113 : i32
    %add3A_115 = arith.addi %add3A_112, %mul3A_114 : i32
    %dma_start3A_116 = arith.constant 0 : i32
    %dma_start3A_117 = arith.constant 2 : i32
    %dma_start3A_118 = arith.constant 0 : i32
    %dma_start3A_119 = tpu.memref_slice %arg10[%dma_start3A_116, %dma_start3A_117, %dma_start3A_118] : memref<2x8x128xi32, #tpu.memory_space<vmem>> -> memref<1x1x128xi32, #tpu.memory_space<vmem>>
    %dma_start3A_120 = tpu.memref_squeeze %dma_start3A_119 : memref<1x1x128xi32, #tpu.memory_space<vmem>> -> memref<128xi32, #tpu.memory_space<vmem>>
    %dma_start3A_121 = tpu.memref_slice %arg4[%add3A_115] : memref<800000xi32, #tpu.memory_space<hbm>> -> memref<128xi32, #tpu.memory_space<hbm>>
    %dma_start3A_122 = arith.constant 0 : i32
    %dma_start3A_123 = tpu.memref_slice %arg10[%dma_start3A_116, %dma_start3A_117, %dma_start3A_122] : memref<2x8x128xi32, #tpu.memory_space<vmem>> -> memref<1x1x128xi32, #tpu.memory_space<vmem>>
    %dma_start3A_124 = tpu.memref_squeeze %dma_start3A_123 : memref<1x1x128xi32, #tpu.memory_space<vmem>> -> memref<128xi32, #tpu.memory_space<vmem>>
    %dma_start3A_125 = tpu.memref_slice %arg4[%add3A_115] : memref<800000xi32, #tpu.memory_space<hbm>> -> memref<128xi32, #tpu.memory_space<hbm>>
    tpu.enqueue_dma source(%dma_start3A_125 : memref<128xi32, #tpu.memory_space<hbm>>) target(%dma_start3A_124 : memref<128xi32, #tpu.memory_space<vmem>>) target_semaphore(%arg17 : memref<!tpu.dma_semaphore, #tpu.memory_space<semaphore_mem>>)
    %add3A_126 = arith.constant 300000 : i32
    %add3A_127 = arith.addi %add3A_126, %mul3A_0 : i32
    %mul3A_128 = arith.constant 128 : i32
    %mul3A_129 = arith.muli %arg1, %mul3A_128 : i32
    %add3A_130 = arith.addi %add3A_127, %mul3A_129 : i32
    %dma_start3A_131 = arith.constant 0 : i32
    %dma_start3A_132 = arith.constant 3 : i32
    %dma_start3A_133 = arith.constant 0 : i32
    %dma_start3A_134 = tpu.memref_slice %arg10[%dma_start3A_131, %dma_start3A_132, %dma_start3A_133] : memref<2x8x128xi32, #tpu.memory_space<vmem>> -> memref<1x1x128xi32, #tpu.memory_space<vmem>>
    %dma_start3A_135 = tpu.memref_squeeze %dma_start3A_134 : memref<1x1x128xi32, #tpu.memory_space<vmem>> -> memref<128xi32, #tpu.memory_space<vmem>>
    %dma_start3A_136 = tpu.memref_slice %arg4[%add3A_130] : memref<800000xi32, #tpu.memory_space<hbm>> -> memref<128xi32, #tpu.memory_space<hbm>>
    %dma_start3A_137 = arith.constant 0 : i32
    %dma_start3A_138 = tpu.memref_slice %arg10[%dma_start3A_131, %dma_start3A_132, %dma_start3A_137] : memref<2x8x128xi32, #tpu.memory_space<vmem>> -> memref<1x1x128xi32, #tpu.memory_space<vmem>>
    %dma_start3A_139 = tpu.memref_squeeze %dma_start3A_138 : memref<1x1x128xi32, #tpu.memory_space<vmem>> -> memref<128xi32, #tpu.memory_space<vmem>>
    %dma_start3A_140 = tpu.memref_slice %arg4[%add3A_130] : memref<800000xi32, #tpu.memory_space<hbm>> -> memref<128xi32, #tpu.memory_space<hbm>>
    tpu.enqueue_dma source(%dma_start3A_140 : memref<128xi32, #tpu.memory_space<hbm>>) target(%dma_start3A_139 : memref<128xi32, #tpu.memory_space<vmem>>) target_semaphore(%arg17 : memref<!tpu.dma_semaphore, #tpu.memory_space<semaphore_mem>>)
    %add3A_141 = arith.constant 400000 : i32
    %add3A_142 = arith.addi %add3A_141, %mul3A_0 : i32
    %mul3A_143 = arith.constant 128 : i32
    %mul3A_144 = arith.muli %arg1, %mul3A_143 : i32
    %add3A_145 = arith.addi %add3A_142, %mul3A_144 : i32
    %dma_start3A_146 = arith.constant 0 : i32
    %dma_start3A_147 = arith.constant 4 : i32
    %dma_start3A_148 = arith.constant 0 : i32
    %dma_start3A_149 = tpu.memref_slice %arg10[%dma_start3A_146, %dma_start3A_147, %dma_start3A_148] : memref<2x8x128xi32, #tpu.memory_space<vmem>> -> memref<1x1x128xi32, #tpu.memory_space<vmem>>
    %dma_start3A_150 = tpu.memref_squeeze %dma_start3A_149 : memref<1x1x128xi32, #tpu.memory_space<vmem>> -> memref<128xi32, #tpu.memory_space<vmem>>
    %dma_start3A_151 = tpu.memref_slice %arg4[%add3A_145] : memref<800000xi32, #tpu.memory_space<hbm>> -> memref<128xi32, #tpu.memory_space<hbm>>
    %dma_start3A_152 = arith.constant 0 : i32
    %dma_start3A_153 = tpu.memref_slice %arg10[%dma_start3A_146, %dma_start3A_147, %dma_start3A_152] : memref<2x8x128xi32, #tpu.memory_space<vmem>> -> memref<1x1x128xi32, #tpu.memory_space<vmem>>
    %dma_start3A_154 = tpu.memref_squeeze %dma_start3A_153 : memref<1x1x128xi32, #tpu.memory_space<vmem>> -> memref<128xi32, #tpu.memory_space<vmem>>
    %dma_start3A_155 = tpu.memref_slice %arg4[%add3A_145] : memref<800000xi32, #tpu.memory_space<hbm>> -> memref<128xi32, #tpu.memory_space<hbm>>
    tpu.enqueue_dma source(%dma_start3A_155 : memref<128xi32, #tpu.memory_space<hbm>>) target(%dma_start3A_154 : memref<128xi32, #tpu.memory_space<vmem>>) target_semaphore(%arg17 : memref<!tpu.dma_semaphore, #tpu.memory_space<semaphore_mem>>)
    %add3A_156 = arith.constant 500000 : i32
    %add3A_157 = arith.addi %add3A_156, %mul3A_0 : i32
    %mul3A_158 = arith.constant 128 : i32
    %mul3A_159 = arith.muli %arg1, %mul3A_158 : i32
    %add3A_160 = arith.addi %add3A_157, %mul3A_159 : i32
    %dma_start3A_161 = arith.constant 0 : i32
    %dma_start3A_162 = arith.constant 5 : i32
    %dma_start3A_163 = arith.constant 0 : i32
    %dma_start3A_164 = tpu.memref_slice %arg10[%dma_start3A_161, %dma_start3A_162, %dma_start3A_163] : memref<2x8x128xi32, #tpu.memory_space<vmem>> -> memref<1x1x128xi32, #tpu.memory_space<vmem>>
    %dma_start3A_165 = tpu.memref_squeeze %dma_start3A_164 : memref<1x1x128xi32, #tpu.memory_space<vmem>> -> memref<128xi32, #tpu.memory_space<vmem>>
    %dma_start3A_166 = tpu.memref_slice %arg4[%add3A_160] : memref<800000xi32, #tpu.memory_space<hbm>> -> memref<128xi32, #tpu.memory_space<hbm>>
    %dma_start3A_167 = arith.constant 0 : i32
    %dma_start3A_168 = tpu.memref_slice %arg10[%dma_start3A_161, %dma_start3A_162, %dma_start3A_167] : memref<2x8x128xi32, #tpu.memory_space<vmem>> -> memref<1x1x128xi32, #tpu.memory_space<vmem>>
    %dma_start3A_169 = tpu.memref_squeeze %dma_start3A_168 : memref<1x1x128xi32, #tpu.memory_space<vmem>> -> memref<128xi32, #tpu.memory_space<vmem>>
    %dma_start3A_170 = tpu.memref_slice %arg4[%add3A_160] : memref<800000xi32, #tpu.memory_space<hbm>> -> memref<128xi32, #tpu.memory_space<hbm>>
    tpu.enqueue_dma source(%dma_start3A_170 : memref<128xi32, #tpu.memory_space<hbm>>) target(%dma_start3A_169 : memref<128xi32, #tpu.memory_space<vmem>>) target_semaphore(%arg17 : memref<!tpu.dma_semaphore, #tpu.memory_space<semaphore_mem>>)
    %add3A_171 = arith.constant 600000 : i32
    %add3A_172 = arith.addi %add3A_171, %mul3A_0 : i32
    %mul3A_173 = arith.constant 128 : i32
    %mul3A_174 = arith.muli %arg1, %mul3A_173 : i32
    %add3A_175 = arith.addi %add3A_172, %mul3A_174 : i32
    %dma_start3A_176 = arith.constant 0 : i32
    %dma_start3A_177 = arith.constant 6 : i32
    %dma_start3A_178 = arith.constant 0 : i32
    %dma_start3A_179 = tpu.memref_slice %arg10[%dma_start3A_176, %dma_start3A_177, %dma_start3A_178] : memref<2x8x128xi32, #tpu.memory_space<vmem>> -> memref<1x1x128xi32, #tpu.memory_space<vmem>>
    %dma_start3A_180 = tpu.memref_squeeze %dma_start3A_179 : memref<1x1x128xi32, #tpu.memory_space<vmem>> -> memref<128xi32, #tpu.memory_space<vmem>>
    %dma_start3A_181 = tpu.memref_slice %arg4[%add3A_175] : memref<800000xi32, #tpu.memory_space<hbm>> -> memref<128xi32, #tpu.memory_space<hbm>>
    %dma_start3A_182 = arith.constant 0 : i32
    %dma_start3A_183 = tpu.memref_slice %arg10[%dma_start3A_176, %dma_start3A_177, %dma_start3A_182] : memref<2x8x128xi32, #tpu.memory_space<vmem>> -> memref<1x1x128xi32, #tpu.memory_space<vmem>>
    %dma_start3A_184 = tpu.memref_squeeze %dma_start3A_183 : memref<1x1x128xi32, #tpu.memory_space<vmem>> -> memref<128xi32, #tpu.memory_space<vmem>>
    %dma_start3A_185 = tpu.memref_slice %arg4[%add3A_175] : memref<800000xi32, #tpu.memory_space<hbm>> -> memref<128xi32, #tpu.memory_space<hbm>>
    tpu.enqueue_dma source(%dma_start3A_185 : memref<128xi32, #tpu.memory_space<hbm>>) target(%dma_start3A_184 : memref<128xi32, #tpu.memory_space<vmem>>) target_semaphore(%arg17 : memref<!tpu.dma_semaphore, #tpu.memory_space<semaphore_mem>>)
    %add3A_186 = arith.constant 700000 : i32
    %add3A_187 = arith.addi %add3A_186, %mul3A_0 : i32
    %mul3A_188 = arith.constant 128 : i32
    %mul3A_189 = arith.muli %arg1, %mul3A_188 : i32
    %add3A_190 = arith.addi %add3A_187, %mul3A_189 : i32
    %dma_start3A_191 = arith.constant 0 : i32
    %dma_start3A_192 = arith.constant 7 : i32
    %dma_start3A_193 = arith.constant 0 : i32
    %dma_start3A_194 = tpu.memref_slice %arg10[%dma_start3A_191, %dma_start3A_192, %dma_start3A_193] : memref<2x8x128xi32, #tpu.memory_space<vmem>> -> memref<1x1x128xi32, #tpu.memory_space<vmem>>
    %dma_start3A_195 = tpu.memref_squeeze %dma_start3A_194 : memref<1x1x128xi32, #tpu.memory_space<vmem>> -> memref<128xi32, #tpu.memory_space<vmem>>
    %dma_start3A_196 = tpu.memref_slice %arg4[%add3A_190] : memref<800000xi32, #tpu.memory_space<hbm>> -> memref<128xi32, #tpu.memory_space<hbm>>
    %dma_start3A_197 = arith.constant 0 : i32
    %dma_start3A_198 = tpu.memref_slice %arg10[%dma_start3A_191, %dma_start3A_192, %dma_start3A_197] : memref<2x8x128xi32, #tpu.memory_space<vmem>> -> memref<1x1x128xi32, #tpu.memory_space<vmem>>
    %dma_start3A_199 = tpu.memref_squeeze %dma_start3A_198 : memref<1x1x128xi32, #tpu.memory_space<vmem>> -> memref<128xi32, #tpu.memory_space<vmem>>
    %dma_start3A_200 = tpu.memref_slice %arg4[%add3A_190] : memref<800000xi32, #tpu.memory_space<hbm>> -> memref<128xi32, #tpu.memory_space<hbm>>
    tpu.enqueue_dma source(%dma_start3A_200 : memref<128xi32, #tpu.memory_space<hbm>>) target(%dma_start3A_199 : memref<128xi32, #tpu.memory_space<vmem>>) target_semaphore(%arg17 : memref<!tpu.dma_semaphore, #tpu.memory_space<semaphore_mem>>)
    %while3A_201 = arith.constant 0 : i32
    %while3A_202 = arith.constant 0 : i32
    %while3A_203 = arith.subi %select_n3A_81, %while3A_201 : i32
    %while3A_204 = arith.addi %while3A_201, %while3A_203 : i32
    %while3A_205 = arith.constant 1 : i32
    %while3A_206 = arith.divsi %while3A_203, %while3A_205 : i32
    %while3A_207 = arith.muli %while3A_206, %while3A_205 : i32
    %while3A_208 = arith.addi %while3A_201, %while3A_207 : i32
    %while3A_209 = arith.constant 1 : i32
    %while3A_210 = scf.for %while3A_570 = %while3A_201 to %while3A_208 step %while3A_209 iter_args(%while3A_571 = %while3A_202) -> (i32)  : i32 {
      %mul3A_572 = arith.constant 16 : i32
      %mul3A_573 = arith.muli %while3A_570, %mul3A_572 : i32
      %add3A_574 = arith.addi %arg1, %mul3A_573 : i32
      %and3A_575 = arith.constant 1 : i32
      %and3A_576 = arith.andi %while3A_570, %and3A_575 : i32
      %mul3A_577 = arith.constant 2 : i32
      %mul3A_578 = arith.muli %mul3A_577, %and3A_576 : i32
      %mul3A_579 = arith.constant 2 : i32
      %mul3A_580 = arith.muli %mul3A_579, %and3A_576 : i32
      %add3A_581 = arith.constant 1 : i32
      %add3A_582 = arith.addi %mul3A_580, %add3A_581 : i32
      %add3A_583 = arith.constant 0 : i32
      %add3A_584 = arith.addi %add3A_583, %mul3A_0 : i32
      %mul3A_585 = arith.constant 128 : i32
      %mul3A_586 = arith.muli %add3A_574, %mul3A_585 : i32
      %add3A_587 = arith.addi %add3A_584, %mul3A_586 : i32
      %dma_wait3A_588 = arith.constant 0 : i32
      %dma_wait3A_589 = arith.constant 0 : i32
      %dma_wait3A_590 = tpu.memref_slice %arg10[%and3A_576, %dma_wait3A_588, %dma_wait3A_589] : memref<2x8x128xi32, #tpu.memory_space<vmem>> -> memref<1x1x128xi32, #tpu.memory_space<vmem>>
      %dma_wait3A_591 = tpu.memref_squeeze %dma_wait3A_590 : memref<1x1x128xi32, #tpu.memory_space<vmem>> -> memref<128xi32, #tpu.memory_space<vmem>>
      %dma_wait3A_592 = tpu.memref_slice %arg4[%add3A_587] : memref<800000xi32, #tpu.memory_space<hbm>> -> memref<128xi32, #tpu.memory_space<hbm>>
      %dma_wait3A_593 = arith.constant 0 : i32
      %dma_wait3A_594 = tpu.memref_slice %arg10[%and3A_576, %dma_wait3A_588, %dma_wait3A_593] : memref<2x8x128xi32, #tpu.memory_space<vmem>> -> memref<1x1x128xi32, #tpu.memory_space<vmem>>
      %dma_wait3A_595 = tpu.memref_squeeze %dma_wait3A_594 : memref<1x1x128xi32, #tpu.memory_space<vmem>> -> memref<128xi32, #tpu.memory_space<vmem>>
      %dma_wait3A_596 = tpu.memref_slice %arg4[%add3A_587] : memref<800000xi32, #tpu.memory_space<hbm>> -> memref<128xi32, #tpu.memory_space<hbm>>
      tpu.wait_dma2 semaphore(%arg17 : memref<!tpu.dma_semaphore, #tpu.memory_space<semaphore_mem>>) src(%dma_wait3A_596 : memref<128xi32, #tpu.memory_space<hbm>>) dst(%dma_wait3A_595 : memref<128xi32, #tpu.memory_space<vmem>>)
      %add3A_597 = arith.constant 100000 : i32
      %add3A_598 = arith.addi %add3A_597, %mul3A_0 : i32
      %mul3A_599 = arith.constant 128 : i32
      %mul3A_600 = arith.muli %add3A_574, %mul3A_599 : i32
      %add3A_601 = arith.addi %add3A_598, %mul3A_600 : i32
      %dma_wait3A_602 = arith.constant 1 : i32
      %dma_wait3A_603 = arith.constant 0 : i32
      %dma_wait3A_604 = tpu.memref_slice %arg10[%and3A_576, %dma_wait3A_602, %dma_wait3A_603] : memref<2x8x128xi32, #tpu.memory_space<vmem>> -> memref<1x1x128xi32, #tpu.memory_space<vmem>>
      %dma_wait3A_605 = tpu.memref_squeeze %dma_wait3A_604 : memref<1x1x128xi32, #tpu.memory_space<vmem>> -> memref<128xi32, #tpu.memory_space<vmem>>
      %dma_wait3A_606 = tpu.memref_slice %arg4[%add3A_601] : memref<800000xi32, #tpu.memory_space<hbm>> -> memref<128xi32, #tpu.memory_space<hbm>>
      %dma_wait3A_607 = arith.constant 0 : i32
      %dma_wait3A_608 = tpu.memref_slice %arg10[%and3A_576, %dma_wait3A_602, %dma_wait3A_607] : memref<2x8x128xi32, #tpu.memory_space<vmem>> -> memref<1x1x128xi32, #tpu.memory_space<vmem>>
      %dma_wait3A_609 = tpu.memref_squeeze %dma_wait3A_608 : memref<1x1x128xi32, #tpu.memory_space<vmem>> -> memref<128xi32, #tpu.memory_space<vmem>>
      %dma_wait3A_610 = tpu.memref_slice %arg4[%add3A_601] : memref<800000xi32, #tpu.memory_space<hbm>> -> memref<128xi32, #tpu.memory_space<hbm>>
      tpu.wait_dma2 semaphore(%arg17 : memref<!tpu.dma_semaphore, #tpu.memory_space<semaphore_mem>>) src(%dma_wait3A_610 : memref<128xi32, #tpu.memory_space<hbm>>) dst(%dma_wait3A_609 : memref<128xi32, #tpu.memory_space<vmem>>)
      %add3A_611 = arith.constant 200000 : i32
      %add3A_612 = arith.addi %add3A_611, %mul3A_0 : i32
      %mul3A_613 = arith.constant 128 : i32
      %mul3A_614 = arith.muli %add3A_574, %mul3A_613 : i32
      %add3A_615 = arith.addi %add3A_612, %mul3A_614 : i32
      %dma_wait3A_616 = arith.constant 2 : i32
      %dma_wait3A_617 = arith.constant 0 : i32
      %dma_wait3A_618 = tpu.memref_slice %arg10[%and3A_576, %dma_wait3A_616, %dma_wait3A_617] : memref<2x8x128xi32, #tpu.memory_space<vmem>> -> memref<1x1x128xi32, #tpu.memory_space<vmem>>
      %dma_wait3A_619 = tpu.memref_squeeze %dma_wait3A_618 : memref<1x1x128xi32, #tpu.memory_space<vmem>> -> memref<128xi32, #tpu.memory_space<vmem>>
      %dma_wait3A_620 = tpu.memref_slice %arg4[%add3A_615] : memref<800000xi32, #tpu.memory_space<hbm>> -> memref<128xi32, #tpu.memory_space<hbm>>
      %dma_wait3A_621 = arith.constant 0 : i32
      %dma_wait3A_622 = tpu.memref_slice %arg10[%and3A_576, %dma_wait3A_616, %dma_wait3A_621] : memref<2x8x128xi32, #tpu.memory_space<vmem>> -> memref<1x1x128xi32, #tpu.memory_space<vmem>>
      %dma_wait3A_623 = tpu.memref_squeeze %dma_wait3A_622 : memref<1x1x128xi32, #tpu.memory_space<vmem>> -> memref<128xi32, #tpu.memory_space<vmem>>
      %dma_wait3A_624 = tpu.memref_slice %arg4[%add3A_615] : memref<800000xi32, #tpu.memory_space<hbm>> -> memref<128xi32, #tpu.memory_space<hbm>>
      tpu.wait_dma2 semaphore(%arg17 : memref<!tpu.dma_semaphore, #tpu.memory_space<semaphore_mem>>) src(%dma_wait3A_624 : memref<128xi32, #tpu.memory_space<hbm>>) dst(%dma_wait3A_623 : memref<128xi32, #tpu.memory_space<vmem>>)
      %add3A_625 = arith.constant 300000 : i32
      %add3A_626 = arith.addi %add3A_625, %mul3A_0 : i32
      %mul3A_627 = arith.constant 128 : i32
      %mul3A_628 = arith.muli %add3A_574, %mul3A_627 : i32
      %add3A_629 = arith.addi %add3A_626, %mul3A_628 : i32
      %dma_wait3A_630 = arith.constant 3 : i32
      %dma_wait3A_631 = arith.constant 0 : i32
      %dma_wait3A_632 = tpu.memref_slice %arg10[%and3A_576, %dma_wait3A_630, %dma_wait3A_631] : memref<2x8x128xi32, #tpu.memory_space<vmem>> -> memref<1x1x128xi32, #tpu.memory_space<vmem>>
      %dma_wait3A_633 = tpu.memref_squeeze %dma_wait3A_632 : memref<1x1x128xi32, #tpu.memory_space<vmem>> -> memref<128xi32, #tpu.memory_space<vmem>>
      %dma_wait3A_634 = tpu.memref_slice %arg4[%add3A_629] : memref<800000xi32, #tpu.memory_space<hbm>> -> memref<128xi32, #tpu.memory_space<hbm>>
      %dma_wait3A_635 = arith.constant 0 : i32
      %dma_wait3A_636 = tpu.memref_slice %arg10[%and3A_576, %dma_wait3A_630, %dma_wait3A_635] : memref<2x8x128xi32, #tpu.memory_space<vmem>> -> memref<1x1x128xi32, #tpu.memory_space<vmem>>
      %dma_wait3A_637 = tpu.memref_squeeze %dma_wait3A_636 : memref<1x1x128xi32, #tpu.memory_space<vmem>> -> memref<128xi32, #tpu.memory_space<vmem>>
      %dma_wait3A_638 = tpu.memref_slice %arg4[%add3A_629] : memref<800000xi32, #tpu.memory_space<hbm>> -> memref<128xi32, #tpu.memory_space<hbm>>
      tpu.wait_dma2 semaphore(%arg17 : memref<!tpu.dma_semaphore, #tpu.memory_space<semaphore_mem>>) src(%dma_wait3A_638 : memref<128xi32, #tpu.memory_space<hbm>>) dst(%dma_wait3A_637 : memref<128xi32, #tpu.memory_space<vmem>>)
      %add3A_639 = arith.constant 400000 : i32
      %add3A_640 = arith.addi %add3A_639, %mul3A_0 : i32
      %mul3A_641 = arith.constant 128 : i32
      %mul3A_642 = arith.muli %add3A_574, %mul3A_641 : i32
      %add3A_643 = arith.addi %add3A_640, %mul3A_642 : i32
      %dma_wait3A_644 = arith.constant 4 : i32
      %dma_wait3A_645 = arith.constant 0 : i32
      %dma_wait3A_646 = tpu.memref_slice %arg10[%and3A_576, %dma_wait3A_644, %dma_wait3A_645] : memref<2x8x128xi32, #tpu.memory_space<vmem>> -> memref<1x1x128xi32, #tpu.memory_space<vmem>>
      %dma_wait3A_647 = tpu.memref_squeeze %dma_wait3A_646 : memref<1x1x128xi32, #tpu.memory_space<vmem>> -> memref<128xi32, #tpu.memory_space<vmem>>
      %dma_wait3A_648 = tpu.memref_slice %arg4[%add3A_643] : memref<800000xi32, #tpu.memory_space<hbm>> -> memref<128xi32, #tpu.memory_space<hbm>>
      %dma_wait3A_649 = arith.constant 0 : i32
      %dma_wait3A_650 = tpu.memref_slice %arg10[%and3A_576, %dma_wait3A_644, %dma_wait3A_649] : memref<2x8x128xi32, #tpu.memory_space<vmem>> -> memref<1x1x128xi32, #tpu.memory_space<vmem>>
      %dma_wait3A_651 = tpu.memref_squeeze %dma_wait3A_650 : memref<1x1x128xi32, #tpu.memory_space<vmem>> -> memref<128xi32, #tpu.memory_space<vmem>>
      %dma_wait3A_652 = tpu.memref_slice %arg4[%add3A_643] : memref<800000xi32, #tpu.memory_space<hbm>> -> memref<128xi32, #tpu.memory_space<hbm>>
      tpu.wait_dma2 semaphore(%arg17 : memref<!tpu.dma_semaphore, #tpu.memory_space<semaphore_mem>>) src(%dma_wait3A_652 : memref<128xi32, #tpu.memory_space<hbm>>) dst(%dma_wait3A_651 : memref<128xi32, #tpu.memory_space<vmem>>)
      %add3A_653 = arith.constant 500000 : i32
      %add3A_654 = arith.addi %add3A_653, %mul3A_0 : i32
      %mul3A_655 = arith.constant 128 : i32
      %mul3A_656 = arith.muli %add3A_574, %mul3A_655 : i32
      %add3A_657 = arith.addi %add3A_654, %mul3A_656 : i32
      %dma_wait3A_658 = arith.constant 5 : i32
      %dma_wait3A_659 = arith.constant 0 : i32
      %dma_wait3A_660 = tpu.memref_slice %arg10[%and3A_576, %dma_wait3A_658, %dma_wait3A_659] : memref<2x8x128xi32, #tpu.memory_space<vmem>> -> memref<1x1x128xi32, #tpu.memory_space<vmem>>
      %dma_wait3A_661 = tpu.memref_squeeze %dma_wait3A_660 : memref<1x1x128xi32, #tpu.memory_space<vmem>> -> memref<128xi32, #tpu.memory_space<vmem>>
      %dma_wait3A_662 = tpu.memref_slice %arg4[%add3A_657] : memref<800000xi32, #tpu.memory_space<hbm>> -> memref<128xi32, #tpu.memory_space<hbm>>
      %dma_wait3A_663 = arith.constant 0 : i32
      %dma_wait3A_664 = tpu.memref_slice %arg10[%and3A_576, %dma_wait3A_658, %dma_wait3A_663] : memref<2x8x128xi32, #tpu.memory_space<vmem>> -> memref<1x1x128xi32, #tpu.memory_space<vmem>>
      %dma_wait3A_665 = tpu.memref_squeeze %dma_wait3A_664 : memref<1x1x128xi32, #tpu.memory_space<vmem>> -> memref<128xi32, #tpu.memory_space<vmem>>
      %dma_wait3A_666 = tpu.memref_slice %arg4[%add3A_657] : memref<800000xi32, #tpu.memory_space<hbm>> -> memref<128xi32, #tpu.memory_space<hbm>>
      tpu.wait_dma2 semaphore(%arg17 : memref<!tpu.dma_semaphore, #tpu.memory_space<semaphore_mem>>) src(%dma_wait3A_666 : memref<128xi32, #tpu.memory_space<hbm>>) dst(%dma_wait3A_665 : memref<128xi32, #tpu.memory_space<vmem>>)
      %add3A_667 = arith.constant 600000 : i32
      %add3A_668 = arith.addi %add3A_667, %mul3A_0 : i32
      %mul3A_669 = arith.constant 128 : i32
      %mul3A_670 = arith.muli %add3A_574, %mul3A_669 : i32
      %add3A_671 = arith.addi %add3A_668, %mul3A_670 : i32
      %dma_wait3A_672 = arith.constant 6 : i32
      %dma_wait3A_673 = arith.constant 0 : i32
      %dma_wait3A_674 = tpu.memref_slice %arg10[%and3A_576, %dma_wait3A_672, %dma_wait3A_673] : memref<2x8x128xi32, #tpu.memory_space<vmem>> -> memref<1x1x128xi32, #tpu.memory_space<vmem>>
      %dma_wait3A_675 = tpu.memref_squeeze %dma_wait3A_674 : memref<1x1x128xi32, #tpu.memory_space<vmem>> -> memref<128xi32, #tpu.memory_space<vmem>>
      %dma_wait3A_676 = tpu.memref_slice %arg4[%add3A_671] : memref<800000xi32, #tpu.memory_space<hbm>> -> memref<128xi32, #tpu.memory_space<hbm>>
      %dma_wait3A_677 = arith.constant 0 : i32
      %dma_wait3A_678 = tpu.memref_slice %arg10[%and3A_576, %dma_wait3A_672, %dma_wait3A_677] : memref<2x8x128xi32, #tpu.memory_space<vmem>> -> memref<1x1x128xi32, #tpu.memory_space<vmem>>
      %dma_wait3A_679 = tpu.memref_squeeze %dma_wait3A_678 : memref<1x1x128xi32, #tpu.memory_space<vmem>> -> memref<128xi32, #tpu.memory_space<vmem>>
      %dma_wait3A_680 = tpu.memref_slice %arg4[%add3A_671] : memref<800000xi32, #tpu.memory_space<hbm>> -> memref<128xi32, #tpu.memory_space<hbm>>
      tpu.wait_dma2 semaphore(%arg17 : memref<!tpu.dma_semaphore, #tpu.memory_space<semaphore_mem>>) src(%dma_wait3A_680 : memref<128xi32, #tpu.memory_space<hbm>>) dst(%dma_wait3A_679 : memref<128xi32, #tpu.memory_space<vmem>>)
      %add3A_681 = arith.constant 700000 : i32
      %add3A_682 = arith.addi %add3A_681, %mul3A_0 : i32
      %mul3A_683 = arith.constant 128 : i32
      %mul3A_684 = arith.muli %add3A_574, %mul3A_683 : i32
      %add3A_685 = arith.addi %add3A_682, %mul3A_684 : i32
      %dma_wait3A_686 = arith.constant 7 : i32
      %dma_wait3A_687 = arith.constant 0 : i32
      %dma_wait3A_688 = tpu.memref_slice %arg10[%and3A_576, %dma_wait3A_686, %dma_wait3A_687] : memref<2x8x128xi32, #tpu.memory_space<vmem>> -> memref<1x1x128xi32, #tpu.memory_space<vmem>>
      %dma_wait3A_689 = tpu.memref_squeeze %dma_wait3A_688 : memref<1x1x128xi32, #tpu.memory_space<vmem>> -> memref<128xi32, #tpu.memory_space<vmem>>
      %dma_wait3A_690 = tpu.memref_slice %arg4[%add3A_685] : memref<800000xi32, #tpu.memory_space<hbm>> -> memref<128xi32, #tpu.memory_space<hbm>>
      %dma_wait3A_691 = arith.constant 0 : i32
      %dma_wait3A_692 = tpu.memref_slice %arg10[%and3A_576, %dma_wait3A_686, %dma_wait3A_691] : memref<2x8x128xi32, #tpu.memory_space<vmem>> -> memref<1x1x128xi32, #tpu.memory_space<vmem>>
      %dma_wait3A_693 = tpu.memref_squeeze %dma_wait3A_692 : memref<1x1x128xi32, #tpu.memory_space<vmem>> -> memref<128xi32, #tpu.memory_space<vmem>>
      %dma_wait3A_694 = tpu.memref_slice %arg4[%add3A_685] : memref<800000xi32, #tpu.memory_space<hbm>> -> memref<128xi32, #tpu.memory_space<hbm>>
      tpu.wait_dma2 semaphore(%arg17 : memref<!tpu.dma_semaphore, #tpu.memory_space<semaphore_mem>>) src(%dma_wait3A_694 : memref<128xi32, #tpu.memory_space<hbm>>) dst(%dma_wait3A_693 : memref<128xi32, #tpu.memory_space<vmem>>)
      %add3A_695 = arith.constant 1 : i32
      %add3A_696 = arith.addi %while3A_570, %add3A_695 : i32
      %lt3A = arith.cmpi slt, %add3A_696, %select_n3A_81 : i32
      %convert_element_type3A_697 = arith.extui %lt3A : i1 to i32
      %cond3A_698 = arith.constant 0 : i32
      %cond3A_699 = arith.cmpi ne, %convert_element_type3A_697, %cond3A_698 : i32
      scf.if %cond3A_699 {
        %add3A_1054 = arith.constant 16 : i32
        %add3A_1055 = arith.addi %add3A_574, %add3A_1054 : i32
        %sub3A_1056 = arith.constant 1 : i32
        %sub3A_1057 = arith.subi %sub3A_1056, %and3A_576 : i32
        %add3A_1058 = arith.constant 0 : i32
        %add3A_1059 = arith.addi %add3A_1058, %mul3A_0 : i32
        %mul3A_1060 = arith.constant 128 : i32
        %mul3A_1061 = arith.muli %add3A_1055, %mul3A_1060 : i32
        %add3A_1062 = arith.addi %add3A_1059, %mul3A_1061 : i32
        %dma_start3A_1063 = arith.constant 0 : i32
        %dma_start3A_1064 = arith.constant 0 : i32
        %dma_start3A_1065 = tpu.memref_slice %arg10[%sub3A_1057, %dma_start3A_1063, %dma_start3A_1064] : memref<2x8x128xi32, #tpu.memory_space<vmem>> -> memref<1x1x128xi32, #tpu.memory_space<vmem>>
        %dma_start3A_1066 = tpu.memref_squeeze %dma_start3A_1065 : memref<1x1x128xi32, #tpu.memory_space<vmem>> -> memref<128xi32, #tpu.memory_space<vmem>>
        %dma_start3A_1067 = tpu.memref_slice %arg4[%add3A_1062] : memref<800000xi32, #tpu.memory_space<hbm>> -> memref<128xi32, #tpu.memory_space<hbm>>
        %dma_start3A_1068 = arith.constant 0 : i32
        %dma_start3A_1069 = tpu.memref_slice %arg10[%sub3A_1057, %dma_start3A_1063, %dma_start3A_1068] : memref<2x8x128xi32, #tpu.memory_space<vmem>> -> memref<1x1x128xi32, #tpu.memory_space<vmem>>
        %dma_start3A_1070 = tpu.memref_squeeze %dma_start3A_1069 : memref<1x1x128xi32, #tpu.memory_space<vmem>> -> memref<128xi32, #tpu.memory_space<vmem>>
        %dma_start3A_1071 = tpu.memref_slice %arg4[%add3A_1062] : memref<800000xi32, #tpu.memory_space<hbm>> -> memref<128xi32, #tpu.memory_space<hbm>>
        tpu.enqueue_dma source(%dma_start3A_1071 : memref<128xi32, #tpu.memory_space<hbm>>) target(%dma_start3A_1070 : memref<128xi32, #tpu.memory_space<vmem>>) target_semaphore(%arg17 : memref<!tpu.dma_semaphore, #tpu.memory_space<semaphore_mem>>)
        %add3A_1072 = arith.constant 100000 : i32
        %add3A_1073 = arith.addi %add3A_1072, %mul3A_0 : i32
        %mul3A_1074 = arith.constant 128 : i32
        %mul3A_1075 = arith.muli %add3A_1055, %mul3A_1074 : i32
        %add3A_1076 = arith.addi %add3A_1073, %mul3A_1075 : i32
        %dma_start3A_1077 = arith.constant 1 : i32
        %dma_start3A_1078 = arith.constant 0 : i32
        %dma_start3A_1079 = tpu.memref_slice %arg10[%sub3A_1057, %dma_start3A_1077, %dma_start3A_1078] : memref<2x8x128xi32, #tpu.memory_space<vmem>> -> memref<1x1x128xi32, #tpu.memory_space<vmem>>
        %dma_start3A_1080 = tpu.memref_squeeze %dma_start3A_1079 : memref<1x1x128xi32, #tpu.memory_space<vmem>> -> memref<128xi32, #tpu.memory_space<vmem>>
        %dma_start3A_1081 = tpu.memref_slice %arg4[%add3A_1076] : memref<800000xi32, #tpu.memory_space<hbm>> -> memref<128xi32, #tpu.memory_space<hbm>>
        %dma_start3A_1082 = arith.constant 0 : i32
        %dma_start3A_1083 = tpu.memref_slice %arg10[%sub3A_1057, %dma_start3A_1077, %dma_start3A_1082] : memref<2x8x128xi32, #tpu.memory_space<vmem>> -> memref<1x1x128xi32, #tpu.memory_space<vmem>>
        %dma_start3A_1084 = tpu.memref_squeeze %dma_start3A_1083 : memref<1x1x128xi32, #tpu.memory_space<vmem>> -> memref<128xi32, #tpu.memory_space<vmem>>
        %dma_start3A_1085 = tpu.memref_slice %arg4[%add3A_1076] : memref<800000xi32, #tpu.memory_space<hbm>> -> memref<128xi32, #tpu.memory_space<hbm>>
        tpu.enqueue_dma source(%dma_start3A_1085 : memref<128xi32, #tpu.memory_space<hbm>>) target(%dma_start3A_1084 : memref<128xi32, #tpu.memory_space<vmem>>) target_semaphore(%arg17 : memref<!tpu.dma_semaphore, #tpu.memory_space<semaphore_mem>>)
        %add3A_1086 = arith.constant 200000 : i32
        %add3A_1087 = arith.addi %add3A_1086, %mul3A_0 : i32
        %mul3A_1088 = arith.constant 128 : i32
        %mul3A_1089 = arith.muli %add3A_1055, %mul3A_1088 : i32
        %add3A_1090 = arith.addi %add3A_1087, %mul3A_1089 : i32
        %dma_start3A_1091 = arith.constant 2 : i32
        %dma_start3A_1092 = arith.constant 0 : i32
        %dma_start3A_1093 = tpu.memref_slice %arg10[%sub3A_1057, %dma_start3A_1091, %dma_start3A_1092] : memref<2x8x128xi32, #tpu.memory_space<vmem>> -> memref<1x1x128xi32, #tpu.memory_space<vmem>>
        %dma_start3A_1094 = tpu.memref_squeeze %dma_start3A_1093 : memref<1x1x128xi32, #tpu.memory_space<vmem>> -> memref<128xi32, #tpu.memory_space<vmem>>
        %dma_start3A_1095 = tpu.memref_slice %arg4[%add3A_1090] : memref<800000xi32, #tpu.memory_space<hbm>> -> memref<128xi32, #tpu.memory_space<hbm>>
        %dma_start3A_1096 = arith.constant 0 : i32
        %dma_start3A_1097 = tpu.memref_slice %arg10[%sub3A_1057, %dma_start3A_1091, %dma_start3A_1096] : memref<2x8x128xi32, #tpu.memory_space<vmem>> -> memref<1x1x128xi32, #tpu.memory_space<vmem>>
        %dma_start3A_1098 = tpu.memref_squeeze %dma_start3A_1097 : memref<1x1x128xi32, #tpu.memory_space<vmem>> -> memref<128xi32, #tpu.memory_space<vmem>>
        %dma_start3A_1099 = tpu.memref_slice %arg4[%add3A_1090] : memref<800000xi32, #tpu.memory_space<hbm>> -> memref<128xi32, #tpu.memory_space<hbm>>
        tpu.enqueue_dma source(%dma_start3A_1099 : memref<128xi32, #tpu.memory_space<hbm>>) target(%dma_start3A_1098 : memref<128xi32, #tpu.memory_space<vmem>>) target_semaphore(%arg17 : memref<!tpu.dma_semaphore, #tpu.memory_space<semaphore_mem>>)
        %add3A_1100 = arith.constant 300000 : i32
        %add3A_1101 = arith.addi %add3A_1100, %mul3A_0 : i32
        %mul3A_1102 = arith.constant 128 : i32
        %mul3A_1103 = arith.muli %add3A_1055, %mul3A_1102 : i32
        %add3A_1104 = arith.addi %add3A_1101, %mul3A_1103 : i32
        %dma_start3A_1105 = arith.constant 3 : i32
        %dma_start3A_1106 = arith.constant 0 : i32
        %dma_start3A_1107 = tpu.memref_slice %arg10[%sub3A_1057, %dma_start3A_1105, %dma_start3A_1106] : memref<2x8x128xi32, #tpu.memory_space<vmem>> -> memref<1x1x128xi32, #tpu.memory_space<vmem>>
        %dma_start3A_1108 = tpu.memref_squeeze %dma_start3A_1107 : memref<1x1x128xi32, #tpu.memory_space<vmem>> -> memref<128xi32, #tpu.memory_space<vmem>>
        %dma_start3A_1109 = tpu.memref_slice %arg4[%add3A_1104] : memref<800000xi32, #tpu.memory_space<hbm>> -> memref<128xi32, #tpu.memory_space<hbm>>
        %dma_start3A_1110 = arith.constant 0 : i32
        %dma_start3A_1111 = tpu.memref_slice %arg10[%sub3A_1057, %dma_start3A_1105, %dma_start3A_1110] : memref<2x8x128xi32, #tpu.memory_space<vmem>> -> memref<1x1x128xi32, #tpu.memory_space<vmem>>
        %dma_start3A_1112 = tpu.memref_squeeze %dma_start3A_1111 : memref<1x1x128xi32, #tpu.memory_space<vmem>> -> memref<128xi32, #tpu.memory_space<vmem>>
        %dma_start3A_1113 = tpu.memref_slice %arg4[%add3A_1104] : memref<800000xi32, #tpu.memory_space<hbm>> -> memref<128xi32, #tpu.memory_space<hbm>>
        tpu.enqueue_dma source(%dma_start3A_1113 : memref<128xi32, #tpu.memory_space<hbm>>) target(%dma_start3A_1112 : memref<128xi32, #tpu.memory_space<vmem>>) target_semaphore(%arg17 : memref<!tpu.dma_semaphore, #tpu.memory_space<semaphore_mem>>)
        %add3A_1114 = arith.constant 400000 : i32
        %add3A_1115 = arith.addi %add3A_1114, %mul3A_0 : i32
        %mul3A_1116 = arith.constant 128 : i32
        %mul3A_1117 = arith.muli %add3A_1055, %mul3A_1116 : i32
        %add3A_1118 = arith.addi %add3A_1115, %mul3A_1117 : i32
        %dma_start3A_1119 = arith.constant 4 : i32
        %dma_start3A_1120 = arith.constant 0 : i32
        %dma_start3A_1121 = tpu.memref_slice %arg10[%sub3A_1057, %dma_start3A_1119, %dma_start3A_1120] : memref<2x8x128xi32, #tpu.memory_space<vmem>> -> memref<1x1x128xi32, #tpu.memory_space<vmem>>
        %dma_start3A_1122 = tpu.memref_squeeze %dma_start3A_1121 : memref<1x1x128xi32, #tpu.memory_space<vmem>> -> memref<128xi32, #tpu.memory_space<vmem>>
        %dma_start3A_1123 = tpu.memref_slice %arg4[%add3A_1118] : memref<800000xi32, #tpu.memory_space<hbm>> -> memref<128xi32, #tpu.memory_space<hbm>>
        %dma_start3A_1124 = arith.constant 0 : i32
        %dma_start3A_1125 = tpu.memref_slice %arg10[%sub3A_1057, %dma_start3A_1119, %dma_start3A_1124] : memref<2x8x128xi32, #tpu.memory_space<vmem>> -> memref<1x1x128xi32, #tpu.memory_space<vmem>>
        %dma_start3A_1126 = tpu.memref_squeeze %dma_start3A_1125 : memref<1x1x128xi32, #tpu.memory_space<vmem>> -> memref<128xi32, #tpu.memory_space<vmem>>
        %dma_start3A_1127 = tpu.memref_slice %arg4[%add3A_1118] : memref<800000xi32, #tpu.memory_space<hbm>> -> memref<128xi32, #tpu.memory_space<hbm>>
        tpu.enqueue_dma source(%dma_start3A_1127 : memref<128xi32, #tpu.memory_space<hbm>>) target(%dma_start3A_1126 : memref<128xi32, #tpu.memory_space<vmem>>) target_semaphore(%arg17 : memref<!tpu.dma_semaphore, #tpu.memory_space<semaphore_mem>>)
        %add3A_1128 = arith.constant 500000 : i32
        %add3A_1129 = arith.addi %add3A_1128, %mul3A_0 : i32
        %mul3A_1130 = arith.constant 128 : i32
        %mul3A_1131 = arith.muli %add3A_1055, %mul3A_1130 : i32
        %add3A_1132 = arith.addi %add3A_1129, %mul3A_1131 : i32
        %dma_start3A_1133 = arith.constant 5 : i32
        %dma_start3A_1134 = arith.constant 0 : i32
        %dma_start3A_1135 = tpu.memref_slice %arg10[%sub3A_1057, %dma_start3A_1133, %dma_start3A_1134] : memref<2x8x128xi32, #tpu.memory_space<vmem>> -> memref<1x1x128xi32, #tpu.memory_space<vmem>>
        %dma_start3A_1136 = tpu.memref_squeeze %dma_start3A_1135 : memref<1x1x128xi32, #tpu.memory_space<vmem>> -> memref<128xi32, #tpu.memory_space<vmem>>
        %dma_start3A_1137 = tpu.memref_slice %arg4[%add3A_1132] : memref<800000xi32, #tpu.memory_space<hbm>> -> memref<128xi32, #tpu.memory_space<hbm>>
        %dma_start3A_1138 = arith.constant 0 : i32
        %dma_start3A_1139 = tpu.memref_slice %arg10[%sub3A_1057, %dma_start3A_1133, %dma_start3A_1138] : memref<2x8x128xi32, #tpu.memory_space<vmem>> -> memref<1x1x128xi32, #tpu.memory_space<vmem>>
        %dma_start3A_1140 = tpu.memref_squeeze %dma_start3A_1139 : memref<1x1x128xi32, #tpu.memory_space<vmem>> -> memref<128xi32, #tpu.memory_space<vmem>>
        %dma_start3A_1141 = tpu.memref_slice %arg4[%add3A_1132] : memref<800000xi32, #tpu.memory_space<hbm>> -> memref<128xi32, #tpu.memory_space<hbm>>
        tpu.enqueue_dma source(%dma_start3A_1141 : memref<128xi32, #tpu.memory_space<hbm>>) target(%dma_start3A_1140 : memref<128xi32, #tpu.memory_space<vmem>>) target_semaphore(%arg17 : memref<!tpu.dma_semaphore, #tpu.memory_space<semaphore_mem>>)
        %add3A_1142 = arith.constant 600000 : i32
        %add3A_1143 = arith.addi %add3A_1142, %mul3A_0 : i32
        %mul3A_1144 = arith.constant 128 : i32
        %mul3A_1145 = arith.muli %add3A_1055, %mul3A_1144 : i32
        %add3A_1146 = arith.addi %add3A_1143, %mul3A_1145 : i32
        %dma_start3A_1147 = arith.constant 6 : i32
        %dma_start3A_1148 = arith.constant 0 : i32
        %dma_start3A_1149 = tpu.memref_slice %arg10[%sub3A_1057, %dma_start3A_1147, %dma_start3A_1148] : memref<2x8x128xi32, #tpu.memory_space<vmem>> -> memref<1x1x128xi32, #tpu.memory_space<vmem>>
        %dma_start3A_1150 = tpu.memref_squeeze %dma_start3A_1149 : memref<1x1x128xi32, #tpu.memory_space<vmem>> -> memref<128xi32, #tpu.memory_space<vmem>>
        %dma_start3A_1151 = tpu.memref_slice %arg4[%add3A_1146] : memref<800000xi32, #tpu.memory_space<hbm>> -> memref<128xi32, #tpu.memory_space<hbm>>
        %dma_start3A_1152 = arith.constant 0 : i32
        %dma_start3A_1153 = tpu.memref_slice %arg10[%sub3A_1057, %dma_start3A_1147, %dma_start3A_1152] : memref<2x8x128xi32, #tpu.memory_space<vmem>> -> memref<1x1x128xi32, #tpu.memory_space<vmem>>
        %dma_start3A_1154 = tpu.memref_squeeze %dma_start3A_1153 : memref<1x1x128xi32, #tpu.memory_space<vmem>> -> memref<128xi32, #tpu.memory_space<vmem>>
        %dma_start3A_1155 = tpu.memref_slice %arg4[%add3A_1146] : memref<800000xi32, #tpu.memory_space<hbm>> -> memref<128xi32, #tpu.memory_space<hbm>>
        tpu.enqueue_dma source(%dma_start3A_1155 : memref<128xi32, #tpu.memory_space<hbm>>) target(%dma_start3A_1154 : memref<128xi32, #tpu.memory_space<vmem>>) target_semaphore(%arg17 : memref<!tpu.dma_semaphore, #tpu.memory_space<semaphore_mem>>)
        %add3A_1156 = arith.constant 700000 : i32
        %add3A_1157 = arith.addi %add3A_1156, %mul3A_0 : i32
        %mul3A_1158 = arith.constant 128 : i32
        %mul3A_1159 = arith.muli %add3A_1055, %mul3A_1158 : i32
        %add3A_1160 = arith.addi %add3A_1157, %mul3A_1159 : i32
        %dma_start3A_1161 = arith.constant 7 : i32
        %dma_start3A_1162 = arith.constant 0 : i32
        %dma_start3A_1163 = tpu.memref_slice %arg10[%sub3A_1057, %dma_start3A_1161, %dma_start3A_1162] : memref<2x8x128xi32, #tpu.memory_space<vmem>> -> memref<1x1x128xi32, #tpu.memory_space<vmem>>
        %dma_start3A_1164 = tpu.memref_squeeze %dma_start3A_1163 : memref<1x1x128xi32, #tpu.memory_space<vmem>> -> memref<128xi32, #tpu.memory_space<vmem>>
        %dma_start3A_1165 = tpu.memref_slice %arg4[%add3A_1160] : memref<800000xi32, #tpu.memory_space<hbm>> -> memref<128xi32, #tpu.memory_space<hbm>>
        %dma_start3A_1166 = arith.constant 0 : i32
        %dma_start3A_1167 = tpu.memref_slice %arg10[%sub3A_1057, %dma_start3A_1161, %dma_start3A_1166] : memref<2x8x128xi32, #tpu.memory_space<vmem>> -> memref<1x1x128xi32, #tpu.memory_space<vmem>>
        %dma_start3A_1168 = tpu.memref_squeeze %dma_start3A_1167 : memref<1x1x128xi32, #tpu.memory_space<vmem>> -> memref<128xi32, #tpu.memory_space<vmem>>
        %dma_start3A_1169 = tpu.memref_slice %arg4[%add3A_1160] : memref<800000xi32, #tpu.memory_space<hbm>> -> memref<128xi32, #tpu.memory_space<hbm>>
        tpu.enqueue_dma source(%dma_start3A_1169 : memref<128xi32, #tpu.memory_space<hbm>>) target(%dma_start3A_1168 : memref<128xi32, #tpu.memory_space<vmem>>) target_semaphore(%arg17 : memref<!tpu.dma_semaphore, #tpu.memory_space<semaphore_mem>>)
      } else {
      }
      %mul3A_700 = arith.constant 128 : i32
      %mul3A_701 = arith.muli %add3A_574, %mul3A_700 : i32
      %add3A_702 = arith.constant 0 : i32
      %add3A_703 = arith.addi %mul3A_701, %add3A_702 : i32
      %add3A_704 = vector.broadcast %add3A_703 : i32 to vector<16xi32>
      %add3A_705 = arith.addi %add3A_704, %iota3A : vector<16xi32>
      %swap3A = arith.index_cast %and3A_576 : i32 to index
      %swap3A_706 = arith.constant 0 : index
      %swap3A_707 = tpu.vector_load %arg14[%swap3A, %swap3A_706] {strides = array<i32>} : memref<2x128xi32, #tpu.memory_space<vmem>>, vector<1x16xi32>,
      %swap3A_708 = vector.shape_cast %swap3A_707 : vector<1x16xi32> to vector<16xi32>
      %swap3A_709 = vector.shape_cast %add3A_705 : vector<16xi32> to vector<1x16xi32>
      tpu.vector_store %arg14[%swap3A, %swap3A_706], %swap3A_709 {strides = array<i32>} : memref<2x128xi32, #tpu.memory_space<vmem>>, vector<1x16xi32>,
      %add3A_710 = arith.constant 16 : i32
      %add3A_711 = arith.addi %mul3A_701, %add3A_710 : i32
      %add3A_712 = vector.broadcast %add3A_711 : i32 to vector<16xi32>
      %add3A_713 = arith.addi %add3A_712, %iota3A : vector<16xi32>
      %swap3A_714 = arith.index_cast %and3A_576 : i32 to index
      %swap3A_715 = arith.constant 16 : index
      %swap3A_716 = tpu.vector_load %arg14[%swap3A_714, %swap3A_715] {strides = array<i32>} : memref<2x128xi32, #tpu.memory_space<vmem>>, vector<1x16xi32>,
      %swap3A_717 = vector.shape_cast %swap3A_716 : vector<1x16xi32> to vector<16xi32>
      %swap3A_718 = vector.shape_cast %add3A_713 : vector<16xi32> to vector<1x16xi32>
      tpu.vector_store %arg14[%swap3A_714, %swap3A_715], %swap3A_718 {strides = array<i32>} : memref<2x128xi32, #tpu.memory_space<vmem>>, vector<1x16xi32>,
      %add3A_719 = arith.constant 32 : i32
      %add3A_720 = arith.addi %mul3A_701, %add3A_719 : i32
      %add3A_721 = vector.broadcast %add3A_720 : i32 to vector<16xi32>
      %add3A_722 = arith.addi %add3A_721, %iota3A : vector<16xi32>
      %swap3A_723 = arith.index_cast %and3A_576 : i32 to index
      %swap3A_724 = arith.constant 32 : index
      %swap3A_725 = tpu.vector_load %arg14[%swap3A_723, %swap3A_724] {strides = array<i32>} : memref<2x128xi32, #tpu.memory_space<vmem>>, vector<1x16xi32>,
      %swap3A_726 = vector.shape_cast %swap3A_725 : vector<1x16xi32> to vector<16xi32>
      %swap3A_727 = vector.shape_cast %add3A_722 : vector<16xi32> to vector<1x16xi32>
      tpu.vector_store %arg14[%swap3A_723, %swap3A_724], %swap3A_727 {strides = array<i32>} : memref<2x128xi32, #tpu.memory_space<vmem>>, vector<1x16xi32>,
      %add3A_728 = arith.constant 48 : i32
      %add3A_729 = arith.addi %mul3A_701, %add3A_728 : i32
      %add3A_730 = vector.broadcast %add3A_729 : i32 to vector<16xi32>
      %add3A_731 = arith.addi %add3A_730, %iota3A : vector<16xi32>
      %swap3A_732 = arith.index_cast %and3A_576 : i32 to index
      %swap3A_733 = arith.constant 48 : index
      %swap3A_734 = tpu.vector_load %arg14[%swap3A_732, %swap3A_733] {strides = array<i32>} : memref<2x128xi32, #tpu.memory_space<vmem>>, vector<1x16xi32>,
      %swap3A_735 = vector.shape_cast %swap3A_734 : vector<1x16xi32> to vector<16xi32>
      %swap3A_736 = vector.shape_cast %add3A_731 : vector<16xi32> to vector<1x16xi32>
      tpu.vector_store %arg14[%swap3A_732, %swap3A_733], %swap3A_736 {strides = array<i32>} : memref<2x128xi32, #tpu.memory_space<vmem>>, vector<1x16xi32>,
      %add3A_737 = arith.constant 64 : i32
      %add3A_738 = arith.addi %mul3A_701, %add3A_737 : i32
      %add3A_739 = vector.broadcast %add3A_738 : i32 to vector<16xi32>
      %add3A_740 = arith.addi %add3A_739, %iota3A : vector<16xi32>
      %swap3A_741 = arith.index_cast %and3A_576 : i32 to index
      %swap3A_742 = arith.constant 64 : index
      %swap3A_743 = tpu.vector_load %arg14[%swap3A_741, %swap3A_742] {strides = array<i32>} : memref<2x128xi32, #tpu.memory_space<vmem>>, vector<1x16xi32>,
      %swap3A_744 = vector.shape_cast %swap3A_743 : vector<1x16xi32> to vector<16xi32>
      %swap3A_745 = vector.shape_cast %add3A_740 : vector<16xi32> to vector<1x16xi32>
      tpu.vector_store %arg14[%swap3A_741, %swap3A_742], %swap3A_745 {strides = array<i32>} : memref<2x128xi32, #tpu.memory_space<vmem>>, vector<1x16xi32>,
      %add3A_746 = arith.constant 80 : i32
      %add3A_747 = arith.addi %mul3A_701, %add3A_746 : i32
      %add3A_748 = vector.broadcast %add3A_747 : i32 to vector<16xi32>
      %add3A_749 = arith.addi %add3A_748, %iota3A : vector<16xi32>
      %swap3A_750 = arith.index_cast %and3A_576 : i32 to index
      %swap3A_751 = arith.constant 80 : index
      %swap3A_752 = tpu.vector_load %arg14[%swap3A_750, %swap3A_751] {strides = array<i32>} : memref<2x128xi32, #tpu.memory_space<vmem>>, vector<1x16xi32>,
      %swap3A_753 = vector.shape_cast %swap3A_752 : vector<1x16xi32> to vector<16xi32>
      %swap3A_754 = vector.shape_cast %add3A_749 : vector<16xi32> to vector<1x16xi32>
      tpu.vector_store %arg14[%swap3A_750, %swap3A_751], %swap3A_754 {strides = array<i32>} : memref<2x128xi32, #tpu.memory_space<vmem>>, vector<1x16xi32>,
      %add3A_755 = arith.constant 96 : i32
      %add3A_756 = arith.addi %mul3A_701, %add3A_755 : i32
      %add3A_757 = vector.broadcast %add3A_756 : i32 to vector<16xi32>
      %add3A_758 = arith.addi %add3A_757, %iota3A : vector<16xi32>
      %swap3A_759 = arith.index_cast %and3A_576 : i32 to index
      %swap3A_760 = arith.constant 96 : index
      %swap3A_761 = tpu.vector_load %arg14[%swap3A_759, %swap3A_760] {strides = array<i32>} : memref<2x128xi32, #tpu.memory_space<vmem>>, vector<1x16xi32>,
      %swap3A_762 = vector.shape_cast %swap3A_761 : vector<1x16xi32> to vector<16xi32>
      %swap3A_763 = vector.shape_cast %add3A_758 : vector<16xi32> to vector<1x16xi32>
      tpu.vector_store %arg14[%swap3A_759, %swap3A_760], %swap3A_763 {strides = array<i32>} : memref<2x128xi32, #tpu.memory_space<vmem>>, vector<1x16xi32>,
      %add3A_764 = arith.constant 112 : i32
      %add3A_765 = arith.addi %mul3A_701, %add3A_764 : i32
      %add3A_766 = vector.broadcast %add3A_765 : i32 to vector<16xi32>
      %add3A_767 = arith.addi %add3A_766, %iota3A : vector<16xi32>
      %swap3A_768 = arith.index_cast %and3A_576 : i32 to index
      %swap3A_769 = arith.constant 112 : index
      %swap3A_770 = tpu.vector_load %arg14[%swap3A_768, %swap3A_769] {strides = array<i32>} : memref<2x128xi32, #tpu.memory_space<vmem>>, vector<1x16xi32>,
      %swap3A_771 = vector.shape_cast %swap3A_770 : vector<1x16xi32> to vector<16xi32>
      %swap3A_772 = vector.shape_cast %add3A_767 : vector<16xi32> to vector<1x16xi32>
      tpu.vector_store %arg14[%swap3A_768, %swap3A_769], %swap3A_772 {strides = array<i32>} : memref<2x128xi32, #tpu.memory_space<vmem>>, vector<1x16xi32>,
      %dma_start3A_773 = arith.constant 0 : i32
      %dma_start3A_774 = arith.constant 0 : i32
      %dma_start3A_775 = arith.constant 0 : i32
      %dma_start3A_776 = arith.constant 0 : i32
      %dma_start3A_777 = tpu.memref_slice %arg16[%mul3A_578, %dma_start3A_775, %dma_start3A_776] : memref<6x128x32xf32, #tpu.memory_space<vmem>> -> memref<1x128x32xf32, #tpu.memory_space<vmem>>
      %dma_start3A_778 = tpu.memref_squeeze %dma_start3A_777 : memref<1x128x32xf32, #tpu.memory_space<vmem>> -> memref<128x32xf32, #tpu.memory_space<vmem>>
      %dma_start3A_779 = arith.constant 0 : i32
      %dma_start3A_780 = tpu.memref_slice %arg10[%and3A_576, %dma_start3A_774, %dma_start3A_779] : memref<2x8x128xi32, #tpu.memory_space<vmem>> -> memref<1x1x128xi32, #tpu.memory_space<vmem>>
      %dma_start3A_781 = tpu.memref_squeeze %dma_start3A_780 : memref<1x1x128xi32, #tpu.memory_space<vmem>> -> memref<128xi32, #tpu.memory_space<vmem>>
      %dma_start3A_782 = arith.constant 0 : i32
      %dma_start3A_783 = arith.constant 0 : i32
      %dma_start3A_784 = tpu.memref_slice %arg2[%dma_start3A_773, %dma_start3A_782, %dma_start3A_783] : memref<8x100000x32xf32, #tpu.memory_space<hbm>> -> memref<1x100000x32xf32, #tpu.memory_space<hbm>>
      %dma_start3A_785 = tpu.memref_squeeze %dma_start3A_784 : memref<1x100000x32xf32, #tpu.memory_space<hbm>> -> memref<100000x32xf32, #tpu.memory_space<hbm>>
      %dma_start3A_786 = arith.constant 0 : i32
      %dma_start3A_787 = arith.constant 0 : i32
      %dma_start3A_788 = tpu.memref_slice %dma_start3A_785[%dma_start3A_786, %dma_start3A_787] : memref<100000x32xf32, #tpu.memory_space<hbm>> -> memref<100000x32xf32, #tpu.memory_space<hbm>>
      tpu.enqueue_indirect_dma source(%dma_start3A_788 : memref<100000x32xf32, #tpu.memory_space<hbm>>) target(%dma_start3A_778 : memref<128x32xf32, #tpu.memory_space<vmem>>) offsets(%dma_start3A_781 : memref<128xi32, #tpu.memory_space<vmem>>) semaphore(%arg18 : memref<!tpu.dma_semaphore, #tpu.memory_space<semaphore_mem>>)
      %dma_start3A_789 = arith.constant 1 : i32
      %dma_start3A_790 = arith.constant 1 : i32
      %dma_start3A_791 = arith.constant 0 : i32
      %dma_start3A_792 = arith.constant 0 : i32
      %dma_start3A_793 = tpu.memref_slice %arg16[%add3A_582, %dma_start3A_791, %dma_start3A_792] : memref<6x128x32xf32, #tpu.memory_space<vmem>> -> memref<1x128x32xf32, #tpu.memory_space<vmem>>
      %dma_start3A_794 = tpu.memref_squeeze %dma_start3A_793 : memref<1x128x32xf32, #tpu.memory_space<vmem>> -> memref<128x32xf32, #tpu.memory_space<vmem>>
      %dma_start3A_795 = arith.constant 0 : i32
      %dma_start3A_796 = tpu.memref_slice %arg10[%and3A_576, %dma_start3A_790, %dma_start3A_795] : memref<2x8x128xi32, #tpu.memory_space<vmem>> -> memref<1x1x128xi32, #tpu.memory_space<vmem>>
      %dma_start3A_797 = tpu.memref_squeeze %dma_start3A_796 : memref<1x1x128xi32, #tpu.memory_space<vmem>> -> memref<128xi32, #tpu.memory_space<vmem>>
      %dma_start3A_798 = arith.constant 0 : i32
      %dma_start3A_799 = arith.constant 0 : i32
      %dma_start3A_800 = tpu.memref_slice %arg2[%dma_start3A_789, %dma_start3A_798, %dma_start3A_799] : memref<8x100000x32xf32, #tpu.memory_space<hbm>> -> memref<1x100000x32xf32, #tpu.memory_space<hbm>>
      %dma_start3A_801 = tpu.memref_squeeze %dma_start3A_800 : memref<1x100000x32xf32, #tpu.memory_space<hbm>> -> memref<100000x32xf32, #tpu.memory_space<hbm>>
      %dma_start3A_802 = arith.constant 0 : i32
      %dma_start3A_803 = arith.constant 0 : i32
      %dma_start3A_804 = tpu.memref_slice %dma_start3A_801[%dma_start3A_802, %dma_start3A_803] : memref<100000x32xf32, #tpu.memory_space<hbm>> -> memref<100000x32xf32, #tpu.memory_space<hbm>>
      tpu.enqueue_indirect_dma source(%dma_start3A_804 : memref<100000x32xf32, #tpu.memory_space<hbm>>) target(%dma_start3A_794 : memref<128x32xf32, #tpu.memory_space<vmem>>) offsets(%dma_start3A_797 : memref<128xi32, #tpu.memory_space<vmem>>) semaphore(%arg18 : memref<!tpu.dma_semaphore, #tpu.memory_space<semaphore_mem>>)
      %dma_wait3A_805 = arith.constant 0 : i32
      %dma_wait3A_806 = arith.constant 0 : i32
      %dma_wait3A_807 = arith.constant 0 : i32
      %dma_wait3A_808 = arith.constant 0 : i32
      %dma_wait3A_809 = tpu.memref_slice %arg16[%mul3A_578, %dma_wait3A_807, %dma_wait3A_808] : memref<6x128x32xf32, #tpu.memory_space<vmem>> -> memref<1x128x32xf32, #tpu.memory_space<vmem>>
      %dma_wait3A_810 = tpu.memref_squeeze %dma_wait3A_809 : memref<1x128x32xf32, #tpu.memory_space<vmem>> -> memref<128x32xf32, #tpu.memory_space<vmem>>
      %dma_wait3A_811 = arith.constant 0 : i32
      %dma_wait3A_812 = tpu.memref_slice %arg10[%and3A_576, %dma_wait3A_806, %dma_wait3A_811] : memref<2x8x128xi32, #tpu.memory_space<vmem>> -> memref<1x1x128xi32, #tpu.memory_space<vmem>>
      %dma_wait3A_813 = tpu.memref_squeeze %dma_wait3A_812 : memref<1x1x128xi32, #tpu.memory_space<vmem>> -> memref<128xi32, #tpu.memory_space<vmem>>
      %dma_wait3A_814 = arith.constant 0 : i32
      %dma_wait3A_815 = arith.constant 0 : i32
      %dma_wait3A_816 = tpu.memref_slice %arg2[%dma_wait3A_805, %dma_wait3A_814, %dma_wait3A_815] : memref<8x100000x32xf32, #tpu.memory_space<hbm>> -> memref<1x100000x32xf32, #tpu.memory_space<hbm>>
      %dma_wait3A_817 = tpu.memref_squeeze %dma_wait3A_816 : memref<1x100000x32xf32, #tpu.memory_space<hbm>> -> memref<100000x32xf32, #tpu.memory_space<hbm>>
      %dma_wait3A_818 = arith.constant 0 : i32
      %dma_wait3A_819 = arith.constant 0 : i32
      %dma_wait3A_820 = tpu.memref_slice %dma_wait3A_817[%dma_wait3A_818, %dma_wait3A_819] : memref<100000x32xf32, #tpu.memory_space<hbm>> -> memref<100000x32xf32, #tpu.memory_space<hbm>>
      tpu.wait_indirect_dma semaphore(%arg18 : memref<!tpu.dma_semaphore, #tpu.memory_space<semaphore_mem>>) src(%dma_wait3A_820 : memref<100000x32xf32, #tpu.memory_space<hbm>>) dst(%dma_wait3A_810 : memref<128x32xf32, #tpu.memory_space<vmem>>)
      %dma_wait3A_821 = arith.constant 1 : i32
      %dma_wait3A_822 = arith.constant 1 : i32
      %dma_wait3A_823 = arith.constant 0 : i32
      %dma_wait3A_824 = arith.constant 0 : i32
      %dma_wait3A_825 = tpu.memref_slice %arg16[%add3A_582, %dma_wait3A_823, %dma_wait3A_824] : memref<6x128x32xf32, #tpu.memory_space<vmem>> -> memref<1x128x32xf32, #tpu.memory_space<vmem>>
      %dma_wait3A_826 = tpu.memref_squeeze %dma_wait3A_825 : memref<1x128x32xf32, #tpu.memory_space<vmem>> -> memref<128x32xf32, #tpu.memory_space<vmem>>
      %dma_wait3A_827 = arith.constant 0 : i32
      %dma_wait3A_828 = tpu.memref_slice %arg10[%and3A_576, %dma_wait3A_822, %dma_wait3A_827] : memref<2x8x128xi32, #tpu.memory_space<vmem>> -> memref<1x1x128xi32, #tpu.memory_space<vmem>>
      %dma_wait3A_829 = tpu.memref_squeeze %dma_wait3A_828 : memref<1x1x128xi32, #tpu.memory_space<vmem>> -> memref<128xi32, #tpu.memory_space<vmem>>
      %dma_wait3A_830 = arith.constant 0 : i32
      %dma_wait3A_831 = arith.constant 0 : i32
      %dma_wait3A_832 = tpu.memref_slice %arg2[%dma_wait3A_821, %dma_wait3A_830, %dma_wait3A_831] : memref<8x100000x32xf32, #tpu.memory_space<hbm>> -> memref<1x100000x32xf32, #tpu.memory_space<hbm>>
      %dma_wait3A_833 = tpu.memref_squeeze %dma_wait3A_832 : memref<1x100000x32xf32, #tpu.memory_space<hbm>> -> memref<100000x32xf32, #tpu.memory_space<hbm>>
      %dma_wait3A_834 = arith.constant 0 : i32
      %dma_wait3A_835 = arith.constant 0 : i32
      %dma_wait3A_836 = tpu.memref_slice %dma_wait3A_833[%dma_wait3A_834, %dma_wait3A_835] : memref<100000x32xf32, #tpu.memory_space<hbm>> -> memref<100000x32xf32, #tpu.memory_space<hbm>>
      tpu.wait_indirect_dma semaphore(%arg18 : memref<!tpu.dma_semaphore, #tpu.memory_space<semaphore_mem>>) src(%dma_wait3A_836 : memref<100000x32xf32, #tpu.memory_space<hbm>>) dst(%dma_wait3A_826 : memref<128x32xf32, #tpu.memory_space<vmem>>)
      %dma_start3A_837 = arith.constant 2 : i32
      %dma_start3A_838 = arith.constant 2 : i32
      %dma_start3A_839 = arith.constant 0 : i32
      %dma_start3A_840 = arith.constant 0 : i32
      %dma_start3A_841 = tpu.memref_slice %arg16[%mul3A_578, %dma_start3A_839, %dma_start3A_840] : memref<6x128x32xf32, #tpu.memory_space<vmem>> -> memref<1x128x32xf32, #tpu.memory_space<vmem>>
      %dma_start3A_842 = tpu.memref_squeeze %dma_start3A_841 : memref<1x128x32xf32, #tpu.memory_space<vmem>> -> memref<128x32xf32, #tpu.memory_space<vmem>>
      %dma_start3A_843 = arith.constant 0 : i32
      %dma_start3A_844 = tpu.memref_slice %arg10[%and3A_576, %dma_start3A_838, %dma_start3A_843] : memref<2x8x128xi32, #tpu.memory_space<vmem>> -> memref<1x1x128xi32, #tpu.memory_space<vmem>>
      %dma_start3A_845 = tpu.memref_squeeze %dma_start3A_844 : memref<1x1x128xi32, #tpu.memory_space<vmem>> -> memref<128xi32, #tpu.memory_space<vmem>>
      %dma_start3A_846 = arith.constant 0 : i32
      %dma_start3A_847 = arith.constant 0 : i32
      %dma_start3A_848 = tpu.memref_slice %arg2[%dma_start3A_837, %dma_start3A_846, %dma_start3A_847] : memref<8x100000x32xf32, #tpu.memory_space<hbm>> -> memref<1x100000x32xf32, #tpu.memory_space<hbm>>
      %dma_start3A_849 = tpu.memref_squeeze %dma_start3A_848 : memref<1x100000x32xf32, #tpu.memory_space<hbm>> -> memref<100000x32xf32, #tpu.memory_space<hbm>>
      %dma_start3A_850 = arith.constant 0 : i32
      %dma_start3A_851 = arith.constant 0 : i32
      %dma_start3A_852 = tpu.memref_slice %dma_start3A_849[%dma_start3A_850, %dma_start3A_851] : memref<100000x32xf32, #tpu.memory_space<hbm>> -> memref<100000x32xf32, #tpu.memory_space<hbm>>
      tpu.enqueue_indirect_dma source(%dma_start3A_852 : memref<100000x32xf32, #tpu.memory_space<hbm>>) target(%dma_start3A_842 : memref<128x32xf32, #tpu.memory_space<vmem>>) offsets(%dma_start3A_845 : memref<128xi32, #tpu.memory_space<vmem>>) semaphore(%arg18 : memref<!tpu.dma_semaphore, #tpu.memory_space<semaphore_mem>>) {add = true}
      %dma_start3A_853 = arith.constant 3 : i32
      %dma_start3A_854 = arith.constant 3 : i32
      %dma_start3A_855 = arith.constant 0 : i32
      %dma_start3A_856 = arith.constant 0 : i32
      %dma_start3A_857 = tpu.memref_slice %arg16[%add3A_582, %dma_start3A_855, %dma_start3A_856] : memref<6x128x32xf32, #tpu.memory_space<vmem>> -> memref<1x128x32xf32, #tpu.memory_space<vmem>>
      %dma_start3A_858 = tpu.memref_squeeze %dma_start3A_857 : memref<1x128x32xf32, #tpu.memory_space<vmem>> -> memref<128x32xf32, #tpu.memory_space<vmem>>
      %dma_start3A_859 = arith.constant 0 : i32
      %dma_start3A_860 = tpu.memref_slice %arg10[%and3A_576, %dma_start3A_854, %dma_start3A_859] : memref<2x8x128xi32, #tpu.memory_space<vmem>> -> memref<1x1x128xi32, #tpu.memory_space<vmem>>
      %dma_start3A_861 = tpu.memref_squeeze %dma_start3A_860 : memref<1x1x128xi32, #tpu.memory_space<vmem>> -> memref<128xi32, #tpu.memory_space<vmem>>
      %dma_start3A_862 = arith.constant 0 : i32
      %dma_start3A_863 = arith.constant 0 : i32
      %dma_start3A_864 = tpu.memref_slice %arg2[%dma_start3A_853, %dma_start3A_862, %dma_start3A_863] : memref<8x100000x32xf32, #tpu.memory_space<hbm>> -> memref<1x100000x32xf32, #tpu.memory_space<hbm>>
      %dma_start3A_865 = tpu.memref_squeeze %dma_start3A_864 : memref<1x100000x32xf32, #tpu.memory_space<hbm>> -> memref<100000x32xf32, #tpu.memory_space<hbm>>
      %dma_start3A_866 = arith.constant 0 : i32
      %dma_start3A_867 = arith.constant 0 : i32
      %dma_start3A_868 = tpu.memref_slice %dma_start3A_865[%dma_start3A_866, %dma_start3A_867] : memref<100000x32xf32, #tpu.memory_space<hbm>> -> memref<100000x32xf32, #tpu.memory_space<hbm>>
      tpu.enqueue_indirect_dma source(%dma_start3A_868 : memref<100000x32xf32, #tpu.memory_space<hbm>>) target(%dma_start3A_858 : memref<128x32xf32, #tpu.memory_space<vmem>>) offsets(%dma_start3A_861 : memref<128xi32, #tpu.memory_space<vmem>>) semaphore(%arg18 : memref<!tpu.dma_semaphore, #tpu.memory_space<semaphore_mem>>) {add = true}
      %dma_wait3A_869 = arith.constant 2 : i32
      %dma_wait3A_870 = arith.constant 2 : i32
      %dma_wait3A_871 = arith.constant 0 : i32
      %dma_wait3A_872 = arith.constant 0 : i32
      %dma_wait3A_873 = tpu.memref_slice %arg16[%mul3A_578, %dma_wait3A_871, %dma_wait3A_872] : memref<6x128x32xf32, #tpu.memory_space<vmem>> -> memref<1x128x32xf32, #tpu.memory_space<vmem>>
      %dma_wait3A_874 = tpu.memref_squeeze %dma_wait3A_873 : memref<1x128x32xf32, #tpu.memory_space<vmem>> -> memref<128x32xf32, #tpu.memory_space<vmem>>
      %dma_wait3A_875 = arith.constant 0 : i32
      %dma_wait3A_876 = tpu.memref_slice %arg10[%and3A_576, %dma_wait3A_870, %dma_wait3A_875] : memref<2x8x128xi32, #tpu.memory_space<vmem>> -> memref<1x1x128xi32, #tpu.memory_space<vmem>>
      %dma_wait3A_877 = tpu.memref_squeeze %dma_wait3A_876 : memref<1x1x128xi32, #tpu.memory_space<vmem>> -> memref<128xi32, #tpu.memory_space<vmem>>
      %dma_wait3A_878 = arith.constant 0 : i32
      %dma_wait3A_879 = arith.constant 0 : i32
      %dma_wait3A_880 = tpu.memref_slice %arg2[%dma_wait3A_869, %dma_wait3A_878, %dma_wait3A_879] : memref<8x100000x32xf32, #tpu.memory_space<hbm>> -> memref<1x100000x32xf32, #tpu.memory_space<hbm>>
      %dma_wait3A_881 = tpu.memref_squeeze %dma_wait3A_880 : memref<1x100000x32xf32, #tpu.memory_space<hbm>> -> memref<100000x32xf32, #tpu.memory_space<hbm>>
      %dma_wait3A_882 = arith.constant 0 : i32
      %dma_wait3A_883 = arith.constant 0 : i32
      %dma_wait3A_884 = tpu.memref_slice %dma_wait3A_881[%dma_wait3A_882, %dma_wait3A_883] : memref<100000x32xf32, #tpu.memory_space<hbm>> -> memref<100000x32xf32, #tpu.memory_space<hbm>>
      tpu.wait_indirect_dma semaphore(%arg18 : memref<!tpu.dma_semaphore, #tpu.memory_space<semaphore_mem>>) src(%dma_wait3A_884 : memref<100000x32xf32, #tpu.memory_space<hbm>>) dst(%dma_wait3A_874 : memref<128x32xf32, #tpu.memory_space<vmem>>)
      %dma_wait3A_885 = arith.constant 3 : i32
      %dma_wait3A_886 = arith.constant 3 : i32
      %dma_wait3A_887 = arith.constant 0 : i32
      %dma_wait3A_888 = arith.constant 0 : i32
      %dma_wait3A_889 = tpu.memref_slice %arg16[%add3A_582, %dma_wait3A_887, %dma_wait3A_888] : memref<6x128x32xf32, #tpu.memory_space<vmem>> -> memref<1x128x32xf32, #tpu.memory_space<vmem>>
      %dma_wait3A_890 = tpu.memref_squeeze %dma_wait3A_889 : memref<1x128x32xf32, #tpu.memory_space<vmem>> -> memref<128x32xf32, #tpu.memory_space<vmem>>
      %dma_wait3A_891 = arith.constant 0 : i32
      %dma_wait3A_892 = tpu.memref_slice %arg10[%and3A_576, %dma_wait3A_886, %dma_wait3A_891] : memref<2x8x128xi32, #tpu.memory_space<vmem>> -> memref<1x1x128xi32, #tpu.memory_space<vmem>>
      %dma_wait3A_893 = tpu.memref_squeeze %dma_wait3A_892 : memref<1x1x128xi32, #tpu.memory_space<vmem>> -> memref<128xi32, #tpu.memory_space<vmem>>
      %dma_wait3A_894 = arith.constant 0 : i32
      %dma_wait3A_895 = arith.constant 0 : i32
      %dma_wait3A_896 = tpu.memref_slice %arg2[%dma_wait3A_885, %dma_wait3A_894, %dma_wait3A_895] : memref<8x100000x32xf32, #tpu.memory_space<hbm>> -> memref<1x100000x32xf32, #tpu.memory_space<hbm>>
      %dma_wait3A_897 = tpu.memref_squeeze %dma_wait3A_896 : memref<1x100000x32xf32, #tpu.memory_space<hbm>> -> memref<100000x32xf32, #tpu.memory_space<hbm>>
      %dma_wait3A_898 = arith.constant 0 : i32
      %dma_wait3A_899 = arith.constant 0 : i32
      %dma_wait3A_900 = tpu.memref_slice %dma_wait3A_897[%dma_wait3A_898, %dma_wait3A_899] : memref<100000x32xf32, #tpu.memory_space<hbm>> -> memref<100000x32xf32, #tpu.memory_space<hbm>>
      tpu.wait_indirect_dma semaphore(%arg18 : memref<!tpu.dma_semaphore, #tpu.memory_space<semaphore_mem>>) src(%dma_wait3A_900 : memref<100000x32xf32, #tpu.memory_space<hbm>>) dst(%dma_wait3A_890 : memref<128x32xf32, #tpu.memory_space<vmem>>)
      %dma_start3A_901 = arith.constant 4 : i32
      %dma_start3A_902 = arith.constant 4 : i32
      %dma_start3A_903 = arith.constant 0 : i32
      %dma_start3A_904 = arith.constant 0 : i32
      %dma_start3A_905 = tpu.memref_slice %arg16[%mul3A_578, %dma_start3A_903, %dma_start3A_904] : memref<6x128x32xf32, #tpu.memory_space<vmem>> -> memref<1x128x32xf32, #tpu.memory_space<vmem>>
      %dma_start3A_906 = tpu.memref_squeeze %dma_start3A_905 : memref<1x128x32xf32, #tpu.memory_space<vmem>> -> memref<128x32xf32, #tpu.memory_space<vmem>>
      %dma_start3A_907 = arith.constant 0 : i32
      %dma_start3A_908 = tpu.memref_slice %arg10[%and3A_576, %dma_start3A_902, %dma_start3A_907] : memref<2x8x128xi32, #tpu.memory_space<vmem>> -> memref<1x1x128xi32, #tpu.memory_space<vmem>>
      %dma_start3A_909 = tpu.memref_squeeze %dma_start3A_908 : memref<1x1x128xi32, #tpu.memory_space<vmem>> -> memref<128xi32, #tpu.memory_space<vmem>>
      %dma_start3A_910 = arith.constant 0 : i32
      %dma_start3A_911 = arith.constant 0 : i32
      %dma_start3A_912 = tpu.memref_slice %arg2[%dma_start3A_901, %dma_start3A_910, %dma_start3A_911] : memref<8x100000x32xf32, #tpu.memory_space<hbm>> -> memref<1x100000x32xf32, #tpu.memory_space<hbm>>
      %dma_start3A_913 = tpu.memref_squeeze %dma_start3A_912 : memref<1x100000x32xf32, #tpu.memory_space<hbm>> -> memref<100000x32xf32, #tpu.memory_space<hbm>>
      %dma_start3A_914 = arith.constant 0 : i32
      %dma_start3A_915 = arith.constant 0 : i32
      %dma_start3A_916 = tpu.memref_slice %dma_start3A_913[%dma_start3A_914, %dma_start3A_915] : memref<100000x32xf32, #tpu.memory_space<hbm>> -> memref<100000x32xf32, #tpu.memory_space<hbm>>
      tpu.enqueue_indirect_dma source(%dma_start3A_916 : memref<100000x32xf32, #tpu.memory_space<hbm>>) target(%dma_start3A_906 : memref<128x32xf32, #tpu.memory_space<vmem>>) offsets(%dma_start3A_909 : memref<128xi32, #tpu.memory_space<vmem>>) semaphore(%arg18 : memref<!tpu.dma_semaphore, #tpu.memory_space<semaphore_mem>>) {add = true}
      %dma_start3A_917 = arith.constant 5 : i32
      %dma_start3A_918 = arith.constant 5 : i32
      %dma_start3A_919 = arith.constant 0 : i32
      %dma_start3A_920 = arith.constant 0 : i32
      %dma_start3A_921 = tpu.memref_slice %arg16[%add3A_582, %dma_start3A_919, %dma_start3A_920] : memref<6x128x32xf32, #tpu.memory_space<vmem>> -> memref<1x128x32xf32, #tpu.memory_space<vmem>>
      %dma_start3A_922 = tpu.memref_squeeze %dma_start3A_921 : memref<1x128x32xf32, #tpu.memory_space<vmem>> -> memref<128x32xf32, #tpu.memory_space<vmem>>
      %dma_start3A_923 = arith.constant 0 : i32
      %dma_start3A_924 = tpu.memref_slice %arg10[%and3A_576, %dma_start3A_918, %dma_start3A_923] : memref<2x8x128xi32, #tpu.memory_space<vmem>> -> memref<1x1x128xi32, #tpu.memory_space<vmem>>
      %dma_start3A_925 = tpu.memref_squeeze %dma_start3A_924 : memref<1x1x128xi32, #tpu.memory_space<vmem>> -> memref<128xi32, #tpu.memory_space<vmem>>
      %dma_start3A_926 = arith.constant 0 : i32
      %dma_start3A_927 = arith.constant 0 : i32
      %dma_start3A_928 = tpu.memref_slice %arg2[%dma_start3A_917, %dma_start3A_926, %dma_start3A_927] : memref<8x100000x32xf32, #tpu.memory_space<hbm>> -> memref<1x100000x32xf32, #tpu.memory_space<hbm>>
      %dma_start3A_929 = tpu.memref_squeeze %dma_start3A_928 : memref<1x100000x32xf32, #tpu.memory_space<hbm>> -> memref<100000x32xf32, #tpu.memory_space<hbm>>
      %dma_start3A_930 = arith.constant 0 : i32
      %dma_start3A_931 = arith.constant 0 : i32
      %dma_start3A_932 = tpu.memref_slice %dma_start3A_929[%dma_start3A_930, %dma_start3A_931] : memref<100000x32xf32, #tpu.memory_space<hbm>> -> memref<100000x32xf32, #tpu.memory_space<hbm>>
      tpu.enqueue_indirect_dma source(%dma_start3A_932 : memref<100000x32xf32, #tpu.memory_space<hbm>>) target(%dma_start3A_922 : memref<128x32xf32, #tpu.memory_space<vmem>>) offsets(%dma_start3A_925 : memref<128xi32, #tpu.memory_space<vmem>>) semaphore(%arg18 : memref<!tpu.dma_semaphore, #tpu.memory_space<semaphore_mem>>) {add = true}
      %dma_wait3A_933 = arith.constant 4 : i32
      %dma_wait3A_934 = arith.constant 4 : i32
      %dma_wait3A_935 = arith.constant 0 : i32
      %dma_wait3A_936 = arith.constant 0 : i32
      %dma_wait3A_937 = tpu.memref_slice %arg16[%mul3A_578, %dma_wait3A_935, %dma_wait3A_936] : memref<6x128x32xf32, #tpu.memory_space<vmem>> -> memref<1x128x32xf32, #tpu.memory_space<vmem>>
      %dma_wait3A_938 = tpu.memref_squeeze %dma_wait3A_937 : memref<1x128x32xf32, #tpu.memory_space<vmem>> -> memref<128x32xf32, #tpu.memory_space<vmem>>
      %dma_wait3A_939 = arith.constant 0 : i32
      %dma_wait3A_940 = tpu.memref_slice %arg10[%and3A_576, %dma_wait3A_934, %dma_wait3A_939] : memref<2x8x128xi32, #tpu.memory_space<vmem>> -> memref<1x1x128xi32, #tpu.memory_space<vmem>>
      %dma_wait3A_941 = tpu.memref_squeeze %dma_wait3A_940 : memref<1x1x128xi32, #tpu.memory_space<vmem>> -> memref<128xi32, #tpu.memory_space<vmem>>
      %dma_wait3A_942 = arith.constant 0 : i32
      %dma_wait3A_943 = arith.constant 0 : i32
      %dma_wait3A_944 = tpu.memref_slice %arg2[%dma_wait3A_933, %dma_wait3A_942, %dma_wait3A_943] : memref<8x100000x32xf32, #tpu.memory_space<hbm>> -> memref<1x100000x32xf32, #tpu.memory_space<hbm>>
      %dma_wait3A_945 = tpu.memref_squeeze %dma_wait3A_944 : memref<1x100000x32xf32, #tpu.memory_space<hbm>> -> memref<100000x32xf32, #tpu.memory_space<hbm>>
      %dma_wait3A_946 = arith.constant 0 : i32
      %dma_wait3A_947 = arith.constant 0 : i32
      %dma_wait3A_948 = tpu.memref_slice %dma_wait3A_945[%dma_wait3A_946, %dma_wait3A_947] : memref<100000x32xf32, #tpu.memory_space<hbm>> -> memref<100000x32xf32, #tpu.memory_space<hbm>>
      tpu.wait_indirect_dma semaphore(%arg18 : memref<!tpu.dma_semaphore, #tpu.memory_space<semaphore_mem>>) src(%dma_wait3A_948 : memref<100000x32xf32, #tpu.memory_space<hbm>>) dst(%dma_wait3A_938 : memref<128x32xf32, #tpu.memory_space<vmem>>)
      %dma_wait3A_949 = arith.constant 5 : i32
      %dma_wait3A_950 = arith.constant 5 : i32
      %dma_wait3A_951 = arith.constant 0 : i32
      %dma_wait3A_952 = arith.constant 0 : i32
      %dma_wait3A_953 = tpu.memref_slice %arg16[%add3A_582, %dma_wait3A_951, %dma_wait3A_952] : memref<6x128x32xf32, #tpu.memory_space<vmem>> -> memref<1x128x32xf32, #tpu.memory_space<vmem>>
      %dma_wait3A_954 = tpu.memref_squeeze %dma_wait3A_953 : memref<1x128x32xf32, #tpu.memory_space<vmem>> -> memref<128x32xf32, #tpu.memory_space<vmem>>
      %dma_wait3A_955 = arith.constant 0 : i32
      %dma_wait3A_956 = tpu.memref_slice %arg10[%and3A_576, %dma_wait3A_950, %dma_wait3A_955] : memref<2x8x128xi32, #tpu.memory_space<vmem>> -> memref<1x1x128xi32, #tpu.memory_space<vmem>>
      %dma_wait3A_957 = tpu.memref_squeeze %dma_wait3A_956 : memref<1x1x128xi32, #tpu.memory_space<vmem>> -> memref<128xi32, #tpu.memory_space<vmem>>
      %dma_wait3A_958 = arith.constant 0 : i32
      %dma_wait3A_959 = arith.constant 0 : i32
      %dma_wait3A_960 = tpu.memref_slice %arg2[%dma_wait3A_949, %dma_wait3A_958, %dma_wait3A_959] : memref<8x100000x32xf32, #tpu.memory_space<hbm>> -> memref<1x100000x32xf32, #tpu.memory_space<hbm>>
      %dma_wait3A_961 = tpu.memref_squeeze %dma_wait3A_960 : memref<1x100000x32xf32, #tpu.memory_space<hbm>> -> memref<100000x32xf32, #tpu.memory_space<hbm>>
      %dma_wait3A_962 = arith.constant 0 : i32
      %dma_wait3A_963 = arith.constant 0 : i32
      %dma_wait3A_964 = tpu.memref_slice %dma_wait3A_961[%dma_wait3A_962, %dma_wait3A_963] : memref<100000x32xf32, #tpu.memory_space<hbm>> -> memref<100000x32xf32, #tpu.memory_space<hbm>>
      tpu.wait_indirect_dma semaphore(%arg18 : memref<!tpu.dma_semaphore, #tpu.memory_space<semaphore_mem>>) src(%dma_wait3A_964 : memref<100000x32xf32, #tpu.memory_space<hbm>>) dst(%dma_wait3A_954 : memref<128x32xf32, #tpu.memory_space<vmem>>)
      %dma_start3A_965 = arith.constant 6 : i32
      %dma_start3A_966 = arith.constant 6 : i32
      %dma_start3A_967 = arith.constant 0 : i32
      %dma_start3A_968 = arith.constant 0 : i32
      %dma_start3A_969 = tpu.memref_slice %arg16[%mul3A_578, %dma_start3A_967, %dma_start3A_968] : memref<6x128x32xf32, #tpu.memory_space<vmem>> -> memref<1x128x32xf32, #tpu.memory_space<vmem>>
      %dma_start3A_970 = tpu.memref_squeeze %dma_start3A_969 : memref<1x128x32xf32, #tpu.memory_space<vmem>> -> memref<128x32xf32, #tpu.memory_space<vmem>>
      %dma_start3A_971 = arith.constant 0 : i32
      %dma_start3A_972 = tpu.memref_slice %arg10[%and3A_576, %dma_start3A_966, %dma_start3A_971] : memref<2x8x128xi32, #tpu.memory_space<vmem>> -> memref<1x1x128xi32, #tpu.memory_space<vmem>>
      %dma_start3A_973 = tpu.memref_squeeze %dma_start3A_972 : memref<1x1x128xi32, #tpu.memory_space<vmem>> -> memref<128xi32, #tpu.memory_space<vmem>>
      %dma_start3A_974 = arith.constant 0 : i32
      %dma_start3A_975 = arith.constant 0 : i32
      %dma_start3A_976 = tpu.memref_slice %arg2[%dma_start3A_965, %dma_start3A_974, %dma_start3A_975] : memref<8x100000x32xf32, #tpu.memory_space<hbm>> -> memref<1x100000x32xf32, #tpu.memory_space<hbm>>
      %dma_start3A_977 = tpu.memref_squeeze %dma_start3A_976 : memref<1x100000x32xf32, #tpu.memory_space<hbm>> -> memref<100000x32xf32, #tpu.memory_space<hbm>>
      %dma_start3A_978 = arith.constant 0 : i32
      %dma_start3A_979 = arith.constant 0 : i32
      %dma_start3A_980 = tpu.memref_slice %dma_start3A_977[%dma_start3A_978, %dma_start3A_979] : memref<100000x32xf32, #tpu.memory_space<hbm>> -> memref<100000x32xf32, #tpu.memory_space<hbm>>
      tpu.enqueue_indirect_dma source(%dma_start3A_980 : memref<100000x32xf32, #tpu.memory_space<hbm>>) target(%dma_start3A_970 : memref<128x32xf32, #tpu.memory_space<vmem>>) offsets(%dma_start3A_973 : memref<128xi32, #tpu.memory_space<vmem>>) semaphore(%arg18 : memref<!tpu.dma_semaphore, #tpu.memory_space<semaphore_mem>>) {add = true}
      %dma_start3A_981 = arith.constant 7 : i32
      %dma_start3A_982 = arith.constant 7 : i32
      %dma_start3A_983 = arith.constant 0 : i32
      %dma_start3A_984 = arith.constant 0 : i32
      %dma_start3A_985 = tpu.memref_slice %arg16[%add3A_582, %dma_start3A_983, %dma_start3A_984] : memref<6x128x32xf32, #tpu.memory_space<vmem>> -> memref<1x128x32xf32, #tpu.memory_space<vmem>>
      %dma_start3A_986 = tpu.memref_squeeze %dma_start3A_985 : memref<1x128x32xf32, #tpu.memory_space<vmem>> -> memref<128x32xf32, #tpu.memory_space<vmem>>
      %dma_start3A_987 = arith.constant 0 : i32
      %dma_start3A_988 = tpu.memref_slice %arg10[%and3A_576, %dma_start3A_982, %dma_start3A_987] : memref<2x8x128xi32, #tpu.memory_space<vmem>> -> memref<1x1x128xi32, #tpu.memory_space<vmem>>
      %dma_start3A_989 = tpu.memref_squeeze %dma_start3A_988 : memref<1x1x128xi32, #tpu.memory_space<vmem>> -> memref<128xi32, #tpu.memory_space<vmem>>
      %dma_start3A_990 = arith.constant 0 : i32
      %dma_start3A_991 = arith.constant 0 : i32
      %dma_start3A_992 = tpu.memref_slice %arg2[%dma_start3A_981, %dma_start3A_990, %dma_start3A_991] : memref<8x100000x32xf32, #tpu.memory_space<hbm>> -> memref<1x100000x32xf32, #tpu.memory_space<hbm>>
      %dma_start3A_993 = tpu.memref_squeeze %dma_start3A_992 : memref<1x100000x32xf32, #tpu.memory_space<hbm>> -> memref<100000x32xf32, #tpu.memory_space<hbm>>
      %dma_start3A_994 = arith.constant 0 : i32
      %dma_start3A_995 = arith.constant 0 : i32
      %dma_start3A_996 = tpu.memref_slice %dma_start3A_993[%dma_start3A_994, %dma_start3A_995] : memref<100000x32xf32, #tpu.memory_space<hbm>> -> memref<100000x32xf32, #tpu.memory_space<hbm>>
      tpu.enqueue_indirect_dma source(%dma_start3A_996 : memref<100000x32xf32, #tpu.memory_space<hbm>>) target(%dma_start3A_986 : memref<128x32xf32, #tpu.memory_space<vmem>>) offsets(%dma_start3A_989 : memref<128xi32, #tpu.memory_space<vmem>>) semaphore(%arg18 : memref<!tpu.dma_semaphore, #tpu.memory_space<semaphore_mem>>) {add = true}
      %dma_wait3A_997 = arith.constant 6 : i32
      %dma_wait3A_998 = arith.constant 6 : i32
      %dma_wait3A_999 = arith.constant 0 : i32
      %dma_wait3A_1000 = arith.constant 0 : i32
      %dma_wait3A_1001 = tpu.memref_slice %arg16[%mul3A_578, %dma_wait3A_999, %dma_wait3A_1000] : memref<6x128x32xf32, #tpu.memory_space<vmem>> -> memref<1x128x32xf32, #tpu.memory_space<vmem>>
      %dma_wait3A_1002 = tpu.memref_squeeze %dma_wait3A_1001 : memref<1x128x32xf32, #tpu.memory_space<vmem>> -> memref<128x32xf32, #tpu.memory_space<vmem>>
      %dma_wait3A_1003 = arith.constant 0 : i32
      %dma_wait3A_1004 = tpu.memref_slice %arg10[%and3A_576, %dma_wait3A_998, %dma_wait3A_1003] : memref<2x8x128xi32, #tpu.memory_space<vmem>> -> memref<1x1x128xi32, #tpu.memory_space<vmem>>
      %dma_wait3A_1005 = tpu.memref_squeeze %dma_wait3A_1004 : memref<1x1x128xi32, #tpu.memory_space<vmem>> -> memref<128xi32, #tpu.memory_space<vmem>>
      %dma_wait3A_1006 = arith.constant 0 : i32
      %dma_wait3A_1007 = arith.constant 0 : i32
      %dma_wait3A_1008 = tpu.memref_slice %arg2[%dma_wait3A_997, %dma_wait3A_1006, %dma_wait3A_1007] : memref<8x100000x32xf32, #tpu.memory_space<hbm>> -> memref<1x100000x32xf32, #tpu.memory_space<hbm>>
      %dma_wait3A_1009 = tpu.memref_squeeze %dma_wait3A_1008 : memref<1x100000x32xf32, #tpu.memory_space<hbm>> -> memref<100000x32xf32, #tpu.memory_space<hbm>>
      %dma_wait3A_1010 = arith.constant 0 : i32
      %dma_wait3A_1011 = arith.constant 0 : i32
      %dma_wait3A_1012 = tpu.memref_slice %dma_wait3A_1009[%dma_wait3A_1010, %dma_wait3A_1011] : memref<100000x32xf32, #tpu.memory_space<hbm>> -> memref<100000x32xf32, #tpu.memory_space<hbm>>
      tpu.wait_indirect_dma semaphore(%arg18 : memref<!tpu.dma_semaphore, #tpu.memory_space<semaphore_mem>>) src(%dma_wait3A_1012 : memref<100000x32xf32, #tpu.memory_space<hbm>>) dst(%dma_wait3A_1002 : memref<128x32xf32, #tpu.memory_space<vmem>>)
      %dma_wait3A_1013 = arith.constant 7 : i32
      %dma_wait3A_1014 = arith.constant 7 : i32
      %dma_wait3A_1015 = arith.constant 0 : i32
      %dma_wait3A_1016 = arith.constant 0 : i32
      %dma_wait3A_1017 = tpu.memref_slice %arg16[%add3A_582, %dma_wait3A_1015, %dma_wait3A_1016] : memref<6x128x32xf32, #tpu.memory_space<vmem>> -> memref<1x128x32xf32, #tpu.memory_space<vmem>>
      %dma_wait3A_1018 = tpu.memref_squeeze %dma_wait3A_1017 : memref<1x128x32xf32, #tpu.memory_space<vmem>> -> memref<128x32xf32, #tpu.memory_space<vmem>>
      %dma_wait3A_1019 = arith.constant 0 : i32
      %dma_wait3A_1020 = tpu.memref_slice %arg10[%and3A_576, %dma_wait3A_1014, %dma_wait3A_1019] : memref<2x8x128xi32, #tpu.memory_space<vmem>> -> memref<1x1x128xi32, #tpu.memory_space<vmem>>
      %dma_wait3A_1021 = tpu.memref_squeeze %dma_wait3A_1020 : memref<1x1x128xi32, #tpu.memory_space<vmem>> -> memref<128xi32, #tpu.memory_space<vmem>>
      %dma_wait3A_1022 = arith.constant 0 : i32
      %dma_wait3A_1023 = arith.constant 0 : i32
      %dma_wait3A_1024 = tpu.memref_slice %arg2[%dma_wait3A_1013, %dma_wait3A_1022, %dma_wait3A_1023] : memref<8x100000x32xf32, #tpu.memory_space<hbm>> -> memref<1x100000x32xf32, #tpu.memory_space<hbm>>
      %dma_wait3A_1025 = tpu.memref_squeeze %dma_wait3A_1024 : memref<1x100000x32xf32, #tpu.memory_space<hbm>> -> memref<100000x32xf32, #tpu.memory_space<hbm>>
      %dma_wait3A_1026 = arith.constant 0 : i32
      %dma_wait3A_1027 = arith.constant 0 : i32
      %dma_wait3A_1028 = tpu.memref_slice %dma_wait3A_1025[%dma_wait3A_1026, %dma_wait3A_1027] : memref<100000x32xf32, #tpu.memory_space<hbm>> -> memref<100000x32xf32, #tpu.memory_space<hbm>>
      tpu.wait_indirect_dma semaphore(%arg18 : memref<!tpu.dma_semaphore, #tpu.memory_space<semaphore_mem>>) src(%dma_wait3A_1028 : memref<100000x32xf32, #tpu.memory_space<hbm>>) dst(%dma_wait3A_1018 : memref<128x32xf32, #tpu.memory_space<vmem>>)
      %ge3A = arith.constant 1 : i32
      %ge3A_1029 = arith.cmpi sge, %while3A_570, %ge3A : i32
      %convert_element_type3A_1030 = arith.extui %ge3A_1029 : i1 to i32
      %cond3A_1031 = arith.constant 0 : i32
      %cond3A_1032 = arith.cmpi ne, %convert_element_type3A_1030, %cond3A_1031 : i32
      scf.if %cond3A_1032 {
        %sub3A_1054 = arith.constant 1 : i32
        %sub3A_1055 = arith.subi %sub3A_1054, %and3A_576 : i32
        %mul3A_1056 = arith.constant 2 : i32
        %mul3A_1057 = arith.muli %mul3A_1056, %sub3A_1055 : i32
        %sub3A_1058 = arith.constant 1 : i32
        %sub3A_1059 = arith.subi %sub3A_1058, %and3A_576 : i32
        %mul3A_1060 = arith.constant 2 : i32
        %mul3A_1061 = arith.muli %mul3A_1060, %sub3A_1059 : i32
        %add3A_1062 = arith.constant 1 : i32
        %add3A_1063 = arith.addi %mul3A_1061, %add3A_1062 : i32
        %sub3A_1064 = arith.constant 1 : i32
        %sub3A_1065 = arith.subi %sub3A_1064, %and3A_576 : i32
        %dma_wait3A_1066 = arith.constant 0 : i32
        %dma_wait3A_1067 = arith.constant 0 : i32
        %dma_wait3A_1068 = tpu.memref_slice %arg16[%mul3A_1057, %dma_wait3A_1066, %dma_wait3A_1067] : memref<6x128x32xf32, #tpu.memory_space<vmem>> -> memref<1x128x32xf32, #tpu.memory_space<vmem>>
        %dma_wait3A_1069 = tpu.memref_squeeze %dma_wait3A_1068 : memref<1x128x32xf32, #tpu.memory_space<vmem>> -> memref<128x32xf32, #tpu.memory_space<vmem>>
        %dma_wait3A_1070 = arith.constant 0 : i32
        %dma_wait3A_1071 = tpu.memref_slice %arg14[%sub3A_1065, %dma_wait3A_1070] : memref<2x128xi32, #tpu.memory_space<vmem>> -> memref<1x128xi32, #tpu.memory_space<vmem>>
        %dma_wait3A_1072 = tpu.memref_squeeze %dma_wait3A_1071 : memref<1x128xi32, #tpu.memory_space<vmem>> -> memref<128xi32, #tpu.memory_space<vmem>>
        %dma_wait3A_1073 = arith.constant 0 : i32
        %dma_wait3A_1074 = arith.constant 0 : i32
        %dma_wait3A_1075 = tpu.memref_slice %arg8[%dma_wait3A_1073, %dma_wait3A_1074] : memref<50176x32xf32, #tpu.memory_space<vmem_shared>> -> memref<50176x32xf32, #tpu.memory_space<vmem_shared>>
        tpu.wait_indirect_dma semaphore(%arg20 : memref<!tpu.dma_semaphore, #tpu.memory_space<semaphore_mem>>) src(%dma_wait3A_1069 : memref<128x32xf32, #tpu.memory_space<vmem>>) dst(%dma_wait3A_1075 : memref<50176x32xf32, #tpu.memory_space<vmem_shared>>)
        %sub3A_1076 = arith.constant 1 : i32
        %sub3A_1077 = arith.subi %sub3A_1076, %and3A_576 : i32
        %dma_wait3A_1078 = arith.constant 0 : i32
        %dma_wait3A_1079 = arith.constant 0 : i32
        %dma_wait3A_1080 = tpu.memref_slice %arg16[%add3A_1063, %dma_wait3A_1078, %dma_wait3A_1079] : memref<6x128x32xf32, #tpu.memory_space<vmem>> -> memref<1x128x32xf32, #tpu.memory_space<vmem>>
        %dma_wait3A_1081 = tpu.memref_squeeze %dma_wait3A_1080 : memref<1x128x32xf32, #tpu.memory_space<vmem>> -> memref<128x32xf32, #tpu.memory_space<vmem>>
        %dma_wait3A_1082 = arith.constant 0 : i32
        %dma_wait3A_1083 = tpu.memref_slice %arg14[%sub3A_1077, %dma_wait3A_1082] : memref<2x128xi32, #tpu.memory_space<vmem>> -> memref<1x128xi32, #tpu.memory_space<vmem>>
        %dma_wait3A_1084 = tpu.memref_squeeze %dma_wait3A_1083 : memref<1x128xi32, #tpu.memory_space<vmem>> -> memref<128xi32, #tpu.memory_space<vmem>>
        %dma_wait3A_1085 = arith.constant 0 : i32
        %dma_wait3A_1086 = arith.constant 0 : i32
        %dma_wait3A_1087 = tpu.memref_slice %arg8[%dma_wait3A_1085, %dma_wait3A_1086] : memref<50176x32xf32, #tpu.memory_space<vmem_shared>> -> memref<50176x32xf32, #tpu.memory_space<vmem_shared>>
        tpu.wait_indirect_dma semaphore(%arg20 : memref<!tpu.dma_semaphore, #tpu.memory_space<semaphore_mem>>) src(%dma_wait3A_1081 : memref<128x32xf32, #tpu.memory_space<vmem>>) dst(%dma_wait3A_1087 : memref<50176x32xf32, #tpu.memory_space<vmem_shared>>)
      } else {
      }
      %dma_start3A_1033 = arith.constant 0 : i32
      %dma_start3A_1034 = arith.constant 0 : i32
      %dma_start3A_1035 = tpu.memref_slice %arg16[%mul3A_578, %dma_start3A_1033, %dma_start3A_1034] : memref<6x128x32xf32, #tpu.memory_space<vmem>> -> memref<1x128x32xf32, #tpu.memory_space<vmem>>
      %dma_start3A_1036 = tpu.memref_squeeze %dma_start3A_1035 : memref<1x128x32xf32, #tpu.memory_space<vmem>> -> memref<128x32xf32, #tpu.memory_space<vmem>>
      %dma_start3A_1037 = arith.constant 0 : i32
      %dma_start3A_1038 = tpu.memref_slice %arg14[%and3A_576, %dma_start3A_1037] : memref<2x128xi32, #tpu.memory_space<vmem>> -> memref<1x128xi32, #tpu.memory_space<vmem>>
      %dma_start3A_1039 = tpu.memref_squeeze %dma_start3A_1038 : memref<1x128xi32, #tpu.memory_space<vmem>> -> memref<128xi32, #tpu.memory_space<vmem>>
      %dma_start3A_1040 = arith.constant 0 : i32
      %dma_start3A_1041 = arith.constant 0 : i32
      %dma_start3A_1042 = tpu.memref_slice %arg8[%dma_start3A_1040, %dma_start3A_1041] : memref<50176x32xf32, #tpu.memory_space<vmem_shared>> -> memref<50176x32xf32, #tpu.memory_space<vmem_shared>>
      tpu.enqueue_indirect_dma source(%dma_start3A_1036 : memref<128x32xf32, #tpu.memory_space<vmem>>) target(%dma_start3A_1042 : memref<50176x32xf32, #tpu.memory_space<vmem_shared>>) offsets(%dma_start3A_1039 : memref<128xi32, #tpu.memory_space<vmem>>) semaphore(%arg20 : memref<!tpu.dma_semaphore, #tpu.memory_space<semaphore_mem>>) {add = true}
      %dma_start3A_1043 = arith.constant 0 : i32
      %dma_start3A_1044 = arith.constant 0 : i32
      %dma_start3A_1045 = tpu.memref_slice %arg16[%add3A_582, %dma_start3A_1043, %dma_start3A_1044] : memref<6x128x32xf32, #tpu.memory_space<vmem>> -> memref<1x128x32xf32, #tpu.memory_space<vmem>>
      %dma_start3A_1046 = tpu.memref_squeeze %dma_start3A_1045 : memref<1x128x32xf32, #tpu.memory_space<vmem>> -> memref<128x32xf32, #tpu.memory_space<vmem>>
      %dma_start3A_1047 = arith.constant 0 : i32
      %dma_start3A_1048 = tpu.memref_slice %arg14[%and3A_576, %dma_start3A_1047] : memref<2x128xi32, #tpu.memory_space<vmem>> -> memref<1x128xi32, #tpu.memory_space<vmem>>
      %dma_start3A_1049 = tpu.memref_squeeze %dma_start3A_1048 : memref<1x128xi32, #tpu.memory_space<vmem>> -> memref<128xi32, #tpu.memory_space<vmem>>
      %dma_start3A_1050 = arith.constant 0 : i32
      %dma_start3A_1051 = arith.constant 0 : i32
      %dma_start3A_1052 = tpu.memref_slice %arg8[%dma_start3A_1050, %dma_start3A_1051] : memref<50176x32xf32, #tpu.memory_space<vmem_shared>> -> memref<50176x32xf32, #tpu.memory_space<vmem_shared>>
      tpu.enqueue_indirect_dma source(%dma_start3A_1046 : memref<128x32xf32, #tpu.memory_space<vmem>>) target(%dma_start3A_1052 : memref<50176x32xf32, #tpu.memory_space<vmem_shared>>) offsets(%dma_start3A_1049 : memref<128xi32, #tpu.memory_space<vmem>>) semaphore(%arg20 : memref<!tpu.dma_semaphore, #tpu.memory_space<semaphore_mem>>) {add = true}
      %while3A_1053 = arith.constant 0 : i32
      scf.yield %while3A_1053 : i32
    }
    %while3A_211 = arith.constant 1 : i32
    %while3A_212 = scf.for %while3A_570 = %while3A_208 to %while3A_204 step %while3A_211 iter_args(%while3A_571 = %while3A_210) -> (i32)  : i32 {
      %mul3A_572 = arith.constant 16 : i32
      %mul3A_573 = arith.muli %while3A_570, %mul3A_572 : i32
      %add3A_574 = arith.addi %arg1, %mul3A_573 : i32
      %and3A_575 = arith.constant 1 : i32
      %and3A_576 = arith.andi %while3A_570, %and3A_575 : i32
      %mul3A_577 = arith.constant 2 : i32
      %mul3A_578 = arith.muli %mul3A_577, %and3A_576 : i32
      %mul3A_579 = arith.constant 2 : i32
      %mul3A_580 = arith.muli %mul3A_579, %and3A_576 : i32
      %add3A_581 = arith.constant 1 : i32
      %add3A_582 = arith.addi %mul3A_580, %add3A_581 : i32
      %add3A_583 = arith.constant 0 : i32
      %add3A_584 = arith.addi %add3A_583, %mul3A_0 : i32
      %mul3A_585 = arith.constant 128 : i32
      %mul3A_586 = arith.muli %add3A_574, %mul3A_585 : i32
      %add3A_587 = arith.addi %add3A_584, %mul3A_586 : i32
      %dma_wait3A_588 = arith.constant 0 : i32
      %dma_wait3A_589 = arith.constant 0 : i32
      %dma_wait3A_590 = tpu.memref_slice %arg10[%and3A_576, %dma_wait3A_588, %dma_wait3A_589] : memref<2x8x128xi32, #tpu.memory_space<vmem>> -> memref<1x1x128xi32, #tpu.memory_space<vmem>>
      %dma_wait3A_591 = tpu.memref_squeeze %dma_wait3A_590 : memref<1x1x128xi32, #tpu.memory_space<vmem>> -> memref<128xi32, #tpu.memory_space<vmem>>
      %dma_wait3A_592 = tpu.memref_slice %arg4[%add3A_587] : memref<800000xi32, #tpu.memory_space<hbm>> -> memref<128xi32, #tpu.memory_space<hbm>>
      %dma_wait3A_593 = arith.constant 0 : i32
      %dma_wait3A_594 = tpu.memref_slice %arg10[%and3A_576, %dma_wait3A_588, %dma_wait3A_593] : memref<2x8x128xi32, #tpu.memory_space<vmem>> -> memref<1x1x128xi32, #tpu.memory_space<vmem>>
      %dma_wait3A_595 = tpu.memref_squeeze %dma_wait3A_594 : memref<1x1x128xi32, #tpu.memory_space<vmem>> -> memref<128xi32, #tpu.memory_space<vmem>>
      %dma_wait3A_596 = tpu.memref_slice %arg4[%add3A_587] : memref<800000xi32, #tpu.memory_space<hbm>> -> memref<128xi32, #tpu.memory_space<hbm>>
      tpu.wait_dma2 semaphore(%arg17 : memref<!tpu.dma_semaphore, #tpu.memory_space<semaphore_mem>>) src(%dma_wait3A_596 : memref<128xi32, #tpu.memory_space<hbm>>) dst(%dma_wait3A_595 : memref<128xi32, #tpu.memory_space<vmem>>)
      %add3A_597 = arith.constant 100000 : i32
      %add3A_598 = arith.addi %add3A_597, %mul3A_0 : i32
      %mul3A_599 = arith.constant 128 : i32
      %mul3A_600 = arith.muli %add3A_574, %mul3A_599 : i32
      %add3A_601 = arith.addi %add3A_598, %mul3A_600 : i32
      %dma_wait3A_602 = arith.constant 1 : i32
      %dma_wait3A_603 = arith.constant 0 : i32
      %dma_wait3A_604 = tpu.memref_slice %arg10[%and3A_576, %dma_wait3A_602, %dma_wait3A_603] : memref<2x8x128xi32, #tpu.memory_space<vmem>> -> memref<1x1x128xi32, #tpu.memory_space<vmem>>
      %dma_wait3A_605 = tpu.memref_squeeze %dma_wait3A_604 : memref<1x1x128xi32, #tpu.memory_space<vmem>> -> memref<128xi32, #tpu.memory_space<vmem>>
      %dma_wait3A_606 = tpu.memref_slice %arg4[%add3A_601] : memref<800000xi32, #tpu.memory_space<hbm>> -> memref<128xi32, #tpu.memory_space<hbm>>
      %dma_wait3A_607 = arith.constant 0 : i32
      %dma_wait3A_608 = tpu.memref_slice %arg10[%and3A_576, %dma_wait3A_602, %dma_wait3A_607] : memref<2x8x128xi32, #tpu.memory_space<vmem>> -> memref<1x1x128xi32, #tpu.memory_space<vmem>>
      %dma_wait3A_609 = tpu.memref_squeeze %dma_wait3A_608 : memref<1x1x128xi32, #tpu.memory_space<vmem>> -> memref<128xi32, #tpu.memory_space<vmem>>
      %dma_wait3A_610 = tpu.memref_slice %arg4[%add3A_601] : memref<800000xi32, #tpu.memory_space<hbm>> -> memref<128xi32, #tpu.memory_space<hbm>>
      tpu.wait_dma2 semaphore(%arg17 : memref<!tpu.dma_semaphore, #tpu.memory_space<semaphore_mem>>) src(%dma_wait3A_610 : memref<128xi32, #tpu.memory_space<hbm>>) dst(%dma_wait3A_609 : memref<128xi32, #tpu.memory_space<vmem>>)
      %add3A_611 = arith.constant 200000 : i32
      %add3A_612 = arith.addi %add3A_611, %mul3A_0 : i32
      %mul3A_613 = arith.constant 128 : i32
      %mul3A_614 = arith.muli %add3A_574, %mul3A_613 : i32
      %add3A_615 = arith.addi %add3A_612, %mul3A_614 : i32
      %dma_wait3A_616 = arith.constant 2 : i32
      %dma_wait3A_617 = arith.constant 0 : i32
      %dma_wait3A_618 = tpu.memref_slice %arg10[%and3A_576, %dma_wait3A_616, %dma_wait3A_617] : memref<2x8x128xi32, #tpu.memory_space<vmem>> -> memref<1x1x128xi32, #tpu.memory_space<vmem>>
      %dma_wait3A_619 = tpu.memref_squeeze %dma_wait3A_618 : memref<1x1x128xi32, #tpu.memory_space<vmem>> -> memref<128xi32, #tpu.memory_space<vmem>>
      %dma_wait3A_620 = tpu.memref_slice %arg4[%add3A_615] : memref<800000xi32, #tpu.memory_space<hbm>> -> memref<128xi32, #tpu.memory_space<hbm>>
      %dma_wait3A_621 = arith.constant 0 : i32
      %dma_wait3A_622 = tpu.memref_slice %arg10[%and3A_576, %dma_wait3A_616, %dma_wait3A_621] : memref<2x8x128xi32, #tpu.memory_space<vmem>> -> memref<1x1x128xi32, #tpu.memory_space<vmem>>
      %dma_wait3A_623 = tpu.memref_squeeze %dma_wait3A_622 : memref<1x1x128xi32, #tpu.memory_space<vmem>> -> memref<128xi32, #tpu.memory_space<vmem>>
      %dma_wait3A_624 = tpu.memref_slice %arg4[%add3A_615] : memref<800000xi32, #tpu.memory_space<hbm>> -> memref<128xi32, #tpu.memory_space<hbm>>
      tpu.wait_dma2 semaphore(%arg17 : memref<!tpu.dma_semaphore, #tpu.memory_space<semaphore_mem>>) src(%dma_wait3A_624 : memref<128xi32, #tpu.memory_space<hbm>>) dst(%dma_wait3A_623 : memref<128xi32, #tpu.memory_space<vmem>>)
      %add3A_625 = arith.constant 300000 : i32
      %add3A_626 = arith.addi %add3A_625, %mul3A_0 : i32
      %mul3A_627 = arith.constant 128 : i32
      %mul3A_628 = arith.muli %add3A_574, %mul3A_627 : i32
      %add3A_629 = arith.addi %add3A_626, %mul3A_628 : i32
      %dma_wait3A_630 = arith.constant 3 : i32
      %dma_wait3A_631 = arith.constant 0 : i32
      %dma_wait3A_632 = tpu.memref_slice %arg10[%and3A_576, %dma_wait3A_630, %dma_wait3A_631] : memref<2x8x128xi32, #tpu.memory_space<vmem>> -> memref<1x1x128xi32, #tpu.memory_space<vmem>>
      %dma_wait3A_633 = tpu.memref_squeeze %dma_wait3A_632 : memref<1x1x128xi32, #tpu.memory_space<vmem>> -> memref<128xi32, #tpu.memory_space<vmem>>
      %dma_wait3A_634 = tpu.memref_slice %arg4[%add3A_629] : memref<800000xi32, #tpu.memory_space<hbm>> -> memref<128xi32, #tpu.memory_space<hbm>>
      %dma_wait3A_635 = arith.constant 0 : i32
      %dma_wait3A_636 = tpu.memref_slice %arg10[%and3A_576, %dma_wait3A_630, %dma_wait3A_635] : memref<2x8x128xi32, #tpu.memory_space<vmem>> -> memref<1x1x128xi32, #tpu.memory_space<vmem>>
      %dma_wait3A_637 = tpu.memref_squeeze %dma_wait3A_636 : memref<1x1x128xi32, #tpu.memory_space<vmem>> -> memref<128xi32, #tpu.memory_space<vmem>>
      %dma_wait3A_638 = tpu.memref_slice %arg4[%add3A_629] : memref<800000xi32, #tpu.memory_space<hbm>> -> memref<128xi32, #tpu.memory_space<hbm>>
      tpu.wait_dma2 semaphore(%arg17 : memref<!tpu.dma_semaphore, #tpu.memory_space<semaphore_mem>>) src(%dma_wait3A_638 : memref<128xi32, #tpu.memory_space<hbm>>) dst(%dma_wait3A_637 : memref<128xi32, #tpu.memory_space<vmem>>)
      %add3A_639 = arith.constant 400000 : i32
      %add3A_640 = arith.addi %add3A_639, %mul3A_0 : i32
      %mul3A_641 = arith.constant 128 : i32
      %mul3A_642 = arith.muli %add3A_574, %mul3A_641 : i32
      %add3A_643 = arith.addi %add3A_640, %mul3A_642 : i32
      %dma_wait3A_644 = arith.constant 4 : i32
      %dma_wait3A_645 = arith.constant 0 : i32
      %dma_wait3A_646 = tpu.memref_slice %arg10[%and3A_576, %dma_wait3A_644, %dma_wait3A_645] : memref<2x8x128xi32, #tpu.memory_space<vmem>> -> memref<1x1x128xi32, #tpu.memory_space<vmem>>
      %dma_wait3A_647 = tpu.memref_squeeze %dma_wait3A_646 : memref<1x1x128xi32, #tpu.memory_space<vmem>> -> memref<128xi32, #tpu.memory_space<vmem>>
      %dma_wait3A_648 = tpu.memref_slice %arg4[%add3A_643] : memref<800000xi32, #tpu.memory_space<hbm>> -> memref<128xi32, #tpu.memory_space<hbm>>
      %dma_wait3A_649 = arith.constant 0 : i32
      %dma_wait3A_650 = tpu.memref_slice %arg10[%and3A_576, %dma_wait3A_644, %dma_wait3A_649] : memref<2x8x128xi32, #tpu.memory_space<vmem>> -> memref<1x1x128xi32, #tpu.memory_space<vmem>>
      %dma_wait3A_651 = tpu.memref_squeeze %dma_wait3A_650 : memref<1x1x128xi32, #tpu.memory_space<vmem>> -> memref<128xi32, #tpu.memory_space<vmem>>
      %dma_wait3A_652 = tpu.memref_slice %arg4[%add3A_643] : memref<800000xi32, #tpu.memory_space<hbm>> -> memref<128xi32, #tpu.memory_space<hbm>>
      tpu.wait_dma2 semaphore(%arg17 : memref<!tpu.dma_semaphore, #tpu.memory_space<semaphore_mem>>) src(%dma_wait3A_652 : memref<128xi32, #tpu.memory_space<hbm>>) dst(%dma_wait3A_651 : memref<128xi32, #tpu.memory_space<vmem>>)
      %add3A_653 = arith.constant 500000 : i32
      %add3A_654 = arith.addi %add3A_653, %mul3A_0 : i32
      %mul3A_655 = arith.constant 128 : i32
      %mul3A_656 = arith.muli %add3A_574, %mul3A_655 : i32
      %add3A_657 = arith.addi %add3A_654, %mul3A_656 : i32
      %dma_wait3A_658 = arith.constant 5 : i32
      %dma_wait3A_659 = arith.constant 0 : i32
      %dma_wait3A_660 = tpu.memref_slice %arg10[%and3A_576, %dma_wait3A_658, %dma_wait3A_659] : memref<2x8x128xi32, #tpu.memory_space<vmem>> -> memref<1x1x128xi32, #tpu.memory_space<vmem>>
      %dma_wait3A_661 = tpu.memref_squeeze %dma_wait3A_660 : memref<1x1x128xi32, #tpu.memory_space<vmem>> -> memref<128xi32, #tpu.memory_space<vmem>>
      %dma_wait3A_662 = tpu.memref_slice %arg4[%add3A_657] : memref<800000xi32, #tpu.memory_space<hbm>> -> memref<128xi32, #tpu.memory_space<hbm>>
      %dma_wait3A_663 = arith.constant 0 : i32
      %dma_wait3A_664 = tpu.memref_slice %arg10[%and3A_576, %dma_wait3A_658, %dma_wait3A_663] : memref<2x8x128xi32, #tpu.memory_space<vmem>> -> memref<1x1x128xi32, #tpu.memory_space<vmem>>
      %dma_wait3A_665 = tpu.memref_squeeze %dma_wait3A_664 : memref<1x1x128xi32, #tpu.memory_space<vmem>> -> memref<128xi32, #tpu.memory_space<vmem>>
      %dma_wait3A_666 = tpu.memref_slice %arg4[%add3A_657] : memref<800000xi32, #tpu.memory_space<hbm>> -> memref<128xi32, #tpu.memory_space<hbm>>
      tpu.wait_dma2 semaphore(%arg17 : memref<!tpu.dma_semaphore, #tpu.memory_space<semaphore_mem>>) src(%dma_wait3A_666 : memref<128xi32, #tpu.memory_space<hbm>>) dst(%dma_wait3A_665 : memref<128xi32, #tpu.memory_space<vmem>>)
      %add3A_667 = arith.constant 600000 : i32
      %add3A_668 = arith.addi %add3A_667, %mul3A_0 : i32
      %mul3A_669 = arith.constant 128 : i32
      %mul3A_670 = arith.muli %add3A_574, %mul3A_669 : i32
      %add3A_671 = arith.addi %add3A_668, %mul3A_670 : i32
      %dma_wait3A_672 = arith.constant 6 : i32
      %dma_wait3A_673 = arith.constant 0 : i32
      %dma_wait3A_674 = tpu.memref_slice %arg10[%and3A_576, %dma_wait3A_672, %dma_wait3A_673] : memref<2x8x128xi32, #tpu.memory_space<vmem>> -> memref<1x1x128xi32, #tpu.memory_space<vmem>>
      %dma_wait3A_675 = tpu.memref_squeeze %dma_wait3A_674 : memref<1x1x128xi32, #tpu.memory_space<vmem>> -> memref<128xi32, #tpu.memory_space<vmem>>
      %dma_wait3A_676 = tpu.memref_slice %arg4[%add3A_671] : memref<800000xi32, #tpu.memory_space<hbm>> -> memref<128xi32, #tpu.memory_space<hbm>>
      %dma_wait3A_677 = arith.constant 0 : i32
      %dma_wait3A_678 = tpu.memref_slice %arg10[%and3A_576, %dma_wait3A_672, %dma_wait3A_677] : memref<2x8x128xi32, #tpu.memory_space<vmem>> -> memref<1x1x128xi32, #tpu.memory_space<vmem>>
      %dma_wait3A_679 = tpu.memref_squeeze %dma_wait3A_678 : memref<1x1x128xi32, #tpu.memory_space<vmem>> -> memref<128xi32, #tpu.memory_space<vmem>>
      %dma_wait3A_680 = tpu.memref_slice %arg4[%add3A_671] : memref<800000xi32, #tpu.memory_space<hbm>> -> memref<128xi32, #tpu.memory_space<hbm>>
      tpu.wait_dma2 semaphore(%arg17 : memref<!tpu.dma_semaphore, #tpu.memory_space<semaphore_mem>>) src(%dma_wait3A_680 : memref<128xi32, #tpu.memory_space<hbm>>) dst(%dma_wait3A_679 : memref<128xi32, #tpu.memory_space<vmem>>)
      %add3A_681 = arith.constant 700000 : i32
      %add3A_682 = arith.addi %add3A_681, %mul3A_0 : i32
      %mul3A_683 = arith.constant 128 : i32
      %mul3A_684 = arith.muli %add3A_574, %mul3A_683 : i32
      %add3A_685 = arith.addi %add3A_682, %mul3A_684 : i32
      %dma_wait3A_686 = arith.constant 7 : i32
      %dma_wait3A_687 = arith.constant 0 : i32
      %dma_wait3A_688 = tpu.memref_slice %arg10[%and3A_576, %dma_wait3A_686, %dma_wait3A_687] : memref<2x8x128xi32, #tpu.memory_space<vmem>> -> memref<1x1x128xi32, #tpu.memory_space<vmem>>
      %dma_wait3A_689 = tpu.memref_squeeze %dma_wait3A_688 : memref<1x1x128xi32, #tpu.memory_space<vmem>> -> memref<128xi32, #tpu.memory_space<vmem>>
      %dma_wait3A_690 = tpu.memref_slice %arg4[%add3A_685] : memref<800000xi32, #tpu.memory_space<hbm>> -> memref<128xi32, #tpu.memory_space<hbm>>
      %dma_wait3A_691 = arith.constant 0 : i32
      %dma_wait3A_692 = tpu.memref_slice %arg10[%and3A_576, %dma_wait3A_686, %dma_wait3A_691] : memref<2x8x128xi32, #tpu.memory_space<vmem>> -> memref<1x1x128xi32, #tpu.memory_space<vmem>>
      %dma_wait3A_693 = tpu.memref_squeeze %dma_wait3A_692 : memref<1x1x128xi32, #tpu.memory_space<vmem>> -> memref<128xi32, #tpu.memory_space<vmem>>
      %dma_wait3A_694 = tpu.memref_slice %arg4[%add3A_685] : memref<800000xi32, #tpu.memory_space<hbm>> -> memref<128xi32, #tpu.memory_space<hbm>>
      tpu.wait_dma2 semaphore(%arg17 : memref<!tpu.dma_semaphore, #tpu.memory_space<semaphore_mem>>) src(%dma_wait3A_694 : memref<128xi32, #tpu.memory_space<hbm>>) dst(%dma_wait3A_693 : memref<128xi32, #tpu.memory_space<vmem>>)
      %add3A_695 = arith.constant 1 : i32
      %add3A_696 = arith.addi %while3A_570, %add3A_695 : i32
      %lt3A = arith.cmpi slt, %add3A_696, %select_n3A_81 : i32
      %convert_element_type3A_697 = arith.extui %lt3A : i1 to i32
      %cond3A_698 = arith.constant 0 : i32
      %cond3A_699 = arith.cmpi ne, %convert_element_type3A_697, %cond3A_698 : i32
      scf.if %cond3A_699 {
        %add3A_1054 = arith.constant 16 : i32
        %add3A_1055 = arith.addi %add3A_574, %add3A_1054 : i32
        %sub3A_1056 = arith.constant 1 : i32
        %sub3A_1057 = arith.subi %sub3A_1056, %and3A_576 : i32
        %add3A_1058 = arith.constant 0 : i32
        %add3A_1059 = arith.addi %add3A_1058, %mul3A_0 : i32
        %mul3A_1060 = arith.constant 128 : i32
        %mul3A_1061 = arith.muli %add3A_1055, %mul3A_1060 : i32
        %add3A_1062 = arith.addi %add3A_1059, %mul3A_1061 : i32
        %dma_start3A_1063 = arith.constant 0 : i32
        %dma_start3A_1064 = arith.constant 0 : i32
        %dma_start3A_1065 = tpu.memref_slice %arg10[%sub3A_1057, %dma_start3A_1063, %dma_start3A_1064] : memref<2x8x128xi32, #tpu.memory_space<vmem>> -> memref<1x1x128xi32, #tpu.memory_space<vmem>>
        %dma_start3A_1066 = tpu.memref_squeeze %dma_start3A_1065 : memref<1x1x128xi32, #tpu.memory_space<vmem>> -> memref<128xi32, #tpu.memory_space<vmem>>
        %dma_start3A_1067 = tpu.memref_slice %arg4[%add3A_1062] : memref<800000xi32, #tpu.memory_space<hbm>> -> memref<128xi32, #tpu.memory_space<hbm>>
        %dma_start3A_1068 = arith.constant 0 : i32
        %dma_start3A_1069 = tpu.memref_slice %arg10[%sub3A_1057, %dma_start3A_1063, %dma_start3A_1068] : memref<2x8x128xi32, #tpu.memory_space<vmem>> -> memref<1x1x128xi32, #tpu.memory_space<vmem>>
        %dma_start3A_1070 = tpu.memref_squeeze %dma_start3A_1069 : memref<1x1x128xi32, #tpu.memory_space<vmem>> -> memref<128xi32, #tpu.memory_space<vmem>>
        %dma_start3A_1071 = tpu.memref_slice %arg4[%add3A_1062] : memref<800000xi32, #tpu.memory_space<hbm>> -> memref<128xi32, #tpu.memory_space<hbm>>
        tpu.enqueue_dma source(%dma_start3A_1071 : memref<128xi32, #tpu.memory_space<hbm>>) target(%dma_start3A_1070 : memref<128xi32, #tpu.memory_space<vmem>>) target_semaphore(%arg17 : memref<!tpu.dma_semaphore, #tpu.memory_space<semaphore_mem>>)
        %add3A_1072 = arith.constant 100000 : i32
        %add3A_1073 = arith.addi %add3A_1072, %mul3A_0 : i32
        %mul3A_1074 = arith.constant 128 : i32
        %mul3A_1075 = arith.muli %add3A_1055, %mul3A_1074 : i32
        %add3A_1076 = arith.addi %add3A_1073, %mul3A_1075 : i32
        %dma_start3A_1077 = arith.constant 1 : i32
        %dma_start3A_1078 = arith.constant 0 : i32
        %dma_start3A_1079 = tpu.memref_slice %arg10[%sub3A_1057, %dma_start3A_1077, %dma_start3A_1078] : memref<2x8x128xi32, #tpu.memory_space<vmem>> -> memref<1x1x128xi32, #tpu.memory_space<vmem>>
        %dma_start3A_1080 = tpu.memref_squeeze %dma_start3A_1079 : memref<1x1x128xi32, #tpu.memory_space<vmem>> -> memref<128xi32, #tpu.memory_space<vmem>>
        %dma_start3A_1081 = tpu.memref_slice %arg4[%add3A_1076] : memref<800000xi32, #tpu.memory_space<hbm>> -> memref<128xi32, #tpu.memory_space<hbm>>
        %dma_start3A_1082 = arith.constant 0 : i32
        %dma_start3A_1083 = tpu.memref_slice %arg10[%sub3A_1057, %dma_start3A_1077, %dma_start3A_1082] : memref<2x8x128xi32, #tpu.memory_space<vmem>> -> memref<1x1x128xi32, #tpu.memory_space<vmem>>
        %dma_start3A_1084 = tpu.memref_squeeze %dma_start3A_1083 : memref<1x1x128xi32, #tpu.memory_space<vmem>> -> memref<128xi32, #tpu.memory_space<vmem>>
        %dma_start3A_1085 = tpu.memref_slice %arg4[%add3A_1076] : memref<800000xi32, #tpu.memory_space<hbm>> -> memref<128xi32, #tpu.memory_space<hbm>>
        tpu.enqueue_dma source(%dma_start3A_1085 : memref<128xi32, #tpu.memory_space<hbm>>) target(%dma_start3A_1084 : memref<128xi32, #tpu.memory_space<vmem>>) target_semaphore(%arg17 : memref<!tpu.dma_semaphore, #tpu.memory_space<semaphore_mem>>)
        %add3A_1086 = arith.constant 200000 : i32
        %add3A_1087 = arith.addi %add3A_1086, %mul3A_0 : i32
        %mul3A_1088 = arith.constant 128 : i32
        %mul3A_1089 = arith.muli %add3A_1055, %mul3A_1088 : i32
        %add3A_1090 = arith.addi %add3A_1087, %mul3A_1089 : i32
        %dma_start3A_1091 = arith.constant 2 : i32
        %dma_start3A_1092 = arith.constant 0 : i32
        %dma_start3A_1093 = tpu.memref_slice %arg10[%sub3A_1057, %dma_start3A_1091, %dma_start3A_1092] : memref<2x8x128xi32, #tpu.memory_space<vmem>> -> memref<1x1x128xi32, #tpu.memory_space<vmem>>
        %dma_start3A_1094 = tpu.memref_squeeze %dma_start3A_1093 : memref<1x1x128xi32, #tpu.memory_space<vmem>> -> memref<128xi32, #tpu.memory_space<vmem>>
        %dma_start3A_1095 = tpu.memref_slice %arg4[%add3A_1090] : memref<800000xi32, #tpu.memory_space<hbm>> -> memref<128xi32, #tpu.memory_space<hbm>>
        %dma_start3A_1096 = arith.constant 0 : i32
        %dma_start3A_1097 = tpu.memref_slice %arg10[%sub3A_1057, %dma_start3A_1091, %dma_start3A_1096] : memref<2x8x128xi32, #tpu.memory_space<vmem>> -> memref<1x1x128xi32, #tpu.memory_space<vmem>>
        %dma_start3A_1098 = tpu.memref_squeeze %dma_start3A_1097 : memref<1x1x128xi32, #tpu.memory_space<vmem>> -> memref<128xi32, #tpu.memory_space<vmem>>
        %dma_start3A_1099 = tpu.memref_slice %arg4[%add3A_1090] : memref<800000xi32, #tpu.memory_space<hbm>> -> memref<128xi32, #tpu.memory_space<hbm>>
        tpu.enqueue_dma source(%dma_start3A_1099 : memref<128xi32, #tpu.memory_space<hbm>>) target(%dma_start3A_1098 : memref<128xi32, #tpu.memory_space<vmem>>) target_semaphore(%arg17 : memref<!tpu.dma_semaphore, #tpu.memory_space<semaphore_mem>>)
        %add3A_1100 = arith.constant 300000 : i32
        %add3A_1101 = arith.addi %add3A_1100, %mul3A_0 : i32
        %mul3A_1102 = arith.constant 128 : i32
        %mul3A_1103 = arith.muli %add3A_1055, %mul3A_1102 : i32
        %add3A_1104 = arith.addi %add3A_1101, %mul3A_1103 : i32
        %dma_start3A_1105 = arith.constant 3 : i32
        %dma_start3A_1106 = arith.constant 0 : i32
        %dma_start3A_1107 = tpu.memref_slice %arg10[%sub3A_1057, %dma_start3A_1105, %dma_start3A_1106] : memref<2x8x128xi32, #tpu.memory_space<vmem>> -> memref<1x1x128xi32, #tpu.memory_space<vmem>>
        %dma_start3A_1108 = tpu.memref_squeeze %dma_start3A_1107 : memref<1x1x128xi32, #tpu.memory_space<vmem>> -> memref<128xi32, #tpu.memory_space<vmem>>
        %dma_start3A_1109 = tpu.memref_slice %arg4[%add3A_1104] : memref<800000xi32, #tpu.memory_space<hbm>> -> memref<128xi32, #tpu.memory_space<hbm>>
        %dma_start3A_1110 = arith.constant 0 : i32
        %dma_start3A_1111 = tpu.memref_slice %arg10[%sub3A_1057, %dma_start3A_1105, %dma_start3A_1110] : memref<2x8x128xi32, #tpu.memory_space<vmem>> -> memref<1x1x128xi32, #tpu.memory_space<vmem>>
        %dma_start3A_1112 = tpu.memref_squeeze %dma_start3A_1111 : memref<1x1x128xi32, #tpu.memory_space<vmem>> -> memref<128xi32, #tpu.memory_space<vmem>>
        %dma_start3A_1113 = tpu.memref_slice %arg4[%add3A_1104] : memref<800000xi32, #tpu.memory_space<hbm>> -> memref<128xi32, #tpu.memory_space<hbm>>
        tpu.enqueue_dma source(%dma_start3A_1113 : memref<128xi32, #tpu.memory_space<hbm>>) target(%dma_start3A_1112 : memref<128xi32, #tpu.memory_space<vmem>>) target_semaphore(%arg17 : memref<!tpu.dma_semaphore, #tpu.memory_space<semaphore_mem>>)
        %add3A_1114 = arith.constant 400000 : i32
        %add3A_1115 = arith.addi %add3A_1114, %mul3A_0 : i32
        %mul3A_1116 = arith.constant 128 : i32
        %mul3A_1117 = arith.muli %add3A_1055, %mul3A_1116 : i32
        %add3A_1118 = arith.addi %add3A_1115, %mul3A_1117 : i32
        %dma_start3A_1119 = arith.constant 4 : i32
        %dma_start3A_1120 = arith.constant 0 : i32
        %dma_start3A_1121 = tpu.memref_slice %arg10[%sub3A_1057, %dma_start3A_1119, %dma_start3A_1120] : memref<2x8x128xi32, #tpu.memory_space<vmem>> -> memref<1x1x128xi32, #tpu.memory_space<vmem>>
        %dma_start3A_1122 = tpu.memref_squeeze %dma_start3A_1121 : memref<1x1x128xi32, #tpu.memory_space<vmem>> -> memref<128xi32, #tpu.memory_space<vmem>>
        %dma_start3A_1123 = tpu.memref_slice %arg4[%add3A_1118] : memref<800000xi32, #tpu.memory_space<hbm>> -> memref<128xi32, #tpu.memory_space<hbm>>
        %dma_start3A_1124 = arith.constant 0 : i32
        %dma_start3A_1125 = tpu.memref_slice %arg10[%sub3A_1057, %dma_start3A_1119, %dma_start3A_1124] : memref<2x8x128xi32, #tpu.memory_space<vmem>> -> memref<1x1x128xi32, #tpu.memory_space<vmem>>
        %dma_start3A_1126 = tpu.memref_squeeze %dma_start3A_1125 : memref<1x1x128xi32, #tpu.memory_space<vmem>> -> memref<128xi32, #tpu.memory_space<vmem>>
        %dma_start3A_1127 = tpu.memref_slice %arg4[%add3A_1118] : memref<800000xi32, #tpu.memory_space<hbm>> -> memref<128xi32, #tpu.memory_space<hbm>>
        tpu.enqueue_dma source(%dma_start3A_1127 : memref<128xi32, #tpu.memory_space<hbm>>) target(%dma_start3A_1126 : memref<128xi32, #tpu.memory_space<vmem>>) target_semaphore(%arg17 : memref<!tpu.dma_semaphore, #tpu.memory_space<semaphore_mem>>)
        %add3A_1128 = arith.constant 500000 : i32
        %add3A_1129 = arith.addi %add3A_1128, %mul3A_0 : i32
        %mul3A_1130 = arith.constant 128 : i32
        %mul3A_1131 = arith.muli %add3A_1055, %mul3A_1130 : i32
        %add3A_1132 = arith.addi %add3A_1129, %mul3A_1131 : i32
        %dma_start3A_1133 = arith.constant 5 : i32
        %dma_start3A_1134 = arith.constant 0 : i32
        %dma_start3A_1135 = tpu.memref_slice %arg10[%sub3A_1057, %dma_start3A_1133, %dma_start3A_1134] : memref<2x8x128xi32, #tpu.memory_space<vmem>> -> memref<1x1x128xi32, #tpu.memory_space<vmem>>
        %dma_start3A_1136 = tpu.memref_squeeze %dma_start3A_1135 : memref<1x1x128xi32, #tpu.memory_space<vmem>> -> memref<128xi32, #tpu.memory_space<vmem>>
        %dma_start3A_1137 = tpu.memref_slice %arg4[%add3A_1132] : memref<800000xi32, #tpu.memory_space<hbm>> -> memref<128xi32, #tpu.memory_space<hbm>>
        %dma_start3A_1138 = arith.constant 0 : i32
        %dma_start3A_1139 = tpu.memref_slice %arg10[%sub3A_1057, %dma_start3A_1133, %dma_start3A_1138] : memref<2x8x128xi32, #tpu.memory_space<vmem>> -> memref<1x1x128xi32, #tpu.memory_space<vmem>>
        %dma_start3A_1140 = tpu.memref_squeeze %dma_start3A_1139 : memref<1x1x128xi32, #tpu.memory_space<vmem>> -> memref<128xi32, #tpu.memory_space<vmem>>
        %dma_start3A_1141 = tpu.memref_slice %arg4[%add3A_1132] : memref<800000xi32, #tpu.memory_space<hbm>> -> memref<128xi32, #tpu.memory_space<hbm>>
        tpu.enqueue_dma source(%dma_start3A_1141 : memref<128xi32, #tpu.memory_space<hbm>>) target(%dma_start3A_1140 : memref<128xi32, #tpu.memory_space<vmem>>) target_semaphore(%arg17 : memref<!tpu.dma_semaphore, #tpu.memory_space<semaphore_mem>>)
        %add3A_1142 = arith.constant 600000 : i32
        %add3A_1143 = arith.addi %add3A_1142, %mul3A_0 : i32
        %mul3A_1144 = arith.constant 128 : i32
        %mul3A_1145 = arith.muli %add3A_1055, %mul3A_1144 : i32
        %add3A_1146 = arith.addi %add3A_1143, %mul3A_1145 : i32
        %dma_start3A_1147 = arith.constant 6 : i32
        %dma_start3A_1148 = arith.constant 0 : i32
        %dma_start3A_1149 = tpu.memref_slice %arg10[%sub3A_1057, %dma_start3A_1147, %dma_start3A_1148] : memref<2x8x128xi32, #tpu.memory_space<vmem>> -> memref<1x1x128xi32, #tpu.memory_space<vmem>>
        %dma_start3A_1150 = tpu.memref_squeeze %dma_start3A_1149 : memref<1x1x128xi32, #tpu.memory_space<vmem>> -> memref<128xi32, #tpu.memory_space<vmem>>
        %dma_start3A_1151 = tpu.memref_slice %arg4[%add3A_1146] : memref<800000xi32, #tpu.memory_space<hbm>> -> memref<128xi32, #tpu.memory_space<hbm>>
        %dma_start3A_1152 = arith.constant 0 : i32
        %dma_start3A_1153 = tpu.memref_slice %arg10[%sub3A_1057, %dma_start3A_1147, %dma_start3A_1152] : memref<2x8x128xi32, #tpu.memory_space<vmem>> -> memref<1x1x128xi32, #tpu.memory_space<vmem>>
        %dma_start3A_1154 = tpu.memref_squeeze %dma_start3A_1153 : memref<1x1x128xi32, #tpu.memory_space<vmem>> -> memref<128xi32, #tpu.memory_space<vmem>>
        %dma_start3A_1155 = tpu.memref_slice %arg4[%add3A_1146] : memref<800000xi32, #tpu.memory_space<hbm>> -> memref<128xi32, #tpu.memory_space<hbm>>
        tpu.enqueue_dma source(%dma_start3A_1155 : memref<128xi32, #tpu.memory_space<hbm>>) target(%dma_start3A_1154 : memref<128xi32, #tpu.memory_space<vmem>>) target_semaphore(%arg17 : memref<!tpu.dma_semaphore, #tpu.memory_space<semaphore_mem>>)
        %add3A_1156 = arith.constant 700000 : i32
        %add3A_1157 = arith.addi %add3A_1156, %mul3A_0 : i32
        %mul3A_1158 = arith.constant 128 : i32
        %mul3A_1159 = arith.muli %add3A_1055, %mul3A_1158 : i32
        %add3A_1160 = arith.addi %add3A_1157, %mul3A_1159 : i32
        %dma_start3A_1161 = arith.constant 7 : i32
        %dma_start3A_1162 = arith.constant 0 : i32
        %dma_start3A_1163 = tpu.memref_slice %arg10[%sub3A_1057, %dma_start3A_1161, %dma_start3A_1162] : memref<2x8x128xi32, #tpu.memory_space<vmem>> -> memref<1x1x128xi32, #tpu.memory_space<vmem>>
        %dma_start3A_1164 = tpu.memref_squeeze %dma_start3A_1163 : memref<1x1x128xi32, #tpu.memory_space<vmem>> -> memref<128xi32, #tpu.memory_space<vmem>>
        %dma_start3A_1165 = tpu.memref_slice %arg4[%add3A_1160] : memref<800000xi32, #tpu.memory_space<hbm>> -> memref<128xi32, #tpu.memory_space<hbm>>
        %dma_start3A_1166 = arith.constant 0 : i32
        %dma_start3A_1167 = tpu.memref_slice %arg10[%sub3A_1057, %dma_start3A_1161, %dma_start3A_1166] : memref<2x8x128xi32, #tpu.memory_space<vmem>> -> memref<1x1x128xi32, #tpu.memory_space<vmem>>
        %dma_start3A_1168 = tpu.memref_squeeze %dma_start3A_1167 : memref<1x1x128xi32, #tpu.memory_space<vmem>> -> memref<128xi32, #tpu.memory_space<vmem>>
        %dma_start3A_1169 = tpu.memref_slice %arg4[%add3A_1160] : memref<800000xi32, #tpu.memory_space<hbm>> -> memref<128xi32, #tpu.memory_space<hbm>>
        tpu.enqueue_dma source(%dma_start3A_1169 : memref<128xi32, #tpu.memory_space<hbm>>) target(%dma_start3A_1168 : memref<128xi32, #tpu.memory_space<vmem>>) target_semaphore(%arg17 : memref<!tpu.dma_semaphore, #tpu.memory_space<semaphore_mem>>)
      } else {
      }
      %mul3A_700 = arith.constant 128 : i32
      %mul3A_701 = arith.muli %add3A_574, %mul3A_700 : i32
      %add3A_702 = arith.constant 0 : i32
      %add3A_703 = arith.addi %mul3A_701, %add3A_702 : i32
      %add3A_704 = vector.broadcast %add3A_703 : i32 to vector<16xi32>
      %add3A_705 = arith.addi %add3A_704, %iota3A : vector<16xi32>
      %swap3A = arith.index_cast %and3A_576 : i32 to index
      %swap3A_706 = arith.constant 0 : index
      %swap3A_707 = tpu.vector_load %arg14[%swap3A, %swap3A_706] {strides = array<i32>} : memref<2x128xi32, #tpu.memory_space<vmem>>, vector<1x16xi32>,
      %swap3A_708 = vector.shape_cast %swap3A_707 : vector<1x16xi32> to vector<16xi32>
      %swap3A_709 = vector.shape_cast %add3A_705 : vector<16xi32> to vector<1x16xi32>
      tpu.vector_store %arg14[%swap3A, %swap3A_706], %swap3A_709 {strides = array<i32>} : memref<2x128xi32, #tpu.memory_space<vmem>>, vector<1x16xi32>,
      %add3A_710 = arith.constant 16 : i32
      %add3A_711 = arith.addi %mul3A_701, %add3A_710 : i32
      %add3A_712 = vector.broadcast %add3A_711 : i32 to vector<16xi32>
      %add3A_713 = arith.addi %add3A_712, %iota3A : vector<16xi32>
      %swap3A_714 = arith.index_cast %and3A_576 : i32 to index
      %swap3A_715 = arith.constant 16 : index
      %swap3A_716 = tpu.vector_load %arg14[%swap3A_714, %swap3A_715] {strides = array<i32>} : memref<2x128xi32, #tpu.memory_space<vmem>>, vector<1x16xi32>,
      %swap3A_717 = vector.shape_cast %swap3A_716 : vector<1x16xi32> to vector<16xi32>
      %swap3A_718 = vector.shape_cast %add3A_713 : vector<16xi32> to vector<1x16xi32>
      tpu.vector_store %arg14[%swap3A_714, %swap3A_715], %swap3A_718 {strides = array<i32>} : memref<2x128xi32, #tpu.memory_space<vmem>>, vector<1x16xi32>,
      %add3A_719 = arith.constant 32 : i32
      %add3A_720 = arith.addi %mul3A_701, %add3A_719 : i32
      %add3A_721 = vector.broadcast %add3A_720 : i32 to vector<16xi32>
      %add3A_722 = arith.addi %add3A_721, %iota3A : vector<16xi32>
      %swap3A_723 = arith.index_cast %and3A_576 : i32 to index
      %swap3A_724 = arith.constant 32 : index
      %swap3A_725 = tpu.vector_load %arg14[%swap3A_723, %swap3A_724] {strides = array<i32>} : memref<2x128xi32, #tpu.memory_space<vmem>>, vector<1x16xi32>,
      %swap3A_726 = vector.shape_cast %swap3A_725 : vector<1x16xi32> to vector<16xi32>
      %swap3A_727 = vector.shape_cast %add3A_722 : vector<16xi32> to vector<1x16xi32>
      tpu.vector_store %arg14[%swap3A_723, %swap3A_724], %swap3A_727 {strides = array<i32>} : memref<2x128xi32, #tpu.memory_space<vmem>>, vector<1x16xi32>,
      %add3A_728 = arith.constant 48 : i32
      %add3A_729 = arith.addi %mul3A_701, %add3A_728 : i32
      %add3A_730 = vector.broadcast %add3A_729 : i32 to vector<16xi32>
      %add3A_731 = arith.addi %add3A_730, %iota3A : vector<16xi32>
      %swap3A_732 = arith.index_cast %and3A_576 : i32 to index
      %swap3A_733 = arith.constant 48 : index
      %swap3A_734 = tpu.vector_load %arg14[%swap3A_732, %swap3A_733] {strides = array<i32>} : memref<2x128xi32, #tpu.memory_space<vmem>>, vector<1x16xi32>,
      %swap3A_735 = vector.shape_cast %swap3A_734 : vector<1x16xi32> to vector<16xi32>
      %swap3A_736 = vector.shape_cast %add3A_731 : vector<16xi32> to vector<1x16xi32>
      tpu.vector_store %arg14[%swap3A_732, %swap3A_733], %swap3A_736 {strides = array<i32>} : memref<2x128xi32, #tpu.memory_space<vmem>>, vector<1x16xi32>,
      %add3A_737 = arith.constant 64 : i32
      %add3A_738 = arith.addi %mul3A_701, %add3A_737 : i32
      %add3A_739 = vector.broadcast %add3A_738 : i32 to vector<16xi32>
      %add3A_740 = arith.addi %add3A_739, %iota3A : vector<16xi32>
      %swap3A_741 = arith.index_cast %and3A_576 : i32 to index
      %swap3A_742 = arith.constant 64 : index
      %swap3A_743 = tpu.vector_load %arg14[%swap3A_741, %swap3A_742] {strides = array<i32>} : memref<2x128xi32, #tpu.memory_space<vmem>>, vector<1x16xi32>,
      %swap3A_744 = vector.shape_cast %swap3A_743 : vector<1x16xi32> to vector<16xi32>
      %swap3A_745 = vector.shape_cast %add3A_740 : vector<16xi32> to vector<1x16xi32>
      tpu.vector_store %arg14[%swap3A_741, %swap3A_742], %swap3A_745 {strides = array<i32>} : memref<2x128xi32, #tpu.memory_space<vmem>>, vector<1x16xi32>,
      %add3A_746 = arith.constant 80 : i32
      %add3A_747 = arith.addi %mul3A_701, %add3A_746 : i32
      %add3A_748 = vector.broadcast %add3A_747 : i32 to vector<16xi32>
      %add3A_749 = arith.addi %add3A_748, %iota3A : vector<16xi32>
      %swap3A_750 = arith.index_cast %and3A_576 : i32 to index
      %swap3A_751 = arith.constant 80 : index
      %swap3A_752 = tpu.vector_load %arg14[%swap3A_750, %swap3A_751] {strides = array<i32>} : memref<2x128xi32, #tpu.memory_space<vmem>>, vector<1x16xi32>,
      %swap3A_753 = vector.shape_cast %swap3A_752 : vector<1x16xi32> to vector<16xi32>
      %swap3A_754 = vector.shape_cast %add3A_749 : vector<16xi32> to vector<1x16xi32>
      tpu.vector_store %arg14[%swap3A_750, %swap3A_751], %swap3A_754 {strides = array<i32>} : memref<2x128xi32, #tpu.memory_space<vmem>>, vector<1x16xi32>,
      %add3A_755 = arith.constant 96 : i32
      %add3A_756 = arith.addi %mul3A_701, %add3A_755 : i32
      %add3A_757 = vector.broadcast %add3A_756 : i32 to vector<16xi32>
      %add3A_758 = arith.addi %add3A_757, %iota3A : vector<16xi32>
      %swap3A_759 = arith.index_cast %and3A_576 : i32 to index
      %swap3A_760 = arith.constant 96 : index
      %swap3A_761 = tpu.vector_load %arg14[%swap3A_759, %swap3A_760] {strides = array<i32>} : memref<2x128xi32, #tpu.memory_space<vmem>>, vector<1x16xi32>,
      %swap3A_762 = vector.shape_cast %swap3A_761 : vector<1x16xi32> to vector<16xi32>
      %swap3A_763 = vector.shape_cast %add3A_758 : vector<16xi32> to vector<1x16xi32>
      tpu.vector_store %arg14[%swap3A_759, %swap3A_760], %swap3A_763 {strides = array<i32>} : memref<2x128xi32, #tpu.memory_space<vmem>>, vector<1x16xi32>,
      %add3A_764 = arith.constant 112 : i32
      %add3A_765 = arith.addi %mul3A_701, %add3A_764 : i32
      %add3A_766 = vector.broadcast %add3A_765 : i32 to vector<16xi32>
      %add3A_767 = arith.addi %add3A_766, %iota3A : vector<16xi32>
      %swap3A_768 = arith.index_cast %and3A_576 : i32 to index
      %swap3A_769 = arith.constant 112 : index
      %swap3A_770 = tpu.vector_load %arg14[%swap3A_768, %swap3A_769] {strides = array<i32>} : memref<2x128xi32, #tpu.memory_space<vmem>>, vector<1x16xi32>,
      %swap3A_771 = vector.shape_cast %swap3A_770 : vector<1x16xi32> to vector<16xi32>
      %swap3A_772 = vector.shape_cast %add3A_767 : vector<16xi32> to vector<1x16xi32>
      tpu.vector_store %arg14[%swap3A_768, %swap3A_769], %swap3A_772 {strides = array<i32>} : memref<2x128xi32, #tpu.memory_space<vmem>>, vector<1x16xi32>,
      %dma_start3A_773 = arith.constant 0 : i32
      %dma_start3A_774 = arith.constant 0 : i32
      %dma_start3A_775 = arith.constant 0 : i32
      %dma_start3A_776 = arith.constant 0 : i32
      %dma_start3A_777 = tpu.memref_slice %arg16[%mul3A_578, %dma_start3A_775, %dma_start3A_776] : memref<6x128x32xf32, #tpu.memory_space<vmem>> -> memref<1x128x32xf32, #tpu.memory_space<vmem>>
      %dma_start3A_778 = tpu.memref_squeeze %dma_start3A_777 : memref<1x128x32xf32, #tpu.memory_space<vmem>> -> memref<128x32xf32, #tpu.memory_space<vmem>>
      %dma_start3A_779 = arith.constant 0 : i32
      %dma_start3A_780 = tpu.memref_slice %arg10[%and3A_576, %dma_start3A_774, %dma_start3A_779] : memref<2x8x128xi32, #tpu.memory_space<vmem>> -> memref<1x1x128xi32, #tpu.memory_space<vmem>>
      %dma_start3A_781 = tpu.memref_squeeze %dma_start3A_780 : memref<1x1x128xi32, #tpu.memory_space<vmem>> -> memref<128xi32, #tpu.memory_space<vmem>>
      %dma_start3A_782 = arith.constant 0 : i32
      %dma_start3A_783 = arith.constant 0 : i32
      %dma_start3A_784 = tpu.memref_slice %arg2[%dma_start3A_773, %dma_start3A_782, %dma_start3A_783] : memref<8x100000x32xf32, #tpu.memory_space<hbm>> -> memref<1x100000x32xf32, #tpu.memory_space<hbm>>
      %dma_start3A_785 = tpu.memref_squeeze %dma_start3A_784 : memref<1x100000x32xf32, #tpu.memory_space<hbm>> -> memref<100000x32xf32, #tpu.memory_space<hbm>>
      %dma_start3A_786 = arith.constant 0 : i32
      %dma_start3A_787 = arith.constant 0 : i32
      %dma_start3A_788 = tpu.memref_slice %dma_start3A_785[%dma_start3A_786, %dma_start3A_787] : memref<100000x32xf32, #tpu.memory_space<hbm>> -> memref<100000x32xf32, #tpu.memory_space<hbm>>
      tpu.enqueue_indirect_dma source(%dma_start3A_788 : memref<100000x32xf32, #tpu.memory_space<hbm>>) target(%dma_start3A_778 : memref<128x32xf32, #tpu.memory_space<vmem>>) offsets(%dma_start3A_781 : memref<128xi32, #tpu.memory_space<vmem>>) semaphore(%arg18 : memref<!tpu.dma_semaphore, #tpu.memory_space<semaphore_mem>>)
      %dma_start3A_789 = arith.constant 1 : i32
      %dma_start3A_790 = arith.constant 1 : i32
      %dma_start3A_791 = arith.constant 0 : i32
      %dma_start3A_792 = arith.constant 0 : i32
      %dma_start3A_793 = tpu.memref_slice %arg16[%add3A_582, %dma_start3A_791, %dma_start3A_792] : memref<6x128x32xf32, #tpu.memory_space<vmem>> -> memref<1x128x32xf32, #tpu.memory_space<vmem>>
      %dma_start3A_794 = tpu.memref_squeeze %dma_start3A_793 : memref<1x128x32xf32, #tpu.memory_space<vmem>> -> memref<128x32xf32, #tpu.memory_space<vmem>>
      %dma_start3A_795 = arith.constant 0 : i32
      %dma_start3A_796 = tpu.memref_slice %arg10[%and3A_576, %dma_start3A_790, %dma_start3A_795] : memref<2x8x128xi32, #tpu.memory_space<vmem>> -> memref<1x1x128xi32, #tpu.memory_space<vmem>>
      %dma_start3A_797 = tpu.memref_squeeze %dma_start3A_796 : memref<1x1x128xi32, #tpu.memory_space<vmem>> -> memref<128xi32, #tpu.memory_space<vmem>>
      %dma_start3A_798 = arith.constant 0 : i32
      %dma_start3A_799 = arith.constant 0 : i32
      %dma_start3A_800 = tpu.memref_slice %arg2[%dma_start3A_789, %dma_start3A_798, %dma_start3A_799] : memref<8x100000x32xf32, #tpu.memory_space<hbm>> -> memref<1x100000x32xf32, #tpu.memory_space<hbm>>
      %dma_start3A_801 = tpu.memref_squeeze %dma_start3A_800 : memref<1x100000x32xf32, #tpu.memory_space<hbm>> -> memref<100000x32xf32, #tpu.memory_space<hbm>>
      %dma_start3A_802 = arith.constant 0 : i32
      %dma_start3A_803 = arith.constant 0 : i32
      %dma_start3A_804 = tpu.memref_slice %dma_start3A_801[%dma_start3A_802, %dma_start3A_803] : memref<100000x32xf32, #tpu.memory_space<hbm>> -> memref<100000x32xf32, #tpu.memory_space<hbm>>
      tpu.enqueue_indirect_dma source(%dma_start3A_804 : memref<100000x32xf32, #tpu.memory_space<hbm>>) target(%dma_start3A_794 : memref<128x32xf32, #tpu.memory_space<vmem>>) offsets(%dma_start3A_797 : memref<128xi32, #tpu.memory_space<vmem>>) semaphore(%arg18 : memref<!tpu.dma_semaphore, #tpu.memory_space<semaphore_mem>>)
      %dma_wait3A_805 = arith.constant 0 : i32
      %dma_wait3A_806 = arith.constant 0 : i32
      %dma_wait3A_807 = arith.constant 0 : i32
      %dma_wait3A_808 = arith.constant 0 : i32
      %dma_wait3A_809 = tpu.memref_slice %arg16[%mul3A_578, %dma_wait3A_807, %dma_wait3A_808] : memref<6x128x32xf32, #tpu.memory_space<vmem>> -> memref<1x128x32xf32, #tpu.memory_space<vmem>>
      %dma_wait3A_810 = tpu.memref_squeeze %dma_wait3A_809 : memref<1x128x32xf32, #tpu.memory_space<vmem>> -> memref<128x32xf32, #tpu.memory_space<vmem>>
      %dma_wait3A_811 = arith.constant 0 : i32
      %dma_wait3A_812 = tpu.memref_slice %arg10[%and3A_576, %dma_wait3A_806, %dma_wait3A_811] : memref<2x8x128xi32, #tpu.memory_space<vmem>> -> memref<1x1x128xi32, #tpu.memory_space<vmem>>
      %dma_wait3A_813 = tpu.memref_squeeze %dma_wait3A_812 : memref<1x1x128xi32, #tpu.memory_space<vmem>> -> memref<128xi32, #tpu.memory_space<vmem>>
      %dma_wait3A_814 = arith.constant 0 : i32
      %dma_wait3A_815 = arith.constant 0 : i32
      %dma_wait3A_816 = tpu.memref_slice %arg2[%dma_wait3A_805, %dma_wait3A_814, %dma_wait3A_815] : memref<8x100000x32xf32, #tpu.memory_space<hbm>> -> memref<1x100000x32xf32, #tpu.memory_space<hbm>>
      %dma_wait3A_817 = tpu.memref_squeeze %dma_wait3A_816 : memref<1x100000x32xf32, #tpu.memory_space<hbm>> -> memref<100000x32xf32, #tpu.memory_space<hbm>>
      %dma_wait3A_818 = arith.constant 0 : i32
      %dma_wait3A_819 = arith.constant 0 : i32
      %dma_wait3A_820 = tpu.memref_slice %dma_wait3A_817[%dma_wait3A_818, %dma_wait3A_819] : memref<100000x32xf32, #tpu.memory_space<hbm>> -> memref<100000x32xf32, #tpu.memory_space<hbm>>
      tpu.wait_indirect_dma semaphore(%arg18 : memref<!tpu.dma_semaphore, #tpu.memory_space<semaphore_mem>>) src(%dma_wait3A_820 : memref<100000x32xf32, #tpu.memory_space<hbm>>) dst(%dma_wait3A_810 : memref<128x32xf32, #tpu.memory_space<vmem>>)
      %dma_wait3A_821 = arith.constant 1 : i32
      %dma_wait3A_822 = arith.constant 1 : i32
      %dma_wait3A_823 = arith.constant 0 : i32
      %dma_wait3A_824 = arith.constant 0 : i32
      %dma_wait3A_825 = tpu.memref_slice %arg16[%add3A_582, %dma_wait3A_823, %dma_wait3A_824] : memref<6x128x32xf32, #tpu.memory_space<vmem>> -> memref<1x128x32xf32, #tpu.memory_space<vmem>>
      %dma_wait3A_826 = tpu.memref_squeeze %dma_wait3A_825 : memref<1x128x32xf32, #tpu.memory_space<vmem>> -> memref<128x32xf32, #tpu.memory_space<vmem>>
      %dma_wait3A_827 = arith.constant 0 : i32
      %dma_wait3A_828 = tpu.memref_slice %arg10[%and3A_576, %dma_wait3A_822, %dma_wait3A_827] : memref<2x8x128xi32, #tpu.memory_space<vmem>> -> memref<1x1x128xi32, #tpu.memory_space<vmem>>
      %dma_wait3A_829 = tpu.memref_squeeze %dma_wait3A_828 : memref<1x1x128xi32, #tpu.memory_space<vmem>> -> memref<128xi32, #tpu.memory_space<vmem>>
      %dma_wait3A_830 = arith.constant 0 : i32
      %dma_wait3A_831 = arith.constant 0 : i32
      %dma_wait3A_832 = tpu.memref_slice %arg2[%dma_wait3A_821, %dma_wait3A_830, %dma_wait3A_831] : memref<8x100000x32xf32, #tpu.memory_space<hbm>> -> memref<1x100000x32xf32, #tpu.memory_space<hbm>>
      %dma_wait3A_833 = tpu.memref_squeeze %dma_wait3A_832 : memref<1x100000x32xf32, #tpu.memory_space<hbm>> -> memref<100000x32xf32, #tpu.memory_space<hbm>>
      %dma_wait3A_834 = arith.constant 0 : i32
      %dma_wait3A_835 = arith.constant 0 : i32
      %dma_wait3A_836 = tpu.memref_slice %dma_wait3A_833[%dma_wait3A_834, %dma_wait3A_835] : memref<100000x32xf32, #tpu.memory_space<hbm>> -> memref<100000x32xf32, #tpu.memory_space<hbm>>
      tpu.wait_indirect_dma semaphore(%arg18 : memref<!tpu.dma_semaphore, #tpu.memory_space<semaphore_mem>>) src(%dma_wait3A_836 : memref<100000x32xf32, #tpu.memory_space<hbm>>) dst(%dma_wait3A_826 : memref<128x32xf32, #tpu.memory_space<vmem>>)
      %dma_start3A_837 = arith.constant 2 : i32
      %dma_start3A_838 = arith.constant 2 : i32
      %dma_start3A_839 = arith.constant 0 : i32
      %dma_start3A_840 = arith.constant 0 : i32
      %dma_start3A_841 = tpu.memref_slice %arg16[%mul3A_578, %dma_start3A_839, %dma_start3A_840] : memref<6x128x32xf32, #tpu.memory_space<vmem>> -> memref<1x128x32xf32, #tpu.memory_space<vmem>>
      %dma_start3A_842 = tpu.memref_squeeze %dma_start3A_841 : memref<1x128x32xf32, #tpu.memory_space<vmem>> -> memref<128x32xf32, #tpu.memory_space<vmem>>
      %dma_start3A_843 = arith.constant 0 : i32
      %dma_start3A_844 = tpu.memref_slice %arg10[%and3A_576, %dma_start3A_838, %dma_start3A_843] : memref<2x8x128xi32, #tpu.memory_space<vmem>> -> memref<1x1x128xi32, #tpu.memory_space<vmem>>
      %dma_start3A_845 = tpu.memref_squeeze %dma_start3A_844 : memref<1x1x128xi32, #tpu.memory_space<vmem>> -> memref<128xi32, #tpu.memory_space<vmem>>
      %dma_start3A_846 = arith.constant 0 : i32
      %dma_start3A_847 = arith.constant 0 : i32
      %dma_start3A_848 = tpu.memref_slice %arg2[%dma_start3A_837, %dma_start3A_846, %dma_start3A_847] : memref<8x100000x32xf32, #tpu.memory_space<hbm>> -> memref<1x100000x32xf32, #tpu.memory_space<hbm>>
      %dma_start3A_849 = tpu.memref_squeeze %dma_start3A_848 : memref<1x100000x32xf32, #tpu.memory_space<hbm>> -> memref<100000x32xf32, #tpu.memory_space<hbm>>
      %dma_start3A_850 = arith.constant 0 : i32
      %dma_start3A_851 = arith.constant 0 : i32
      %dma_start3A_852 = tpu.memref_slice %dma_start3A_849[%dma_start3A_850, %dma_start3A_851] : memref<100000x32xf32, #tpu.memory_space<hbm>> -> memref<100000x32xf32, #tpu.memory_space<hbm>>
      tpu.enqueue_indirect_dma source(%dma_start3A_852 : memref<100000x32xf32, #tpu.memory_space<hbm>>) target(%dma_start3A_842 : memref<128x32xf32, #tpu.memory_space<vmem>>) offsets(%dma_start3A_845 : memref<128xi32, #tpu.memory_space<vmem>>) semaphore(%arg18 : memref<!tpu.dma_semaphore, #tpu.memory_space<semaphore_mem>>) {add = true}
      %dma_start3A_853 = arith.constant 3 : i32
      %dma_start3A_854 = arith.constant 3 : i32
      %dma_start3A_855 = arith.constant 0 : i32
      %dma_start3A_856 = arith.constant 0 : i32
      %dma_start3A_857 = tpu.memref_slice %arg16[%add3A_582, %dma_start3A_855, %dma_start3A_856] : memref<6x128x32xf32, #tpu.memory_space<vmem>> -> memref<1x128x32xf32, #tpu.memory_space<vmem>>
      %dma_start3A_858 = tpu.memref_squeeze %dma_start3A_857 : memref<1x128x32xf32, #tpu.memory_space<vmem>> -> memref<128x32xf32, #tpu.memory_space<vmem>>
      %dma_start3A_859 = arith.constant 0 : i32
      %dma_start3A_860 = tpu.memref_slice %arg10[%and3A_576, %dma_start3A_854, %dma_start3A_859] : memref<2x8x128xi32, #tpu.memory_space<vmem>> -> memref<1x1x128xi32, #tpu.memory_space<vmem>>
      %dma_start3A_861 = tpu.memref_squeeze %dma_start3A_860 : memref<1x1x128xi32, #tpu.memory_space<vmem>> -> memref<128xi32, #tpu.memory_space<vmem>>
      %dma_start3A_862 = arith.constant 0 : i32
      %dma_start3A_863 = arith.constant 0 : i32
      %dma_start3A_864 = tpu.memref_slice %arg2[%dma_start3A_853, %dma_start3A_862, %dma_start3A_863] : memref<8x100000x32xf32, #tpu.memory_space<hbm>> -> memref<1x100000x32xf32, #tpu.memory_space<hbm>>
      %dma_start3A_865 = tpu.memref_squeeze %dma_start3A_864 : memref<1x100000x32xf32, #tpu.memory_space<hbm>> -> memref<100000x32xf32, #tpu.memory_space<hbm>>
      %dma_start3A_866 = arith.constant 0 : i32
      %dma_start3A_867 = arith.constant 0 : i32
      %dma_start3A_868 = tpu.memref_slice %dma_start3A_865[%dma_start3A_866, %dma_start3A_867] : memref<100000x32xf32, #tpu.memory_space<hbm>> -> memref<100000x32xf32, #tpu.memory_space<hbm>>
      tpu.enqueue_indirect_dma source(%dma_start3A_868 : memref<100000x32xf32, #tpu.memory_space<hbm>>) target(%dma_start3A_858 : memref<128x32xf32, #tpu.memory_space<vmem>>) offsets(%dma_start3A_861 : memref<128xi32, #tpu.memory_space<vmem>>) semaphore(%arg18 : memref<!tpu.dma_semaphore, #tpu.memory_space<semaphore_mem>>) {add = true}
      %dma_wait3A_869 = arith.constant 2 : i32
      %dma_wait3A_870 = arith.constant 2 : i32
      %dma_wait3A_871 = arith.constant 0 : i32
      %dma_wait3A_872 = arith.constant 0 : i32
      %dma_wait3A_873 = tpu.memref_slice %arg16[%mul3A_578, %dma_wait3A_871, %dma_wait3A_872] : memref<6x128x32xf32, #tpu.memory_space<vmem>> -> memref<1x128x32xf32, #tpu.memory_space<vmem>>
      %dma_wait3A_874 = tpu.memref_squeeze %dma_wait3A_873 : memref<1x128x32xf32, #tpu.memory_space<vmem>> -> memref<128x32xf32, #tpu.memory_space<vmem>>
      %dma_wait3A_875 = arith.constant 0 : i32
      %dma_wait3A_876 = tpu.memref_slice %arg10[%and3A_576, %dma_wait3A_870, %dma_wait3A_875] : memref<2x8x128xi32, #tpu.memory_space<vmem>> -> memref<1x1x128xi32, #tpu.memory_space<vmem>>
      %dma_wait3A_877 = tpu.memref_squeeze %dma_wait3A_876 : memref<1x1x128xi32, #tpu.memory_space<vmem>> -> memref<128xi32, #tpu.memory_space<vmem>>
      %dma_wait3A_878 = arith.constant 0 : i32
      %dma_wait3A_879 = arith.constant 0 : i32
      %dma_wait3A_880 = tpu.memref_slice %arg2[%dma_wait3A_869, %dma_wait3A_878, %dma_wait3A_879] : memref<8x100000x32xf32, #tpu.memory_space<hbm>> -> memref<1x100000x32xf32, #tpu.memory_space<hbm>>
      %dma_wait3A_881 = tpu.memref_squeeze %dma_wait3A_880 : memref<1x100000x32xf32, #tpu.memory_space<hbm>> -> memref<100000x32xf32, #tpu.memory_space<hbm>>
      %dma_wait3A_882 = arith.constant 0 : i32
      %dma_wait3A_883 = arith.constant 0 : i32
      %dma_wait3A_884 = tpu.memref_slice %dma_wait3A_881[%dma_wait3A_882, %dma_wait3A_883] : memref<100000x32xf32, #tpu.memory_space<hbm>> -> memref<100000x32xf32, #tpu.memory_space<hbm>>
      tpu.wait_indirect_dma semaphore(%arg18 : memref<!tpu.dma_semaphore, #tpu.memory_space<semaphore_mem>>) src(%dma_wait3A_884 : memref<100000x32xf32, #tpu.memory_space<hbm>>) dst(%dma_wait3A_874 : memref<128x32xf32, #tpu.memory_space<vmem>>)
      %dma_wait3A_885 = arith.constant 3 : i32
      %dma_wait3A_886 = arith.constant 3 : i32
      %dma_wait3A_887 = arith.constant 0 : i32
      %dma_wait3A_888 = arith.constant 0 : i32
      %dma_wait3A_889 = tpu.memref_slice %arg16[%add3A_582, %dma_wait3A_887, %dma_wait3A_888] : memref<6x128x32xf32, #tpu.memory_space<vmem>> -> memref<1x128x32xf32, #tpu.memory_space<vmem>>
      %dma_wait3A_890 = tpu.memref_squeeze %dma_wait3A_889 : memref<1x128x32xf32, #tpu.memory_space<vmem>> -> memref<128x32xf32, #tpu.memory_space<vmem>>
      %dma_wait3A_891 = arith.constant 0 : i32
      %dma_wait3A_892 = tpu.memref_slice %arg10[%and3A_576, %dma_wait3A_886, %dma_wait3A_891] : memref<2x8x128xi32, #tpu.memory_space<vmem>> -> memref<1x1x128xi32, #tpu.memory_space<vmem>>
      %dma_wait3A_893 = tpu.memref_squeeze %dma_wait3A_892 : memref<1x1x128xi32, #tpu.memory_space<vmem>> -> memref<128xi32, #tpu.memory_space<vmem>>
      %dma_wait3A_894 = arith.constant 0 : i32
      %dma_wait3A_895 = arith.constant 0 : i32
      %dma_wait3A_896 = tpu.memref_slice %arg2[%dma_wait3A_885, %dma_wait3A_894, %dma_wait3A_895] : memref<8x100000x32xf32, #tpu.memory_space<hbm>> -> memref<1x100000x32xf32, #tpu.memory_space<hbm>>
      %dma_wait3A_897 = tpu.memref_squeeze %dma_wait3A_896 : memref<1x100000x32xf32, #tpu.memory_space<hbm>> -> memref<100000x32xf32, #tpu.memory_space<hbm>>
      %dma_wait3A_898 = arith.constant 0 : i32
      %dma_wait3A_899 = arith.constant 0 : i32
      %dma_wait3A_900 = tpu.memref_slice %dma_wait3A_897[%dma_wait3A_898, %dma_wait3A_899] : memref<100000x32xf32, #tpu.memory_space<hbm>> -> memref<100000x32xf32, #tpu.memory_space<hbm>>
      tpu.wait_indirect_dma semaphore(%arg18 : memref<!tpu.dma_semaphore, #tpu.memory_space<semaphore_mem>>) src(%dma_wait3A_900 : memref<100000x32xf32, #tpu.memory_space<hbm>>) dst(%dma_wait3A_890 : memref<128x32xf32, #tpu.memory_space<vmem>>)
      %dma_start3A_901 = arith.constant 4 : i32
      %dma_start3A_902 = arith.constant 4 : i32
      %dma_start3A_903 = arith.constant 0 : i32
      %dma_start3A_904 = arith.constant 0 : i32
      %dma_start3A_905 = tpu.memref_slice %arg16[%mul3A_578, %dma_start3A_903, %dma_start3A_904] : memref<6x128x32xf32, #tpu.memory_space<vmem>> -> memref<1x128x32xf32, #tpu.memory_space<vmem>>
      %dma_start3A_906 = tpu.memref_squeeze %dma_start3A_905 : memref<1x128x32xf32, #tpu.memory_space<vmem>> -> memref<128x32xf32, #tpu.memory_space<vmem>>
      %dma_start3A_907 = arith.constant 0 : i32
      %dma_start3A_908 = tpu.memref_slice %arg10[%and3A_576, %dma_start3A_902, %dma_start3A_907] : memref<2x8x128xi32, #tpu.memory_space<vmem>> -> memref<1x1x128xi32, #tpu.memory_space<vmem>>
      %dma_start3A_909 = tpu.memref_squeeze %dma_start3A_908 : memref<1x1x128xi32, #tpu.memory_space<vmem>> -> memref<128xi32, #tpu.memory_space<vmem>>
      %dma_start3A_910 = arith.constant 0 : i32
      %dma_start3A_911 = arith.constant 0 : i32
      %dma_start3A_912 = tpu.memref_slice %arg2[%dma_start3A_901, %dma_start3A_910, %dma_start3A_911] : memref<8x100000x32xf32, #tpu.memory_space<hbm>> -> memref<1x100000x32xf32, #tpu.memory_space<hbm>>
      %dma_start3A_913 = tpu.memref_squeeze %dma_start3A_912 : memref<1x100000x32xf32, #tpu.memory_space<hbm>> -> memref<100000x32xf32, #tpu.memory_space<hbm>>
      %dma_start3A_914 = arith.constant 0 : i32
      %dma_start3A_915 = arith.constant 0 : i32
      %dma_start3A_916 = tpu.memref_slice %dma_start3A_913[%dma_start3A_914, %dma_start3A_915] : memref<100000x32xf32, #tpu.memory_space<hbm>> -> memref<100000x32xf32, #tpu.memory_space<hbm>>
      tpu.enqueue_indirect_dma source(%dma_start3A_916 : memref<100000x32xf32, #tpu.memory_space<hbm>>) target(%dma_start3A_906 : memref<128x32xf32, #tpu.memory_space<vmem>>) offsets(%dma_start3A_909 : memref<128xi32, #tpu.memory_space<vmem>>) semaphore(%arg18 : memref<!tpu.dma_semaphore, #tpu.memory_space<semaphore_mem>>) {add = true}
      %dma_start3A_917 = arith.constant 5 : i32
      %dma_start3A_918 = arith.constant 5 : i32
      %dma_start3A_919 = arith.constant 0 : i32
      %dma_start3A_920 = arith.constant 0 : i32
      %dma_start3A_921 = tpu.memref_slice %arg16[%add3A_582, %dma_start3A_919, %dma_start3A_920] : memref<6x128x32xf32, #tpu.memory_space<vmem>> -> memref<1x128x32xf32, #tpu.memory_space<vmem>>
      %dma_start3A_922 = tpu.memref_squeeze %dma_start3A_921 : memref<1x128x32xf32, #tpu.memory_space<vmem>> -> memref<128x32xf32, #tpu.memory_space<vmem>>
      %dma_start3A_923 = arith.constant 0 : i32
      %dma_start3A_924 = tpu.memref_slice %arg10[%and3A_576, %dma_start3A_918, %dma_start3A_923] : memref<2x8x128xi32, #tpu.memory_space<vmem>> -> memref<1x1x128xi32, #tpu.memory_space<vmem>>
      %dma_start3A_925 = tpu.memref_squeeze %dma_start3A_924 : memref<1x1x128xi32, #tpu.memory_space<vmem>> -> memref<128xi32, #tpu.memory_space<vmem>>
      %dma_start3A_926 = arith.constant 0 : i32
      %dma_start3A_927 = arith.constant 0 : i32
      %dma_start3A_928 = tpu.memref_slice %arg2[%dma_start3A_917, %dma_start3A_926, %dma_start3A_927] : memref<8x100000x32xf32, #tpu.memory_space<hbm>> -> memref<1x100000x32xf32, #tpu.memory_space<hbm>>
      %dma_start3A_929 = tpu.memref_squeeze %dma_start3A_928 : memref<1x100000x32xf32, #tpu.memory_space<hbm>> -> memref<100000x32xf32, #tpu.memory_space<hbm>>
      %dma_start3A_930 = arith.constant 0 : i32
      %dma_start3A_931 = arith.constant 0 : i32
      %dma_start3A_932 = tpu.memref_slice %dma_start3A_929[%dma_start3A_930, %dma_start3A_931] : memref<100000x32xf32, #tpu.memory_space<hbm>> -> memref<100000x32xf32, #tpu.memory_space<hbm>>
      tpu.enqueue_indirect_dma source(%dma_start3A_932 : memref<100000x32xf32, #tpu.memory_space<hbm>>) target(%dma_start3A_922 : memref<128x32xf32, #tpu.memory_space<vmem>>) offsets(%dma_start3A_925 : memref<128xi32, #tpu.memory_space<vmem>>) semaphore(%arg18 : memref<!tpu.dma_semaphore, #tpu.memory_space<semaphore_mem>>) {add = true}
      %dma_wait3A_933 = arith.constant 4 : i32
      %dma_wait3A_934 = arith.constant 4 : i32
      %dma_wait3A_935 = arith.constant 0 : i32
      %dma_wait3A_936 = arith.constant 0 : i32
      %dma_wait3A_937 = tpu.memref_slice %arg16[%mul3A_578, %dma_wait3A_935, %dma_wait3A_936] : memref<6x128x32xf32, #tpu.memory_space<vmem>> -> memref<1x128x32xf32, #tpu.memory_space<vmem>>
      %dma_wait3A_938 = tpu.memref_squeeze %dma_wait3A_937 : memref<1x128x32xf32, #tpu.memory_space<vmem>> -> memref<128x32xf32, #tpu.memory_space<vmem>>
      %dma_wait3A_939 = arith.constant 0 : i32
      %dma_wait3A_940 = tpu.memref_slice %arg10[%and3A_576, %dma_wait3A_934, %dma_wait3A_939] : memref<2x8x128xi32, #tpu.memory_space<vmem>> -> memref<1x1x128xi32, #tpu.memory_space<vmem>>
      %dma_wait3A_941 = tpu.memref_squeeze %dma_wait3A_940 : memref<1x1x128xi32, #tpu.memory_space<vmem>> -> memref<128xi32, #tpu.memory_space<vmem>>
      %dma_wait3A_942 = arith.constant 0 : i32
      %dma_wait3A_943 = arith.constant 0 : i32
      %dma_wait3A_944 = tpu.memref_slice %arg2[%dma_wait3A_933, %dma_wait3A_942, %dma_wait3A_943] : memref<8x100000x32xf32, #tpu.memory_space<hbm>> -> memref<1x100000x32xf32, #tpu.memory_space<hbm>>
      %dma_wait3A_945 = tpu.memref_squeeze %dma_wait3A_944 : memref<1x100000x32xf32, #tpu.memory_space<hbm>> -> memref<100000x32xf32, #tpu.memory_space<hbm>>
      %dma_wait3A_946 = arith.constant 0 : i32
      %dma_wait3A_947 = arith.constant 0 : i32
      %dma_wait3A_948 = tpu.memref_slice %dma_wait3A_945[%dma_wait3A_946, %dma_wait3A_947] : memref<100000x32xf32, #tpu.memory_space<hbm>> -> memref<100000x32xf32, #tpu.memory_space<hbm>>
      tpu.wait_indirect_dma semaphore(%arg18 : memref<!tpu.dma_semaphore, #tpu.memory_space<semaphore_mem>>) src(%dma_wait3A_948 : memref<100000x32xf32, #tpu.memory_space<hbm>>) dst(%dma_wait3A_938 : memref<128x32xf32, #tpu.memory_space<vmem>>)
      %dma_wait3A_949 = arith.constant 5 : i32
      %dma_wait3A_950 = arith.constant 5 : i32
      %dma_wait3A_951 = arith.constant 0 : i32
      %dma_wait3A_952 = arith.constant 0 : i32
      %dma_wait3A_953 = tpu.memref_slice %arg16[%add3A_582, %dma_wait3A_951, %dma_wait3A_952] : memref<6x128x32xf32, #tpu.memory_space<vmem>> -> memref<1x128x32xf32, #tpu.memory_space<vmem>>
      %dma_wait3A_954 = tpu.memref_squeeze %dma_wait3A_953 : memref<1x128x32xf32, #tpu.memory_space<vmem>> -> memref<128x32xf32, #tpu.memory_space<vmem>>
      %dma_wait3A_955 = arith.constant 0 : i32
      %dma_wait3A_956 = tpu.memref_slice %arg10[%and3A_576, %dma_wait3A_950, %dma_wait3A_955] : memref<2x8x128xi32, #tpu.memory_space<vmem>> -> memref<1x1x128xi32, #tpu.memory_space<vmem>>
      %dma_wait3A_957 = tpu.memref_squeeze %dma_wait3A_956 : memref<1x1x128xi32, #tpu.memory_space<vmem>> -> memref<128xi32, #tpu.memory_space<vmem>>
      %dma_wait3A_958 = arith.constant 0 : i32
      %dma_wait3A_959 = arith.constant 0 : i32
      %dma_wait3A_960 = tpu.memref_slice %arg2[%dma_wait3A_949, %dma_wait3A_958, %dma_wait3A_959] : memref<8x100000x32xf32, #tpu.memory_space<hbm>> -> memref<1x100000x32xf32, #tpu.memory_space<hbm>>
      %dma_wait3A_961 = tpu.memref_squeeze %dma_wait3A_960 : memref<1x100000x32xf32, #tpu.memory_space<hbm>> -> memref<100000x32xf32, #tpu.memory_space<hbm>>
      %dma_wait3A_962 = arith.constant 0 : i32
      %dma_wait3A_963 = arith.constant 0 : i32
      %dma_wait3A_964 = tpu.memref_slice %dma_wait3A_961[%dma_wait3A_962, %dma_wait3A_963] : memref<100000x32xf32, #tpu.memory_space<hbm>> -> memref<100000x32xf32, #tpu.memory_space<hbm>>
      tpu.wait_indirect_dma semaphore(%arg18 : memref<!tpu.dma_semaphore, #tpu.memory_space<semaphore_mem>>) src(%dma_wait3A_964 : memref<100000x32xf32, #tpu.memory_space<hbm>>) dst(%dma_wait3A_954 : memref<128x32xf32, #tpu.memory_space<vmem>>)
      %dma_start3A_965 = arith.constant 6 : i32
      %dma_start3A_966 = arith.constant 6 : i32
      %dma_start3A_967 = arith.constant 0 : i32
      %dma_start3A_968 = arith.constant 0 : i32
      %dma_start3A_969 = tpu.memref_slice %arg16[%mul3A_578, %dma_start3A_967, %dma_start3A_968] : memref<6x128x32xf32, #tpu.memory_space<vmem>> -> memref<1x128x32xf32, #tpu.memory_space<vmem>>
      %dma_start3A_970 = tpu.memref_squeeze %dma_start3A_969 : memref<1x128x32xf32, #tpu.memory_space<vmem>> -> memref<128x32xf32, #tpu.memory_space<vmem>>
      %dma_start3A_971 = arith.constant 0 : i32
      %dma_start3A_972 = tpu.memref_slice %arg10[%and3A_576, %dma_start3A_966, %dma_start3A_971] : memref<2x8x128xi32, #tpu.memory_space<vmem>> -> memref<1x1x128xi32, #tpu.memory_space<vmem>>
      %dma_start3A_973 = tpu.memref_squeeze %dma_start3A_972 : memref<1x1x128xi32, #tpu.memory_space<vmem>> -> memref<128xi32, #tpu.memory_space<vmem>>
      %dma_start3A_974 = arith.constant 0 : i32
      %dma_start3A_975 = arith.constant 0 : i32
      %dma_start3A_976 = tpu.memref_slice %arg2[%dma_start3A_965, %dma_start3A_974, %dma_start3A_975] : memref<8x100000x32xf32, #tpu.memory_space<hbm>> -> memref<1x100000x32xf32, #tpu.memory_space<hbm>>
      %dma_start3A_977 = tpu.memref_squeeze %dma_start3A_976 : memref<1x100000x32xf32, #tpu.memory_space<hbm>> -> memref<100000x32xf32, #tpu.memory_space<hbm>>
      %dma_start3A_978 = arith.constant 0 : i32
      %dma_start3A_979 = arith.constant 0 : i32
      %dma_start3A_980 = tpu.memref_slice %dma_start3A_977[%dma_start3A_978, %dma_start3A_979] : memref<100000x32xf32, #tpu.memory_space<hbm>> -> memref<100000x32xf32, #tpu.memory_space<hbm>>
      tpu.enqueue_indirect_dma source(%dma_start3A_980 : memref<100000x32xf32, #tpu.memory_space<hbm>>) target(%dma_start3A_970 : memref<128x32xf32, #tpu.memory_space<vmem>>) offsets(%dma_start3A_973 : memref<128xi32, #tpu.memory_space<vmem>>) semaphore(%arg18 : memref<!tpu.dma_semaphore, #tpu.memory_space<semaphore_mem>>) {add = true}
      %dma_start3A_981 = arith.constant 7 : i32
      %dma_start3A_982 = arith.constant 7 : i32
      %dma_start3A_983 = arith.constant 0 : i32
      %dma_start3A_984 = arith.constant 0 : i32
      %dma_start3A_985 = tpu.memref_slice %arg16[%add3A_582, %dma_start3A_983, %dma_start3A_984] : memref<6x128x32xf32, #tpu.memory_space<vmem>> -> memref<1x128x32xf32, #tpu.memory_space<vmem>>
      %dma_start3A_986 = tpu.memref_squeeze %dma_start3A_985 : memref<1x128x32xf32, #tpu.memory_space<vmem>> -> memref<128x32xf32, #tpu.memory_space<vmem>>
      %dma_start3A_987 = arith.constant 0 : i32
      %dma_start3A_988 = tpu.memref_slice %arg10[%and3A_576, %dma_start3A_982, %dma_start3A_987] : memref<2x8x128xi32, #tpu.memory_space<vmem>> -> memref<1x1x128xi32, #tpu.memory_space<vmem>>
      %dma_start3A_989 = tpu.memref_squeeze %dma_start3A_988 : memref<1x1x128xi32, #tpu.memory_space<vmem>> -> memref<128xi32, #tpu.memory_space<vmem>>
      %dma_start3A_990 = arith.constant 0 : i32
      %dma_start3A_991 = arith.constant 0 : i32
      %dma_start3A_992 = tpu.memref_slice %arg2[%dma_start3A_981, %dma_start3A_990, %dma_start3A_991] : memref<8x100000x32xf32, #tpu.memory_space<hbm>> -> memref<1x100000x32xf32, #tpu.memory_space<hbm>>
      %dma_start3A_993 = tpu.memref_squeeze %dma_start3A_992 : memref<1x100000x32xf32, #tpu.memory_space<hbm>> -> memref<100000x32xf32, #tpu.memory_space<hbm>>
      %dma_start3A_994 = arith.constant 0 : i32
      %dma_start3A_995 = arith.constant 0 : i32
      %dma_start3A_996 = tpu.memref_slice %dma_start3A_993[%dma_start3A_994, %dma_start3A_995] : memref<100000x32xf32, #tpu.memory_space<hbm>> -> memref<100000x32xf32, #tpu.memory_space<hbm>>
      tpu.enqueue_indirect_dma source(%dma_start3A_996 : memref<100000x32xf32, #tpu.memory_space<hbm>>) target(%dma_start3A_986 : memref<128x32xf32, #tpu.memory_space<vmem>>) offsets(%dma_start3A_989 : memref<128xi32, #tpu.memory_space<vmem>>) semaphore(%arg18 : memref<!tpu.dma_semaphore, #tpu.memory_space<semaphore_mem>>) {add = true}
      %dma_wait3A_997 = arith.constant 6 : i32
      %dma_wait3A_998 = arith.constant 6 : i32
      %dma_wait3A_999 = arith.constant 0 : i32
      %dma_wait3A_1000 = arith.constant 0 : i32
      %dma_wait3A_1001 = tpu.memref_slice %arg16[%mul3A_578, %dma_wait3A_999, %dma_wait3A_1000] : memref<6x128x32xf32, #tpu.memory_space<vmem>> -> memref<1x128x32xf32, #tpu.memory_space<vmem>>
      %dma_wait3A_1002 = tpu.memref_squeeze %dma_wait3A_1001 : memref<1x128x32xf32, #tpu.memory_space<vmem>> -> memref<128x32xf32, #tpu.memory_space<vmem>>
      %dma_wait3A_1003 = arith.constant 0 : i32
      %dma_wait3A_1004 = tpu.memref_slice %arg10[%and3A_576, %dma_wait3A_998, %dma_wait3A_1003] : memref<2x8x128xi32, #tpu.memory_space<vmem>> -> memref<1x1x128xi32, #tpu.memory_space<vmem>>
      %dma_wait3A_1005 = tpu.memref_squeeze %dma_wait3A_1004 : memref<1x1x128xi32, #tpu.memory_space<vmem>> -> memref<128xi32, #tpu.memory_space<vmem>>
      %dma_wait3A_1006 = arith.constant 0 : i32
      %dma_wait3A_1007 = arith.constant 0 : i32
      %dma_wait3A_1008 = tpu.memref_slice %arg2[%dma_wait3A_997, %dma_wait3A_1006, %dma_wait3A_1007] : memref<8x100000x32xf32, #tpu.memory_space<hbm>> -> memref<1x100000x32xf32, #tpu.memory_space<hbm>>
      %dma_wait3A_1009 = tpu.memref_squeeze %dma_wait3A_1008 : memref<1x100000x32xf32, #tpu.memory_space<hbm>> -> memref<100000x32xf32, #tpu.memory_space<hbm>>
      %dma_wait3A_1010 = arith.constant 0 : i32
      %dma_wait3A_1011 = arith.constant 0 : i32
      %dma_wait3A_1012 = tpu.memref_slice %dma_wait3A_1009[%dma_wait3A_1010, %dma_wait3A_1011] : memref<100000x32xf32, #tpu.memory_space<hbm>> -> memref<100000x32xf32, #tpu.memory_space<hbm>>
      tpu.wait_indirect_dma semaphore(%arg18 : memref<!tpu.dma_semaphore, #tpu.memory_space<semaphore_mem>>) src(%dma_wait3A_1012 : memref<100000x32xf32, #tpu.memory_space<hbm>>) dst(%dma_wait3A_1002 : memref<128x32xf32, #tpu.memory_space<vmem>>)
      %dma_wait3A_1013 = arith.constant 7 : i32
      %dma_wait3A_1014 = arith.constant 7 : i32
      %dma_wait3A_1015 = arith.constant 0 : i32
      %dma_wait3A_1016 = arith.constant 0 : i32
      %dma_wait3A_1017 = tpu.memref_slice %arg16[%add3A_582, %dma_wait3A_1015, %dma_wait3A_1016] : memref<6x128x32xf32, #tpu.memory_space<vmem>> -> memref<1x128x32xf32, #tpu.memory_space<vmem>>
      %dma_wait3A_1018 = tpu.memref_squeeze %dma_wait3A_1017 : memref<1x128x32xf32, #tpu.memory_space<vmem>> -> memref<128x32xf32, #tpu.memory_space<vmem>>
      %dma_wait3A_1019 = arith.constant 0 : i32
      %dma_wait3A_1020 = tpu.memref_slice %arg10[%and3A_576, %dma_wait3A_1014, %dma_wait3A_1019] : memref<2x8x128xi32, #tpu.memory_space<vmem>> -> memref<1x1x128xi32, #tpu.memory_space<vmem>>
      %dma_wait3A_1021 = tpu.memref_squeeze %dma_wait3A_1020 : memref<1x1x128xi32, #tpu.memory_space<vmem>> -> memref<128xi32, #tpu.memory_space<vmem>>
      %dma_wait3A_1022 = arith.constant 0 : i32
      %dma_wait3A_1023 = arith.constant 0 : i32
      %dma_wait3A_1024 = tpu.memref_slice %arg2[%dma_wait3A_1013, %dma_wait3A_1022, %dma_wait3A_1023] : memref<8x100000x32xf32, #tpu.memory_space<hbm>> -> memref<1x100000x32xf32, #tpu.memory_space<hbm>>
      %dma_wait3A_1025 = tpu.memref_squeeze %dma_wait3A_1024 : memref<1x100000x32xf32, #tpu.memory_space<hbm>> -> memref<100000x32xf32, #tpu.memory_space<hbm>>
      %dma_wait3A_1026 = arith.constant 0 : i32
      %dma_wait3A_1027 = arith.constant 0 : i32
      %dma_wait3A_1028 = tpu.memref_slice %dma_wait3A_1025[%dma_wait3A_1026, %dma_wait3A_1027] : memref<100000x32xf32, #tpu.memory_space<hbm>> -> memref<100000x32xf32, #tpu.memory_space<hbm>>
      tpu.wait_indirect_dma semaphore(%arg18 : memref<!tpu.dma_semaphore, #tpu.memory_space<semaphore_mem>>) src(%dma_wait3A_1028 : memref<100000x32xf32, #tpu.memory_space<hbm>>) dst(%dma_wait3A_1018 : memref<128x32xf32, #tpu.memory_space<vmem>>)
      %ge3A = arith.constant 1 : i32
      %ge3A_1029 = arith.cmpi sge, %while3A_570, %ge3A : i32
      %convert_element_type3A_1030 = arith.extui %ge3A_1029 : i1 to i32
      %cond3A_1031 = arith.constant 0 : i32
      %cond3A_1032 = arith.cmpi ne, %convert_element_type3A_1030, %cond3A_1031 : i32
      scf.if %cond3A_1032 {
        %sub3A_1054 = arith.constant 1 : i32
        %sub3A_1055 = arith.subi %sub3A_1054, %and3A_576 : i32
        %mul3A_1056 = arith.constant 2 : i32
        %mul3A_1057 = arith.muli %mul3A_1056, %sub3A_1055 : i32
        %sub3A_1058 = arith.constant 1 : i32
        %sub3A_1059 = arith.subi %sub3A_1058, %and3A_576 : i32
        %mul3A_1060 = arith.constant 2 : i32
        %mul3A_1061 = arith.muli %mul3A_1060, %sub3A_1059 : i32
        %add3A_1062 = arith.constant 1 : i32
        %add3A_1063 = arith.addi %mul3A_1061, %add3A_1062 : i32
        %sub3A_1064 = arith.constant 1 : i32
        %sub3A_1065 = arith.subi %sub3A_1064, %and3A_576 : i32
        %dma_wait3A_1066 = arith.constant 0 : i32
        %dma_wait3A_1067 = arith.constant 0 : i32
        %dma_wait3A_1068 = tpu.memref_slice %arg16[%mul3A_1057, %dma_wait3A_1066, %dma_wait3A_1067] : memref<6x128x32xf32, #tpu.memory_space<vmem>> -> memref<1x128x32xf32, #tpu.memory_space<vmem>>
        %dma_wait3A_1069 = tpu.memref_squeeze %dma_wait3A_1068 : memref<1x128x32xf32, #tpu.memory_space<vmem>> -> memref<128x32xf32, #tpu.memory_space<vmem>>
        %dma_wait3A_1070 = arith.constant 0 : i32
        %dma_wait3A_1071 = tpu.memref_slice %arg14[%sub3A_1065, %dma_wait3A_1070] : memref<2x128xi32, #tpu.memory_space<vmem>> -> memref<1x128xi32, #tpu.memory_space<vmem>>
        %dma_wait3A_1072 = tpu.memref_squeeze %dma_wait3A_1071 : memref<1x128xi32, #tpu.memory_space<vmem>> -> memref<128xi32, #tpu.memory_space<vmem>>
        %dma_wait3A_1073 = arith.constant 0 : i32
        %dma_wait3A_1074 = arith.constant 0 : i32
        %dma_wait3A_1075 = tpu.memref_slice %arg8[%dma_wait3A_1073, %dma_wait3A_1074] : memref<50176x32xf32, #tpu.memory_space<vmem_shared>> -> memref<50176x32xf32, #tpu.memory_space<vmem_shared>>
        tpu.wait_indirect_dma semaphore(%arg20 : memref<!tpu.dma_semaphore, #tpu.memory_space<semaphore_mem>>) src(%dma_wait3A_1069 : memref<128x32xf32, #tpu.memory_space<vmem>>) dst(%dma_wait3A_1075 : memref<50176x32xf32, #tpu.memory_space<vmem_shared>>)
        %sub3A_1076 = arith.constant 1 : i32
        %sub3A_1077 = arith.subi %sub3A_1076, %and3A_576 : i32
        %dma_wait3A_1078 = arith.constant 0 : i32
        %dma_wait3A_1079 = arith.constant 0 : i32
        %dma_wait3A_1080 = tpu.memref_slice %arg16[%add3A_1063, %dma_wait3A_1078, %dma_wait3A_1079] : memref<6x128x32xf32, #tpu.memory_space<vmem>> -> memref<1x128x32xf32, #tpu.memory_space<vmem>>
        %dma_wait3A_1081 = tpu.memref_squeeze %dma_wait3A_1080 : memref<1x128x32xf32, #tpu.memory_space<vmem>> -> memref<128x32xf32, #tpu.memory_space<vmem>>
        %dma_wait3A_1082 = arith.constant 0 : i32
        %dma_wait3A_1083 = tpu.memref_slice %arg14[%sub3A_1077, %dma_wait3A_1082] : memref<2x128xi32, #tpu.memory_space<vmem>> -> memref<1x128xi32, #tpu.memory_space<vmem>>
        %dma_wait3A_1084 = tpu.memref_squeeze %dma_wait3A_1083 : memref<1x128xi32, #tpu.memory_space<vmem>> -> memref<128xi32, #tpu.memory_space<vmem>>
        %dma_wait3A_1085 = arith.constant 0 : i32
        %dma_wait3A_1086 = arith.constant 0 : i32
        %dma_wait3A_1087 = tpu.memref_slice %arg8[%dma_wait3A_1085, %dma_wait3A_1086] : memref<50176x32xf32, #tpu.memory_space<vmem_shared>> -> memref<50176x32xf32, #tpu.memory_space<vmem_shared>>
        tpu.wait_indirect_dma semaphore(%arg20 : memref<!tpu.dma_semaphore, #tpu.memory_space<semaphore_mem>>) src(%dma_wait3A_1081 : memref<128x32xf32, #tpu.memory_space<vmem>>) dst(%dma_wait3A_1087 : memref<50176x32xf32, #tpu.memory_space<vmem_shared>>)
      } else {
      }
      %dma_start3A_1033 = arith.constant 0 : i32
      %dma_start3A_1034 = arith.constant 0 : i32
      %dma_start3A_1035 = tpu.memref_slice %arg16[%mul3A_578, %dma_start3A_1033, %dma_start3A_1034] : memref<6x128x32xf32, #tpu.memory_space<vmem>> -> memref<1x128x32xf32, #tpu.memory_space<vmem>>
      %dma_start3A_1036 = tpu.memref_squeeze %dma_start3A_1035 : memref<1x128x32xf32, #tpu.memory_space<vmem>> -> memref<128x32xf32, #tpu.memory_space<vmem>>
      %dma_start3A_1037 = arith.constant 0 : i32
      %dma_start3A_1038 = tpu.memref_slice %arg14[%and3A_576, %dma_start3A_1037] : memref<2x128xi32, #tpu.memory_space<vmem>> -> memref<1x128xi32, #tpu.memory_space<vmem>>
      %dma_start3A_1039 = tpu.memref_squeeze %dma_start3A_1038 : memref<1x128xi32, #tpu.memory_space<vmem>> -> memref<128xi32, #tpu.memory_space<vmem>>
      %dma_start3A_1040 = arith.constant 0 : i32
      %dma_start3A_1041 = arith.constant 0 : i32
      %dma_start3A_1042 = tpu.memref_slice %arg8[%dma_start3A_1040, %dma_start3A_1041] : memref<50176x32xf32, #tpu.memory_space<vmem_shared>> -> memref<50176x32xf32, #tpu.memory_space<vmem_shared>>
      tpu.enqueue_indirect_dma source(%dma_start3A_1036 : memref<128x32xf32, #tpu.memory_space<vmem>>) target(%dma_start3A_1042 : memref<50176x32xf32, #tpu.memory_space<vmem_shared>>) offsets(%dma_start3A_1039 : memref<128xi32, #tpu.memory_space<vmem>>) semaphore(%arg20 : memref<!tpu.dma_semaphore, #tpu.memory_space<semaphore_mem>>) {add = true}
      %dma_start3A_1043 = arith.constant 0 : i32
      %dma_start3A_1044 = arith.constant 0 : i32
      %dma_start3A_1045 = tpu.memref_slice %arg16[%add3A_582, %dma_start3A_1043, %dma_start3A_1044] : memref<6x128x32xf32, #tpu.memory_space<vmem>> -> memref<1x128x32xf32, #tpu.memory_space<vmem>>
      %dma_start3A_1046 = tpu.memref_squeeze %dma_start3A_1045 : memref<1x128x32xf32, #tpu.memory_space<vmem>> -> memref<128x32xf32, #tpu.memory_space<vmem>>
      %dma_start3A_1047 = arith.constant 0 : i32
      %dma_start3A_1048 = tpu.memref_slice %arg14[%and3A_576, %dma_start3A_1047] : memref<2x128xi32, #tpu.memory_space<vmem>> -> memref<1x128xi32, #tpu.memory_space<vmem>>
      %dma_start3A_1049 = tpu.memref_squeeze %dma_start3A_1048 : memref<1x128xi32, #tpu.memory_space<vmem>> -> memref<128xi32, #tpu.memory_space<vmem>>
      %dma_start3A_1050 = arith.constant 0 : i32
      %dma_start3A_1051 = arith.constant 0 : i32
      %dma_start3A_1052 = tpu.memref_slice %arg8[%dma_start3A_1050, %dma_start3A_1051] : memref<50176x32xf32, #tpu.memory_space<vmem_shared>> -> memref<50176x32xf32, #tpu.memory_space<vmem_shared>>
      tpu.enqueue_indirect_dma source(%dma_start3A_1046 : memref<128x32xf32, #tpu.memory_space<vmem>>) target(%dma_start3A_1052 : memref<50176x32xf32, #tpu.memory_space<vmem_shared>>) offsets(%dma_start3A_1049 : memref<128xi32, #tpu.memory_space<vmem>>) semaphore(%arg20 : memref<!tpu.dma_semaphore, #tpu.memory_space<semaphore_mem>>) {add = true}
      %while3A_1053 = arith.constant 0 : i32
      scf.yield %while3A_1053 : i32
    }
    %sub3A_213 = arith.constant 1 : i32
    %sub3A_214 = arith.subi %select_n3A_81, %sub3A_213 : i32
    %and3A_215 = arith.constant 1 : i32
    %and3A_216 = arith.andi %sub3A_214, %and3A_215 : i32
    %mul3A_217 = arith.constant 2 : i32
    %mul3A_218 = arith.muli %mul3A_217, %and3A_216 : i32
    %mul3A_219 = arith.constant 2 : i32
    %mul3A_220 = arith.muli %mul3A_219, %and3A_216 : i32
    %add3A_221 = arith.constant 1 : i32
    %add3A_222 = arith.addi %mul3A_220, %add3A_221 : i32
    %dma_wait3A = arith.constant 0 : i32
    %dma_wait3A_223 = arith.constant 0 : i32
    %dma_wait3A_224 = tpu.memref_slice %arg16[%mul3A_218, %dma_wait3A, %dma_wait3A_223] : memref<6x128x32xf32, #tpu.memory_space<vmem>> -> memref<1x128x32xf32, #tpu.memory_space<vmem>>
    %dma_wait3A_225 = tpu.memref_squeeze %dma_wait3A_224 : memref<1x128x32xf32, #tpu.memory_space<vmem>> -> memref<128x32xf32, #tpu.memory_space<vmem>>
    %dma_wait3A_226 = arith.constant 0 : i32
    %dma_wait3A_227 = tpu.memref_slice %arg14[%and3A_216, %dma_wait3A_226] : memref<2x128xi32, #tpu.memory_space<vmem>> -> memref<1x128xi32, #tpu.memory_space<vmem>>
    %dma_wait3A_228 = tpu.memref_squeeze %dma_wait3A_227 : memref<1x128xi32, #tpu.memory_space<vmem>> -> memref<128xi32, #tpu.memory_space<vmem>>
    %dma_wait3A_229 = arith.constant 0 : i32
    %dma_wait3A_230 = arith.constant 0 : i32
    %dma_wait3A_231 = tpu.memref_slice %arg8[%dma_wait3A_229, %dma_wait3A_230] : memref<50176x32xf32, #tpu.memory_space<vmem_shared>> -> memref<50176x32xf32, #tpu.memory_space<vmem_shared>>
    tpu.wait_indirect_dma semaphore(%arg20 : memref<!tpu.dma_semaphore, #tpu.memory_space<semaphore_mem>>) src(%dma_wait3A_225 : memref<128x32xf32, #tpu.memory_space<vmem>>) dst(%dma_wait3A_231 : memref<50176x32xf32, #tpu.memory_space<vmem_shared>>)
    %dma_wait3A_232 = arith.constant 0 : i32
    %dma_wait3A_233 = arith.constant 0 : i32
    %dma_wait3A_234 = tpu.memref_slice %arg16[%add3A_222, %dma_wait3A_232, %dma_wait3A_233] : memref<6x128x32xf32, #tpu.memory_space<vmem>> -> memref<1x128x32xf32, #tpu.memory_space<vmem>>
    %dma_wait3A_235 = tpu.memref_squeeze %dma_wait3A_234 : memref<1x128x32xf32, #tpu.memory_space<vmem>> -> memref<128x32xf32, #tpu.memory_space<vmem>>
    %dma_wait3A_236 = arith.constant 0 : i32
    %dma_wait3A_237 = tpu.memref_slice %arg14[%and3A_216, %dma_wait3A_236] : memref<2x128xi32, #tpu.memory_space<vmem>> -> memref<1x128xi32, #tpu.memory_space<vmem>>
    %dma_wait3A_238 = tpu.memref_squeeze %dma_wait3A_237 : memref<1x128xi32, #tpu.memory_space<vmem>> -> memref<128xi32, #tpu.memory_space<vmem>>
    %dma_wait3A_239 = arith.constant 0 : i32
    %dma_wait3A_240 = arith.constant 0 : i32
    %dma_wait3A_241 = tpu.memref_slice %arg8[%dma_wait3A_239, %dma_wait3A_240] : memref<50176x32xf32, #tpu.memory_space<vmem_shared>> -> memref<50176x32xf32, #tpu.memory_space<vmem_shared>>
    tpu.wait_indirect_dma semaphore(%arg20 : memref<!tpu.dma_semaphore, #tpu.memory_space<semaphore_mem>>) src(%dma_wait3A_235 : memref<128x32xf32, #tpu.memory_space<vmem>>) dst(%dma_wait3A_241 : memref<50176x32xf32, #tpu.memory_space<vmem_shared>>)
    %eq3A = arith.constant 0 : i32
    %eq3A_242 = arith.cmpi eq, %arg1, %eq3A : i32
    %convert_element_type3A = arith.extui %eq3A_242 : i1 to i32
    %cond3A = arith.constant 0 : i32
    %cond3A_243 = arith.cmpi ne, %convert_element_type3A, %cond3A : i32
    scf.if %cond3A_243 {
      %add3A_570 = arith.constant 49920 : i32
      %add3A_571 = vector.broadcast %add3A_570 : i32 to vector<16xi32>
      %add3A_572 = arith.addi %add3A_571, %iota3A : vector<16xi32>
      %swap3A = arith.constant 0 : index
      %swap3A_573 = tpu.vector_load %arg15[%swap3A] {strides = array<i32>} : memref<80xi32, #tpu.memory_space<vmem>>, vector<16xi32>,
      %swap3A_574 = vector.shape_cast %swap3A_573 : vector<16xi32> to vector<16xi32>
      %swap3A_575 = vector.shape_cast %add3A_572 : vector<16xi32> to vector<16xi32>
      tpu.vector_store %arg15[%swap3A], %swap3A_575 {strides = array<i32>} : memref<80xi32, #tpu.memory_space<vmem>>, vector<16xi32>,
      %add3A_576 = arith.constant 49936 : i32
      %add3A_577 = vector.broadcast %add3A_576 : i32 to vector<16xi32>
      %add3A_578 = arith.addi %add3A_577, %iota3A : vector<16xi32>
      %swap3A_579 = arith.constant 16 : index
      %swap3A_580 = tpu.vector_load %arg15[%swap3A_579] {strides = array<i32>} : memref<80xi32, #tpu.memory_space<vmem>>, vector<16xi32>,
      %swap3A_581 = vector.shape_cast %swap3A_580 : vector<16xi32> to vector<16xi32>
      %swap3A_582 = vector.shape_cast %add3A_578 : vector<16xi32> to vector<16xi32>
      tpu.vector_store %arg15[%swap3A_579], %swap3A_582 {strides = array<i32>} : memref<80xi32, #tpu.memory_space<vmem>>, vector<16xi32>,
      %add3A_583 = arith.constant 49952 : i32
      %add3A_584 = vector.broadcast %add3A_583 : i32 to vector<16xi32>
      %add3A_585 = arith.addi %add3A_584, %iota3A : vector<16xi32>
      %swap3A_586 = arith.constant 32 : index
      %swap3A_587 = tpu.vector_load %arg15[%swap3A_586] {strides = array<i32>} : memref<80xi32, #tpu.memory_space<vmem>>, vector<16xi32>,
      %swap3A_588 = vector.shape_cast %swap3A_587 : vector<16xi32> to vector<16xi32>
      %swap3A_589 = vector.shape_cast %add3A_585 : vector<16xi32> to vector<16xi32>
      tpu.vector_store %arg15[%swap3A_586], %swap3A_589 {strides = array<i32>} : memref<80xi32, #tpu.memory_space<vmem>>, vector<16xi32>,
      %add3A_590 = arith.constant 49968 : i32
      %add3A_591 = vector.broadcast %add3A_590 : i32 to vector<16xi32>
      %add3A_592 = arith.addi %add3A_591, %iota3A : vector<16xi32>
      %swap3A_593 = arith.constant 48 : index
      %swap3A_594 = tpu.vector_load %arg15[%swap3A_593] {strides = array<i32>} : memref<80xi32, #tpu.memory_space<vmem>>, vector<16xi32>,
      %swap3A_595 = vector.shape_cast %swap3A_594 : vector<16xi32> to vector<16xi32>
      %swap3A_596 = vector.shape_cast %add3A_592 : vector<16xi32> to vector<16xi32>
      tpu.vector_store %arg15[%swap3A_593], %swap3A_596 {strides = array<i32>} : memref<80xi32, #tpu.memory_space<vmem>>, vector<16xi32>,
      %add3A_597 = arith.constant 49984 : i32
      %add3A_598 = vector.broadcast %add3A_597 : i32 to vector<16xi32>
      %add3A_599 = arith.addi %add3A_598, %iota3A : vector<16xi32>
      %swap3A_600 = arith.constant 64 : index
      %swap3A_601 = tpu.vector_load %arg15[%swap3A_600] {strides = array<i32>} : memref<80xi32, #tpu.memory_space<vmem>>, vector<16xi32>,
      %swap3A_602 = vector.shape_cast %swap3A_601 : vector<16xi32> to vector<16xi32>
      %swap3A_603 = vector.shape_cast %add3A_599 : vector<16xi32> to vector<16xi32>
      tpu.vector_store %arg15[%swap3A_600], %swap3A_603 {strides = array<i32>} : memref<80xi32, #tpu.memory_space<vmem>>, vector<16xi32>,
      %add3A_604 = arith.constant 49920 : i32
      %add3A_605 = arith.addi %mul3A_0, %add3A_604 : i32
      %add3A_606 = arith.constant 0 : i32
      %add3A_607 = arith.addi %add3A_606, %add3A_605 : i32
      %dma_start3A_608 = arith.constant 0 : i32
      %dma_start3A_609 = arith.constant 0 : i32
      %dma_start3A_610 = arith.constant 0 : i32
      %dma_start3A_611 = tpu.memref_slice %arg10[%dma_start3A_608, %dma_start3A_609, %dma_start3A_610] : memref<2x8x128xi32, #tpu.memory_space<vmem>> -> memref<1x1x80xi32, #tpu.memory_space<vmem>>
      %dma_start3A_612 = tpu.memref_squeeze %dma_start3A_611 : memref<1x1x80xi32, #tpu.memory_space<vmem>> -> memref<80xi32, #tpu.memory_space<vmem>>
      %dma_start3A_613 = tpu.memref_slice %arg4[%add3A_607] : memref<800000xi32, #tpu.memory_space<hbm>> -> memref<80xi32, #tpu.memory_space<hbm>>
      %dma_start3A_614 = arith.constant 0 : i32
      %dma_start3A_615 = tpu.memref_slice %arg10[%dma_start3A_608, %dma_start3A_609, %dma_start3A_614] : memref<2x8x128xi32, #tpu.memory_space<vmem>> -> memref<1x1x80xi32, #tpu.memory_space<vmem>>
      %dma_start3A_616 = tpu.memref_squeeze %dma_start3A_615 : memref<1x1x80xi32, #tpu.memory_space<vmem>> -> memref<80xi32, #tpu.memory_space<vmem>>
      %dma_start3A_617 = tpu.memref_slice %arg4[%add3A_607] : memref<800000xi32, #tpu.memory_space<hbm>> -> memref<80xi32, #tpu.memory_space<hbm>>
      tpu.enqueue_dma source(%dma_start3A_617 : memref<80xi32, #tpu.memory_space<hbm>>) target(%dma_start3A_616 : memref<80xi32, #tpu.memory_space<vmem>>) target_semaphore(%arg17 : memref<!tpu.dma_semaphore, #tpu.memory_space<semaphore_mem>>)
      %add3A_618 = arith.constant 100000 : i32
      %add3A_619 = arith.addi %add3A_618, %add3A_605 : i32
      %dma_start3A_620 = arith.constant 0 : i32
      %dma_start3A_621 = arith.constant 1 : i32
      %dma_start3A_622 = arith.constant 0 : i32
      %dma_start3A_623 = tpu.memref_slice %arg10[%dma_start3A_620, %dma_start3A_621, %dma_start3A_622] : memref<2x8x128xi32, #tpu.memory_space<vmem>> -> memref<1x1x80xi32, #tpu.memory_space<vmem>>
      %dma_start3A_624 = tpu.memref_squeeze %dma_start3A_623 : memref<1x1x80xi32, #tpu.memory_space<vmem>> -> memref<80xi32, #tpu.memory_space<vmem>>
      %dma_start3A_625 = tpu.memref_slice %arg4[%add3A_619] : memref<800000xi32, #tpu.memory_space<hbm>> -> memref<80xi32, #tpu.memory_space<hbm>>
      %dma_start3A_626 = arith.constant 0 : i32
      %dma_start3A_627 = tpu.memref_slice %arg10[%dma_start3A_620, %dma_start3A_621, %dma_start3A_626] : memref<2x8x128xi32, #tpu.memory_space<vmem>> -> memref<1x1x80xi32, #tpu.memory_space<vmem>>
      %dma_start3A_628 = tpu.memref_squeeze %dma_start3A_627 : memref<1x1x80xi32, #tpu.memory_space<vmem>> -> memref<80xi32, #tpu.memory_space<vmem>>
      %dma_start3A_629 = tpu.memref_slice %arg4[%add3A_619] : memref<800000xi32, #tpu.memory_space<hbm>> -> memref<80xi32, #tpu.memory_space<hbm>>
      tpu.enqueue_dma source(%dma_start3A_629 : memref<80xi32, #tpu.memory_space<hbm>>) target(%dma_start3A_628 : memref<80xi32, #tpu.memory_space<vmem>>) target_semaphore(%arg17 : memref<!tpu.dma_semaphore, #tpu.memory_space<semaphore_mem>>)
      %add3A_630 = arith.constant 200000 : i32
      %add3A_631 = arith.addi %add3A_630, %add3A_605 : i32
      %dma_start3A_632 = arith.constant 0 : i32
      %dma_start3A_633 = arith.constant 2 : i32
      %dma_start3A_634 = arith.constant 0 : i32
      %dma_start3A_635 = tpu.memref_slice %arg10[%dma_start3A_632, %dma_start3A_633, %dma_start3A_634] : memref<2x8x128xi32, #tpu.memory_space<vmem>> -> memref<1x1x80xi32, #tpu.memory_space<vmem>>
      %dma_start3A_636 = tpu.memref_squeeze %dma_start3A_635 : memref<1x1x80xi32, #tpu.memory_space<vmem>> -> memref<80xi32, #tpu.memory_space<vmem>>
      %dma_start3A_637 = tpu.memref_slice %arg4[%add3A_631] : memref<800000xi32, #tpu.memory_space<hbm>> -> memref<80xi32, #tpu.memory_space<hbm>>
      %dma_start3A_638 = arith.constant 0 : i32
      %dma_start3A_639 = tpu.memref_slice %arg10[%dma_start3A_632, %dma_start3A_633, %dma_start3A_638] : memref<2x8x128xi32, #tpu.memory_space<vmem>> -> memref<1x1x80xi32, #tpu.memory_space<vmem>>
      %dma_start3A_640 = tpu.memref_squeeze %dma_start3A_639 : memref<1x1x80xi32, #tpu.memory_space<vmem>> -> memref<80xi32, #tpu.memory_space<vmem>>
      %dma_start3A_641 = tpu.memref_slice %arg4[%add3A_631] : memref<800000xi32, #tpu.memory_space<hbm>> -> memref<80xi32, #tpu.memory_space<hbm>>
      tpu.enqueue_dma source(%dma_start3A_641 : memref<80xi32, #tpu.memory_space<hbm>>) target(%dma_start3A_640 : memref<80xi32, #tpu.memory_space<vmem>>) target_semaphore(%arg17 : memref<!tpu.dma_semaphore, #tpu.memory_space<semaphore_mem>>)
      %add3A_642 = arith.constant 300000 : i32
      %add3A_643 = arith.addi %add3A_642, %add3A_605 : i32
      %dma_start3A_644 = arith.constant 0 : i32
      %dma_start3A_645 = arith.constant 3 : i32
      %dma_start3A_646 = arith.constant 0 : i32
      %dma_start3A_647 = tpu.memref_slice %arg10[%dma_start3A_644, %dma_start3A_645, %dma_start3A_646] : memref<2x8x128xi32, #tpu.memory_space<vmem>> -> memref<1x1x80xi32, #tpu.memory_space<vmem>>
      %dma_start3A_648 = tpu.memref_squeeze %dma_start3A_647 : memref<1x1x80xi32, #tpu.memory_space<vmem>> -> memref<80xi32, #tpu.memory_space<vmem>>
      %dma_start3A_649 = tpu.memref_slice %arg4[%add3A_643] : memref<800000xi32, #tpu.memory_space<hbm>> -> memref<80xi32, #tpu.memory_space<hbm>>
      %dma_start3A_650 = arith.constant 0 : i32
      %dma_start3A_651 = tpu.memref_slice %arg10[%dma_start3A_644, %dma_start3A_645, %dma_start3A_650] : memref<2x8x128xi32, #tpu.memory_space<vmem>> -> memref<1x1x80xi32, #tpu.memory_space<vmem>>
      %dma_start3A_652 = tpu.memref_squeeze %dma_start3A_651 : memref<1x1x80xi32, #tpu.memory_space<vmem>> -> memref<80xi32, #tpu.memory_space<vmem>>
      %dma_start3A_653 = tpu.memref_slice %arg4[%add3A_643] : memref<800000xi32, #tpu.memory_space<hbm>> -> memref<80xi32, #tpu.memory_space<hbm>>
      tpu.enqueue_dma source(%dma_start3A_653 : memref<80xi32, #tpu.memory_space<hbm>>) target(%dma_start3A_652 : memref<80xi32, #tpu.memory_space<vmem>>) target_semaphore(%arg17 : memref<!tpu.dma_semaphore, #tpu.memory_space<semaphore_mem>>)
      %add3A_654 = arith.constant 400000 : i32
      %add3A_655 = arith.addi %add3A_654, %add3A_605 : i32
      %dma_start3A_656 = arith.constant 0 : i32
      %dma_start3A_657 = arith.constant 4 : i32
      %dma_start3A_658 = arith.constant 0 : i32
      %dma_start3A_659 = tpu.memref_slice %arg10[%dma_start3A_656, %dma_start3A_657, %dma_start3A_658] : memref<2x8x128xi32, #tpu.memory_space<vmem>> -> memref<1x1x80xi32, #tpu.memory_space<vmem>>
      %dma_start3A_660 = tpu.memref_squeeze %dma_start3A_659 : memref<1x1x80xi32, #tpu.memory_space<vmem>> -> memref<80xi32, #tpu.memory_space<vmem>>
      %dma_start3A_661 = tpu.memref_slice %arg4[%add3A_655] : memref<800000xi32, #tpu.memory_space<hbm>> -> memref<80xi32, #tpu.memory_space<hbm>>
      %dma_start3A_662 = arith.constant 0 : i32
      %dma_start3A_663 = tpu.memref_slice %arg10[%dma_start3A_656, %dma_start3A_657, %dma_start3A_662] : memref<2x8x128xi32, #tpu.memory_space<vmem>> -> memref<1x1x80xi32, #tpu.memory_space<vmem>>
      %dma_start3A_664 = tpu.memref_squeeze %dma_start3A_663 : memref<1x1x80xi32, #tpu.memory_space<vmem>> -> memref<80xi32, #tpu.memory_space<vmem>>
      %dma_start3A_665 = tpu.memref_slice %arg4[%add3A_655] : memref<800000xi32, #tpu.memory_space<hbm>> -> memref<80xi32, #tpu.memory_space<hbm>>
      tpu.enqueue_dma source(%dma_start3A_665 : memref<80xi32, #tpu.memory_space<hbm>>) target(%dma_start3A_664 : memref<80xi32, #tpu.memory_space<vmem>>) target_semaphore(%arg17 : memref<!tpu.dma_semaphore, #tpu.memory_space<semaphore_mem>>)
      %add3A_666 = arith.constant 500000 : i32
      %add3A_667 = arith.addi %add3A_666, %add3A_605 : i32
      %dma_start3A_668 = arith.constant 0 : i32
      %dma_start3A_669 = arith.constant 5 : i32
      %dma_start3A_670 = arith.constant 0 : i32
      %dma_start3A_671 = tpu.memref_slice %arg10[%dma_start3A_668, %dma_start3A_669, %dma_start3A_670] : memref<2x8x128xi32, #tpu.memory_space<vmem>> -> memref<1x1x80xi32, #tpu.memory_space<vmem>>
      %dma_start3A_672 = tpu.memref_squeeze %dma_start3A_671 : memref<1x1x80xi32, #tpu.memory_space<vmem>> -> memref<80xi32, #tpu.memory_space<vmem>>
      %dma_start3A_673 = tpu.memref_slice %arg4[%add3A_667] : memref<800000xi32, #tpu.memory_space<hbm>> -> memref<80xi32, #tpu.memory_space<hbm>>
      %dma_start3A_674 = arith.constant 0 : i32
      %dma_start3A_675 = tpu.memref_slice %arg10[%dma_start3A_668, %dma_start3A_669, %dma_start3A_674] : memref<2x8x128xi32, #tpu.memory_space<vmem>> -> memref<1x1x80xi32, #tpu.memory_space<vmem>>
      %dma_start3A_676 = tpu.memref_squeeze %dma_start3A_675 : memref<1x1x80xi32, #tpu.memory_space<vmem>> -> memref<80xi32, #tpu.memory_space<vmem>>
      %dma_start3A_677 = tpu.memref_slice %arg4[%add3A_667] : memref<800000xi32, #tpu.memory_space<hbm>> -> memref<80xi32, #tpu.memory_space<hbm>>
      tpu.enqueue_dma source(%dma_start3A_677 : memref<80xi32, #tpu.memory_space<hbm>>) target(%dma_start3A_676 : memref<80xi32, #tpu.memory_space<vmem>>) target_semaphore(%arg17 : memref<!tpu.dma_semaphore, #tpu.memory_space<semaphore_mem>>)
      %add3A_678 = arith.constant 600000 : i32
      %add3A_679 = arith.addi %add3A_678, %add3A_605 : i32
      %dma_start3A_680 = arith.constant 0 : i32
      %dma_start3A_681 = arith.constant 6 : i32
      %dma_start3A_682 = arith.constant 0 : i32
      %dma_start3A_683 = tpu.memref_slice %arg10[%dma_start3A_680, %dma_start3A_681, %dma_start3A_682] : memref<2x8x128xi32, #tpu.memory_space<vmem>> -> memref<1x1x80xi32, #tpu.memory_space<vmem>>
      %dma_start3A_684 = tpu.memref_squeeze %dma_start3A_683 : memref<1x1x80xi32, #tpu.memory_space<vmem>> -> memref<80xi32, #tpu.memory_space<vmem>>
      %dma_start3A_685 = tpu.memref_slice %arg4[%add3A_679] : memref<800000xi32, #tpu.memory_space<hbm>> -> memref<80xi32, #tpu.memory_space<hbm>>
      %dma_start3A_686 = arith.constant 0 : i32
      %dma_start3A_687 = tpu.memref_slice %arg10[%dma_start3A_680, %dma_start3A_681, %dma_start3A_686] : memref<2x8x128xi32, #tpu.memory_space<vmem>> -> memref<1x1x80xi32, #tpu.memory_space<vmem>>
      %dma_start3A_688 = tpu.memref_squeeze %dma_start3A_687 : memref<1x1x80xi32, #tpu.memory_space<vmem>> -> memref<80xi32, #tpu.memory_space<vmem>>
      %dma_start3A_689 = tpu.memref_slice %arg4[%add3A_679] : memref<800000xi32, #tpu.memory_space<hbm>> -> memref<80xi32, #tpu.memory_space<hbm>>
      tpu.enqueue_dma source(%dma_start3A_689 : memref<80xi32, #tpu.memory_space<hbm>>) target(%dma_start3A_688 : memref<80xi32, #tpu.memory_space<vmem>>) target_semaphore(%arg17 : memref<!tpu.dma_semaphore, #tpu.memory_space<semaphore_mem>>)
      %add3A_690 = arith.constant 700000 : i32
      %add3A_691 = arith.addi %add3A_690, %add3A_605 : i32
      %dma_start3A_692 = arith.constant 0 : i32
      %dma_start3A_693 = arith.constant 7 : i32
      %dma_start3A_694 = arith.constant 0 : i32
      %dma_start3A_695 = tpu.memref_slice %arg10[%dma_start3A_692, %dma_start3A_693, %dma_start3A_694] : memref<2x8x128xi32, #tpu.memory_space<vmem>> -> memref<1x1x80xi32, #tpu.memory_space<vmem>>
      %dma_start3A_696 = tpu.memref_squeeze %dma_start3A_695 : memref<1x1x80xi32, #tpu.memory_space<vmem>> -> memref<80xi32, #tpu.memory_space<vmem>>
      %dma_start3A_697 = tpu.memref_slice %arg4[%add3A_691] : memref<800000xi32, #tpu.memory_space<hbm>> -> memref<80xi32, #tpu.memory_space<hbm>>
      %dma_start3A_698 = arith.constant 0 : i32
      %dma_start3A_699 = tpu.memref_slice %arg10[%dma_start3A_692, %dma_start3A_693, %dma_start3A_698] : memref<2x8x128xi32, #tpu.memory_space<vmem>> -> memref<1x1x80xi32, #tpu.memory_space<vmem>>
      %dma_start3A_700 = tpu.memref_squeeze %dma_start3A_699 : memref<1x1x80xi32, #tpu.memory_space<vmem>> -> memref<80xi32, #tpu.memory_space<vmem>>
      %dma_start3A_701 = tpu.memref_slice %arg4[%add3A_691] : memref<800000xi32, #tpu.memory_space<hbm>> -> memref<80xi32, #tpu.memory_space<hbm>>
      tpu.enqueue_dma source(%dma_start3A_701 : memref<80xi32, #tpu.memory_space<hbm>>) target(%dma_start3A_700 : memref<80xi32, #tpu.memory_space<vmem>>) target_semaphore(%arg17 : memref<!tpu.dma_semaphore, #tpu.memory_space<semaphore_mem>>)
      %dma_wait3A_702 = arith.constant 0 : i32
      %dma_wait3A_703 = arith.constant 0 : i32
      %dma_wait3A_704 = arith.constant 0 : i32
      %dma_wait3A_705 = tpu.memref_slice %arg10[%dma_wait3A_702, %dma_wait3A_703, %dma_wait3A_704] : memref<2x8x128xi32, #tpu.memory_space<vmem>> -> memref<1x1x80xi32, #tpu.memory_space<vmem>>
      %dma_wait3A_706 = tpu.memref_squeeze %dma_wait3A_705 : memref<1x1x80xi32, #tpu.memory_space<vmem>> -> memref<80xi32, #tpu.memory_space<vmem>>
      %dma_wait3A_707 = tpu.memref_slice %arg4[%add3A_607] : memref<800000xi32, #tpu.memory_space<hbm>> -> memref<80xi32, #tpu.memory_space<hbm>>
      %dma_wait3A_708 = arith.constant 0 : i32
      %dma_wait3A_709 = tpu.memref_slice %arg10[%dma_wait3A_702, %dma_wait3A_703, %dma_wait3A_708] : memref<2x8x128xi32, #tpu.memory_space<vmem>> -> memref<1x1x80xi32, #tpu.memory_space<vmem>>
      %dma_wait3A_710 = tpu.memref_squeeze %dma_wait3A_709 : memref<1x1x80xi32, #tpu.memory_space<vmem>> -> memref<80xi32, #tpu.memory_space<vmem>>
      %dma_wait3A_711 = tpu.memref_slice %arg4[%add3A_607] : memref<800000xi32, #tpu.memory_space<hbm>> -> memref<80xi32, #tpu.memory_space<hbm>>
      tpu.wait_dma2 semaphore(%arg17 : memref<!tpu.dma_semaphore, #tpu.memory_space<semaphore_mem>>) src(%dma_wait3A_711 : memref<80xi32, #tpu.memory_space<hbm>>) dst(%dma_wait3A_710 : memref<80xi32, #tpu.memory_space<vmem>>)
      %dma_wait3A_712 = arith.constant 0 : i32
      %dma_wait3A_713 = arith.constant 1 : i32
      %dma_wait3A_714 = arith.constant 0 : i32
      %dma_wait3A_715 = tpu.memref_slice %arg10[%dma_wait3A_712, %dma_wait3A_713, %dma_wait3A_714] : memref<2x8x128xi32, #tpu.memory_space<vmem>> -> memref<1x1x80xi32, #tpu.memory_space<vmem>>
      %dma_wait3A_716 = tpu.memref_squeeze %dma_wait3A_715 : memref<1x1x80xi32, #tpu.memory_space<vmem>> -> memref<80xi32, #tpu.memory_space<vmem>>
      %dma_wait3A_717 = tpu.memref_slice %arg4[%add3A_619] : memref<800000xi32, #tpu.memory_space<hbm>> -> memref<80xi32, #tpu.memory_space<hbm>>
      %dma_wait3A_718 = arith.constant 0 : i32
      %dma_wait3A_719 = tpu.memref_slice %arg10[%dma_wait3A_712, %dma_wait3A_713, %dma_wait3A_718] : memref<2x8x128xi32, #tpu.memory_space<vmem>> -> memref<1x1x80xi32, #tpu.memory_space<vmem>>
      %dma_wait3A_720 = tpu.memref_squeeze %dma_wait3A_719 : memref<1x1x80xi32, #tpu.memory_space<vmem>> -> memref<80xi32, #tpu.memory_space<vmem>>
      %dma_wait3A_721 = tpu.memref_slice %arg4[%add3A_619] : memref<800000xi32, #tpu.memory_space<hbm>> -> memref<80xi32, #tpu.memory_space<hbm>>
      tpu.wait_dma2 semaphore(%arg17 : memref<!tpu.dma_semaphore, #tpu.memory_space<semaphore_mem>>) src(%dma_wait3A_721 : memref<80xi32, #tpu.memory_space<hbm>>) dst(%dma_wait3A_720 : memref<80xi32, #tpu.memory_space<vmem>>)
      %dma_wait3A_722 = arith.constant 0 : i32
      %dma_wait3A_723 = arith.constant 2 : i32
      %dma_wait3A_724 = arith.constant 0 : i32
      %dma_wait3A_725 = tpu.memref_slice %arg10[%dma_wait3A_722, %dma_wait3A_723, %dma_wait3A_724] : memref<2x8x128xi32, #tpu.memory_space<vmem>> -> memref<1x1x80xi32, #tpu.memory_space<vmem>>
      %dma_wait3A_726 = tpu.memref_squeeze %dma_wait3A_725 : memref<1x1x80xi32, #tpu.memory_space<vmem>> -> memref<80xi32, #tpu.memory_space<vmem>>
      %dma_wait3A_727 = tpu.memref_slice %arg4[%add3A_631] : memref<800000xi32, #tpu.memory_space<hbm>> -> memref<80xi32, #tpu.memory_space<hbm>>
      %dma_wait3A_728 = arith.constant 0 : i32
      %dma_wait3A_729 = tpu.memref_slice %arg10[%dma_wait3A_722, %dma_wait3A_723, %dma_wait3A_728] : memref<2x8x128xi32, #tpu.memory_space<vmem>> -> memref<1x1x80xi32, #tpu.memory_space<vmem>>
      %dma_wait3A_730 = tpu.memref_squeeze %dma_wait3A_729 : memref<1x1x80xi32, #tpu.memory_space<vmem>> -> memref<80xi32, #tpu.memory_space<vmem>>
      %dma_wait3A_731 = tpu.memref_slice %arg4[%add3A_631] : memref<800000xi32, #tpu.memory_space<hbm>> -> memref<80xi32, #tpu.memory_space<hbm>>
      tpu.wait_dma2 semaphore(%arg17 : memref<!tpu.dma_semaphore, #tpu.memory_space<semaphore_mem>>) src(%dma_wait3A_731 : memref<80xi32, #tpu.memory_space<hbm>>) dst(%dma_wait3A_730 : memref<80xi32, #tpu.memory_space<vmem>>)
      %dma_wait3A_732 = arith.constant 0 : i32
      %dma_wait3A_733 = arith.constant 3 : i32
      %dma_wait3A_734 = arith.constant 0 : i32
      %dma_wait3A_735 = tpu.memref_slice %arg10[%dma_wait3A_732, %dma_wait3A_733, %dma_wait3A_734] : memref<2x8x128xi32, #tpu.memory_space<vmem>> -> memref<1x1x80xi32, #tpu.memory_space<vmem>>
      %dma_wait3A_736 = tpu.memref_squeeze %dma_wait3A_735 : memref<1x1x80xi32, #tpu.memory_space<vmem>> -> memref<80xi32, #tpu.memory_space<vmem>>
      %dma_wait3A_737 = tpu.memref_slice %arg4[%add3A_643] : memref<800000xi32, #tpu.memory_space<hbm>> -> memref<80xi32, #tpu.memory_space<hbm>>
      %dma_wait3A_738 = arith.constant 0 : i32
      %dma_wait3A_739 = tpu.memref_slice %arg10[%dma_wait3A_732, %dma_wait3A_733, %dma_wait3A_738] : memref<2x8x128xi32, #tpu.memory_space<vmem>> -> memref<1x1x80xi32, #tpu.memory_space<vmem>>
      %dma_wait3A_740 = tpu.memref_squeeze %dma_wait3A_739 : memref<1x1x80xi32, #tpu.memory_space<vmem>> -> memref<80xi32, #tpu.memory_space<vmem>>
      %dma_wait3A_741 = tpu.memref_slice %arg4[%add3A_643] : memref<800000xi32, #tpu.memory_space<hbm>> -> memref<80xi32, #tpu.memory_space<hbm>>
      tpu.wait_dma2 semaphore(%arg17 : memref<!tpu.dma_semaphore, #tpu.memory_space<semaphore_mem>>) src(%dma_wait3A_741 : memref<80xi32, #tpu.memory_space<hbm>>) dst(%dma_wait3A_740 : memref<80xi32, #tpu.memory_space<vmem>>)
      %dma_wait3A_742 = arith.constant 0 : i32
      %dma_wait3A_743 = arith.constant 4 : i32
      %dma_wait3A_744 = arith.constant 0 : i32
      %dma_wait3A_745 = tpu.memref_slice %arg10[%dma_wait3A_742, %dma_wait3A_743, %dma_wait3A_744] : memref<2x8x128xi32, #tpu.memory_space<vmem>> -> memref<1x1x80xi32, #tpu.memory_space<vmem>>
      %dma_wait3A_746 = tpu.memref_squeeze %dma_wait3A_745 : memref<1x1x80xi32, #tpu.memory_space<vmem>> -> memref<80xi32, #tpu.memory_space<vmem>>
      %dma_wait3A_747 = tpu.memref_slice %arg4[%add3A_655] : memref<800000xi32, #tpu.memory_space<hbm>> -> memref<80xi32, #tpu.memory_space<hbm>>
      %dma_wait3A_748 = arith.constant 0 : i32
      %dma_wait3A_749 = tpu.memref_slice %arg10[%dma_wait3A_742, %dma_wait3A_743, %dma_wait3A_748] : memref<2x8x128xi32, #tpu.memory_space<vmem>> -> memref<1x1x80xi32, #tpu.memory_space<vmem>>
      %dma_wait3A_750 = tpu.memref_squeeze %dma_wait3A_749 : memref<1x1x80xi32, #tpu.memory_space<vmem>> -> memref<80xi32, #tpu.memory_space<vmem>>
      %dma_wait3A_751 = tpu.memref_slice %arg4[%add3A_655] : memref<800000xi32, #tpu.memory_space<hbm>> -> memref<80xi32, #tpu.memory_space<hbm>>
      tpu.wait_dma2 semaphore(%arg17 : memref<!tpu.dma_semaphore, #tpu.memory_space<semaphore_mem>>) src(%dma_wait3A_751 : memref<80xi32, #tpu.memory_space<hbm>>) dst(%dma_wait3A_750 : memref<80xi32, #tpu.memory_space<vmem>>)
      %dma_wait3A_752 = arith.constant 0 : i32
      %dma_wait3A_753 = arith.constant 5 : i32
      %dma_wait3A_754 = arith.constant 0 : i32
      %dma_wait3A_755 = tpu.memref_slice %arg10[%dma_wait3A_752, %dma_wait3A_753, %dma_wait3A_754] : memref<2x8x128xi32, #tpu.memory_space<vmem>> -> memref<1x1x80xi32, #tpu.memory_space<vmem>>
      %dma_wait3A_756 = tpu.memref_squeeze %dma_wait3A_755 : memref<1x1x80xi32, #tpu.memory_space<vmem>> -> memref<80xi32, #tpu.memory_space<vmem>>
      %dma_wait3A_757 = tpu.memref_slice %arg4[%add3A_667] : memref<800000xi32, #tpu.memory_space<hbm>> -> memref<80xi32, #tpu.memory_space<hbm>>
      %dma_wait3A_758 = arith.constant 0 : i32
      %dma_wait3A_759 = tpu.memref_slice %arg10[%dma_wait3A_752, %dma_wait3A_753, %dma_wait3A_758] : memref<2x8x128xi32, #tpu.memory_space<vmem>> -> memref<1x1x80xi32, #tpu.memory_space<vmem>>
      %dma_wait3A_760 = tpu.memref_squeeze %dma_wait3A_759 : memref<1x1x80xi32, #tpu.memory_space<vmem>> -> memref<80xi32, #tpu.memory_space<vmem>>
      %dma_wait3A_761 = tpu.memref_slice %arg4[%add3A_667] : memref<800000xi32, #tpu.memory_space<hbm>> -> memref<80xi32, #tpu.memory_space<hbm>>
      tpu.wait_dma2 semaphore(%arg17 : memref<!tpu.dma_semaphore, #tpu.memory_space<semaphore_mem>>) src(%dma_wait3A_761 : memref<80xi32, #tpu.memory_space<hbm>>) dst(%dma_wait3A_760 : memref<80xi32, #tpu.memory_space<vmem>>)
      %dma_wait3A_762 = arith.constant 0 : i32
      %dma_wait3A_763 = arith.constant 6 : i32
      %dma_wait3A_764 = arith.constant 0 : i32
      %dma_wait3A_765 = tpu.memref_slice %arg10[%dma_wait3A_762, %dma_wait3A_763, %dma_wait3A_764] : memref<2x8x128xi32, #tpu.memory_space<vmem>> -> memref<1x1x80xi32, #tpu.memory_space<vmem>>
      %dma_wait3A_766 = tpu.memref_squeeze %dma_wait3A_765 : memref<1x1x80xi32, #tpu.memory_space<vmem>> -> memref<80xi32, #tpu.memory_space<vmem>>
      %dma_wait3A_767 = tpu.memref_slice %arg4[%add3A_679] : memref<800000xi32, #tpu.memory_space<hbm>> -> memref<80xi32, #tpu.memory_space<hbm>>
      %dma_wait3A_768 = arith.constant 0 : i32
      %dma_wait3A_769 = tpu.memref_slice %arg10[%dma_wait3A_762, %dma_wait3A_763, %dma_wait3A_768] : memref<2x8x128xi32, #tpu.memory_space<vmem>> -> memref<1x1x80xi32, #tpu.memory_space<vmem>>
      %dma_wait3A_770 = tpu.memref_squeeze %dma_wait3A_769 : memref<1x1x80xi32, #tpu.memory_space<vmem>> -> memref<80xi32, #tpu.memory_space<vmem>>
      %dma_wait3A_771 = tpu.memref_slice %arg4[%add3A_679] : memref<800000xi32, #tpu.memory_space<hbm>> -> memref<80xi32, #tpu.memory_space<hbm>>
      tpu.wait_dma2 semaphore(%arg17 : memref<!tpu.dma_semaphore, #tpu.memory_space<semaphore_mem>>) src(%dma_wait3A_771 : memref<80xi32, #tpu.memory_space<hbm>>) dst(%dma_wait3A_770 : memref<80xi32, #tpu.memory_space<vmem>>)
      %dma_wait3A_772 = arith.constant 0 : i32
      %dma_wait3A_773 = arith.constant 7 : i32
      %dma_wait3A_774 = arith.constant 0 : i32
      %dma_wait3A_775 = tpu.memref_slice %arg10[%dma_wait3A_772, %dma_wait3A_773, %dma_wait3A_774] : memref<2x8x128xi32, #tpu.memory_space<vmem>> -> memref<1x1x80xi32, #tpu.memory_space<vmem>>
      %dma_wait3A_776 = tpu.memref_squeeze %dma_wait3A_775 : memref<1x1x80xi32, #tpu.memory_space<vmem>> -> memref<80xi32, #tpu.memory_space<vmem>>
      %dma_wait3A_777 = tpu.memref_slice %arg4[%add3A_691] : memref<800000xi32, #tpu.memory_space<hbm>> -> memref<80xi32, #tpu.memory_space<hbm>>
      %dma_wait3A_778 = arith.constant 0 : i32
      %dma_wait3A_779 = tpu.memref_slice %arg10[%dma_wait3A_772, %dma_wait3A_773, %dma_wait3A_778] : memref<2x8x128xi32, #tpu.memory_space<vmem>> -> memref<1x1x80xi32, #tpu.memory_space<vmem>>
      %dma_wait3A_780 = tpu.memref_squeeze %dma_wait3A_779 : memref<1x1x80xi32, #tpu.memory_space<vmem>> -> memref<80xi32, #tpu.memory_space<vmem>>
      %dma_wait3A_781 = tpu.memref_slice %arg4[%add3A_691] : memref<800000xi32, #tpu.memory_space<hbm>> -> memref<80xi32, #tpu.memory_space<hbm>>
      tpu.wait_dma2 semaphore(%arg17 : memref<!tpu.dma_semaphore, #tpu.memory_space<semaphore_mem>>) src(%dma_wait3A_781 : memref<80xi32, #tpu.memory_space<hbm>>) dst(%dma_wait3A_780 : memref<80xi32, #tpu.memory_space<vmem>>)
      %dma_start3A_782 = arith.constant 0 : i32
      %dma_start3A_783 = arith.constant 0 : i32
      %dma_start3A_784 = arith.constant 0 : i32
      %dma_start3A_785 = arith.constant 0 : i32
      %dma_start3A_786 = arith.constant 0 : i32
      %dma_start3A_787 = arith.constant 0 : i32
      %dma_start3A_788 = tpu.memref_slice %arg16[%dma_start3A_785, %dma_start3A_786, %dma_start3A_787] : memref<6x128x32xf32, #tpu.memory_space<vmem>> -> memref<1x80x32xf32, #tpu.memory_space<vmem>>
      %dma_start3A_789 = tpu.memref_squeeze %dma_start3A_788 : memref<1x80x32xf32, #tpu.memory_space<vmem>> -> memref<80x32xf32, #tpu.memory_space<vmem>>
      %dma_start3A_790 = arith.constant 0 : i32
      %dma_start3A_791 = tpu.memref_slice %arg10[%dma_start3A_783, %dma_start3A_784, %dma_start3A_790] : memref<2x8x128xi32, #tpu.memory_space<vmem>> -> memref<1x1x80xi32, #tpu.memory_space<vmem>>
      %dma_start3A_792 = tpu.memref_squeeze %dma_start3A_791 : memref<1x1x80xi32, #tpu.memory_space<vmem>> -> memref<80xi32, #tpu.memory_space<vmem>>
      %dma_start3A_793 = arith.constant 0 : i32
      %dma_start3A_794 = arith.constant 0 : i32
      %dma_start3A_795 = tpu.memref_slice %arg2[%dma_start3A_782, %dma_start3A_793, %dma_start3A_794] : memref<8x100000x32xf32, #tpu.memory_space<hbm>> -> memref<1x100000x32xf32, #tpu.memory_space<hbm>>
      %dma_start3A_796 = tpu.memref_squeeze %dma_start3A_795 : memref<1x100000x32xf32, #tpu.memory_space<hbm>> -> memref<100000x32xf32, #tpu.memory_space<hbm>>
      %dma_start3A_797 = arith.constant 0 : i32
      %dma_start3A_798 = arith.constant 0 : i32
      %dma_start3A_799 = tpu.memref_slice %dma_start3A_796[%dma_start3A_797, %dma_start3A_798] : memref<100000x32xf32, #tpu.memory_space<hbm>> -> memref<100000x32xf32, #tpu.memory_space<hbm>>
      tpu.enqueue_indirect_dma source(%dma_start3A_799 : memref<100000x32xf32, #tpu.memory_space<hbm>>) target(%dma_start3A_789 : memref<80x32xf32, #tpu.memory_space<vmem>>) offsets(%dma_start3A_792 : memref<80xi32, #tpu.memory_space<vmem>>) semaphore(%arg18 : memref<!tpu.dma_semaphore, #tpu.memory_space<semaphore_mem>>)
      %dma_start3A_800 = arith.constant 1 : i32
      %dma_start3A_801 = arith.constant 0 : i32
      %dma_start3A_802 = arith.constant 1 : i32
      %dma_start3A_803 = arith.constant 1 : i32
      %dma_start3A_804 = arith.constant 0 : i32
      %dma_start3A_805 = arith.constant 0 : i32
      %dma_start3A_806 = tpu.memref_slice %arg16[%dma_start3A_803, %dma_start3A_804, %dma_start3A_805] : memref<6x128x32xf32, #tpu.memory_space<vmem>> -> memref<1x80x32xf32, #tpu.memory_space<vmem>>
      %dma_start3A_807 = tpu.memref_squeeze %dma_start3A_806 : memref<1x80x32xf32, #tpu.memory_space<vmem>> -> memref<80x32xf32, #tpu.memory_space<vmem>>
      %dma_start3A_808 = arith.constant 0 : i32
      %dma_start3A_809 = tpu.memref_slice %arg10[%dma_start3A_801, %dma_start3A_802, %dma_start3A_808] : memref<2x8x128xi32, #tpu.memory_space<vmem>> -> memref<1x1x80xi32, #tpu.memory_space<vmem>>
      %dma_start3A_810 = tpu.memref_squeeze %dma_start3A_809 : memref<1x1x80xi32, #tpu.memory_space<vmem>> -> memref<80xi32, #tpu.memory_space<vmem>>
      %dma_start3A_811 = arith.constant 0 : i32
      %dma_start3A_812 = arith.constant 0 : i32
      %dma_start3A_813 = tpu.memref_slice %arg2[%dma_start3A_800, %dma_start3A_811, %dma_start3A_812] : memref<8x100000x32xf32, #tpu.memory_space<hbm>> -> memref<1x100000x32xf32, #tpu.memory_space<hbm>>
      %dma_start3A_814 = tpu.memref_squeeze %dma_start3A_813 : memref<1x100000x32xf32, #tpu.memory_space<hbm>> -> memref<100000x32xf32, #tpu.memory_space<hbm>>
      %dma_start3A_815 = arith.constant 0 : i32
      %dma_start3A_816 = arith.constant 0 : i32
      %dma_start3A_817 = tpu.memref_slice %dma_start3A_814[%dma_start3A_815, %dma_start3A_816] : memref<100000x32xf32, #tpu.memory_space<hbm>> -> memref<100000x32xf32, #tpu.memory_space<hbm>>
      tpu.enqueue_indirect_dma source(%dma_start3A_817 : memref<100000x32xf32, #tpu.memory_space<hbm>>) target(%dma_start3A_807 : memref<80x32xf32, #tpu.memory_space<vmem>>) offsets(%dma_start3A_810 : memref<80xi32, #tpu.memory_space<vmem>>) semaphore(%arg18 : memref<!tpu.dma_semaphore, #tpu.memory_space<semaphore_mem>>)
      %dma_wait3A_818 = arith.constant 0 : i32
      %dma_wait3A_819 = arith.constant 0 : i32
      %dma_wait3A_820 = arith.constant 0 : i32
      %dma_wait3A_821 = arith.constant 0 : i32
      %dma_wait3A_822 = arith.constant 0 : i32
      %dma_wait3A_823 = arith.constant 0 : i32
      %dma_wait3A_824 = tpu.memref_slice %arg16[%dma_wait3A_821, %dma_wait3A_822, %dma_wait3A_823] : memref<6x128x32xf32, #tpu.memory_space<vmem>> -> memref<1x80x32xf32, #tpu.memory_space<vmem>>
      %dma_wait3A_825 = tpu.memref_squeeze %dma_wait3A_824 : memref<1x80x32xf32, #tpu.memory_space<vmem>> -> memref<80x32xf32, #tpu.memory_space<vmem>>
      %dma_wait3A_826 = arith.constant 0 : i32
      %dma_wait3A_827 = tpu.memref_slice %arg10[%dma_wait3A_819, %dma_wait3A_820, %dma_wait3A_826] : memref<2x8x128xi32, #tpu.memory_space<vmem>> -> memref<1x1x80xi32, #tpu.memory_space<vmem>>
      %dma_wait3A_828 = tpu.memref_squeeze %dma_wait3A_827 : memref<1x1x80xi32, #tpu.memory_space<vmem>> -> memref<80xi32, #tpu.memory_space<vmem>>
      %dma_wait3A_829 = arith.constant 0 : i32
      %dma_wait3A_830 = arith.constant 0 : i32
      %dma_wait3A_831 = tpu.memref_slice %arg2[%dma_wait3A_818, %dma_wait3A_829, %dma_wait3A_830] : memref<8x100000x32xf32, #tpu.memory_space<hbm>> -> memref<1x100000x32xf32, #tpu.memory_space<hbm>>
      %dma_wait3A_832 = tpu.memref_squeeze %dma_wait3A_831 : memref<1x100000x32xf32, #tpu.memory_space<hbm>> -> memref<100000x32xf32, #tpu.memory_space<hbm>>
      %dma_wait3A_833 = arith.constant 0 : i32
      %dma_wait3A_834 = arith.constant 0 : i32
      %dma_wait3A_835 = tpu.memref_slice %dma_wait3A_832[%dma_wait3A_833, %dma_wait3A_834] : memref<100000x32xf32, #tpu.memory_space<hbm>> -> memref<100000x32xf32, #tpu.memory_space<hbm>>
      tpu.wait_indirect_dma semaphore(%arg18 : memref<!tpu.dma_semaphore, #tpu.memory_space<semaphore_mem>>) src(%dma_wait3A_835 : memref<100000x32xf32, #tpu.memory_space<hbm>>) dst(%dma_wait3A_825 : memref<80x32xf32, #tpu.memory_space<vmem>>)
      %dma_wait3A_836 = arith.constant 1 : i32
      %dma_wait3A_837 = arith.constant 0 : i32
      %dma_wait3A_838 = arith.constant 1 : i32
      %dma_wait3A_839 = arith.constant 1 : i32
      %dma_wait3A_840 = arith.constant 0 : i32
      %dma_wait3A_841 = arith.constant 0 : i32
      %dma_wait3A_842 = tpu.memref_slice %arg16[%dma_wait3A_839, %dma_wait3A_840, %dma_wait3A_841] : memref<6x128x32xf32, #tpu.memory_space<vmem>> -> memref<1x80x32xf32, #tpu.memory_space<vmem>>
      %dma_wait3A_843 = tpu.memref_squeeze %dma_wait3A_842 : memref<1x80x32xf32, #tpu.memory_space<vmem>> -> memref<80x32xf32, #tpu.memory_space<vmem>>
      %dma_wait3A_844 = arith.constant 0 : i32
      %dma_wait3A_845 = tpu.memref_slice %arg10[%dma_wait3A_837, %dma_wait3A_838, %dma_wait3A_844] : memref<2x8x128xi32, #tpu.memory_space<vmem>> -> memref<1x1x80xi32, #tpu.memory_space<vmem>>
      %dma_wait3A_846 = tpu.memref_squeeze %dma_wait3A_845 : memref<1x1x80xi32, #tpu.memory_space<vmem>> -> memref<80xi32, #tpu.memory_space<vmem>>
      %dma_wait3A_847 = arith.constant 0 : i32
      %dma_wait3A_848 = arith.constant 0 : i32
      %dma_wait3A_849 = tpu.memref_slice %arg2[%dma_wait3A_836, %dma_wait3A_847, %dma_wait3A_848] : memref<8x100000x32xf32, #tpu.memory_space<hbm>> -> memref<1x100000x32xf32, #tpu.memory_space<hbm>>
      %dma_wait3A_850 = tpu.memref_squeeze %dma_wait3A_849 : memref<1x100000x32xf32, #tpu.memory_space<hbm>> -> memref<100000x32xf32, #tpu.memory_space<hbm>>
      %dma_wait3A_851 = arith.constant 0 : i32
      %dma_wait3A_852 = arith.constant 0 : i32
      %dma_wait3A_853 = tpu.memref_slice %dma_wait3A_850[%dma_wait3A_851, %dma_wait3A_852] : memref<100000x32xf32, #tpu.memory_space<hbm>> -> memref<100000x32xf32, #tpu.memory_space<hbm>>
      tpu.wait_indirect_dma semaphore(%arg18 : memref<!tpu.dma_semaphore, #tpu.memory_space<semaphore_mem>>) src(%dma_wait3A_853 : memref<100000x32xf32, #tpu.memory_space<hbm>>) dst(%dma_wait3A_843 : memref<80x32xf32, #tpu.memory_space<vmem>>)
      %dma_start3A_854 = arith.constant 2 : i32
      %dma_start3A_855 = arith.constant 0 : i32
      %dma_start3A_856 = arith.constant 2 : i32
      %dma_start3A_857 = arith.constant 0 : i32
      %dma_start3A_858 = arith.constant 0 : i32
      %dma_start3A_859 = arith.constant 0 : i32
      %dma_start3A_860 = tpu.memref_slice %arg16[%dma_start3A_857, %dma_start3A_858, %dma_start3A_859] : memref<6x128x32xf32, #tpu.memory_space<vmem>> -> memref<1x80x32xf32, #tpu.memory_space<vmem>>
      %dma_start3A_861 = tpu.memref_squeeze %dma_start3A_860 : memref<1x80x32xf32, #tpu.memory_space<vmem>> -> memref<80x32xf32, #tpu.memory_space<vmem>>
      %dma_start3A_862 = arith.constant 0 : i32
      %dma_start3A_863 = tpu.memref_slice %arg10[%dma_start3A_855, %dma_start3A_856, %dma_start3A_862] : memref<2x8x128xi32, #tpu.memory_space<vmem>> -> memref<1x1x80xi32, #tpu.memory_space<vmem>>
      %dma_start3A_864 = tpu.memref_squeeze %dma_start3A_863 : memref<1x1x80xi32, #tpu.memory_space<vmem>> -> memref<80xi32, #tpu.memory_space<vmem>>
      %dma_start3A_865 = arith.constant 0 : i32
      %dma_start3A_866 = arith.constant 0 : i32
      %dma_start3A_867 = tpu.memref_slice %arg2[%dma_start3A_854, %dma_start3A_865, %dma_start3A_866] : memref<8x100000x32xf32, #tpu.memory_space<hbm>> -> memref<1x100000x32xf32, #tpu.memory_space<hbm>>
      %dma_start3A_868 = tpu.memref_squeeze %dma_start3A_867 : memref<1x100000x32xf32, #tpu.memory_space<hbm>> -> memref<100000x32xf32, #tpu.memory_space<hbm>>
      %dma_start3A_869 = arith.constant 0 : i32
      %dma_start3A_870 = arith.constant 0 : i32
      %dma_start3A_871 = tpu.memref_slice %dma_start3A_868[%dma_start3A_869, %dma_start3A_870] : memref<100000x32xf32, #tpu.memory_space<hbm>> -> memref<100000x32xf32, #tpu.memory_space<hbm>>
      tpu.enqueue_indirect_dma source(%dma_start3A_871 : memref<100000x32xf32, #tpu.memory_space<hbm>>) target(%dma_start3A_861 : memref<80x32xf32, #tpu.memory_space<vmem>>) offsets(%dma_start3A_864 : memref<80xi32, #tpu.memory_space<vmem>>) semaphore(%arg18 : memref<!tpu.dma_semaphore, #tpu.memory_space<semaphore_mem>>) {add = true}
      %dma_start3A_872 = arith.constant 3 : i32
      %dma_start3A_873 = arith.constant 0 : i32
      %dma_start3A_874 = arith.constant 3 : i32
      %dma_start3A_875 = arith.constant 1 : i32
      %dma_start3A_876 = arith.constant 0 : i32
      %dma_start3A_877 = arith.constant 0 : i32
      %dma_start3A_878 = tpu.memref_slice %arg16[%dma_start3A_875, %dma_start3A_876, %dma_start3A_877] : memref<6x128x32xf32, #tpu.memory_space<vmem>> -> memref<1x80x32xf32, #tpu.memory_space<vmem>>
      %dma_start3A_879 = tpu.memref_squeeze %dma_start3A_878 : memref<1x80x32xf32, #tpu.memory_space<vmem>> -> memref<80x32xf32, #tpu.memory_space<vmem>>
      %dma_start3A_880 = arith.constant 0 : i32
      %dma_start3A_881 = tpu.memref_slice %arg10[%dma_start3A_873, %dma_start3A_874, %dma_start3A_880] : memref<2x8x128xi32, #tpu.memory_space<vmem>> -> memref<1x1x80xi32, #tpu.memory_space<vmem>>
      %dma_start3A_882 = tpu.memref_squeeze %dma_start3A_881 : memref<1x1x80xi32, #tpu.memory_space<vmem>> -> memref<80xi32, #tpu.memory_space<vmem>>
      %dma_start3A_883 = arith.constant 0 : i32
      %dma_start3A_884 = arith.constant 0 : i32
      %dma_start3A_885 = tpu.memref_slice %arg2[%dma_start3A_872, %dma_start3A_883, %dma_start3A_884] : memref<8x100000x32xf32, #tpu.memory_space<hbm>> -> memref<1x100000x32xf32, #tpu.memory_space<hbm>>
      %dma_start3A_886 = tpu.memref_squeeze %dma_start3A_885 : memref<1x100000x32xf32, #tpu.memory_space<hbm>> -> memref<100000x32xf32, #tpu.memory_space<hbm>>
      %dma_start3A_887 = arith.constant 0 : i32
      %dma_start3A_888 = arith.constant 0 : i32
      %dma_start3A_889 = tpu.memref_slice %dma_start3A_886[%dma_start3A_887, %dma_start3A_888] : memref<100000x32xf32, #tpu.memory_space<hbm>> -> memref<100000x32xf32, #tpu.memory_space<hbm>>
      tpu.enqueue_indirect_dma source(%dma_start3A_889 : memref<100000x32xf32, #tpu.memory_space<hbm>>) target(%dma_start3A_879 : memref<80x32xf32, #tpu.memory_space<vmem>>) offsets(%dma_start3A_882 : memref<80xi32, #tpu.memory_space<vmem>>) semaphore(%arg18 : memref<!tpu.dma_semaphore, #tpu.memory_space<semaphore_mem>>) {add = true}
      %dma_wait3A_890 = arith.constant 2 : i32
      %dma_wait3A_891 = arith.constant 0 : i32
      %dma_wait3A_892 = arith.constant 2 : i32
      %dma_wait3A_893 = arith.constant 0 : i32
      %dma_wait3A_894 = arith.constant 0 : i32
      %dma_wait3A_895 = arith.constant 0 : i32
      %dma_wait3A_896 = tpu.memref_slice %arg16[%dma_wait3A_893, %dma_wait3A_894, %dma_wait3A_895] : memref<6x128x32xf32, #tpu.memory_space<vmem>> -> memref<1x80x32xf32, #tpu.memory_space<vmem>>
      %dma_wait3A_897 = tpu.memref_squeeze %dma_wait3A_896 : memref<1x80x32xf32, #tpu.memory_space<vmem>> -> memref<80x32xf32, #tpu.memory_space<vmem>>
      %dma_wait3A_898 = arith.constant 0 : i32
      %dma_wait3A_899 = tpu.memref_slice %arg10[%dma_wait3A_891, %dma_wait3A_892, %dma_wait3A_898] : memref<2x8x128xi32, #tpu.memory_space<vmem>> -> memref<1x1x80xi32, #tpu.memory_space<vmem>>
      %dma_wait3A_900 = tpu.memref_squeeze %dma_wait3A_899 : memref<1x1x80xi32, #tpu.memory_space<vmem>> -> memref<80xi32, #tpu.memory_space<vmem>>
      %dma_wait3A_901 = arith.constant 0 : i32
      %dma_wait3A_902 = arith.constant 0 : i32
      %dma_wait3A_903 = tpu.memref_slice %arg2[%dma_wait3A_890, %dma_wait3A_901, %dma_wait3A_902] : memref<8x100000x32xf32, #tpu.memory_space<hbm>> -> memref<1x100000x32xf32, #tpu.memory_space<hbm>>
      %dma_wait3A_904 = tpu.memref_squeeze %dma_wait3A_903 : memref<1x100000x32xf32, #tpu.memory_space<hbm>> -> memref<100000x32xf32, #tpu.memory_space<hbm>>
      %dma_wait3A_905 = arith.constant 0 : i32
      %dma_wait3A_906 = arith.constant 0 : i32
      %dma_wait3A_907 = tpu.memref_slice %dma_wait3A_904[%dma_wait3A_905, %dma_wait3A_906] : memref<100000x32xf32, #tpu.memory_space<hbm>> -> memref<100000x32xf32, #tpu.memory_space<hbm>>
      tpu.wait_indirect_dma semaphore(%arg18 : memref<!tpu.dma_semaphore, #tpu.memory_space<semaphore_mem>>) src(%dma_wait3A_907 : memref<100000x32xf32, #tpu.memory_space<hbm>>) dst(%dma_wait3A_897 : memref<80x32xf32, #tpu.memory_space<vmem>>)
      %dma_wait3A_908 = arith.constant 3 : i32
      %dma_wait3A_909 = arith.constant 0 : i32
      %dma_wait3A_910 = arith.constant 3 : i32
      %dma_wait3A_911 = arith.constant 1 : i32
      %dma_wait3A_912 = arith.constant 0 : i32
      %dma_wait3A_913 = arith.constant 0 : i32
      %dma_wait3A_914 = tpu.memref_slice %arg16[%dma_wait3A_911, %dma_wait3A_912, %dma_wait3A_913] : memref<6x128x32xf32, #tpu.memory_space<vmem>> -> memref<1x80x32xf32, #tpu.memory_space<vmem>>
      %dma_wait3A_915 = tpu.memref_squeeze %dma_wait3A_914 : memref<1x80x32xf32, #tpu.memory_space<vmem>> -> memref<80x32xf32, #tpu.memory_space<vmem>>
      %dma_wait3A_916 = arith.constant 0 : i32
      %dma_wait3A_917 = tpu.memref_slice %arg10[%dma_wait3A_909, %dma_wait3A_910, %dma_wait3A_916] : memref<2x8x128xi32, #tpu.memory_space<vmem>> -> memref<1x1x80xi32, #tpu.memory_space<vmem>>
      %dma_wait3A_918 = tpu.memref_squeeze %dma_wait3A_917 : memref<1x1x80xi32, #tpu.memory_space<vmem>> -> memref<80xi32, #tpu.memory_space<vmem>>
      %dma_wait3A_919 = arith.constant 0 : i32
      %dma_wait3A_920 = arith.constant 0 : i32
      %dma_wait3A_921 = tpu.memref_slice %arg2[%dma_wait3A_908, %dma_wait3A_919, %dma_wait3A_920] : memref<8x100000x32xf32, #tpu.memory_space<hbm>> -> memref<1x100000x32xf32, #tpu.memory_space<hbm>>
      %dma_wait3A_922 = tpu.memref_squeeze %dma_wait3A_921 : memref<1x100000x32xf32, #tpu.memory_space<hbm>> -> memref<100000x32xf32, #tpu.memory_space<hbm>>
      %dma_wait3A_923 = arith.constant 0 : i32
      %dma_wait3A_924 = arith.constant 0 : i32
      %dma_wait3A_925 = tpu.memref_slice %dma_wait3A_922[%dma_wait3A_923, %dma_wait3A_924] : memref<100000x32xf32, #tpu.memory_space<hbm>> -> memref<100000x32xf32, #tpu.memory_space<hbm>>
      tpu.wait_indirect_dma semaphore(%arg18 : memref<!tpu.dma_semaphore, #tpu.memory_space<semaphore_mem>>) src(%dma_wait3A_925 : memref<100000x32xf32, #tpu.memory_space<hbm>>) dst(%dma_wait3A_915 : memref<80x32xf32, #tpu.memory_space<vmem>>)
      %dma_start3A_926 = arith.constant 4 : i32
      %dma_start3A_927 = arith.constant 0 : i32
      %dma_start3A_928 = arith.constant 4 : i32
      %dma_start3A_929 = arith.constant 0 : i32
      %dma_start3A_930 = arith.constant 0 : i32
      %dma_start3A_931 = arith.constant 0 : i32
      %dma_start3A_932 = tpu.memref_slice %arg16[%dma_start3A_929, %dma_start3A_930, %dma_start3A_931] : memref<6x128x32xf32, #tpu.memory_space<vmem>> -> memref<1x80x32xf32, #tpu.memory_space<vmem>>
      %dma_start3A_933 = tpu.memref_squeeze %dma_start3A_932 : memref<1x80x32xf32, #tpu.memory_space<vmem>> -> memref<80x32xf32, #tpu.memory_space<vmem>>
      %dma_start3A_934 = arith.constant 0 : i32
      %dma_start3A_935 = tpu.memref_slice %arg10[%dma_start3A_927, %dma_start3A_928, %dma_start3A_934] : memref<2x8x128xi32, #tpu.memory_space<vmem>> -> memref<1x1x80xi32, #tpu.memory_space<vmem>>
      %dma_start3A_936 = tpu.memref_squeeze %dma_start3A_935 : memref<1x1x80xi32, #tpu.memory_space<vmem>> -> memref<80xi32, #tpu.memory_space<vmem>>
      %dma_start3A_937 = arith.constant 0 : i32
      %dma_start3A_938 = arith.constant 0 : i32
      %dma_start3A_939 = tpu.memref_slice %arg2[%dma_start3A_926, %dma_start3A_937, %dma_start3A_938] : memref<8x100000x32xf32, #tpu.memory_space<hbm>> -> memref<1x100000x32xf32, #tpu.memory_space<hbm>>
      %dma_start3A_940 = tpu.memref_squeeze %dma_start3A_939 : memref<1x100000x32xf32, #tpu.memory_space<hbm>> -> memref<100000x32xf32, #tpu.memory_space<hbm>>
      %dma_start3A_941 = arith.constant 0 : i32
      %dma_start3A_942 = arith.constant 0 : i32
      %dma_start3A_943 = tpu.memref_slice %dma_start3A_940[%dma_start3A_941, %dma_start3A_942] : memref<100000x32xf32, #tpu.memory_space<hbm>> -> memref<100000x32xf32, #tpu.memory_space<hbm>>
      tpu.enqueue_indirect_dma source(%dma_start3A_943 : memref<100000x32xf32, #tpu.memory_space<hbm>>) target(%dma_start3A_933 : memref<80x32xf32, #tpu.memory_space<vmem>>) offsets(%dma_start3A_936 : memref<80xi32, #tpu.memory_space<vmem>>) semaphore(%arg18 : memref<!tpu.dma_semaphore, #tpu.memory_space<semaphore_mem>>) {add = true}
      %dma_start3A_944 = arith.constant 5 : i32
      %dma_start3A_945 = arith.constant 0 : i32
      %dma_start3A_946 = arith.constant 5 : i32
      %dma_start3A_947 = arith.constant 1 : i32
      %dma_start3A_948 = arith.constant 0 : i32
      %dma_start3A_949 = arith.constant 0 : i32
      %dma_start3A_950 = tpu.memref_slice %arg16[%dma_start3A_947, %dma_start3A_948, %dma_start3A_949] : memref<6x128x32xf32, #tpu.memory_space<vmem>> -> memref<1x80x32xf32, #tpu.memory_space<vmem>>
      %dma_start3A_951 = tpu.memref_squeeze %dma_start3A_950 : memref<1x80x32xf32, #tpu.memory_space<vmem>> -> memref<80x32xf32, #tpu.memory_space<vmem>>
      %dma_start3A_952 = arith.constant 0 : i32
      %dma_start3A_953 = tpu.memref_slice %arg10[%dma_start3A_945, %dma_start3A_946, %dma_start3A_952] : memref<2x8x128xi32, #tpu.memory_space<vmem>> -> memref<1x1x80xi32, #tpu.memory_space<vmem>>
      %dma_start3A_954 = tpu.memref_squeeze %dma_start3A_953 : memref<1x1x80xi32, #tpu.memory_space<vmem>> -> memref<80xi32, #tpu.memory_space<vmem>>
      %dma_start3A_955 = arith.constant 0 : i32
      %dma_start3A_956 = arith.constant 0 : i32
      %dma_start3A_957 = tpu.memref_slice %arg2[%dma_start3A_944, %dma_start3A_955, %dma_start3A_956] : memref<8x100000x32xf32, #tpu.memory_space<hbm>> -> memref<1x100000x32xf32, #tpu.memory_space<hbm>>
      %dma_start3A_958 = tpu.memref_squeeze %dma_start3A_957 : memref<1x100000x32xf32, #tpu.memory_space<hbm>> -> memref<100000x32xf32, #tpu.memory_space<hbm>>
      %dma_start3A_959 = arith.constant 0 : i32
      %dma_start3A_960 = arith.constant 0 : i32
      %dma_start3A_961 = tpu.memref_slice %dma_start3A_958[%dma_start3A_959, %dma_start3A_960] : memref<100000x32xf32, #tpu.memory_space<hbm>> -> memref<100000x32xf32, #tpu.memory_space<hbm>>
      tpu.enqueue_indirect_dma source(%dma_start3A_961 : memref<100000x32xf32, #tpu.memory_space<hbm>>) target(%dma_start3A_951 : memref<80x32xf32, #tpu.memory_space<vmem>>) offsets(%dma_start3A_954 : memref<80xi32, #tpu.memory_space<vmem>>) semaphore(%arg18 : memref<!tpu.dma_semaphore, #tpu.memory_space<semaphore_mem>>) {add = true}
      %dma_wait3A_962 = arith.constant 4 : i32
      %dma_wait3A_963 = arith.constant 0 : i32
      %dma_wait3A_964 = arith.constant 4 : i32
      %dma_wait3A_965 = arith.constant 0 : i32
      %dma_wait3A_966 = arith.constant 0 : i32
      %dma_wait3A_967 = arith.constant 0 : i32
      %dma_wait3A_968 = tpu.memref_slice %arg16[%dma_wait3A_965, %dma_wait3A_966, %dma_wait3A_967] : memref<6x128x32xf32, #tpu.memory_space<vmem>> -> memref<1x80x32xf32, #tpu.memory_space<vmem>>
      %dma_wait3A_969 = tpu.memref_squeeze %dma_wait3A_968 : memref<1x80x32xf32, #tpu.memory_space<vmem>> -> memref<80x32xf32, #tpu.memory_space<vmem>>
      %dma_wait3A_970 = arith.constant 0 : i32
      %dma_wait3A_971 = tpu.memref_slice %arg10[%dma_wait3A_963, %dma_wait3A_964, %dma_wait3A_970] : memref<2x8x128xi32, #tpu.memory_space<vmem>> -> memref<1x1x80xi32, #tpu.memory_space<vmem>>
      %dma_wait3A_972 = tpu.memref_squeeze %dma_wait3A_971 : memref<1x1x80xi32, #tpu.memory_space<vmem>> -> memref<80xi32, #tpu.memory_space<vmem>>
      %dma_wait3A_973 = arith.constant 0 : i32
      %dma_wait3A_974 = arith.constant 0 : i32
      %dma_wait3A_975 = tpu.memref_slice %arg2[%dma_wait3A_962, %dma_wait3A_973, %dma_wait3A_974] : memref<8x100000x32xf32, #tpu.memory_space<hbm>> -> memref<1x100000x32xf32, #tpu.memory_space<hbm>>
      %dma_wait3A_976 = tpu.memref_squeeze %dma_wait3A_975 : memref<1x100000x32xf32, #tpu.memory_space<hbm>> -> memref<100000x32xf32, #tpu.memory_space<hbm>>
      %dma_wait3A_977 = arith.constant 0 : i32
      %dma_wait3A_978 = arith.constant 0 : i32
      %dma_wait3A_979 = tpu.memref_slice %dma_wait3A_976[%dma_wait3A_977, %dma_wait3A_978] : memref<100000x32xf32, #tpu.memory_space<hbm>> -> memref<100000x32xf32, #tpu.memory_space<hbm>>
      tpu.wait_indirect_dma semaphore(%arg18 : memref<!tpu.dma_semaphore, #tpu.memory_space<semaphore_mem>>) src(%dma_wait3A_979 : memref<100000x32xf32, #tpu.memory_space<hbm>>) dst(%dma_wait3A_969 : memref<80x32xf32, #tpu.memory_space<vmem>>)
      %dma_wait3A_980 = arith.constant 5 : i32
      %dma_wait3A_981 = arith.constant 0 : i32
      %dma_wait3A_982 = arith.constant 5 : i32
      %dma_wait3A_983 = arith.constant 1 : i32
      %dma_wait3A_984 = arith.constant 0 : i32
      %dma_wait3A_985 = arith.constant 0 : i32
      %dma_wait3A_986 = tpu.memref_slice %arg16[%dma_wait3A_983, %dma_wait3A_984, %dma_wait3A_985] : memref<6x128x32xf32, #tpu.memory_space<vmem>> -> memref<1x80x32xf32, #tpu.memory_space<vmem>>
      %dma_wait3A_987 = tpu.memref_squeeze %dma_wait3A_986 : memref<1x80x32xf32, #tpu.memory_space<vmem>> -> memref<80x32xf32, #tpu.memory_space<vmem>>
      %dma_wait3A_988 = arith.constant 0 : i32
      %dma_wait3A_989 = tpu.memref_slice %arg10[%dma_wait3A_981, %dma_wait3A_982, %dma_wait3A_988] : memref<2x8x128xi32, #tpu.memory_space<vmem>> -> memref<1x1x80xi32, #tpu.memory_space<vmem>>
      %dma_wait3A_990 = tpu.memref_squeeze %dma_wait3A_989 : memref<1x1x80xi32, #tpu.memory_space<vmem>> -> memref<80xi32, #tpu.memory_space<vmem>>
      %dma_wait3A_991 = arith.constant 0 : i32
      %dma_wait3A_992 = arith.constant 0 : i32
      %dma_wait3A_993 = tpu.memref_slice %arg2[%dma_wait3A_980, %dma_wait3A_991, %dma_wait3A_992] : memref<8x100000x32xf32, #tpu.memory_space<hbm>> -> memref<1x100000x32xf32, #tpu.memory_space<hbm>>
      %dma_wait3A_994 = tpu.memref_squeeze %dma_wait3A_993 : memref<1x100000x32xf32, #tpu.memory_space<hbm>> -> memref<100000x32xf32, #tpu.memory_space<hbm>>
      %dma_wait3A_995 = arith.constant 0 : i32
      %dma_wait3A_996 = arith.constant 0 : i32
      %dma_wait3A_997 = tpu.memref_slice %dma_wait3A_994[%dma_wait3A_995, %dma_wait3A_996] : memref<100000x32xf32, #tpu.memory_space<hbm>> -> memref<100000x32xf32, #tpu.memory_space<hbm>>
      tpu.wait_indirect_dma semaphore(%arg18 : memref<!tpu.dma_semaphore, #tpu.memory_space<semaphore_mem>>) src(%dma_wait3A_997 : memref<100000x32xf32, #tpu.memory_space<hbm>>) dst(%dma_wait3A_987 : memref<80x32xf32, #tpu.memory_space<vmem>>)
      %dma_start3A_998 = arith.constant 6 : i32
      %dma_start3A_999 = arith.constant 0 : i32
      %dma_start3A_1000 = arith.constant 6 : i32
      %dma_start3A_1001 = arith.constant 0 : i32
      %dma_start3A_1002 = arith.constant 0 : i32
      %dma_start3A_1003 = arith.constant 0 : i32
      %dma_start3A_1004 = tpu.memref_slice %arg16[%dma_start3A_1001, %dma_start3A_1002, %dma_start3A_1003] : memref<6x128x32xf32, #tpu.memory_space<vmem>> -> memref<1x80x32xf32, #tpu.memory_space<vmem>>
      %dma_start3A_1005 = tpu.memref_squeeze %dma_start3A_1004 : memref<1x80x32xf32, #tpu.memory_space<vmem>> -> memref<80x32xf32, #tpu.memory_space<vmem>>
      %dma_start3A_1006 = arith.constant 0 : i32
      %dma_start3A_1007 = tpu.memref_slice %arg10[%dma_start3A_999, %dma_start3A_1000, %dma_start3A_1006] : memref<2x8x128xi32, #tpu.memory_space<vmem>> -> memref<1x1x80xi32, #tpu.memory_space<vmem>>
      %dma_start3A_1008 = tpu.memref_squeeze %dma_start3A_1007 : memref<1x1x80xi32, #tpu.memory_space<vmem>> -> memref<80xi32, #tpu.memory_space<vmem>>
      %dma_start3A_1009 = arith.constant 0 : i32
      %dma_start3A_1010 = arith.constant 0 : i32
      %dma_start3A_1011 = tpu.memref_slice %arg2[%dma_start3A_998, %dma_start3A_1009, %dma_start3A_1010] : memref<8x100000x32xf32, #tpu.memory_space<hbm>> -> memref<1x100000x32xf32, #tpu.memory_space<hbm>>
      %dma_start3A_1012 = tpu.memref_squeeze %dma_start3A_1011 : memref<1x100000x32xf32, #tpu.memory_space<hbm>> -> memref<100000x32xf32, #tpu.memory_space<hbm>>
      %dma_start3A_1013 = arith.constant 0 : i32
      %dma_start3A_1014 = arith.constant 0 : i32
      %dma_start3A_1015 = tpu.memref_slice %dma_start3A_1012[%dma_start3A_1013, %dma_start3A_1014] : memref<100000x32xf32, #tpu.memory_space<hbm>> -> memref<100000x32xf32, #tpu.memory_space<hbm>>
      tpu.enqueue_indirect_dma source(%dma_start3A_1015 : memref<100000x32xf32, #tpu.memory_space<hbm>>) target(%dma_start3A_1005 : memref<80x32xf32, #tpu.memory_space<vmem>>) offsets(%dma_start3A_1008 : memref<80xi32, #tpu.memory_space<vmem>>) semaphore(%arg18 : memref<!tpu.dma_semaphore, #tpu.memory_space<semaphore_mem>>) {add = true}
      %dma_start3A_1016 = arith.constant 7 : i32
      %dma_start3A_1017 = arith.constant 0 : i32
      %dma_start3A_1018 = arith.constant 7 : i32
      %dma_start3A_1019 = arith.constant 1 : i32
      %dma_start3A_1020 = arith.constant 0 : i32
      %dma_start3A_1021 = arith.constant 0 : i32
      %dma_start3A_1022 = tpu.memref_slice %arg16[%dma_start3A_1019, %dma_start3A_1020, %dma_start3A_1021] : memref<6x128x32xf32, #tpu.memory_space<vmem>> -> memref<1x80x32xf32, #tpu.memory_space<vmem>>
      %dma_start3A_1023 = tpu.memref_squeeze %dma_start3A_1022 : memref<1x80x32xf32, #tpu.memory_space<vmem>> -> memref<80x32xf32, #tpu.memory_space<vmem>>
      %dma_start3A_1024 = arith.constant 0 : i32
      %dma_start3A_1025 = tpu.memref_slice %arg10[%dma_start3A_1017, %dma_start3A_1018, %dma_start3A_1024] : memref<2x8x128xi32, #tpu.memory_space<vmem>> -> memref<1x1x80xi32, #tpu.memory_space<vmem>>
      %dma_start3A_1026 = tpu.memref_squeeze %dma_start3A_1025 : memref<1x1x80xi32, #tpu.memory_space<vmem>> -> memref<80xi32, #tpu.memory_space<vmem>>
      %dma_start3A_1027 = arith.constant 0 : i32
      %dma_start3A_1028 = arith.constant 0 : i32
      %dma_start3A_1029 = tpu.memref_slice %arg2[%dma_start3A_1016, %dma_start3A_1027, %dma_start3A_1028] : memref<8x100000x32xf32, #tpu.memory_space<hbm>> -> memref<1x100000x32xf32, #tpu.memory_space<hbm>>
      %dma_start3A_1030 = tpu.memref_squeeze %dma_start3A_1029 : memref<1x100000x32xf32, #tpu.memory_space<hbm>> -> memref<100000x32xf32, #tpu.memory_space<hbm>>
      %dma_start3A_1031 = arith.constant 0 : i32
      %dma_start3A_1032 = arith.constant 0 : i32
      %dma_start3A_1033 = tpu.memref_slice %dma_start3A_1030[%dma_start3A_1031, %dma_start3A_1032] : memref<100000x32xf32, #tpu.memory_space<hbm>> -> memref<100000x32xf32, #tpu.memory_space<hbm>>
      tpu.enqueue_indirect_dma source(%dma_start3A_1033 : memref<100000x32xf32, #tpu.memory_space<hbm>>) target(%dma_start3A_1023 : memref<80x32xf32, #tpu.memory_space<vmem>>) offsets(%dma_start3A_1026 : memref<80xi32, #tpu.memory_space<vmem>>) semaphore(%arg18 : memref<!tpu.dma_semaphore, #tpu.memory_space<semaphore_mem>>) {add = true}
      %dma_wait3A_1034 = arith.constant 6 : i32
      %dma_wait3A_1035 = arith.constant 0 : i32
      %dma_wait3A_1036 = arith.constant 6 : i32
      %dma_wait3A_1037 = arith.constant 0 : i32
      %dma_wait3A_1038 = arith.constant 0 : i32
      %dma_wait3A_1039 = arith.constant 0 : i32
      %dma_wait3A_1040 = tpu.memref_slice %arg16[%dma_wait3A_1037, %dma_wait3A_1038, %dma_wait3A_1039] : memref<6x128x32xf32, #tpu.memory_space<vmem>> -> memref<1x80x32xf32, #tpu.memory_space<vmem>>
      %dma_wait3A_1041 = tpu.memref_squeeze %dma_wait3A_1040 : memref<1x80x32xf32, #tpu.memory_space<vmem>> -> memref<80x32xf32, #tpu.memory_space<vmem>>
      %dma_wait3A_1042 = arith.constant 0 : i32
      %dma_wait3A_1043 = tpu.memref_slice %arg10[%dma_wait3A_1035, %dma_wait3A_1036, %dma_wait3A_1042] : memref<2x8x128xi32, #tpu.memory_space<vmem>> -> memref<1x1x80xi32, #tpu.memory_space<vmem>>
      %dma_wait3A_1044 = tpu.memref_squeeze %dma_wait3A_1043 : memref<1x1x80xi32, #tpu.memory_space<vmem>> -> memref<80xi32, #tpu.memory_space<vmem>>
      %dma_wait3A_1045 = arith.constant 0 : i32
      %dma_wait3A_1046 = arith.constant 0 : i32
      %dma_wait3A_1047 = tpu.memref_slice %arg2[%dma_wait3A_1034, %dma_wait3A_1045, %dma_wait3A_1046] : memref<8x100000x32xf32, #tpu.memory_space<hbm>> -> memref<1x100000x32xf32, #tpu.memory_space<hbm>>
      %dma_wait3A_1048 = tpu.memref_squeeze %dma_wait3A_1047 : memref<1x100000x32xf32, #tpu.memory_space<hbm>> -> memref<100000x32xf32, #tpu.memory_space<hbm>>
      %dma_wait3A_1049 = arith.constant 0 : i32
      %dma_wait3A_1050 = arith.constant 0 : i32
      %dma_wait3A_1051 = tpu.memref_slice %dma_wait3A_1048[%dma_wait3A_1049, %dma_wait3A_1050] : memref<100000x32xf32, #tpu.memory_space<hbm>> -> memref<100000x32xf32, #tpu.memory_space<hbm>>
      tpu.wait_indirect_dma semaphore(%arg18 : memref<!tpu.dma_semaphore, #tpu.memory_space<semaphore_mem>>) src(%dma_wait3A_1051 : memref<100000x32xf32, #tpu.memory_space<hbm>>) dst(%dma_wait3A_1041 : memref<80x32xf32, #tpu.memory_space<vmem>>)
      %dma_wait3A_1052 = arith.constant 7 : i32
      %dma_wait3A_1053 = arith.constant 0 : i32
      %dma_wait3A_1054 = arith.constant 7 : i32
      %dma_wait3A_1055 = arith.constant 1 : i32
      %dma_wait3A_1056 = arith.constant 0 : i32
      %dma_wait3A_1057 = arith.constant 0 : i32
      %dma_wait3A_1058 = tpu.memref_slice %arg16[%dma_wait3A_1055, %dma_wait3A_1056, %dma_wait3A_1057] : memref<6x128x32xf32, #tpu.memory_space<vmem>> -> memref<1x80x32xf32, #tpu.memory_space<vmem>>
      %dma_wait3A_1059 = tpu.memref_squeeze %dma_wait3A_1058 : memref<1x80x32xf32, #tpu.memory_space<vmem>> -> memref<80x32xf32, #tpu.memory_space<vmem>>
      %dma_wait3A_1060 = arith.constant 0 : i32
      %dma_wait3A_1061 = tpu.memref_slice %arg10[%dma_wait3A_1053, %dma_wait3A_1054, %dma_wait3A_1060] : memref<2x8x128xi32, #tpu.memory_space<vmem>> -> memref<1x1x80xi32, #tpu.memory_space<vmem>>
      %dma_wait3A_1062 = tpu.memref_squeeze %dma_wait3A_1061 : memref<1x1x80xi32, #tpu.memory_space<vmem>> -> memref<80xi32, #tpu.memory_space<vmem>>
      %dma_wait3A_1063 = arith.constant 0 : i32
      %dma_wait3A_1064 = arith.constant 0 : i32
      %dma_wait3A_1065 = tpu.memref_slice %arg2[%dma_wait3A_1052, %dma_wait3A_1063, %dma_wait3A_1064] : memref<8x100000x32xf32, #tpu.memory_space<hbm>> -> memref<1x100000x32xf32, #tpu.memory_space<hbm>>
      %dma_wait3A_1066 = tpu.memref_squeeze %dma_wait3A_1065 : memref<1x100000x32xf32, #tpu.memory_space<hbm>> -> memref<100000x32xf32, #tpu.memory_space<hbm>>
      %dma_wait3A_1067 = arith.constant 0 : i32
      %dma_wait3A_1068 = arith.constant 0 : i32
      %dma_wait3A_1069 = tpu.memref_slice %dma_wait3A_1066[%dma_wait3A_1067, %dma_wait3A_1068] : memref<100000x32xf32, #tpu.memory_space<hbm>> -> memref<100000x32xf32, #tpu.memory_space<hbm>>
      tpu.wait_indirect_dma semaphore(%arg18 : memref<!tpu.dma_semaphore, #tpu.memory_space<semaphore_mem>>) src(%dma_wait3A_1069 : memref<100000x32xf32, #tpu.memory_space<hbm>>) dst(%dma_wait3A_1059 : memref<80x32xf32, #tpu.memory_space<vmem>>)
      %run_scoped3A = arith.constant 0 : i32
      "tpu.region"() ({
        %run_scoped3A_1071 = tpu.sem_alloc : memref<!tpu.dma_semaphore, #tpu.memory_space<semaphore_mem>>
        %dma_start3A_1072 = arith.constant 0 : i32
        %dma_start3A_1073 = arith.constant 0 : i32
        %dma_start3A_1074 = tpu.memref_slice %arg16[%run_scoped3A, %dma_start3A_1072, %dma_start3A_1073] : memref<6x128x32xf32, #tpu.memory_space<vmem>> -> memref<1x80x32xf32, #tpu.memory_space<vmem>>
        %dma_start3A_1075 = tpu.memref_squeeze %dma_start3A_1074 : memref<1x80x32xf32, #tpu.memory_space<vmem>> -> memref<80x32xf32, #tpu.memory_space<vmem>>
        %dma_start3A_1076 = arith.constant 0 : i32
        %dma_start3A_1077 = arith.constant 0 : i32
        %dma_start3A_1078 = tpu.memref_slice %arg8[%dma_start3A_1076, %dma_start3A_1077] : memref<50176x32xf32, #tpu.memory_space<vmem_shared>> -> memref<50176x32xf32, #tpu.memory_space<vmem_shared>>
        tpu.enqueue_indirect_dma source(%dma_start3A_1075 : memref<80x32xf32, #tpu.memory_space<vmem>>) target(%dma_start3A_1078 : memref<50176x32xf32, #tpu.memory_space<vmem_shared>>) offsets(%arg15 : memref<80xi32, #tpu.memory_space<vmem>>) semaphore(%run_scoped3A_1071 : memref<!tpu.dma_semaphore, #tpu.memory_space<semaphore_mem>>) {add = true}
        %dma_wait3A_1079 = arith.constant 0 : i32
        %dma_wait3A_1080 = arith.constant 0 : i32
        %dma_wait3A_1081 = tpu.memref_slice %arg16[%run_scoped3A, %dma_wait3A_1079, %dma_wait3A_1080] : memref<6x128x32xf32, #tpu.memory_space<vmem>> -> memref<1x80x32xf32, #tpu.memory_space<vmem>>
        %dma_wait3A_1082 = tpu.memref_squeeze %dma_wait3A_1081 : memref<1x80x32xf32, #tpu.memory_space<vmem>> -> memref<80x32xf32, #tpu.memory_space<vmem>>
        %dma_wait3A_1083 = arith.constant 0 : i32
        %dma_wait3A_1084 = arith.constant 0 : i32
        %dma_wait3A_1085 = tpu.memref_slice %arg8[%dma_wait3A_1083, %dma_wait3A_1084] : memref<50176x32xf32, #tpu.memory_space<vmem_shared>> -> memref<50176x32xf32, #tpu.memory_space<vmem_shared>>
        tpu.wait_indirect_dma semaphore(%run_scoped3A_1071 : memref<!tpu.dma_semaphore, #tpu.memory_space<semaphore_mem>>) src(%dma_wait3A_1082 : memref<80x32xf32, #tpu.memory_space<vmem>>) dst(%dma_wait3A_1085 : memref<50176x32xf32, #tpu.memory_space<vmem_shared>>)
        tpu.yield
      }) : () -> ()
      %run_scoped3A_1070 = arith.constant 1 : i32
      "tpu.region"() ({
        %run_scoped3A_1071 = tpu.sem_alloc : memref<!tpu.dma_semaphore, #tpu.memory_space<semaphore_mem>>
        %dma_start3A_1072 = arith.constant 0 : i32
        %dma_start3A_1073 = arith.constant 0 : i32
        %dma_start3A_1074 = tpu.memref_slice %arg16[%run_scoped3A_1070, %dma_start3A_1072, %dma_start3A_1073] : memref<6x128x32xf32, #tpu.memory_space<vmem>> -> memref<1x80x32xf32, #tpu.memory_space<vmem>>
        %dma_start3A_1075 = tpu.memref_squeeze %dma_start3A_1074 : memref<1x80x32xf32, #tpu.memory_space<vmem>> -> memref<80x32xf32, #tpu.memory_space<vmem>>
        %dma_start3A_1076 = arith.constant 0 : i32
        %dma_start3A_1077 = arith.constant 0 : i32
        %dma_start3A_1078 = tpu.memref_slice %arg8[%dma_start3A_1076, %dma_start3A_1077] : memref<50176x32xf32, #tpu.memory_space<vmem_shared>> -> memref<50176x32xf32, #tpu.memory_space<vmem_shared>>
        tpu.enqueue_indirect_dma source(%dma_start3A_1075 : memref<80x32xf32, #tpu.memory_space<vmem>>) target(%dma_start3A_1078 : memref<50176x32xf32, #tpu.memory_space<vmem_shared>>) offsets(%arg15 : memref<80xi32, #tpu.memory_space<vmem>>) semaphore(%run_scoped3A_1071 : memref<!tpu.dma_semaphore, #tpu.memory_space<semaphore_mem>>) {add = true}
        %dma_wait3A_1079 = arith.constant 0 : i32
        %dma_wait3A_1080 = arith.constant 0 : i32
        %dma_wait3A_1081 = tpu.memref_slice %arg16[%run_scoped3A_1070, %dma_wait3A_1079, %dma_wait3A_1080] : memref<6x128x32xf32, #tpu.memory_space<vmem>> -> memref<1x80x32xf32, #tpu.memory_space<vmem>>
        %dma_wait3A_1082 = tpu.memref_squeeze %dma_wait3A_1081 : memref<1x80x32xf32, #tpu.memory_space<vmem>> -> memref<80x32xf32, #tpu.memory_space<vmem>>
        %dma_wait3A_1083 = arith.constant 0 : i32
        %dma_wait3A_1084 = arith.constant 0 : i32
        %dma_wait3A_1085 = tpu.memref_slice %arg8[%dma_wait3A_1083, %dma_wait3A_1084] : memref<50176x32xf32, #tpu.memory_space<vmem_shared>> -> memref<50176x32xf32, #tpu.memory_space<vmem_shared>>
        tpu.wait_indirect_dma semaphore(%run_scoped3A_1071 : memref<!tpu.dma_semaphore, #tpu.memory_space<semaphore_mem>>) src(%dma_wait3A_1082 : memref<80x32xf32, #tpu.memory_space<vmem>>) dst(%dma_wait3A_1085 : memref<50176x32xf32, #tpu.memory_space<vmem_shared>>)
        tpu.yield
      }) : () -> ()
    } else {
    }
    %sub3A_244 = arith.constant 12500 : i32
    %sub3A_245 = arith.subi %sub3A_244, %arg1 : i32
    %add3A_246 = arith.constant 16 : i32
    %add3A_247 = arith.addi %sub3A_245, %add3A_246 : i32
    %sub3A_248 = arith.constant 1 : i32
    %sub3A_249 = arith.subi %add3A_247, %sub3A_248 : i32
    %jit3A_250 = arith.constant 16 : i32
    %div3A_251 = arith.divsi %sub3A_249, %jit3A_250 : i32
    %sign3A_252 = arith.constant 0 : i32
    %sign3A_253 = arith.cmpi sgt, %sub3A_249, %sign3A_252 : i32
    %sign3A_254 = arith.extui %sign3A_253 : i1 to i32
    %sign3A_255 = arith.constant 0 : i32
    %sign3A_256 = arith.cmpi slt, %sub3A_249, %sign3A_255 : i32
    %sign3A_257 = arith.extui %sign3A_256 : i1 to i32
    %sign3A_258 = arith.subi %sign3A_254, %sign3A_257 : i32
    %sign3A_259 = arith.constant 0 : i32
    %sign3A_260 = arith.cmpi sgt, %jit3A_250, %sign3A_259 : i32
    %sign3A_261 = arith.extui %sign3A_260 : i1 to i32
    %sign3A_262 = arith.constant 0 : i32
    %sign3A_263 = arith.cmpi slt, %jit3A_250, %sign3A_262 : i32
    %sign3A_264 = arith.extui %sign3A_263 : i1 to i32
    %sign3A_265 = arith.subi %sign3A_261, %sign3A_264 : i32
    %ne3A_266 = arith.cmpi ne, %sign3A_258, %sign3A_265 : i32
    %rem3A_267 = arith.remsi %sub3A_249, %jit3A_250 : i32
    %ne3A_268 = arith.constant 0 : i32
    %ne3A_269 = arith.cmpi ne, %rem3A_267, %ne3A_268 : i32
    %and3A_270 = arith.andi %ne3A_266, %ne3A_269 : i1
    %sub3A_271 = arith.constant 1 : i32
    %sub3A_272 = arith.subi %div3A_251, %sub3A_271 : i32
    %select_n3A_273 = arith.select %and3A_270, %sub3A_272, %div3A_251 : i32
    %mul3A_274 = arith.constant 4 : i32
    %mul3A_275 = arith.muli %arg1, %mul3A_274 : i32
    %dma_start3A_276 = arith.constant 0 : i32
    %dma_start3A_277 = arith.constant 0 : i32
    %dma_start3A_278 = arith.constant 0 : i32
    %dma_start3A_279 = tpu.memref_slice %arg11[%dma_start3A_276, %dma_start3A_277, %dma_start3A_278] : memref<3x4x128xi32, #tpu.memory_space<vmem>> -> memref<1x4x128xi32, #tpu.memory_space<vmem>>
    %dma_start3A_280 = tpu.memref_squeeze %dma_start3A_279 : memref<1x4x128xi32, #tpu.memory_space<vmem>> -> memref<4x128xi32, #tpu.memory_space<vmem>>
    %dma_start3A_281 = arith.constant 0 : i32
    %dma_start3A_282 = tpu.memref_slice %arg5[%mul3A_275, %dma_start3A_281] : memref<50000x128xi32, #tpu.memory_space<hbm>> -> memref<4x128xi32, #tpu.memory_space<hbm>>
    %dma_start3A_283 = arith.constant 0 : i32
    %dma_start3A_284 = arith.constant 0 : i32
    %dma_start3A_285 = tpu.memref_slice %arg11[%dma_start3A_276, %dma_start3A_283, %dma_start3A_284] : memref<3x4x128xi32, #tpu.memory_space<vmem>> -> memref<1x4x128xi32, #tpu.memory_space<vmem>>
    %dma_start3A_286 = tpu.memref_squeeze %dma_start3A_285 : memref<1x4x128xi32, #tpu.memory_space<vmem>> -> memref<4x128xi32, #tpu.memory_space<vmem>>
    %dma_start3A_287 = arith.constant 0 : i32
    %dma_start3A_288 = tpu.memref_slice %arg5[%mul3A_275, %dma_start3A_287] : memref<50000x128xi32, #tpu.memory_space<hbm>> -> memref<4x128xi32, #tpu.memory_space<hbm>>
    tpu.enqueue_dma source(%dma_start3A_288 : memref<4x128xi32, #tpu.memory_space<hbm>>) target(%dma_start3A_286 : memref<4x128xi32, #tpu.memory_space<vmem>>) target_semaphore(%arg17 : memref<!tpu.dma_semaphore, #tpu.memory_space<semaphore_mem>>)
    %mul3A_289 = arith.constant 128 : i32
    %mul3A_290 = arith.muli %arg1, %mul3A_289 : i32
    %add3A_291 = arith.constant 1600000 : i32
    %add3A_292 = arith.addi %add3A_291, %mul3A_290 : i32
    %dma_start3A_293 = arith.constant 0 : i32
    %dma_start3A_294 = arith.constant 0 : i32
    %dma_start3A_295 = tpu.memref_slice %arg12[%dma_start3A_293, %dma_start3A_294] : memref<3x128xi32, #tpu.memory_space<vmem>> -> memref<1x128xi32, #tpu.memory_space<vmem>>
    %dma_start3A_296 = tpu.memref_squeeze %dma_start3A_295 : memref<1x128xi32, #tpu.memory_space<vmem>> -> memref<128xi32, #tpu.memory_space<vmem>>
    %dma_start3A_297 = tpu.memref_slice %arg6[%add3A_292] : memref<3200000xi32, #tpu.memory_space<hbm>> -> memref<128xi32, #tpu.memory_space<hbm>>
    %dma_start3A_298 = arith.constant 0 : i32
    %dma_start3A_299 = tpu.memref_slice %arg12[%dma_start3A_293, %dma_start3A_298] : memref<3x128xi32, #tpu.memory_space<vmem>> -> memref<1x128xi32, #tpu.memory_space<vmem>>
    %dma_start3A_300 = tpu.memref_squeeze %dma_start3A_299 : memref<1x128xi32, #tpu.memory_space<vmem>> -> memref<128xi32, #tpu.memory_space<vmem>>
    %dma_start3A_301 = tpu.memref_slice %arg6[%add3A_292] : memref<3200000xi32, #tpu.memory_space<hbm>> -> memref<128xi32, #tpu.memory_space<hbm>>
    tpu.enqueue_dma source(%dma_start3A_301 : memref<128xi32, #tpu.memory_space<hbm>>) target(%dma_start3A_300 : memref<128xi32, #tpu.memory_space<vmem>>) target_semaphore(%arg17 : memref<!tpu.dma_semaphore, #tpu.memory_space<semaphore_mem>>)
    %mul3A_302 = arith.constant 4 : i32
    %mul3A_303 = arith.muli %arg1, %mul3A_302 : i32
    %dma_wait3A_304 = arith.constant 0 : i32
    %dma_wait3A_305 = arith.constant 0 : i32
    %dma_wait3A_306 = arith.constant 0 : i32
    %dma_wait3A_307 = tpu.memref_slice %arg11[%dma_wait3A_304, %dma_wait3A_305, %dma_wait3A_306] : memref<3x4x128xi32, #tpu.memory_space<vmem>> -> memref<1x4x128xi32, #tpu.memory_space<vmem>>
    %dma_wait3A_308 = tpu.memref_squeeze %dma_wait3A_307 : memref<1x4x128xi32, #tpu.memory_space<vmem>> -> memref<4x128xi32, #tpu.memory_space<vmem>>
    %dma_wait3A_309 = arith.constant 0 : i32
    %dma_wait3A_310 = tpu.memref_slice %arg5[%mul3A_303, %dma_wait3A_309] : memref<50000x128xi32, #tpu.memory_space<hbm>> -> memref<4x128xi32, #tpu.memory_space<hbm>>
    %dma_wait3A_311 = arith.constant 0 : i32
    %dma_wait3A_312 = arith.constant 0 : i32
    %dma_wait3A_313 = tpu.memref_slice %arg11[%dma_wait3A_304, %dma_wait3A_311, %dma_wait3A_312] : memref<3x4x128xi32, #tpu.memory_space<vmem>> -> memref<1x4x128xi32, #tpu.memory_space<vmem>>
    %dma_wait3A_314 = tpu.memref_squeeze %dma_wait3A_313 : memref<1x4x128xi32, #tpu.memory_space<vmem>> -> memref<4x128xi32, #tpu.memory_space<vmem>>
    %dma_wait3A_315 = arith.constant 0 : i32
    %dma_wait3A_316 = tpu.memref_slice %arg5[%mul3A_303, %dma_wait3A_315] : memref<50000x128xi32, #tpu.memory_space<hbm>> -> memref<4x128xi32, #tpu.memory_space<hbm>>
    tpu.wait_dma2 semaphore(%arg17 : memref<!tpu.dma_semaphore, #tpu.memory_space<semaphore_mem>>) src(%dma_wait3A_316 : memref<4x128xi32, #tpu.memory_space<hbm>>) dst(%dma_wait3A_314 : memref<4x128xi32, #tpu.memory_space<vmem>>)
    %mul3A_317 = arith.constant 128 : i32
    %mul3A_318 = arith.muli %arg1, %mul3A_317 : i32
    %add3A_319 = arith.constant 1600000 : i32
    %add3A_320 = arith.addi %add3A_319, %mul3A_318 : i32
    %dma_wait3A_321 = arith.constant 0 : i32
    %dma_wait3A_322 = arith.constant 0 : i32
    %dma_wait3A_323 = tpu.memref_slice %arg12[%dma_wait3A_321, %dma_wait3A_322] : memref<3x128xi32, #tpu.memory_space<vmem>> -> memref<1x128xi32, #tpu.memory_space<vmem>>
    %dma_wait3A_324 = tpu.memref_squeeze %dma_wait3A_323 : memref<1x128xi32, #tpu.memory_space<vmem>> -> memref<128xi32, #tpu.memory_space<vmem>>
    %dma_wait3A_325 = tpu.memref_slice %arg6[%add3A_320] : memref<3200000xi32, #tpu.memory_space<hbm>> -> memref<128xi32, #tpu.memory_space<hbm>>
    %dma_wait3A_326 = arith.constant 0 : i32
    %dma_wait3A_327 = tpu.memref_slice %arg12[%dma_wait3A_321, %dma_wait3A_326] : memref<3x128xi32, #tpu.memory_space<vmem>> -> memref<1x128xi32, #tpu.memory_space<vmem>>
    %dma_wait3A_328 = tpu.memref_squeeze %dma_wait3A_327 : memref<1x128xi32, #tpu.memory_space<vmem>> -> memref<128xi32, #tpu.memory_space<vmem>>
    %dma_wait3A_329 = tpu.memref_slice %arg6[%add3A_320] : memref<3200000xi32, #tpu.memory_space<hbm>> -> memref<128xi32, #tpu.memory_space<hbm>>
    tpu.wait_dma2 semaphore(%arg17 : memref<!tpu.dma_semaphore, #tpu.memory_space<semaphore_mem>>) src(%dma_wait3A_329 : memref<128xi32, #tpu.memory_space<hbm>>) dst(%dma_wait3A_328 : memref<128xi32, #tpu.memory_space<vmem>>)
    %dma_start3A_330 = arith.constant 0 : i32
    %dma_start3A_331 = arith.constant 0 : i32
    %dma_start3A_332 = arith.constant 0 : i32
    %dma_start3A_333 = arith.constant 0 : i32
    %dma_start3A_334 = arith.constant 0 : i32
    %dma_start3A_335 = arith.constant 0 : i32
    %dma_start3A_336 = tpu.memref_slice %arg16[%dma_start3A_333, %dma_start3A_334, %dma_start3A_335] : memref<6x128x32xf32, #tpu.memory_space<vmem>> -> memref<1x128x32xf32, #tpu.memory_space<vmem>>
    %dma_start3A_337 = tpu.memref_squeeze %dma_start3A_336 : memref<1x128x32xf32, #tpu.memory_space<vmem>> -> memref<128x32xf32, #tpu.memory_space<vmem>>
    %dma_start3A_338 = arith.constant 0 : i32
    %dma_start3A_339 = tpu.memref_slice %arg11[%dma_start3A_331, %dma_start3A_332, %dma_start3A_338] : memref<3x4x128xi32, #tpu.memory_space<vmem>> -> memref<1x1x128xi32, #tpu.memory_space<vmem>>
    %dma_start3A_340 = tpu.memref_squeeze %dma_start3A_339 : memref<1x1x128xi32, #tpu.memory_space<vmem>> -> memref<128xi32, #tpu.memory_space<vmem>>
    %dma_start3A_341 = arith.constant 0 : i32
    %dma_start3A_342 = arith.constant 0 : i32
    %dma_start3A_343 = tpu.memref_slice %arg3[%dma_start3A_330, %dma_start3A_341, %dma_start3A_342] : memref<4x1000x32xf32, #tpu.memory_space<hbm>> -> memref<1x1000x32xf32, #tpu.memory_space<hbm>>
    %dma_start3A_344 = tpu.memref_squeeze %dma_start3A_343 : memref<1x1000x32xf32, #tpu.memory_space<hbm>> -> memref<1000x32xf32, #tpu.memory_space<hbm>>
    %dma_start3A_345 = arith.constant 0 : i32
    %dma_start3A_346 = arith.constant 0 : i32
    %dma_start3A_347 = tpu.memref_slice %dma_start3A_344[%dma_start3A_345, %dma_start3A_346] : memref<1000x32xf32, #tpu.memory_space<hbm>> -> memref<1000x32xf32, #tpu.memory_space<hbm>>
    tpu.enqueue_indirect_dma source(%dma_start3A_347 : memref<1000x32xf32, #tpu.memory_space<hbm>>) target(%dma_start3A_337 : memref<128x32xf32, #tpu.memory_space<vmem>>) offsets(%dma_start3A_340 : memref<128xi32, #tpu.memory_space<vmem>>) semaphore(%arg18 : memref<!tpu.dma_semaphore, #tpu.memory_space<semaphore_mem>>)
    %dma_start3A_348 = arith.constant 1 : i32
    %dma_start3A_349 = arith.constant 0 : i32
    %dma_start3A_350 = arith.constant 1 : i32
    %dma_start3A_351 = arith.constant 1 : i32
    %dma_start3A_352 = arith.constant 0 : i32
    %dma_start3A_353 = arith.constant 0 : i32
    %dma_start3A_354 = tpu.memref_slice %arg16[%dma_start3A_351, %dma_start3A_352, %dma_start3A_353] : memref<6x128x32xf32, #tpu.memory_space<vmem>> -> memref<1x128x32xf32, #tpu.memory_space<vmem>>
    %dma_start3A_355 = tpu.memref_squeeze %dma_start3A_354 : memref<1x128x32xf32, #tpu.memory_space<vmem>> -> memref<128x32xf32, #tpu.memory_space<vmem>>
    %dma_start3A_356 = arith.constant 0 : i32
    %dma_start3A_357 = tpu.memref_slice %arg11[%dma_start3A_349, %dma_start3A_350, %dma_start3A_356] : memref<3x4x128xi32, #tpu.memory_space<vmem>> -> memref<1x1x128xi32, #tpu.memory_space<vmem>>
    %dma_start3A_358 = tpu.memref_squeeze %dma_start3A_357 : memref<1x1x128xi32, #tpu.memory_space<vmem>> -> memref<128xi32, #tpu.memory_space<vmem>>
    %dma_start3A_359 = arith.constant 0 : i32
    %dma_start3A_360 = arith.constant 0 : i32
    %dma_start3A_361 = tpu.memref_slice %arg3[%dma_start3A_348, %dma_start3A_359, %dma_start3A_360] : memref<4x1000x32xf32, #tpu.memory_space<hbm>> -> memref<1x1000x32xf32, #tpu.memory_space<hbm>>
    %dma_start3A_362 = tpu.memref_squeeze %dma_start3A_361 : memref<1x1000x32xf32, #tpu.memory_space<hbm>> -> memref<1000x32xf32, #tpu.memory_space<hbm>>
    %dma_start3A_363 = arith.constant 0 : i32
    %dma_start3A_364 = arith.constant 0 : i32
    %dma_start3A_365 = tpu.memref_slice %dma_start3A_362[%dma_start3A_363, %dma_start3A_364] : memref<1000x32xf32, #tpu.memory_space<hbm>> -> memref<1000x32xf32, #tpu.memory_space<hbm>>
    tpu.enqueue_indirect_dma source(%dma_start3A_365 : memref<1000x32xf32, #tpu.memory_space<hbm>>) target(%dma_start3A_355 : memref<128x32xf32, #tpu.memory_space<vmem>>) offsets(%dma_start3A_358 : memref<128xi32, #tpu.memory_space<vmem>>) semaphore(%arg18 : memref<!tpu.dma_semaphore, #tpu.memory_space<semaphore_mem>>)
    %add3A_366 = arith.constant 16 : i32
    %add3A_367 = arith.addi %arg1, %add3A_366 : i32
    %mul3A_368 = arith.constant 4 : i32
    %mul3A_369 = arith.muli %add3A_367, %mul3A_368 : i32
    %dma_start3A_370 = arith.constant 1 : i32
    %dma_start3A_371 = arith.constant 0 : i32
    %dma_start3A_372 = arith.constant 0 : i32
    %dma_start3A_373 = tpu.memref_slice %arg11[%dma_start3A_370, %dma_start3A_371, %dma_start3A_372] : memref<3x4x128xi32, #tpu.memory_space<vmem>> -> memref<1x4x128xi32, #tpu.memory_space<vmem>>
    %dma_start3A_374 = tpu.memref_squeeze %dma_start3A_373 : memref<1x4x128xi32, #tpu.memory_space<vmem>> -> memref<4x128xi32, #tpu.memory_space<vmem>>
    %dma_start3A_375 = arith.constant 0 : i32
    %dma_start3A_376 = tpu.memref_slice %arg5[%mul3A_369, %dma_start3A_375] : memref<50000x128xi32, #tpu.memory_space<hbm>> -> memref<4x128xi32, #tpu.memory_space<hbm>>
    %dma_start3A_377 = arith.constant 0 : i32
    %dma_start3A_378 = arith.constant 0 : i32
    %dma_start3A_379 = tpu.memref_slice %arg11[%dma_start3A_370, %dma_start3A_377, %dma_start3A_378] : memref<3x4x128xi32, #tpu.memory_space<vmem>> -> memref<1x4x128xi32, #tpu.memory_space<vmem>>
    %dma_start3A_380 = tpu.memref_squeeze %dma_start3A_379 : memref<1x4x128xi32, #tpu.memory_space<vmem>> -> memref<4x128xi32, #tpu.memory_space<vmem>>
    %dma_start3A_381 = arith.constant 0 : i32
    %dma_start3A_382 = tpu.memref_slice %arg5[%mul3A_369, %dma_start3A_381] : memref<50000x128xi32, #tpu.memory_space<hbm>> -> memref<4x128xi32, #tpu.memory_space<hbm>>
    tpu.enqueue_dma source(%dma_start3A_382 : memref<4x128xi32, #tpu.memory_space<hbm>>) target(%dma_start3A_380 : memref<4x128xi32, #tpu.memory_space<vmem>>) target_semaphore(%arg17 : memref<!tpu.dma_semaphore, #tpu.memory_space<semaphore_mem>>)
    %mul3A_383 = arith.constant 128 : i32
    %mul3A_384 = arith.muli %add3A_367, %mul3A_383 : i32
    %add3A_385 = arith.constant 1600000 : i32
    %add3A_386 = arith.addi %add3A_385, %mul3A_384 : i32
    %dma_start3A_387 = arith.constant 1 : i32
    %dma_start3A_388 = arith.constant 0 : i32
    %dma_start3A_389 = tpu.memref_slice %arg12[%dma_start3A_387, %dma_start3A_388] : memref<3x128xi32, #tpu.memory_space<vmem>> -> memref<1x128xi32, #tpu.memory_space<vmem>>
    %dma_start3A_390 = tpu.memref_squeeze %dma_start3A_389 : memref<1x128xi32, #tpu.memory_space<vmem>> -> memref<128xi32, #tpu.memory_space<vmem>>
    %dma_start3A_391 = tpu.memref_slice %arg6[%add3A_386] : memref<3200000xi32, #tpu.memory_space<hbm>> -> memref<128xi32, #tpu.memory_space<hbm>>
    %dma_start3A_392 = arith.constant 0 : i32
    %dma_start3A_393 = tpu.memref_slice %arg12[%dma_start3A_387, %dma_start3A_392] : memref<3x128xi32, #tpu.memory_space<vmem>> -> memref<1x128xi32, #tpu.memory_space<vmem>>
    %dma_start3A_394 = tpu.memref_squeeze %dma_start3A_393 : memref<1x128xi32, #tpu.memory_space<vmem>> -> memref<128xi32, #tpu.memory_space<vmem>>
    %dma_start3A_395 = tpu.memref_slice %arg6[%add3A_386] : memref<3200000xi32, #tpu.memory_space<hbm>> -> memref<128xi32, #tpu.memory_space<hbm>>
    tpu.enqueue_dma source(%dma_start3A_395 : memref<128xi32, #tpu.memory_space<hbm>>) target(%dma_start3A_394 : memref<128xi32, #tpu.memory_space<vmem>>) target_semaphore(%arg17 : memref<!tpu.dma_semaphore, #tpu.memory_space<semaphore_mem>>)
    %while3A_396 = arith.constant 0 : i32
    %while3A_397 = arith.constant 0 : i32
    %while3A_398 = arith.subi %select_n3A_273, %while3A_396 : i32
    %while3A_399 = arith.addi %while3A_396, %while3A_398 : i32
    %while3A_400 = arith.constant 1 : i32
    %while3A_401 = arith.divsi %while3A_398, %while3A_400 : i32
    %while3A_402 = arith.muli %while3A_401, %while3A_400 : i32
    %while3A_403 = arith.addi %while3A_396, %while3A_402 : i32
    %while3A_404 = arith.constant 1 : i32
    %while3A_405 = scf.for %while3A_570 = %while3A_396 to %while3A_403 step %while3A_404 iter_args(%while3A_571 = %while3A_397) -> (i32)  : i32 {
      %mul3A_572 = arith.constant 16 : i32
      %mul3A_573 = arith.muli %while3A_570, %mul3A_572 : i32
      %add3A_574 = arith.addi %arg1, %mul3A_573 : i32
      %rem3A_575 = arith.constant 3 : i32
      %rem3A_576 = arith.remsi %while3A_570, %rem3A_575 : i32
      %add3A_577 = arith.constant 2 : i32
      %add3A_578 = arith.addi %while3A_570, %add3A_577 : i32
      %rem3A_579 = arith.constant 3 : i32
      %rem3A_580 = arith.remsi %add3A_578, %rem3A_579 : i32
      %add3A_581 = arith.constant 1 : i32
      %add3A_582 = arith.addi %while3A_570, %add3A_581 : i32
      %rem3A_583 = arith.constant 3 : i32
      %rem3A_584 = arith.remsi %add3A_582, %rem3A_583 : i32
      %add3A_585 = arith.constant 1 : i32
      %add3A_586 = arith.addi %while3A_570, %add3A_585 : i32
      %lt3A = arith.cmpi slt, %add3A_586, %select_n3A_273 : i32
      %convert_element_type3A_587 = arith.extui %lt3A : i1 to i32
      %cond3A_588 = arith.constant 0 : i32
      %cond3A_589 = arith.cmpi ne, %convert_element_type3A_587, %cond3A_588 : i32
      scf.if %cond3A_589 {
        %add3A_856 = arith.constant 16 : i32
        %add3A_857 = arith.addi %add3A_574, %add3A_856 : i32
        %mul3A_858 = arith.constant 4 : i32
        %mul3A_859 = arith.muli %add3A_857, %mul3A_858 : i32
        %dma_wait3A_860 = arith.constant 0 : i32
        %dma_wait3A_861 = arith.constant 0 : i32
        %dma_wait3A_862 = tpu.memref_slice %arg11[%rem3A_584, %dma_wait3A_860, %dma_wait3A_861] : memref<3x4x128xi32, #tpu.memory_space<vmem>> -> memref<1x4x128xi32, #tpu.memory_space<vmem>>
        %dma_wait3A_863 = tpu.memref_squeeze %dma_wait3A_862 : memref<1x4x128xi32, #tpu.memory_space<vmem>> -> memref<4x128xi32, #tpu.memory_space<vmem>>
        %dma_wait3A_864 = arith.constant 0 : i32
        %dma_wait3A_865 = tpu.memref_slice %arg5[%mul3A_859, %dma_wait3A_864] : memref<50000x128xi32, #tpu.memory_space<hbm>> -> memref<4x128xi32, #tpu.memory_space<hbm>>
        %dma_wait3A_866 = arith.constant 0 : i32
        %dma_wait3A_867 = arith.constant 0 : i32
        %dma_wait3A_868 = tpu.memref_slice %arg11[%rem3A_584, %dma_wait3A_866, %dma_wait3A_867] : memref<3x4x128xi32, #tpu.memory_space<vmem>> -> memref<1x4x128xi32, #tpu.memory_space<vmem>>
        %dma_wait3A_869 = tpu.memref_squeeze %dma_wait3A_868 : memref<1x4x128xi32, #tpu.memory_space<vmem>> -> memref<4x128xi32, #tpu.memory_space<vmem>>
        %dma_wait3A_870 = arith.constant 0 : i32
        %dma_wait3A_871 = tpu.memref_slice %arg5[%mul3A_859, %dma_wait3A_870] : memref<50000x128xi32, #tpu.memory_space<hbm>> -> memref<4x128xi32, #tpu.memory_space<hbm>>
        tpu.wait_dma2 semaphore(%arg17 : memref<!tpu.dma_semaphore, #tpu.memory_space<semaphore_mem>>) src(%dma_wait3A_871 : memref<4x128xi32, #tpu.memory_space<hbm>>) dst(%dma_wait3A_869 : memref<4x128xi32, #tpu.memory_space<vmem>>)
        %mul3A_872 = arith.constant 128 : i32
        %mul3A_873 = arith.muli %add3A_857, %mul3A_872 : i32
        %add3A_874 = arith.constant 1600000 : i32
        %add3A_875 = arith.addi %add3A_874, %mul3A_873 : i32
        %dma_wait3A_876 = arith.constant 0 : i32
        %dma_wait3A_877 = tpu.memref_slice %arg12[%rem3A_584, %dma_wait3A_876] : memref<3x128xi32, #tpu.memory_space<vmem>> -> memref<1x128xi32, #tpu.memory_space<vmem>>
        %dma_wait3A_878 = tpu.memref_squeeze %dma_wait3A_877 : memref<1x128xi32, #tpu.memory_space<vmem>> -> memref<128xi32, #tpu.memory_space<vmem>>
        %dma_wait3A_879 = tpu.memref_slice %arg6[%add3A_875] : memref<3200000xi32, #tpu.memory_space<hbm>> -> memref<128xi32, #tpu.memory_space<hbm>>
        %dma_wait3A_880 = arith.constant 0 : i32
        %dma_wait3A_881 = tpu.memref_slice %arg12[%rem3A_584, %dma_wait3A_880] : memref<3x128xi32, #tpu.memory_space<vmem>> -> memref<1x128xi32, #tpu.memory_space<vmem>>
        %dma_wait3A_882 = tpu.memref_squeeze %dma_wait3A_881 : memref<1x128xi32, #tpu.memory_space<vmem>> -> memref<128xi32, #tpu.memory_space<vmem>>
        %dma_wait3A_883 = tpu.memref_slice %arg6[%add3A_875] : memref<3200000xi32, #tpu.memory_space<hbm>> -> memref<128xi32, #tpu.memory_space<hbm>>
        tpu.wait_dma2 semaphore(%arg17 : memref<!tpu.dma_semaphore, #tpu.memory_space<semaphore_mem>>) src(%dma_wait3A_883 : memref<128xi32, #tpu.memory_space<hbm>>) dst(%dma_wait3A_882 : memref<128xi32, #tpu.memory_space<vmem>>)
      } else {
      }
      %get3A = arith.index_cast %rem3A_576 : i32 to index
      %get3A_590 = arith.constant 0 : index
      %get3A_591 = tpu.vector_load %arg12[%get3A, %get3A_590] {strides = array<i32>} : memref<3x128xi32, #tpu.memory_space<vmem>>, vector<1x16xi32>,
      %get3A_592 = vector.shape_cast %get3A_591 : vector<1x16xi32> to vector<16xi32>
      %sub3A_593 = vector.broadcast %mul3A_0 : i32 to vector<16xi32>
      %sub3A_594 = arith.subi %get3A_592, %sub3A_593 : vector<16xi32>
      %ge3A = vector.broadcast %mul3A_0 : i32 to vector<16xi32>
      %ge3A_595 = arith.cmpi sge, %get3A_592, %ge3A : vector<16xi32>
      %lt3A_596 = arith.constant 50000 : i32
      %lt3A_597 = vector.broadcast %lt3A_596 : i32 to vector<16xi32>
      %lt3A_598 = arith.cmpi slt, %sub3A_594, %lt3A_597 : vector<16xi32>
      %and3A_599 = arith.andi %ge3A_595, %lt3A_598 : vector<16xi1>
      %add3A_600 = arith.constant 50000 : i32
      %add3A_601 = vector.broadcast %add3A_600 : i32 to vector<16xi32>
      %add3A_602 = arith.addi %add3A_601, %iota3A : vector<16xi32>
      %select_n3A_603 = arith.select %and3A_599, %sub3A_594, %add3A_602 : vector<16xi1>, vector<16xi32>
      %swap3A = arith.index_cast %rem3A_576 : i32 to index
      %swap3A_604 = arith.constant 0 : index
      %swap3A_605 = tpu.vector_load %arg13[%swap3A, %swap3A_604] {strides = array<i32>} : memref<3x128xi32, #tpu.memory_space<vmem>>, vector<1x16xi32>,
      %swap3A_606 = vector.shape_cast %swap3A_605 : vector<1x16xi32> to vector<16xi32>
      %swap3A_607 = vector.shape_cast %select_n3A_603 : vector<16xi32> to vector<1x16xi32>
      tpu.vector_store %arg13[%swap3A, %swap3A_604], %swap3A_607 {strides = array<i32>} : memref<3x128xi32, #tpu.memory_space<vmem>>, vector<1x16xi32>,
      %get3A_608 = arith.index_cast %rem3A_576 : i32 to index
      %get3A_609 = arith.constant 16 : index
      %get3A_610 = tpu.vector_load %arg12[%get3A_608, %get3A_609] {strides = array<i32>} : memref<3x128xi32, #tpu.memory_space<vmem>>, vector<1x16xi32>,
      %get3A_611 = vector.shape_cast %get3A_610 : vector<1x16xi32> to vector<16xi32>
      %sub3A_612 = vector.broadcast %mul3A_0 : i32 to vector<16xi32>
      %sub3A_613 = arith.subi %get3A_611, %sub3A_612 : vector<16xi32>
      %ge3A_614 = vector.broadcast %mul3A_0 : i32 to vector<16xi32>
      %ge3A_615 = arith.cmpi sge, %get3A_611, %ge3A_614 : vector<16xi32>
      %lt3A_616 = arith.constant 50000 : i32
      %lt3A_617 = vector.broadcast %lt3A_616 : i32 to vector<16xi32>
      %lt3A_618 = arith.cmpi slt, %sub3A_613, %lt3A_617 : vector<16xi32>
      %and3A_619 = arith.andi %ge3A_615, %lt3A_618 : vector<16xi1>
      %add3A_620 = arith.constant 50016 : i32
      %add3A_621 = vector.broadcast %add3A_620 : i32 to vector<16xi32>
      %add3A_622 = arith.addi %add3A_621, %iota3A : vector<16xi32>
      %select_n3A_623 = arith.select %and3A_619, %sub3A_613, %add3A_622 : vector<16xi1>, vector<16xi32>
      %swap3A_624 = arith.index_cast %rem3A_576 : i32 to index
      %swap3A_625 = arith.constant 16 : index
      %swap3A_626 = tpu.vector_load %arg13[%swap3A_624, %swap3A_625] {strides = array<i32>} : memref<3x128xi32, #tpu.memory_space<vmem>>, vector<1x16xi32>,
      %swap3A_627 = vector.shape_cast %swap3A_626 : vector<1x16xi32> to vector<16xi32>
      %swap3A_628 = vector.shape_cast %select_n3A_623 : vector<16xi32> to vector<1x16xi32>
      tpu.vector_store %arg13[%swap3A_624, %swap3A_625], %swap3A_628 {strides = array<i32>} : memref<3x128xi32, #tpu.memory_space<vmem>>, vector<1x16xi32>,
      %get3A_629 = arith.index_cast %rem3A_576 : i32 to index
      %get3A_630 = arith.constant 32 : index
      %get3A_631 = tpu.vector_load %arg12[%get3A_629, %get3A_630] {strides = array<i32>} : memref<3x128xi32, #tpu.memory_space<vmem>>, vector<1x16xi32>,
      %get3A_632 = vector.shape_cast %get3A_631 : vector<1x16xi32> to vector<16xi32>
      %sub3A_633 = vector.broadcast %mul3A_0 : i32 to vector<16xi32>
      %sub3A_634 = arith.subi %get3A_632, %sub3A_633 : vector<16xi32>
      %ge3A_635 = vector.broadcast %mul3A_0 : i32 to vector<16xi32>
      %ge3A_636 = arith.cmpi sge, %get3A_632, %ge3A_635 : vector<16xi32>
      %lt3A_637 = arith.constant 50000 : i32
      %lt3A_638 = vector.broadcast %lt3A_637 : i32 to vector<16xi32>
      %lt3A_639 = arith.cmpi slt, %sub3A_634, %lt3A_638 : vector<16xi32>
      %and3A_640 = arith.andi %ge3A_636, %lt3A_639 : vector<16xi1>
      %add3A_641 = arith.constant 50032 : i32
      %add3A_642 = vector.broadcast %add3A_641 : i32 to vector<16xi32>
      %add3A_643 = arith.addi %add3A_642, %iota3A : vector<16xi32>
      %select_n3A_644 = arith.select %and3A_640, %sub3A_634, %add3A_643 : vector<16xi1>, vector<16xi32>
      %swap3A_645 = arith.index_cast %rem3A_576 : i32 to index
      %swap3A_646 = arith.constant 32 : index
      %swap3A_647 = tpu.vector_load %arg13[%swap3A_645, %swap3A_646] {strides = array<i32>} : memref<3x128xi32, #tpu.memory_space<vmem>>, vector<1x16xi32>,
      %swap3A_648 = vector.shape_cast %swap3A_647 : vector<1x16xi32> to vector<16xi32>
      %swap3A_649 = vector.shape_cast %select_n3A_644 : vector<16xi32> to vector<1x16xi32>
      tpu.vector_store %arg13[%swap3A_645, %swap3A_646], %swap3A_649 {strides = array<i32>} : memref<3x128xi32, #tpu.memory_space<vmem>>, vector<1x16xi32>,
      %get3A_650 = arith.index_cast %rem3A_576 : i32 to index
      %get3A_651 = arith.constant 48 : index
      %get3A_652 = tpu.vector_load %arg12[%get3A_650, %get3A_651] {strides = array<i32>} : memref<3x128xi32, #tpu.memory_space<vmem>>, vector<1x16xi32>,
      %get3A_653 = vector.shape_cast %get3A_652 : vector<1x16xi32> to vector<16xi32>
      %sub3A_654 = vector.broadcast %mul3A_0 : i32 to vector<16xi32>
      %sub3A_655 = arith.subi %get3A_653, %sub3A_654 : vector<16xi32>
      %ge3A_656 = vector.broadcast %mul3A_0 : i32 to vector<16xi32>
      %ge3A_657 = arith.cmpi sge, %get3A_653, %ge3A_656 : vector<16xi32>
      %lt3A_658 = arith.constant 50000 : i32
      %lt3A_659 = vector.broadcast %lt3A_658 : i32 to vector<16xi32>
      %lt3A_660 = arith.cmpi slt, %sub3A_655, %lt3A_659 : vector<16xi32>
      %and3A_661 = arith.andi %ge3A_657, %lt3A_660 : vector<16xi1>
      %add3A_662 = arith.constant 50048 : i32
      %add3A_663 = vector.broadcast %add3A_662 : i32 to vector<16xi32>
      %add3A_664 = arith.addi %add3A_663, %iota3A : vector<16xi32>
      %select_n3A_665 = arith.select %and3A_661, %sub3A_655, %add3A_664 : vector<16xi1>, vector<16xi32>
      %swap3A_666 = arith.index_cast %rem3A_576 : i32 to index
      %swap3A_667 = arith.constant 48 : index
      %swap3A_668 = tpu.vector_load %arg13[%swap3A_666, %swap3A_667] {strides = array<i32>} : memref<3x128xi32, #tpu.memory_space<vmem>>, vector<1x16xi32>,
      %swap3A_669 = vector.shape_cast %swap3A_668 : vector<1x16xi32> to vector<16xi32>
      %swap3A_670 = vector.shape_cast %select_n3A_665 : vector<16xi32> to vector<1x16xi32>
      tpu.vector_store %arg13[%swap3A_666, %swap3A_667], %swap3A_670 {strides = array<i32>} : memref<3x128xi32, #tpu.memory_space<vmem>>, vector<1x16xi32>,
      %get3A_671 = arith.index_cast %rem3A_576 : i32 to index
      %get3A_672 = arith.constant 64 : index
      %get3A_673 = tpu.vector_load %arg12[%get3A_671, %get3A_672] {strides = array<i32>} : memref<3x128xi32, #tpu.memory_space<vmem>>, vector<1x16xi32>,
      %get3A_674 = vector.shape_cast %get3A_673 : vector<1x16xi32> to vector<16xi32>
      %sub3A_675 = vector.broadcast %mul3A_0 : i32 to vector<16xi32>
      %sub3A_676 = arith.subi %get3A_674, %sub3A_675 : vector<16xi32>
      %ge3A_677 = vector.broadcast %mul3A_0 : i32 to vector<16xi32>
      %ge3A_678 = arith.cmpi sge, %get3A_674, %ge3A_677 : vector<16xi32>
      %lt3A_679 = arith.constant 50000 : i32
      %lt3A_680 = vector.broadcast %lt3A_679 : i32 to vector<16xi32>
      %lt3A_681 = arith.cmpi slt, %sub3A_676, %lt3A_680 : vector<16xi32>
      %and3A_682 = arith.andi %ge3A_678, %lt3A_681 : vector<16xi1>
      %add3A_683 = arith.constant 50064 : i32
      %add3A_684 = vector.broadcast %add3A_683 : i32 to vector<16xi32>
      %add3A_685 = arith.addi %add3A_684, %iota3A : vector<16xi32>
      %select_n3A_686 = arith.select %and3A_682, %sub3A_676, %add3A_685 : vector<16xi1>, vector<16xi32>
      %swap3A_687 = arith.index_cast %rem3A_576 : i32 to index
      %swap3A_688 = arith.constant 64 : index
      %swap3A_689 = tpu.vector_load %arg13[%swap3A_687, %swap3A_688] {strides = array<i32>} : memref<3x128xi32, #tpu.memory_space<vmem>>, vector<1x16xi32>,
      %swap3A_690 = vector.shape_cast %swap3A_689 : vector<1x16xi32> to vector<16xi32>
      %swap3A_691 = vector.shape_cast %select_n3A_686 : vector<16xi32> to vector<1x16xi32>
      tpu.vector_store %arg13[%swap3A_687, %swap3A_688], %swap3A_691 {strides = array<i32>} : memref<3x128xi32, #tpu.memory_space<vmem>>, vector<1x16xi32>,
      %get3A_692 = arith.index_cast %rem3A_576 : i32 to index
      %get3A_693 = arith.constant 80 : index
      %get3A_694 = tpu.vector_load %arg12[%get3A_692, %get3A_693] {strides = array<i32>} : memref<3x128xi32, #tpu.memory_space<vmem>>, vector<1x16xi32>,
      %get3A_695 = vector.shape_cast %get3A_694 : vector<1x16xi32> to vector<16xi32>
      %sub3A_696 = vector.broadcast %mul3A_0 : i32 to vector<16xi32>
      %sub3A_697 = arith.subi %get3A_695, %sub3A_696 : vector<16xi32>
      %ge3A_698 = vector.broadcast %mul3A_0 : i32 to vector<16xi32>
      %ge3A_699 = arith.cmpi sge, %get3A_695, %ge3A_698 : vector<16xi32>
      %lt3A_700 = arith.constant 50000 : i32
      %lt3A_701 = vector.broadcast %lt3A_700 : i32 to vector<16xi32>
      %lt3A_702 = arith.cmpi slt, %sub3A_697, %lt3A_701 : vector<16xi32>
      %and3A_703 = arith.andi %ge3A_699, %lt3A_702 : vector<16xi1>
      %add3A_704 = arith.constant 50080 : i32
      %add3A_705 = vector.broadcast %add3A_704 : i32 to vector<16xi32>
      %add3A_706 = arith.addi %add3A_705, %iota3A : vector<16xi32>
      %select_n3A_707 = arith.select %and3A_703, %sub3A_697, %add3A_706 : vector<16xi1>, vector<16xi32>
      %swap3A_708 = arith.index_cast %rem3A_576 : i32 to index
      %swap3A_709 = arith.constant 80 : index
      %swap3A_710 = tpu.vector_load %arg13[%swap3A_708, %swap3A_709] {strides = array<i32>} : memref<3x128xi32, #tpu.memory_space<vmem>>, vector<1x16xi32>,
      %swap3A_711 = vector.shape_cast %swap3A_710 : vector<1x16xi32> to vector<16xi32>
      %swap3A_712 = vector.shape_cast %select_n3A_707 : vector<16xi32> to vector<1x16xi32>
      tpu.vector_store %arg13[%swap3A_708, %swap3A_709], %swap3A_712 {strides = array<i32>} : memref<3x128xi32, #tpu.memory_space<vmem>>, vector<1x16xi32>,
      %get3A_713 = arith.index_cast %rem3A_576 : i32 to index
      %get3A_714 = arith.constant 96 : index
      %get3A_715 = tpu.vector_load %arg12[%get3A_713, %get3A_714] {strides = array<i32>} : memref<3x128xi32, #tpu.memory_space<vmem>>, vector<1x16xi32>,
      %get3A_716 = vector.shape_cast %get3A_715 : vector<1x16xi32> to vector<16xi32>
      %sub3A_717 = vector.broadcast %mul3A_0 : i32 to vector<16xi32>
      %sub3A_718 = arith.subi %get3A_716, %sub3A_717 : vector<16xi32>
      %ge3A_719 = vector.broadcast %mul3A_0 : i32 to vector<16xi32>
      %ge3A_720 = arith.cmpi sge, %get3A_716, %ge3A_719 : vector<16xi32>
      %lt3A_721 = arith.constant 50000 : i32
      %lt3A_722 = vector.broadcast %lt3A_721 : i32 to vector<16xi32>
      %lt3A_723 = arith.cmpi slt, %sub3A_718, %lt3A_722 : vector<16xi32>
      %and3A_724 = arith.andi %ge3A_720, %lt3A_723 : vector<16xi1>
      %add3A_725 = arith.constant 50096 : i32
      %add3A_726 = vector.broadcast %add3A_725 : i32 to vector<16xi32>
      %add3A_727 = arith.addi %add3A_726, %iota3A : vector<16xi32>
      %select_n3A_728 = arith.select %and3A_724, %sub3A_718, %add3A_727 : vector<16xi1>, vector<16xi32>
      %swap3A_729 = arith.index_cast %rem3A_576 : i32 to index
      %swap3A_730 = arith.constant 96 : index
      %swap3A_731 = tpu.vector_load %arg13[%swap3A_729, %swap3A_730] {strides = array<i32>} : memref<3x128xi32, #tpu.memory_space<vmem>>, vector<1x16xi32>,
      %swap3A_732 = vector.shape_cast %swap3A_731 : vector<1x16xi32> to vector<16xi32>
      %swap3A_733 = vector.shape_cast %select_n3A_728 : vector<16xi32> to vector<1x16xi32>
      tpu.vector_store %arg13[%swap3A_729, %swap3A_730], %swap3A_733 {strides = array<i32>} : memref<3x128xi32, #tpu.memory_space<vmem>>, vector<1x16xi32>,
      %get3A_734 = arith.index_cast %rem3A_576 : i32 to index
      %get3A_735 = arith.constant 112 : index
      %get3A_736 = tpu.vector_load %arg12[%get3A_734, %get3A_735] {strides = array<i32>} : memref<3x128xi32, #tpu.memory_space<vmem>>, vector<1x16xi32>,
      %get3A_737 = vector.shape_cast %get3A_736 : vector<1x16xi32> to vector<16xi32>
      %sub3A_738 = vector.broadcast %mul3A_0 : i32 to vector<16xi32>
      %sub3A_739 = arith.subi %get3A_737, %sub3A_738 : vector<16xi32>
      %ge3A_740 = vector.broadcast %mul3A_0 : i32 to vector<16xi32>
      %ge3A_741 = arith.cmpi sge, %get3A_737, %ge3A_740 : vector<16xi32>
      %lt3A_742 = arith.constant 50000 : i32
      %lt3A_743 = vector.broadcast %lt3A_742 : i32 to vector<16xi32>
      %lt3A_744 = arith.cmpi slt, %sub3A_739, %lt3A_743 : vector<16xi32>
      %and3A_745 = arith.andi %ge3A_741, %lt3A_744 : vector<16xi1>
      %add3A_746 = arith.constant 50112 : i32
      %add3A_747 = vector.broadcast %add3A_746 : i32 to vector<16xi32>
      %add3A_748 = arith.addi %add3A_747, %iota3A : vector<16xi32>
      %select_n3A_749 = arith.select %and3A_745, %sub3A_739, %add3A_748 : vector<16xi1>, vector<16xi32>
      %swap3A_750 = arith.index_cast %rem3A_576 : i32 to index
      %swap3A_751 = arith.constant 112 : index
      %swap3A_752 = tpu.vector_load %arg13[%swap3A_750, %swap3A_751] {strides = array<i32>} : memref<3x128xi32, #tpu.memory_space<vmem>>, vector<1x16xi32>,
      %swap3A_753 = vector.shape_cast %swap3A_752 : vector<1x16xi32> to vector<16xi32>
      %swap3A_754 = vector.shape_cast %select_n3A_749 : vector<16xi32> to vector<1x16xi32>
      tpu.vector_store %arg13[%swap3A_750, %swap3A_751], %swap3A_754 {strides = array<i32>} : memref<3x128xi32, #tpu.memory_space<vmem>>, vector<1x16xi32>,
      %ge3A_755 = arith.constant 2 : i32
      %ge3A_756 = arith.cmpi sge, %while3A_570, %ge3A_755 : i32
      %convert_element_type3A_757 = arith.extui %ge3A_756 : i1 to i32
      %cond3A_758 = arith.constant 0 : i32
      %cond3A_759 = arith.cmpi ne, %convert_element_type3A_757, %cond3A_758 : i32
      scf.if %cond3A_759 {
        %mul3A_856 = arith.constant 2 : i32
        %mul3A_857 = arith.muli %mul3A_856, %rem3A_584 : i32
        %add3A_858 = arith.constant 0 : i32
        %add3A_859 = arith.addi %mul3A_857, %add3A_858 : i32
        %dma_wait3A_860 = arith.constant 0 : i32
        %dma_wait3A_861 = arith.constant 0 : i32
        %dma_wait3A_862 = tpu.memref_slice %arg16[%add3A_859, %dma_wait3A_860, %dma_wait3A_861] : memref<6x128x32xf32, #tpu.memory_space<vmem>> -> memref<1x128x32xf32, #tpu.memory_space<vmem>>
        %dma_wait3A_863 = tpu.memref_squeeze %dma_wait3A_862 : memref<1x128x32xf32, #tpu.memory_space<vmem>> -> memref<128x32xf32, #tpu.memory_space<vmem>>
        %dma_wait3A_864 = arith.constant 0 : i32
        %dma_wait3A_865 = tpu.memref_slice %arg13[%rem3A_584, %dma_wait3A_864] : memref<3x128xi32, #tpu.memory_space<vmem>> -> memref<1x128xi32, #tpu.memory_space<vmem>>
        %dma_wait3A_866 = tpu.memref_squeeze %dma_wait3A_865 : memref<1x128xi32, #tpu.memory_space<vmem>> -> memref<128xi32, #tpu.memory_space<vmem>>
        %dma_wait3A_867 = arith.constant 0 : i32
        %dma_wait3A_868 = arith.constant 0 : i32
        %dma_wait3A_869 = tpu.memref_slice %arg8[%dma_wait3A_867, %dma_wait3A_868] : memref<50176x32xf32, #tpu.memory_space<vmem_shared>> -> memref<50176x32xf32, #tpu.memory_space<vmem_shared>>
        tpu.wait_indirect_dma semaphore(%arg20 : memref<!tpu.dma_semaphore, #tpu.memory_space<semaphore_mem>>) src(%dma_wait3A_863 : memref<128x32xf32, #tpu.memory_space<vmem>>) dst(%dma_wait3A_869 : memref<50176x32xf32, #tpu.memory_space<vmem_shared>>)
        %mul3A_870 = arith.constant 2 : i32
        %mul3A_871 = arith.muli %mul3A_870, %rem3A_584 : i32
        %add3A_872 = arith.constant 1 : i32
        %add3A_873 = arith.addi %mul3A_871, %add3A_872 : i32
        %dma_wait3A_874 = arith.constant 0 : i32
        %dma_wait3A_875 = arith.constant 0 : i32
        %dma_wait3A_876 = tpu.memref_slice %arg16[%add3A_873, %dma_wait3A_874, %dma_wait3A_875] : memref<6x128x32xf32, #tpu.memory_space<vmem>> -> memref<1x128x32xf32, #tpu.memory_space<vmem>>
        %dma_wait3A_877 = tpu.memref_squeeze %dma_wait3A_876 : memref<1x128x32xf32, #tpu.memory_space<vmem>> -> memref<128x32xf32, #tpu.memory_space<vmem>>
        %dma_wait3A_878 = arith.constant 0 : i32
        %dma_wait3A_879 = tpu.memref_slice %arg13[%rem3A_584, %dma_wait3A_878] : memref<3x128xi32, #tpu.memory_space<vmem>> -> memref<1x128xi32, #tpu.memory_space<vmem>>
        %dma_wait3A_880 = tpu.memref_squeeze %dma_wait3A_879 : memref<1x128xi32, #tpu.memory_space<vmem>> -> memref<128xi32, #tpu.memory_space<vmem>>
        %dma_wait3A_881 = arith.constant 0 : i32
        %dma_wait3A_882 = arith.constant 0 : i32
        %dma_wait3A_883 = tpu.memref_slice %arg8[%dma_wait3A_881, %dma_wait3A_882] : memref<50176x32xf32, #tpu.memory_space<vmem_shared>> -> memref<50176x32xf32, #tpu.memory_space<vmem_shared>>
        tpu.wait_indirect_dma semaphore(%arg20 : memref<!tpu.dma_semaphore, #tpu.memory_space<semaphore_mem>>) src(%dma_wait3A_877 : memref<128x32xf32, #tpu.memory_space<vmem>>) dst(%dma_wait3A_883 : memref<50176x32xf32, #tpu.memory_space<vmem_shared>>)
      } else {
      }
      %ge3A_760 = arith.constant 1 : i32
      %ge3A_761 = arith.cmpi sge, %while3A_570, %ge3A_760 : i32
      %convert_element_type3A_762 = arith.extui %ge3A_761 : i1 to i32
      %cond3A_763 = arith.constant 0 : i32
      %cond3A_764 = arith.cmpi ne, %convert_element_type3A_762, %cond3A_763 : i32
      scf.if %cond3A_764 {
        %mul3A_856 = arith.constant 2 : i32
        %mul3A_857 = arith.muli %mul3A_856, %rem3A_580 : i32
        %add3A_858 = arith.constant 0 : i32
        %add3A_859 = arith.addi %mul3A_857, %add3A_858 : i32
        %dma_wait3A_860 = arith.constant 0 : i32
        %dma_wait3A_861 = arith.constant 0 : i32
        %dma_wait3A_862 = arith.constant 0 : i32
        %dma_wait3A_863 = arith.constant 0 : i32
        %dma_wait3A_864 = tpu.memref_slice %arg16[%add3A_859, %dma_wait3A_862, %dma_wait3A_863] : memref<6x128x32xf32, #tpu.memory_space<vmem>> -> memref<1x128x32xf32, #tpu.memory_space<vmem>>
        %dma_wait3A_865 = tpu.memref_squeeze %dma_wait3A_864 : memref<1x128x32xf32, #tpu.memory_space<vmem>> -> memref<128x32xf32, #tpu.memory_space<vmem>>
        %dma_wait3A_866 = arith.constant 0 : i32
        %dma_wait3A_867 = tpu.memref_slice %arg11[%rem3A_580, %dma_wait3A_861, %dma_wait3A_866] : memref<3x4x128xi32, #tpu.memory_space<vmem>> -> memref<1x1x128xi32, #tpu.memory_space<vmem>>
        %dma_wait3A_868 = tpu.memref_squeeze %dma_wait3A_867 : memref<1x1x128xi32, #tpu.memory_space<vmem>> -> memref<128xi32, #tpu.memory_space<vmem>>
        %dma_wait3A_869 = arith.constant 0 : i32
        %dma_wait3A_870 = arith.constant 0 : i32
        %dma_wait3A_871 = tpu.memref_slice %arg3[%dma_wait3A_860, %dma_wait3A_869, %dma_wait3A_870] : memref<4x1000x32xf32, #tpu.memory_space<hbm>> -> memref<1x1000x32xf32, #tpu.memory_space<hbm>>
        %dma_wait3A_872 = tpu.memref_squeeze %dma_wait3A_871 : memref<1x1000x32xf32, #tpu.memory_space<hbm>> -> memref<1000x32xf32, #tpu.memory_space<hbm>>
        %dma_wait3A_873 = arith.constant 0 : i32
        %dma_wait3A_874 = arith.constant 0 : i32
        %dma_wait3A_875 = tpu.memref_slice %dma_wait3A_872[%dma_wait3A_873, %dma_wait3A_874] : memref<1000x32xf32, #tpu.memory_space<hbm>> -> memref<1000x32xf32, #tpu.memory_space<hbm>>
        tpu.wait_indirect_dma semaphore(%arg19 : memref<!tpu.dma_semaphore, #tpu.memory_space<semaphore_mem>>) src(%dma_wait3A_875 : memref<1000x32xf32, #tpu.memory_space<hbm>>) dst(%dma_wait3A_865 : memref<128x32xf32, #tpu.memory_space<vmem>>)
        %mul3A_876 = arith.constant 2 : i32
        %mul3A_877 = arith.muli %mul3A_876, %rem3A_580 : i32
        %add3A_878 = arith.constant 1 : i32
        %add3A_879 = arith.addi %mul3A_877, %add3A_878 : i32
        %dma_wait3A_880 = arith.constant 1 : i32
        %dma_wait3A_881 = arith.constant 1 : i32
        %dma_wait3A_882 = arith.constant 0 : i32
        %dma_wait3A_883 = arith.constant 0 : i32
        %dma_wait3A_884 = tpu.memref_slice %arg16[%add3A_879, %dma_wait3A_882, %dma_wait3A_883] : memref<6x128x32xf32, #tpu.memory_space<vmem>> -> memref<1x128x32xf32, #tpu.memory_space<vmem>>
        %dma_wait3A_885 = tpu.memref_squeeze %dma_wait3A_884 : memref<1x128x32xf32, #tpu.memory_space<vmem>> -> memref<128x32xf32, #tpu.memory_space<vmem>>
        %dma_wait3A_886 = arith.constant 0 : i32
        %dma_wait3A_887 = tpu.memref_slice %arg11[%rem3A_580, %dma_wait3A_881, %dma_wait3A_886] : memref<3x4x128xi32, #tpu.memory_space<vmem>> -> memref<1x1x128xi32, #tpu.memory_space<vmem>>
        %dma_wait3A_888 = tpu.memref_squeeze %dma_wait3A_887 : memref<1x1x128xi32, #tpu.memory_space<vmem>> -> memref<128xi32, #tpu.memory_space<vmem>>
        %dma_wait3A_889 = arith.constant 0 : i32
        %dma_wait3A_890 = arith.constant 0 : i32
        %dma_wait3A_891 = tpu.memref_slice %arg3[%dma_wait3A_880, %dma_wait3A_889, %dma_wait3A_890] : memref<4x1000x32xf32, #tpu.memory_space<hbm>> -> memref<1x1000x32xf32, #tpu.memory_space<hbm>>
        %dma_wait3A_892 = tpu.memref_squeeze %dma_wait3A_891 : memref<1x1000x32xf32, #tpu.memory_space<hbm>> -> memref<1000x32xf32, #tpu.memory_space<hbm>>
        %dma_wait3A_893 = arith.constant 0 : i32
        %dma_wait3A_894 = arith.constant 0 : i32
        %dma_wait3A_895 = tpu.memref_slice %dma_wait3A_892[%dma_wait3A_893, %dma_wait3A_894] : memref<1000x32xf32, #tpu.memory_space<hbm>> -> memref<1000x32xf32, #tpu.memory_space<hbm>>
        tpu.wait_indirect_dma semaphore(%arg19 : memref<!tpu.dma_semaphore, #tpu.memory_space<semaphore_mem>>) src(%dma_wait3A_895 : memref<1000x32xf32, #tpu.memory_space<hbm>>) dst(%dma_wait3A_885 : memref<128x32xf32, #tpu.memory_space<vmem>>)
        %mul3A_896 = arith.constant 2 : i32
        %mul3A_897 = arith.muli %mul3A_896, %rem3A_580 : i32
        %add3A_898 = arith.constant 0 : i32
        %add3A_899 = arith.addi %mul3A_897, %add3A_898 : i32
        %dma_start3A_900 = arith.constant 0 : i32
        %dma_start3A_901 = arith.constant 0 : i32
        %dma_start3A_902 = tpu.memref_slice %arg16[%add3A_899, %dma_start3A_900, %dma_start3A_901] : memref<6x128x32xf32, #tpu.memory_space<vmem>> -> memref<1x128x32xf32, #tpu.memory_space<vmem>>
        %dma_start3A_903 = tpu.memref_squeeze %dma_start3A_902 : memref<1x128x32xf32, #tpu.memory_space<vmem>> -> memref<128x32xf32, #tpu.memory_space<vmem>>
        %dma_start3A_904 = arith.constant 0 : i32
        %dma_start3A_905 = tpu.memref_slice %arg13[%rem3A_580, %dma_start3A_904] : memref<3x128xi32, #tpu.memory_space<vmem>> -> memref<1x128xi32, #tpu.memory_space<vmem>>
        %dma_start3A_906 = tpu.memref_squeeze %dma_start3A_905 : memref<1x128xi32, #tpu.memory_space<vmem>> -> memref<128xi32, #tpu.memory_space<vmem>>
        %dma_start3A_907 = arith.constant 0 : i32
        %dma_start3A_908 = arith.constant 0 : i32
        %dma_start3A_909 = tpu.memref_slice %arg8[%dma_start3A_907, %dma_start3A_908] : memref<50176x32xf32, #tpu.memory_space<vmem_shared>> -> memref<50176x32xf32, #tpu.memory_space<vmem_shared>>
        tpu.enqueue_indirect_dma source(%dma_start3A_903 : memref<128x32xf32, #tpu.memory_space<vmem>>) target(%dma_start3A_909 : memref<50176x32xf32, #tpu.memory_space<vmem_shared>>) offsets(%dma_start3A_906 : memref<128xi32, #tpu.memory_space<vmem>>) semaphore(%arg20 : memref<!tpu.dma_semaphore, #tpu.memory_space<semaphore_mem>>) {add = true}
        %mul3A_910 = arith.constant 2 : i32
        %mul3A_911 = arith.muli %mul3A_910, %rem3A_580 : i32
        %add3A_912 = arith.constant 1 : i32
        %add3A_913 = arith.addi %mul3A_911, %add3A_912 : i32
        %dma_start3A_914 = arith.constant 0 : i32
        %dma_start3A_915 = arith.constant 0 : i32
        %dma_start3A_916 = tpu.memref_slice %arg16[%add3A_913, %dma_start3A_914, %dma_start3A_915] : memref<6x128x32xf32, #tpu.memory_space<vmem>> -> memref<1x128x32xf32, #tpu.memory_space<vmem>>
        %dma_start3A_917 = tpu.memref_squeeze %dma_start3A_916 : memref<1x128x32xf32, #tpu.memory_space<vmem>> -> memref<128x32xf32, #tpu.memory_space<vmem>>
        %dma_start3A_918 = arith.constant 0 : i32
        %dma_start3A_919 = tpu.memref_slice %arg13[%rem3A_580, %dma_start3A_918] : memref<3x128xi32, #tpu.memory_space<vmem>> -> memref<1x128xi32, #tpu.memory_space<vmem>>
        %dma_start3A_920 = tpu.memref_squeeze %dma_start3A_919 : memref<1x128xi32, #tpu.memory_space<vmem>> -> memref<128xi32, #tpu.memory_space<vmem>>
        %dma_start3A_921 = arith.constant 0 : i32
        %dma_start3A_922 = arith.constant 0 : i32
        %dma_start3A_923 = tpu.memref_slice %arg8[%dma_start3A_921, %dma_start3A_922] : memref<50176x32xf32, #tpu.memory_space<vmem_shared>> -> memref<50176x32xf32, #tpu.memory_space<vmem_shared>>
        tpu.enqueue_indirect_dma source(%dma_start3A_917 : memref<128x32xf32, #tpu.memory_space<vmem>>) target(%dma_start3A_923 : memref<50176x32xf32, #tpu.memory_space<vmem_shared>>) offsets(%dma_start3A_920 : memref<128xi32, #tpu.memory_space<vmem>>) semaphore(%arg20 : memref<!tpu.dma_semaphore, #tpu.memory_space<semaphore_mem>>) {add = true}
      } else {
      }
      %add3A_765 = arith.constant 2 : i32
      %add3A_766 = arith.addi %while3A_570, %add3A_765 : i32
      %lt3A_767 = arith.cmpi slt, %add3A_766, %select_n3A_273 : i32
      %convert_element_type3A_768 = arith.extui %lt3A_767 : i1 to i32
      %cond3A_769 = arith.constant 0 : i32
      %cond3A_770 = arith.cmpi ne, %convert_element_type3A_768, %cond3A_769 : i32
      scf.if %cond3A_770 {
        %add3A_856 = arith.constant 32 : i32
        %add3A_857 = arith.addi %add3A_574, %add3A_856 : i32
        %mul3A_858 = arith.constant 4 : i32
        %mul3A_859 = arith.muli %add3A_857, %mul3A_858 : i32
        %dma_start3A_860 = arith.constant 0 : i32
        %dma_start3A_861 = arith.constant 0 : i32
        %dma_start3A_862 = tpu.memref_slice %arg11[%rem3A_580, %dma_start3A_860, %dma_start3A_861] : memref<3x4x128xi32, #tpu.memory_space<vmem>> -> memref<1x4x128xi32, #tpu.memory_space<vmem>>
        %dma_start3A_863 = tpu.memref_squeeze %dma_start3A_862 : memref<1x4x128xi32, #tpu.memory_space<vmem>> -> memref<4x128xi32, #tpu.memory_space<vmem>>
        %dma_start3A_864 = arith.constant 0 : i32
        %dma_start3A_865 = tpu.memref_slice %arg5[%mul3A_859, %dma_start3A_864] : memref<50000x128xi32, #tpu.memory_space<hbm>> -> memref<4x128xi32, #tpu.memory_space<hbm>>
        %dma_start3A_866 = arith.constant 0 : i32
        %dma_start3A_867 = arith.constant 0 : i32
        %dma_start3A_868 = tpu.memref_slice %arg11[%rem3A_580, %dma_start3A_866, %dma_start3A_867] : memref<3x4x128xi32, #tpu.memory_space<vmem>> -> memref<1x4x128xi32, #tpu.memory_space<vmem>>
        %dma_start3A_869 = tpu.memref_squeeze %dma_start3A_868 : memref<1x4x128xi32, #tpu.memory_space<vmem>> -> memref<4x128xi32, #tpu.memory_space<vmem>>
        %dma_start3A_870 = arith.constant 0 : i32
        %dma_start3A_871 = tpu.memref_slice %arg5[%mul3A_859, %dma_start3A_870] : memref<50000x128xi32, #tpu.memory_space<hbm>> -> memref<4x128xi32, #tpu.memory_space<hbm>>
        tpu.enqueue_dma source(%dma_start3A_871 : memref<4x128xi32, #tpu.memory_space<hbm>>) target(%dma_start3A_869 : memref<4x128xi32, #tpu.memory_space<vmem>>) target_semaphore(%arg17 : memref<!tpu.dma_semaphore, #tpu.memory_space<semaphore_mem>>)
        %mul3A_872 = arith.constant 128 : i32
        %mul3A_873 = arith.muli %add3A_857, %mul3A_872 : i32
        %add3A_874 = arith.constant 1600000 : i32
        %add3A_875 = arith.addi %add3A_874, %mul3A_873 : i32
        %dma_start3A_876 = arith.constant 0 : i32
        %dma_start3A_877 = tpu.memref_slice %arg12[%rem3A_580, %dma_start3A_876] : memref<3x128xi32, #tpu.memory_space<vmem>> -> memref<1x128xi32, #tpu.memory_space<vmem>>
        %dma_start3A_878 = tpu.memref_squeeze %dma_start3A_877 : memref<1x128xi32, #tpu.memory_space<vmem>> -> memref<128xi32, #tpu.memory_space<vmem>>
        %dma_start3A_879 = tpu.memref_slice %arg6[%add3A_875] : memref<3200000xi32, #tpu.memory_space<hbm>> -> memref<128xi32, #tpu.memory_space<hbm>>
        %dma_start3A_880 = arith.constant 0 : i32
        %dma_start3A_881 = tpu.memref_slice %arg12[%rem3A_580, %dma_start3A_880] : memref<3x128xi32, #tpu.memory_space<vmem>> -> memref<1x128xi32, #tpu.memory_space<vmem>>
        %dma_start3A_882 = tpu.memref_squeeze %dma_start3A_881 : memref<1x128xi32, #tpu.memory_space<vmem>> -> memref<128xi32, #tpu.memory_space<vmem>>
        %dma_start3A_883 = tpu.memref_slice %arg6[%add3A_875] : memref<3200000xi32, #tpu.memory_space<hbm>> -> memref<128xi32, #tpu.memory_space<hbm>>
        tpu.enqueue_dma source(%dma_start3A_883 : memref<128xi32, #tpu.memory_space<hbm>>) target(%dma_start3A_882 : memref<128xi32, #tpu.memory_space<vmem>>) target_semaphore(%arg17 : memref<!tpu.dma_semaphore, #tpu.memory_space<semaphore_mem>>)
      } else {
      }
      %mul3A_771 = arith.constant 2 : i32
      %mul3A_772 = arith.muli %mul3A_771, %rem3A_576 : i32
      %add3A_773 = arith.constant 0 : i32
      %add3A_774 = arith.addi %mul3A_772, %add3A_773 : i32
      %dma_wait3A_775 = arith.constant 0 : i32
      %dma_wait3A_776 = arith.constant 0 : i32
      %dma_wait3A_777 = arith.constant 0 : i32
      %dma_wait3A_778 = arith.constant 0 : i32
      %dma_wait3A_779 = tpu.memref_slice %arg16[%add3A_774, %dma_wait3A_777, %dma_wait3A_778] : memref<6x128x32xf32, #tpu.memory_space<vmem>> -> memref<1x128x32xf32, #tpu.memory_space<vmem>>
      %dma_wait3A_780 = tpu.memref_squeeze %dma_wait3A_779 : memref<1x128x32xf32, #tpu.memory_space<vmem>> -> memref<128x32xf32, #tpu.memory_space<vmem>>
      %dma_wait3A_781 = arith.constant 0 : i32
      %dma_wait3A_782 = tpu.memref_slice %arg11[%rem3A_576, %dma_wait3A_776, %dma_wait3A_781] : memref<3x4x128xi32, #tpu.memory_space<vmem>> -> memref<1x1x128xi32, #tpu.memory_space<vmem>>
      %dma_wait3A_783 = tpu.memref_squeeze %dma_wait3A_782 : memref<1x1x128xi32, #tpu.memory_space<vmem>> -> memref<128xi32, #tpu.memory_space<vmem>>
      %dma_wait3A_784 = arith.constant 0 : i32
      %dma_wait3A_785 = arith.constant 0 : i32
      %dma_wait3A_786 = tpu.memref_slice %arg3[%dma_wait3A_775, %dma_wait3A_784, %dma_wait3A_785] : memref<4x1000x32xf32, #tpu.memory_space<hbm>> -> memref<1x1000x32xf32, #tpu.memory_space<hbm>>
      %dma_wait3A_787 = tpu.memref_squeeze %dma_wait3A_786 : memref<1x1000x32xf32, #tpu.memory_space<hbm>> -> memref<1000x32xf32, #tpu.memory_space<hbm>>
      %dma_wait3A_788 = arith.constant 0 : i32
      %dma_wait3A_789 = arith.constant 0 : i32
      %dma_wait3A_790 = tpu.memref_slice %dma_wait3A_787[%dma_wait3A_788, %dma_wait3A_789] : memref<1000x32xf32, #tpu.memory_space<hbm>> -> memref<1000x32xf32, #tpu.memory_space<hbm>>
      tpu.wait_indirect_dma semaphore(%arg18 : memref<!tpu.dma_semaphore, #tpu.memory_space<semaphore_mem>>) src(%dma_wait3A_790 : memref<1000x32xf32, #tpu.memory_space<hbm>>) dst(%dma_wait3A_780 : memref<128x32xf32, #tpu.memory_space<vmem>>)
      %mul3A_791 = arith.constant 2 : i32
      %mul3A_792 = arith.muli %mul3A_791, %rem3A_576 : i32
      %add3A_793 = arith.constant 1 : i32
      %add3A_794 = arith.addi %mul3A_792, %add3A_793 : i32
      %dma_wait3A_795 = arith.constant 1 : i32
      %dma_wait3A_796 = arith.constant 1 : i32
      %dma_wait3A_797 = arith.constant 0 : i32
      %dma_wait3A_798 = arith.constant 0 : i32
      %dma_wait3A_799 = tpu.memref_slice %arg16[%add3A_794, %dma_wait3A_797, %dma_wait3A_798] : memref<6x128x32xf32, #tpu.memory_space<vmem>> -> memref<1x128x32xf32, #tpu.memory_space<vmem>>
      %dma_wait3A_800 = tpu.memref_squeeze %dma_wait3A_799 : memref<1x128x32xf32, #tpu.memory_space<vmem>> -> memref<128x32xf32, #tpu.memory_space<vmem>>
      %dma_wait3A_801 = arith.constant 0 : i32
      %dma_wait3A_802 = tpu.memref_slice %arg11[%rem3A_576, %dma_wait3A_796, %dma_wait3A_801] : memref<3x4x128xi32, #tpu.memory_space<vmem>> -> memref<1x1x128xi32, #tpu.memory_space<vmem>>
      %dma_wait3A_803 = tpu.memref_squeeze %dma_wait3A_802 : memref<1x1x128xi32, #tpu.memory_space<vmem>> -> memref<128xi32, #tpu.memory_space<vmem>>
      %dma_wait3A_804 = arith.constant 0 : i32
      %dma_wait3A_805 = arith.constant 0 : i32
      %dma_wait3A_806 = tpu.memref_slice %arg3[%dma_wait3A_795, %dma_wait3A_804, %dma_wait3A_805] : memref<4x1000x32xf32, #tpu.memory_space<hbm>> -> memref<1x1000x32xf32, #tpu.memory_space<hbm>>
      %dma_wait3A_807 = tpu.memref_squeeze %dma_wait3A_806 : memref<1x1000x32xf32, #tpu.memory_space<hbm>> -> memref<1000x32xf32, #tpu.memory_space<hbm>>
      %dma_wait3A_808 = arith.constant 0 : i32
      %dma_wait3A_809 = arith.constant 0 : i32
      %dma_wait3A_810 = tpu.memref_slice %dma_wait3A_807[%dma_wait3A_808, %dma_wait3A_809] : memref<1000x32xf32, #tpu.memory_space<hbm>> -> memref<1000x32xf32, #tpu.memory_space<hbm>>
      tpu.wait_indirect_dma semaphore(%arg18 : memref<!tpu.dma_semaphore, #tpu.memory_space<semaphore_mem>>) src(%dma_wait3A_810 : memref<1000x32xf32, #tpu.memory_space<hbm>>) dst(%dma_wait3A_800 : memref<128x32xf32, #tpu.memory_space<vmem>>)
      %mul3A_811 = arith.constant 2 : i32
      %mul3A_812 = arith.muli %mul3A_811, %rem3A_576 : i32
      %dma_start3A_813 = arith.constant 2 : i32
      %dma_start3A_814 = arith.constant 2 : i32
      %dma_start3A_815 = arith.constant 0 : i32
      %dma_start3A_816 = arith.constant 0 : i32
      %dma_start3A_817 = tpu.memref_slice %arg16[%mul3A_812, %dma_start3A_815, %dma_start3A_816] : memref<6x128x32xf32, #tpu.memory_space<vmem>> -> memref<1x128x32xf32, #tpu.memory_space<vmem>>
      %dma_start3A_818 = tpu.memref_squeeze %dma_start3A_817 : memref<1x128x32xf32, #tpu.memory_space<vmem>> -> memref<128x32xf32, #tpu.memory_space<vmem>>
      %dma_start3A_819 = arith.constant 0 : i32
      %dma_start3A_820 = tpu.memref_slice %arg11[%rem3A_576, %dma_start3A_814, %dma_start3A_819] : memref<3x4x128xi32, #tpu.memory_space<vmem>> -> memref<1x1x128xi32, #tpu.memory_space<vmem>>
      %dma_start3A_821 = tpu.memref_squeeze %dma_start3A_820 : memref<1x1x128xi32, #tpu.memory_space<vmem>> -> memref<128xi32, #tpu.memory_space<vmem>>
      %dma_start3A_822 = arith.constant 0 : i32
      %dma_start3A_823 = arith.constant 0 : i32
      %dma_start3A_824 = tpu.memref_slice %arg3[%dma_start3A_813, %dma_start3A_822, %dma_start3A_823] : memref<4x1000x32xf32, #tpu.memory_space<hbm>> -> memref<1x1000x32xf32, #tpu.memory_space<hbm>>
      %dma_start3A_825 = tpu.memref_squeeze %dma_start3A_824 : memref<1x1000x32xf32, #tpu.memory_space<hbm>> -> memref<1000x32xf32, #tpu.memory_space<hbm>>
      %dma_start3A_826 = arith.constant 0 : i32
      %dma_start3A_827 = arith.constant 0 : i32
      %dma_start3A_828 = tpu.memref_slice %dma_start3A_825[%dma_start3A_826, %dma_start3A_827] : memref<1000x32xf32, #tpu.memory_space<hbm>> -> memref<1000x32xf32, #tpu.memory_space<hbm>>
      tpu.enqueue_indirect_dma source(%dma_start3A_828 : memref<1000x32xf32, #tpu.memory_space<hbm>>) target(%dma_start3A_818 : memref<128x32xf32, #tpu.memory_space<vmem>>) offsets(%dma_start3A_821 : memref<128xi32, #tpu.memory_space<vmem>>) semaphore(%arg19 : memref<!tpu.dma_semaphore, #tpu.memory_space<semaphore_mem>>) {add = true}
      %mul3A_829 = arith.constant 2 : i32
      %mul3A_830 = arith.muli %mul3A_829, %rem3A_576 : i32
      %add3A_831 = arith.constant 1 : i32
      %add3A_832 = arith.addi %mul3A_830, %add3A_831 : i32
      %dma_start3A_833 = arith.constant 3 : i32
      %dma_start3A_834 = arith.constant 3 : i32
      %dma_start3A_835 = arith.constant 0 : i32
      %dma_start3A_836 = arith.constant 0 : i32
      %dma_start3A_837 = tpu.memref_slice %arg16[%add3A_832, %dma_start3A_835, %dma_start3A_836] : memref<6x128x32xf32, #tpu.memory_space<vmem>> -> memref<1x128x32xf32, #tpu.memory_space<vmem>>
      %dma_start3A_838 = tpu.memref_squeeze %dma_start3A_837 : memref<1x128x32xf32, #tpu.memory_space<vmem>> -> memref<128x32xf32, #tpu.memory_space<vmem>>
      %dma_start3A_839 = arith.constant 0 : i32
      %dma_start3A_840 = tpu.memref_slice %arg11[%rem3A_576, %dma_start3A_834, %dma_start3A_839] : memref<3x4x128xi32, #tpu.memory_space<vmem>> -> memref<1x1x128xi32, #tpu.memory_space<vmem>>
      %dma_start3A_841 = tpu.memref_squeeze %dma_start3A_840 : memref<1x1x128xi32, #tpu.memory_space<vmem>> -> memref<128xi32, #tpu.memory_space<vmem>>
      %dma_start3A_842 = arith.constant 0 : i32
      %dma_start3A_843 = arith.constant 0 : i32
      %dma_start3A_844 = tpu.memref_slice %arg3[%dma_start3A_833, %dma_start3A_842, %dma_start3A_843] : memref<4x1000x32xf32, #tpu.memory_space<hbm>> -> memref<1x1000x32xf32, #tpu.memory_space<hbm>>
      %dma_start3A_845 = tpu.memref_squeeze %dma_start3A_844 : memref<1x1000x32xf32, #tpu.memory_space<hbm>> -> memref<1000x32xf32, #tpu.memory_space<hbm>>
      %dma_start3A_846 = arith.constant 0 : i32
      %dma_start3A_847 = arith.constant 0 : i32
      %dma_start3A_848 = tpu.memref_slice %dma_start3A_845[%dma_start3A_846, %dma_start3A_847] : memref<1000x32xf32, #tpu.memory_space<hbm>> -> memref<1000x32xf32, #tpu.memory_space<hbm>>
      tpu.enqueue_indirect_dma source(%dma_start3A_848 : memref<1000x32xf32, #tpu.memory_space<hbm>>) target(%dma_start3A_838 : memref<128x32xf32, #tpu.memory_space<vmem>>) offsets(%dma_start3A_841 : memref<128xi32, #tpu.memory_space<vmem>>) semaphore(%arg19 : memref<!tpu.dma_semaphore, #tpu.memory_space<semaphore_mem>>) {add = true}
      %add3A_849 = arith.constant 1 : i32
      %add3A_850 = arith.addi %while3A_570, %add3A_849 : i32
      %lt3A_851 = arith.cmpi slt, %add3A_850, %select_n3A_273 : i32
      %convert_element_type3A_852 = arith.extui %lt3A_851 : i1 to i32
      %cond3A_853 = arith.constant 0 : i32
      %cond3A_854 = arith.cmpi ne, %convert_element_type3A_852, %cond3A_853 : i32
      scf.if %cond3A_854 {
        %mul3A_856 = arith.constant 2 : i32
        %mul3A_857 = arith.muli %mul3A_856, %rem3A_584 : i32
        %dma_start3A_858 = arith.constant 0 : i32
        %dma_start3A_859 = arith.constant 0 : i32
        %dma_start3A_860 = arith.constant 0 : i32
        %dma_start3A_861 = arith.constant 0 : i32
        %dma_start3A_862 = tpu.memref_slice %arg16[%mul3A_857, %dma_start3A_860, %dma_start3A_861] : memref<6x128x32xf32, #tpu.memory_space<vmem>> -> memref<1x128x32xf32, #tpu.memory_space<vmem>>
        %dma_start3A_863 = tpu.memref_squeeze %dma_start3A_862 : memref<1x128x32xf32, #tpu.memory_space<vmem>> -> memref<128x32xf32, #tpu.memory_space<vmem>>
        %dma_start3A_864 = arith.constant 0 : i32
        %dma_start3A_865 = tpu.memref_slice %arg11[%rem3A_584, %dma_start3A_859, %dma_start3A_864] : memref<3x4x128xi32, #tpu.memory_space<vmem>> -> memref<1x1x128xi32, #tpu.memory_space<vmem>>
        %dma_start3A_866 = tpu.memref_squeeze %dma_start3A_865 : memref<1x1x128xi32, #tpu.memory_space<vmem>> -> memref<128xi32, #tpu.memory_space<vmem>>
        %dma_start3A_867 = arith.constant 0 : i32
        %dma_start3A_868 = arith.constant 0 : i32
        %dma_start3A_869 = tpu.memref_slice %arg3[%dma_start3A_858, %dma_start3A_867, %dma_start3A_868] : memref<4x1000x32xf32, #tpu.memory_space<hbm>> -> memref<1x1000x32xf32, #tpu.memory_space<hbm>>
        %dma_start3A_870 = tpu.memref_squeeze %dma_start3A_869 : memref<1x1000x32xf32, #tpu.memory_space<hbm>> -> memref<1000x32xf32, #tpu.memory_space<hbm>>
        %dma_start3A_871 = arith.constant 0 : i32
        %dma_start3A_872 = arith.constant 0 : i32
        %dma_start3A_873 = tpu.memref_slice %dma_start3A_870[%dma_start3A_871, %dma_start3A_872] : memref<1000x32xf32, #tpu.memory_space<hbm>> -> memref<1000x32xf32, #tpu.memory_space<hbm>>
        tpu.enqueue_indirect_dma source(%dma_start3A_873 : memref<1000x32xf32, #tpu.memory_space<hbm>>) target(%dma_start3A_863 : memref<128x32xf32, #tpu.memory_space<vmem>>) offsets(%dma_start3A_866 : memref<128xi32, #tpu.memory_space<vmem>>) semaphore(%arg18 : memref<!tpu.dma_semaphore, #tpu.memory_space<semaphore_mem>>)
        %mul3A_874 = arith.constant 2 : i32
        %mul3A_875 = arith.muli %mul3A_874, %rem3A_584 : i32
        %add3A_876 = arith.constant 1 : i32
        %add3A_877 = arith.addi %mul3A_875, %add3A_876 : i32
        %dma_start3A_878 = arith.constant 1 : i32
        %dma_start3A_879 = arith.constant 1 : i32
        %dma_start3A_880 = arith.constant 0 : i32
        %dma_start3A_881 = arith.constant 0 : i32
        %dma_start3A_882 = tpu.memref_slice %arg16[%add3A_877, %dma_start3A_880, %dma_start3A_881] : memref<6x128x32xf32, #tpu.memory_space<vmem>> -> memref<1x128x32xf32, #tpu.memory_space<vmem>>
        %dma_start3A_883 = tpu.memref_squeeze %dma_start3A_882 : memref<1x128x32xf32, #tpu.memory_space<vmem>> -> memref<128x32xf32, #tpu.memory_space<vmem>>
        %dma_start3A_884 = arith.constant 0 : i32
        %dma_start3A_885 = tpu.memref_slice %arg11[%rem3A_584, %dma_start3A_879, %dma_start3A_884] : memref<3x4x128xi32, #tpu.memory_space<vmem>> -> memref<1x1x128xi32, #tpu.memory_space<vmem>>
        %dma_start3A_886 = tpu.memref_squeeze %dma_start3A_885 : memref<1x1x128xi32, #tpu.memory_space<vmem>> -> memref<128xi32, #tpu.memory_space<vmem>>
        %dma_start3A_887 = arith.constant 0 : i32
        %dma_start3A_888 = arith.constant 0 : i32
        %dma_start3A_889 = tpu.memref_slice %arg3[%dma_start3A_878, %dma_start3A_887, %dma_start3A_888] : memref<4x1000x32xf32, #tpu.memory_space<hbm>> -> memref<1x1000x32xf32, #tpu.memory_space<hbm>>
        %dma_start3A_890 = tpu.memref_squeeze %dma_start3A_889 : memref<1x1000x32xf32, #tpu.memory_space<hbm>> -> memref<1000x32xf32, #tpu.memory_space<hbm>>
        %dma_start3A_891 = arith.constant 0 : i32
        %dma_start3A_892 = arith.constant 0 : i32
        %dma_start3A_893 = tpu.memref_slice %dma_start3A_890[%dma_start3A_891, %dma_start3A_892] : memref<1000x32xf32, #tpu.memory_space<hbm>> -> memref<1000x32xf32, #tpu.memory_space<hbm>>
        tpu.enqueue_indirect_dma source(%dma_start3A_893 : memref<1000x32xf32, #tpu.memory_space<hbm>>) target(%dma_start3A_883 : memref<128x32xf32, #tpu.memory_space<vmem>>) offsets(%dma_start3A_886 : memref<128xi32, #tpu.memory_space<vmem>>) semaphore(%arg18 : memref<!tpu.dma_semaphore, #tpu.memory_space<semaphore_mem>>)
      } else {
      }
      %while3A_855 = arith.constant 0 : i32
      scf.yield %while3A_855 : i32
    }
    %while3A_406 = arith.constant 1 : i32
    %while3A_407 = scf.for %while3A_570 = %while3A_403 to %while3A_399 step %while3A_406 iter_args(%while3A_571 = %while3A_405) -> (i32)  : i32 {
      %mul3A_572 = arith.constant 16 : i32
      %mul3A_573 = arith.muli %while3A_570, %mul3A_572 : i32
      %add3A_574 = arith.addi %arg1, %mul3A_573 : i32
      %rem3A_575 = arith.constant 3 : i32
      %rem3A_576 = arith.remsi %while3A_570, %rem3A_575 : i32
      %add3A_577 = arith.constant 2 : i32
      %add3A_578 = arith.addi %while3A_570, %add3A_577 : i32
      %rem3A_579 = arith.constant 3 : i32
      %rem3A_580 = arith.remsi %add3A_578, %rem3A_579 : i32
      %add3A_581 = arith.constant 1 : i32
      %add3A_582 = arith.addi %while3A_570, %add3A_581 : i32
      %rem3A_583 = arith.constant 3 : i32
      %rem3A_584 = arith.remsi %add3A_582, %rem3A_583 : i32
      %add3A_585 = arith.constant 1 : i32
      %add3A_586 = arith.addi %while3A_570, %add3A_585 : i32
      %lt3A = arith.cmpi slt, %add3A_586, %select_n3A_273 : i32
      %convert_element_type3A_587 = arith.extui %lt3A : i1 to i32
      %cond3A_588 = arith.constant 0 : i32
      %cond3A_589 = arith.cmpi ne, %convert_element_type3A_587, %cond3A_588 : i32
      scf.if %cond3A_589 {
        %add3A_856 = arith.constant 16 : i32
        %add3A_857 = arith.addi %add3A_574, %add3A_856 : i32
        %mul3A_858 = arith.constant 4 : i32
        %mul3A_859 = arith.muli %add3A_857, %mul3A_858 : i32
        %dma_wait3A_860 = arith.constant 0 : i32
        %dma_wait3A_861 = arith.constant 0 : i32
        %dma_wait3A_862 = tpu.memref_slice %arg11[%rem3A_584, %dma_wait3A_860, %dma_wait3A_861] : memref<3x4x128xi32, #tpu.memory_space<vmem>> -> memref<1x4x128xi32, #tpu.memory_space<vmem>>
        %dma_wait3A_863 = tpu.memref_squeeze %dma_wait3A_862 : memref<1x4x128xi32, #tpu.memory_space<vmem>> -> memref<4x128xi32, #tpu.memory_space<vmem>>
        %dma_wait3A_864 = arith.constant 0 : i32
        %dma_wait3A_865 = tpu.memref_slice %arg5[%mul3A_859, %dma_wait3A_864] : memref<50000x128xi32, #tpu.memory_space<hbm>> -> memref<4x128xi32, #tpu.memory_space<hbm>>
        %dma_wait3A_866 = arith.constant 0 : i32
        %dma_wait3A_867 = arith.constant 0 : i32
        %dma_wait3A_868 = tpu.memref_slice %arg11[%rem3A_584, %dma_wait3A_866, %dma_wait3A_867] : memref<3x4x128xi32, #tpu.memory_space<vmem>> -> memref<1x4x128xi32, #tpu.memory_space<vmem>>
        %dma_wait3A_869 = tpu.memref_squeeze %dma_wait3A_868 : memref<1x4x128xi32, #tpu.memory_space<vmem>> -> memref<4x128xi32, #tpu.memory_space<vmem>>
        %dma_wait3A_870 = arith.constant 0 : i32
        %dma_wait3A_871 = tpu.memref_slice %arg5[%mul3A_859, %dma_wait3A_870] : memref<50000x128xi32, #tpu.memory_space<hbm>> -> memref<4x128xi32, #tpu.memory_space<hbm>>
        tpu.wait_dma2 semaphore(%arg17 : memref<!tpu.dma_semaphore, #tpu.memory_space<semaphore_mem>>) src(%dma_wait3A_871 : memref<4x128xi32, #tpu.memory_space<hbm>>) dst(%dma_wait3A_869 : memref<4x128xi32, #tpu.memory_space<vmem>>)
        %mul3A_872 = arith.constant 128 : i32
        %mul3A_873 = arith.muli %add3A_857, %mul3A_872 : i32
        %add3A_874 = arith.constant 1600000 : i32
        %add3A_875 = arith.addi %add3A_874, %mul3A_873 : i32
        %dma_wait3A_876 = arith.constant 0 : i32
        %dma_wait3A_877 = tpu.memref_slice %arg12[%rem3A_584, %dma_wait3A_876] : memref<3x128xi32, #tpu.memory_space<vmem>> -> memref<1x128xi32, #tpu.memory_space<vmem>>
        %dma_wait3A_878 = tpu.memref_squeeze %dma_wait3A_877 : memref<1x128xi32, #tpu.memory_space<vmem>> -> memref<128xi32, #tpu.memory_space<vmem>>
        %dma_wait3A_879 = tpu.memref_slice %arg6[%add3A_875] : memref<3200000xi32, #tpu.memory_space<hbm>> -> memref<128xi32, #tpu.memory_space<hbm>>
        %dma_wait3A_880 = arith.constant 0 : i32
        %dma_wait3A_881 = tpu.memref_slice %arg12[%rem3A_584, %dma_wait3A_880] : memref<3x128xi32, #tpu.memory_space<vmem>> -> memref<1x128xi32, #tpu.memory_space<vmem>>
        %dma_wait3A_882 = tpu.memref_squeeze %dma_wait3A_881 : memref<1x128xi32, #tpu.memory_space<vmem>> -> memref<128xi32, #tpu.memory_space<vmem>>
        %dma_wait3A_883 = tpu.memref_slice %arg6[%add3A_875] : memref<3200000xi32, #tpu.memory_space<hbm>> -> memref<128xi32, #tpu.memory_space<hbm>>
        tpu.wait_dma2 semaphore(%arg17 : memref<!tpu.dma_semaphore, #tpu.memory_space<semaphore_mem>>) src(%dma_wait3A_883 : memref<128xi32, #tpu.memory_space<hbm>>) dst(%dma_wait3A_882 : memref<128xi32, #tpu.memory_space<vmem>>)
      } else {
      }
      %get3A = arith.index_cast %rem3A_576 : i32 to index
      %get3A_590 = arith.constant 0 : index
      %get3A_591 = tpu.vector_load %arg12[%get3A, %get3A_590] {strides = array<i32>} : memref<3x128xi32, #tpu.memory_space<vmem>>, vector<1x16xi32>,
      %get3A_592 = vector.shape_cast %get3A_591 : vector<1x16xi32> to vector<16xi32>
      %sub3A_593 = vector.broadcast %mul3A_0 : i32 to vector<16xi32>
      %sub3A_594 = arith.subi %get3A_592, %sub3A_593 : vector<16xi32>
      %ge3A = vector.broadcast %mul3A_0 : i32 to vector<16xi32>
      %ge3A_595 = arith.cmpi sge, %get3A_592, %ge3A : vector<16xi32>
      %lt3A_596 = arith.constant 50000 : i32
      %lt3A_597 = vector.broadcast %lt3A_596 : i32 to vector<16xi32>
      %lt3A_598 = arith.cmpi slt, %sub3A_594, %lt3A_597 : vector<16xi32>
      %and3A_599 = arith.andi %ge3A_595, %lt3A_598 : vector<16xi1>
      %add3A_600 = arith.constant 50000 : i32
      %add3A_601 = vector.broadcast %add3A_600 : i32 to vector<16xi32>
      %add3A_602 = arith.addi %add3A_601, %iota3A : vector<16xi32>
      %select_n3A_603 = arith.select %and3A_599, %sub3A_594, %add3A_602 : vector<16xi1>, vector<16xi32>
      %swap3A = arith.index_cast %rem3A_576 : i32 to index
      %swap3A_604 = arith.constant 0 : index
      %swap3A_605 = tpu.vector_load %arg13[%swap3A, %swap3A_604] {strides = array<i32>} : memref<3x128xi32, #tpu.memory_space<vmem>>, vector<1x16xi32>,
      %swap3A_606 = vector.shape_cast %swap3A_605 : vector<1x16xi32> to vector<16xi32>
      %swap3A_607 = vector.shape_cast %select_n3A_603 : vector<16xi32> to vector<1x16xi32>
      tpu.vector_store %arg13[%swap3A, %swap3A_604], %swap3A_607 {strides = array<i32>} : memref<3x128xi32, #tpu.memory_space<vmem>>, vector<1x16xi32>,
      %get3A_608 = arith.index_cast %rem3A_576 : i32 to index
      %get3A_609 = arith.constant 16 : index
      %get3A_610 = tpu.vector_load %arg12[%get3A_608, %get3A_609] {strides = array<i32>} : memref<3x128xi32, #tpu.memory_space<vmem>>, vector<1x16xi32>,
      %get3A_611 = vector.shape_cast %get3A_610 : vector<1x16xi32> to vector<16xi32>
      %sub3A_612 = vector.broadcast %mul3A_0 : i32 to vector<16xi32>
      %sub3A_613 = arith.subi %get3A_611, %sub3A_612 : vector<16xi32>
      %ge3A_614 = vector.broadcast %mul3A_0 : i32 to vector<16xi32>
      %ge3A_615 = arith.cmpi sge, %get3A_611, %ge3A_614 : vector<16xi32>
      %lt3A_616 = arith.constant 50000 : i32
      %lt3A_617 = vector.broadcast %lt3A_616 : i32 to vector<16xi32>
      %lt3A_618 = arith.cmpi slt, %sub3A_613, %lt3A_617 : vector<16xi32>
      %and3A_619 = arith.andi %ge3A_615, %lt3A_618 : vector<16xi1>
      %add3A_620 = arith.constant 50016 : i32
      %add3A_621 = vector.broadcast %add3A_620 : i32 to vector<16xi32>
      %add3A_622 = arith.addi %add3A_621, %iota3A : vector<16xi32>
      %select_n3A_623 = arith.select %and3A_619, %sub3A_613, %add3A_622 : vector<16xi1>, vector<16xi32>
      %swap3A_624 = arith.index_cast %rem3A_576 : i32 to index
      %swap3A_625 = arith.constant 16 : index
      %swap3A_626 = tpu.vector_load %arg13[%swap3A_624, %swap3A_625] {strides = array<i32>} : memref<3x128xi32, #tpu.memory_space<vmem>>, vector<1x16xi32>,
      %swap3A_627 = vector.shape_cast %swap3A_626 : vector<1x16xi32> to vector<16xi32>
      %swap3A_628 = vector.shape_cast %select_n3A_623 : vector<16xi32> to vector<1x16xi32>
      tpu.vector_store %arg13[%swap3A_624, %swap3A_625], %swap3A_628 {strides = array<i32>} : memref<3x128xi32, #tpu.memory_space<vmem>>, vector<1x16xi32>,
      %get3A_629 = arith.index_cast %rem3A_576 : i32 to index
      %get3A_630 = arith.constant 32 : index
      %get3A_631 = tpu.vector_load %arg12[%get3A_629, %get3A_630] {strides = array<i32>} : memref<3x128xi32, #tpu.memory_space<vmem>>, vector<1x16xi32>,
      %get3A_632 = vector.shape_cast %get3A_631 : vector<1x16xi32> to vector<16xi32>
      %sub3A_633 = vector.broadcast %mul3A_0 : i32 to vector<16xi32>
      %sub3A_634 = arith.subi %get3A_632, %sub3A_633 : vector<16xi32>
      %ge3A_635 = vector.broadcast %mul3A_0 : i32 to vector<16xi32>
      %ge3A_636 = arith.cmpi sge, %get3A_632, %ge3A_635 : vector<16xi32>
      %lt3A_637 = arith.constant 50000 : i32
      %lt3A_638 = vector.broadcast %lt3A_637 : i32 to vector<16xi32>
      %lt3A_639 = arith.cmpi slt, %sub3A_634, %lt3A_638 : vector<16xi32>
      %and3A_640 = arith.andi %ge3A_636, %lt3A_639 : vector<16xi1>
      %add3A_641 = arith.constant 50032 : i32
      %add3A_642 = vector.broadcast %add3A_641 : i32 to vector<16xi32>
      %add3A_643 = arith.addi %add3A_642, %iota3A : vector<16xi32>
      %select_n3A_644 = arith.select %and3A_640, %sub3A_634, %add3A_643 : vector<16xi1>, vector<16xi32>
      %swap3A_645 = arith.index_cast %rem3A_576 : i32 to index
      %swap3A_646 = arith.constant 32 : index
      %swap3A_647 = tpu.vector_load %arg13[%swap3A_645, %swap3A_646] {strides = array<i32>} : memref<3x128xi32, #tpu.memory_space<vmem>>, vector<1x16xi32>,
      %swap3A_648 = vector.shape_cast %swap3A_647 : vector<1x16xi32> to vector<16xi32>
      %swap3A_649 = vector.shape_cast %select_n3A_644 : vector<16xi32> to vector<1x16xi32>
      tpu.vector_store %arg13[%swap3A_645, %swap3A_646], %swap3A_649 {strides = array<i32>} : memref<3x128xi32, #tpu.memory_space<vmem>>, vector<1x16xi32>,
      %get3A_650 = arith.index_cast %rem3A_576 : i32 to index
      %get3A_651 = arith.constant 48 : index
      %get3A_652 = tpu.vector_load %arg12[%get3A_650, %get3A_651] {strides = array<i32>} : memref<3x128xi32, #tpu.memory_space<vmem>>, vector<1x16xi32>,
      %get3A_653 = vector.shape_cast %get3A_652 : vector<1x16xi32> to vector<16xi32>
      %sub3A_654 = vector.broadcast %mul3A_0 : i32 to vector<16xi32>
      %sub3A_655 = arith.subi %get3A_653, %sub3A_654 : vector<16xi32>
      %ge3A_656 = vector.broadcast %mul3A_0 : i32 to vector<16xi32>
      %ge3A_657 = arith.cmpi sge, %get3A_653, %ge3A_656 : vector<16xi32>
      %lt3A_658 = arith.constant 50000 : i32
      %lt3A_659 = vector.broadcast %lt3A_658 : i32 to vector<16xi32>
      %lt3A_660 = arith.cmpi slt, %sub3A_655, %lt3A_659 : vector<16xi32>
      %and3A_661 = arith.andi %ge3A_657, %lt3A_660 : vector<16xi1>
      %add3A_662 = arith.constant 50048 : i32
      %add3A_663 = vector.broadcast %add3A_662 : i32 to vector<16xi32>
      %add3A_664 = arith.addi %add3A_663, %iota3A : vector<16xi32>
      %select_n3A_665 = arith.select %and3A_661, %sub3A_655, %add3A_664 : vector<16xi1>, vector<16xi32>
      %swap3A_666 = arith.index_cast %rem3A_576 : i32 to index
      %swap3A_667 = arith.constant 48 : index
      %swap3A_668 = tpu.vector_load %arg13[%swap3A_666, %swap3A_667] {strides = array<i32>} : memref<3x128xi32, #tpu.memory_space<vmem>>, vector<1x16xi32>,
      %swap3A_669 = vector.shape_cast %swap3A_668 : vector<1x16xi32> to vector<16xi32>
      %swap3A_670 = vector.shape_cast %select_n3A_665 : vector<16xi32> to vector<1x16xi32>
      tpu.vector_store %arg13[%swap3A_666, %swap3A_667], %swap3A_670 {strides = array<i32>} : memref<3x128xi32, #tpu.memory_space<vmem>>, vector<1x16xi32>,
      %get3A_671 = arith.index_cast %rem3A_576 : i32 to index
      %get3A_672 = arith.constant 64 : index
      %get3A_673 = tpu.vector_load %arg12[%get3A_671, %get3A_672] {strides = array<i32>} : memref<3x128xi32, #tpu.memory_space<vmem>>, vector<1x16xi32>,
      %get3A_674 = vector.shape_cast %get3A_673 : vector<1x16xi32> to vector<16xi32>
      %sub3A_675 = vector.broadcast %mul3A_0 : i32 to vector<16xi32>
      %sub3A_676 = arith.subi %get3A_674, %sub3A_675 : vector<16xi32>
      %ge3A_677 = vector.broadcast %mul3A_0 : i32 to vector<16xi32>
      %ge3A_678 = arith.cmpi sge, %get3A_674, %ge3A_677 : vector<16xi32>
      %lt3A_679 = arith.constant 50000 : i32
      %lt3A_680 = vector.broadcast %lt3A_679 : i32 to vector<16xi32>
      %lt3A_681 = arith.cmpi slt, %sub3A_676, %lt3A_680 : vector<16xi32>
      %and3A_682 = arith.andi %ge3A_678, %lt3A_681 : vector<16xi1>
      %add3A_683 = arith.constant 50064 : i32
      %add3A_684 = vector.broadcast %add3A_683 : i32 to vector<16xi32>
      %add3A_685 = arith.addi %add3A_684, %iota3A : vector<16xi32>
      %select_n3A_686 = arith.select %and3A_682, %sub3A_676, %add3A_685 : vector<16xi1>, vector<16xi32>
      %swap3A_687 = arith.index_cast %rem3A_576 : i32 to index
      %swap3A_688 = arith.constant 64 : index
      %swap3A_689 = tpu.vector_load %arg13[%swap3A_687, %swap3A_688] {strides = array<i32>} : memref<3x128xi32, #tpu.memory_space<vmem>>, vector<1x16xi32>,
      %swap3A_690 = vector.shape_cast %swap3A_689 : vector<1x16xi32> to vector<16xi32>
      %swap3A_691 = vector.shape_cast %select_n3A_686 : vector<16xi32> to vector<1x16xi32>
      tpu.vector_store %arg13[%swap3A_687, %swap3A_688], %swap3A_691 {strides = array<i32>} : memref<3x128xi32, #tpu.memory_space<vmem>>, vector<1x16xi32>,
      %get3A_692 = arith.index_cast %rem3A_576 : i32 to index
      %get3A_693 = arith.constant 80 : index
      %get3A_694 = tpu.vector_load %arg12[%get3A_692, %get3A_693] {strides = array<i32>} : memref<3x128xi32, #tpu.memory_space<vmem>>, vector<1x16xi32>,
      %get3A_695 = vector.shape_cast %get3A_694 : vector<1x16xi32> to vector<16xi32>
      %sub3A_696 = vector.broadcast %mul3A_0 : i32 to vector<16xi32>
      %sub3A_697 = arith.subi %get3A_695, %sub3A_696 : vector<16xi32>
      %ge3A_698 = vector.broadcast %mul3A_0 : i32 to vector<16xi32>
      %ge3A_699 = arith.cmpi sge, %get3A_695, %ge3A_698 : vector<16xi32>
      %lt3A_700 = arith.constant 50000 : i32
      %lt3A_701 = vector.broadcast %lt3A_700 : i32 to vector<16xi32>
      %lt3A_702 = arith.cmpi slt, %sub3A_697, %lt3A_701 : vector<16xi32>
      %and3A_703 = arith.andi %ge3A_699, %lt3A_702 : vector<16xi1>
      %add3A_704 = arith.constant 50080 : i32
      %add3A_705 = vector.broadcast %add3A_704 : i32 to vector<16xi32>
      %add3A_706 = arith.addi %add3A_705, %iota3A : vector<16xi32>
      %select_n3A_707 = arith.select %and3A_703, %sub3A_697, %add3A_706 : vector<16xi1>, vector<16xi32>
      %swap3A_708 = arith.index_cast %rem3A_576 : i32 to index
      %swap3A_709 = arith.constant 80 : index
      %swap3A_710 = tpu.vector_load %arg13[%swap3A_708, %swap3A_709] {strides = array<i32>} : memref<3x128xi32, #tpu.memory_space<vmem>>, vector<1x16xi32>,
      %swap3A_711 = vector.shape_cast %swap3A_710 : vector<1x16xi32> to vector<16xi32>
      %swap3A_712 = vector.shape_cast %select_n3A_707 : vector<16xi32> to vector<1x16xi32>
      tpu.vector_store %arg13[%swap3A_708, %swap3A_709], %swap3A_712 {strides = array<i32>} : memref<3x128xi32, #tpu.memory_space<vmem>>, vector<1x16xi32>,
      %get3A_713 = arith.index_cast %rem3A_576 : i32 to index
      %get3A_714 = arith.constant 96 : index
      %get3A_715 = tpu.vector_load %arg12[%get3A_713, %get3A_714] {strides = array<i32>} : memref<3x128xi32, #tpu.memory_space<vmem>>, vector<1x16xi32>,
      %get3A_716 = vector.shape_cast %get3A_715 : vector<1x16xi32> to vector<16xi32>
      %sub3A_717 = vector.broadcast %mul3A_0 : i32 to vector<16xi32>
      %sub3A_718 = arith.subi %get3A_716, %sub3A_717 : vector<16xi32>
      %ge3A_719 = vector.broadcast %mul3A_0 : i32 to vector<16xi32>
      %ge3A_720 = arith.cmpi sge, %get3A_716, %ge3A_719 : vector<16xi32>
      %lt3A_721 = arith.constant 50000 : i32
      %lt3A_722 = vector.broadcast %lt3A_721 : i32 to vector<16xi32>
      %lt3A_723 = arith.cmpi slt, %sub3A_718, %lt3A_722 : vector<16xi32>
      %and3A_724 = arith.andi %ge3A_720, %lt3A_723 : vector<16xi1>
      %add3A_725 = arith.constant 50096 : i32
      %add3A_726 = vector.broadcast %add3A_725 : i32 to vector<16xi32>
      %add3A_727 = arith.addi %add3A_726, %iota3A : vector<16xi32>
      %select_n3A_728 = arith.select %and3A_724, %sub3A_718, %add3A_727 : vector<16xi1>, vector<16xi32>
      %swap3A_729 = arith.index_cast %rem3A_576 : i32 to index
      %swap3A_730 = arith.constant 96 : index
      %swap3A_731 = tpu.vector_load %arg13[%swap3A_729, %swap3A_730] {strides = array<i32>} : memref<3x128xi32, #tpu.memory_space<vmem>>, vector<1x16xi32>,
      %swap3A_732 = vector.shape_cast %swap3A_731 : vector<1x16xi32> to vector<16xi32>
      %swap3A_733 = vector.shape_cast %select_n3A_728 : vector<16xi32> to vector<1x16xi32>
      tpu.vector_store %arg13[%swap3A_729, %swap3A_730], %swap3A_733 {strides = array<i32>} : memref<3x128xi32, #tpu.memory_space<vmem>>, vector<1x16xi32>,
      %get3A_734 = arith.index_cast %rem3A_576 : i32 to index
      %get3A_735 = arith.constant 112 : index
      %get3A_736 = tpu.vector_load %arg12[%get3A_734, %get3A_735] {strides = array<i32>} : memref<3x128xi32, #tpu.memory_space<vmem>>, vector<1x16xi32>,
      %get3A_737 = vector.shape_cast %get3A_736 : vector<1x16xi32> to vector<16xi32>
      %sub3A_738 = vector.broadcast %mul3A_0 : i32 to vector<16xi32>
      %sub3A_739 = arith.subi %get3A_737, %sub3A_738 : vector<16xi32>
      %ge3A_740 = vector.broadcast %mul3A_0 : i32 to vector<16xi32>
      %ge3A_741 = arith.cmpi sge, %get3A_737, %ge3A_740 : vector<16xi32>
      %lt3A_742 = arith.constant 50000 : i32
      %lt3A_743 = vector.broadcast %lt3A_742 : i32 to vector<16xi32>
      %lt3A_744 = arith.cmpi slt, %sub3A_739, %lt3A_743 : vector<16xi32>
      %and3A_745 = arith.andi %ge3A_741, %lt3A_744 : vector<16xi1>
      %add3A_746 = arith.constant 50112 : i32
      %add3A_747 = vector.broadcast %add3A_746 : i32 to vector<16xi32>
      %add3A_748 = arith.addi %add3A_747, %iota3A : vector<16xi32>
      %select_n3A_749 = arith.select %and3A_745, %sub3A_739, %add3A_748 : vector<16xi1>, vector<16xi32>
      %swap3A_750 = arith.index_cast %rem3A_576 : i32 to index
      %swap3A_751 = arith.constant 112 : index
      %swap3A_752 = tpu.vector_load %arg13[%swap3A_750, %swap3A_751] {strides = array<i32>} : memref<3x128xi32, #tpu.memory_space<vmem>>, vector<1x16xi32>,
      %swap3A_753 = vector.shape_cast %swap3A_752 : vector<1x16xi32> to vector<16xi32>
      %swap3A_754 = vector.shape_cast %select_n3A_749 : vector<16xi32> to vector<1x16xi32>
      tpu.vector_store %arg13[%swap3A_750, %swap3A_751], %swap3A_754 {strides = array<i32>} : memref<3x128xi32, #tpu.memory_space<vmem>>, vector<1x16xi32>,
      %ge3A_755 = arith.constant 2 : i32
      %ge3A_756 = arith.cmpi sge, %while3A_570, %ge3A_755 : i32
      %convert_element_type3A_757 = arith.extui %ge3A_756 : i1 to i32
      %cond3A_758 = arith.constant 0 : i32
      %cond3A_759 = arith.cmpi ne, %convert_element_type3A_757, %cond3A_758 : i32
      scf.if %cond3A_759 {
        %mul3A_856 = arith.constant 2 : i32
        %mul3A_857 = arith.muli %mul3A_856, %rem3A_584 : i32
        %add3A_858 = arith.constant 0 : i32
        %add3A_859 = arith.addi %mul3A_857, %add3A_858 : i32
        %dma_wait3A_860 = arith.constant 0 : i32
        %dma_wait3A_861 = arith.constant 0 : i32
        %dma_wait3A_862 = tpu.memref_slice %arg16[%add3A_859, %dma_wait3A_860, %dma_wait3A_861] : memref<6x128x32xf32, #tpu.memory_space<vmem>> -> memref<1x128x32xf32, #tpu.memory_space<vmem>>
        %dma_wait3A_863 = tpu.memref_squeeze %dma_wait3A_862 : memref<1x128x32xf32, #tpu.memory_space<vmem>> -> memref<128x32xf32, #tpu.memory_space<vmem>>
        %dma_wait3A_864 = arith.constant 0 : i32
        %dma_wait3A_865 = tpu.memref_slice %arg13[%rem3A_584, %dma_wait3A_864] : memref<3x128xi32, #tpu.memory_space<vmem>> -> memref<1x128xi32, #tpu.memory_space<vmem>>
        %dma_wait3A_866 = tpu.memref_squeeze %dma_wait3A_865 : memref<1x128xi32, #tpu.memory_space<vmem>> -> memref<128xi32, #tpu.memory_space<vmem>>
        %dma_wait3A_867 = arith.constant 0 : i32
        %dma_wait3A_868 = arith.constant 0 : i32
        %dma_wait3A_869 = tpu.memref_slice %arg8[%dma_wait3A_867, %dma_wait3A_868] : memref<50176x32xf32, #tpu.memory_space<vmem_shared>> -> memref<50176x32xf32, #tpu.memory_space<vmem_shared>>
        tpu.wait_indirect_dma semaphore(%arg20 : memref<!tpu.dma_semaphore, #tpu.memory_space<semaphore_mem>>) src(%dma_wait3A_863 : memref<128x32xf32, #tpu.memory_space<vmem>>) dst(%dma_wait3A_869 : memref<50176x32xf32, #tpu.memory_space<vmem_shared>>)
        %mul3A_870 = arith.constant 2 : i32
        %mul3A_871 = arith.muli %mul3A_870, %rem3A_584 : i32
        %add3A_872 = arith.constant 1 : i32
        %add3A_873 = arith.addi %mul3A_871, %add3A_872 : i32
        %dma_wait3A_874 = arith.constant 0 : i32
        %dma_wait3A_875 = arith.constant 0 : i32
        %dma_wait3A_876 = tpu.memref_slice %arg16[%add3A_873, %dma_wait3A_874, %dma_wait3A_875] : memref<6x128x32xf32, #tpu.memory_space<vmem>> -> memref<1x128x32xf32, #tpu.memory_space<vmem>>
        %dma_wait3A_877 = tpu.memref_squeeze %dma_wait3A_876 : memref<1x128x32xf32, #tpu.memory_space<vmem>> -> memref<128x32xf32, #tpu.memory_space<vmem>>
        %dma_wait3A_878 = arith.constant 0 : i32
        %dma_wait3A_879 = tpu.memref_slice %arg13[%rem3A_584, %dma_wait3A_878] : memref<3x128xi32, #tpu.memory_space<vmem>> -> memref<1x128xi32, #tpu.memory_space<vmem>>
        %dma_wait3A_880 = tpu.memref_squeeze %dma_wait3A_879 : memref<1x128xi32, #tpu.memory_space<vmem>> -> memref<128xi32, #tpu.memory_space<vmem>>
        %dma_wait3A_881 = arith.constant 0 : i32
        %dma_wait3A_882 = arith.constant 0 : i32
        %dma_wait3A_883 = tpu.memref_slice %arg8[%dma_wait3A_881, %dma_wait3A_882] : memref<50176x32xf32, #tpu.memory_space<vmem_shared>> -> memref<50176x32xf32, #tpu.memory_space<vmem_shared>>
        tpu.wait_indirect_dma semaphore(%arg20 : memref<!tpu.dma_semaphore, #tpu.memory_space<semaphore_mem>>) src(%dma_wait3A_877 : memref<128x32xf32, #tpu.memory_space<vmem>>) dst(%dma_wait3A_883 : memref<50176x32xf32, #tpu.memory_space<vmem_shared>>)
      } else {
      }
      %ge3A_760 = arith.constant 1 : i32
      %ge3A_761 = arith.cmpi sge, %while3A_570, %ge3A_760 : i32
      %convert_element_type3A_762 = arith.extui %ge3A_761 : i1 to i32
      %cond3A_763 = arith.constant 0 : i32
      %cond3A_764 = arith.cmpi ne, %convert_element_type3A_762, %cond3A_763 : i32
      scf.if %cond3A_764 {
        %mul3A_856 = arith.constant 2 : i32
        %mul3A_857 = arith.muli %mul3A_856, %rem3A_580 : i32
        %add3A_858 = arith.constant 0 : i32
        %add3A_859 = arith.addi %mul3A_857, %add3A_858 : i32
        %dma_wait3A_860 = arith.constant 0 : i32
        %dma_wait3A_861 = arith.constant 0 : i32
        %dma_wait3A_862 = arith.constant 0 : i32
        %dma_wait3A_863 = arith.constant 0 : i32
        %dma_wait3A_864 = tpu.memref_slice %arg16[%add3A_859, %dma_wait3A_862, %dma_wait3A_863] : memref<6x128x32xf32, #tpu.memory_space<vmem>> -> memref<1x128x32xf32, #tpu.memory_space<vmem>>
        %dma_wait3A_865 = tpu.memref_squeeze %dma_wait3A_864 : memref<1x128x32xf32, #tpu.memory_space<vmem>> -> memref<128x32xf32, #tpu.memory_space<vmem>>
        %dma_wait3A_866 = arith.constant 0 : i32
        %dma_wait3A_867 = tpu.memref_slice %arg11[%rem3A_580, %dma_wait3A_861, %dma_wait3A_866] : memref<3x4x128xi32, #tpu.memory_space<vmem>> -> memref<1x1x128xi32, #tpu.memory_space<vmem>>
        %dma_wait3A_868 = tpu.memref_squeeze %dma_wait3A_867 : memref<1x1x128xi32, #tpu.memory_space<vmem>> -> memref<128xi32, #tpu.memory_space<vmem>>
        %dma_wait3A_869 = arith.constant 0 : i32
        %dma_wait3A_870 = arith.constant 0 : i32
        %dma_wait3A_871 = tpu.memref_slice %arg3[%dma_wait3A_860, %dma_wait3A_869, %dma_wait3A_870] : memref<4x1000x32xf32, #tpu.memory_space<hbm>> -> memref<1x1000x32xf32, #tpu.memory_space<hbm>>
        %dma_wait3A_872 = tpu.memref_squeeze %dma_wait3A_871 : memref<1x1000x32xf32, #tpu.memory_space<hbm>> -> memref<1000x32xf32, #tpu.memory_space<hbm>>
        %dma_wait3A_873 = arith.constant 0 : i32
        %dma_wait3A_874 = arith.constant 0 : i32
        %dma_wait3A_875 = tpu.memref_slice %dma_wait3A_872[%dma_wait3A_873, %dma_wait3A_874] : memref<1000x32xf32, #tpu.memory_space<hbm>> -> memref<1000x32xf32, #tpu.memory_space<hbm>>
        tpu.wait_indirect_dma semaphore(%arg19 : memref<!tpu.dma_semaphore, #tpu.memory_space<semaphore_mem>>) src(%dma_wait3A_875 : memref<1000x32xf32, #tpu.memory_space<hbm>>) dst(%dma_wait3A_865 : memref<128x32xf32, #tpu.memory_space<vmem>>)
        %mul3A_876 = arith.constant 2 : i32
        %mul3A_877 = arith.muli %mul3A_876, %rem3A_580 : i32
        %add3A_878 = arith.constant 1 : i32
        %add3A_879 = arith.addi %mul3A_877, %add3A_878 : i32
        %dma_wait3A_880 = arith.constant 1 : i32
        %dma_wait3A_881 = arith.constant 1 : i32
        %dma_wait3A_882 = arith.constant 0 : i32
        %dma_wait3A_883 = arith.constant 0 : i32
        %dma_wait3A_884 = tpu.memref_slice %arg16[%add3A_879, %dma_wait3A_882, %dma_wait3A_883] : memref<6x128x32xf32, #tpu.memory_space<vmem>> -> memref<1x128x32xf32, #tpu.memory_space<vmem>>
        %dma_wait3A_885 = tpu.memref_squeeze %dma_wait3A_884 : memref<1x128x32xf32, #tpu.memory_space<vmem>> -> memref<128x32xf32, #tpu.memory_space<vmem>>
        %dma_wait3A_886 = arith.constant 0 : i32
        %dma_wait3A_887 = tpu.memref_slice %arg11[%rem3A_580, %dma_wait3A_881, %dma_wait3A_886] : memref<3x4x128xi32, #tpu.memory_space<vmem>> -> memref<1x1x128xi32, #tpu.memory_space<vmem>>
        %dma_wait3A_888 = tpu.memref_squeeze %dma_wait3A_887 : memref<1x1x128xi32, #tpu.memory_space<vmem>> -> memref<128xi32, #tpu.memory_space<vmem>>
        %dma_wait3A_889 = arith.constant 0 : i32
        %dma_wait3A_890 = arith.constant 0 : i32
        %dma_wait3A_891 = tpu.memref_slice %arg3[%dma_wait3A_880, %dma_wait3A_889, %dma_wait3A_890] : memref<4x1000x32xf32, #tpu.memory_space<hbm>> -> memref<1x1000x32xf32, #tpu.memory_space<hbm>>
        %dma_wait3A_892 = tpu.memref_squeeze %dma_wait3A_891 : memref<1x1000x32xf32, #tpu.memory_space<hbm>> -> memref<1000x32xf32, #tpu.memory_space<hbm>>
        %dma_wait3A_893 = arith.constant 0 : i32
        %dma_wait3A_894 = arith.constant 0 : i32
        %dma_wait3A_895 = tpu.memref_slice %dma_wait3A_892[%dma_wait3A_893, %dma_wait3A_894] : memref<1000x32xf32, #tpu.memory_space<hbm>> -> memref<1000x32xf32, #tpu.memory_space<hbm>>
        tpu.wait_indirect_dma semaphore(%arg19 : memref<!tpu.dma_semaphore, #tpu.memory_space<semaphore_mem>>) src(%dma_wait3A_895 : memref<1000x32xf32, #tpu.memory_space<hbm>>) dst(%dma_wait3A_885 : memref<128x32xf32, #tpu.memory_space<vmem>>)
        %mul3A_896 = arith.constant 2 : i32
        %mul3A_897 = arith.muli %mul3A_896, %rem3A_580 : i32
        %add3A_898 = arith.constant 0 : i32
        %add3A_899 = arith.addi %mul3A_897, %add3A_898 : i32
        %dma_start3A_900 = arith.constant 0 : i32
        %dma_start3A_901 = arith.constant 0 : i32
        %dma_start3A_902 = tpu.memref_slice %arg16[%add3A_899, %dma_start3A_900, %dma_start3A_901] : memref<6x128x32xf32, #tpu.memory_space<vmem>> -> memref<1x128x32xf32, #tpu.memory_space<vmem>>
        %dma_start3A_903 = tpu.memref_squeeze %dma_start3A_902 : memref<1x128x32xf32, #tpu.memory_space<vmem>> -> memref<128x32xf32, #tpu.memory_space<vmem>>
        %dma_start3A_904 = arith.constant 0 : i32
        %dma_start3A_905 = tpu.memref_slice %arg13[%rem3A_580, %dma_start3A_904] : memref<3x128xi32, #tpu.memory_space<vmem>> -> memref<1x128xi32, #tpu.memory_space<vmem>>
        %dma_start3A_906 = tpu.memref_squeeze %dma_start3A_905 : memref<1x128xi32, #tpu.memory_space<vmem>> -> memref<128xi32, #tpu.memory_space<vmem>>
        %dma_start3A_907 = arith.constant 0 : i32
        %dma_start3A_908 = arith.constant 0 : i32
        %dma_start3A_909 = tpu.memref_slice %arg8[%dma_start3A_907, %dma_start3A_908] : memref<50176x32xf32, #tpu.memory_space<vmem_shared>> -> memref<50176x32xf32, #tpu.memory_space<vmem_shared>>
        tpu.enqueue_indirect_dma source(%dma_start3A_903 : memref<128x32xf32, #tpu.memory_space<vmem>>) target(%dma_start3A_909 : memref<50176x32xf32, #tpu.memory_space<vmem_shared>>) offsets(%dma_start3A_906 : memref<128xi32, #tpu.memory_space<vmem>>) semaphore(%arg20 : memref<!tpu.dma_semaphore, #tpu.memory_space<semaphore_mem>>) {add = true}
        %mul3A_910 = arith.constant 2 : i32
        %mul3A_911 = arith.muli %mul3A_910, %rem3A_580 : i32
        %add3A_912 = arith.constant 1 : i32
        %add3A_913 = arith.addi %mul3A_911, %add3A_912 : i32
        %dma_start3A_914 = arith.constant 0 : i32
        %dma_start3A_915 = arith.constant 0 : i32
        %dma_start3A_916 = tpu.memref_slice %arg16[%add3A_913, %dma_start3A_914, %dma_start3A_915] : memref<6x128x32xf32, #tpu.memory_space<vmem>> -> memref<1x128x32xf32, #tpu.memory_space<vmem>>
        %dma_start3A_917 = tpu.memref_squeeze %dma_start3A_916 : memref<1x128x32xf32, #tpu.memory_space<vmem>> -> memref<128x32xf32, #tpu.memory_space<vmem>>
        %dma_start3A_918 = arith.constant 0 : i32
        %dma_start3A_919 = tpu.memref_slice %arg13[%rem3A_580, %dma_start3A_918] : memref<3x128xi32, #tpu.memory_space<vmem>> -> memref<1x128xi32, #tpu.memory_space<vmem>>
        %dma_start3A_920 = tpu.memref_squeeze %dma_start3A_919 : memref<1x128xi32, #tpu.memory_space<vmem>> -> memref<128xi32, #tpu.memory_space<vmem>>
        %dma_start3A_921 = arith.constant 0 : i32
        %dma_start3A_922 = arith.constant 0 : i32
        %dma_start3A_923 = tpu.memref_slice %arg8[%dma_start3A_921, %dma_start3A_922] : memref<50176x32xf32, #tpu.memory_space<vmem_shared>> -> memref<50176x32xf32, #tpu.memory_space<vmem_shared>>
        tpu.enqueue_indirect_dma source(%dma_start3A_917 : memref<128x32xf32, #tpu.memory_space<vmem>>) target(%dma_start3A_923 : memref<50176x32xf32, #tpu.memory_space<vmem_shared>>) offsets(%dma_start3A_920 : memref<128xi32, #tpu.memory_space<vmem>>) semaphore(%arg20 : memref<!tpu.dma_semaphore, #tpu.memory_space<semaphore_mem>>) {add = true}
      } else {
      }
      %add3A_765 = arith.constant 2 : i32
      %add3A_766 = arith.addi %while3A_570, %add3A_765 : i32
      %lt3A_767 = arith.cmpi slt, %add3A_766, %select_n3A_273 : i32
      %convert_element_type3A_768 = arith.extui %lt3A_767 : i1 to i32
      %cond3A_769 = arith.constant 0 : i32
      %cond3A_770 = arith.cmpi ne, %convert_element_type3A_768, %cond3A_769 : i32
      scf.if %cond3A_770 {
        %add3A_856 = arith.constant 32 : i32
        %add3A_857 = arith.addi %add3A_574, %add3A_856 : i32
        %mul3A_858 = arith.constant 4 : i32
        %mul3A_859 = arith.muli %add3A_857, %mul3A_858 : i32
        %dma_start3A_860 = arith.constant 0 : i32
        %dma_start3A_861 = arith.constant 0 : i32
        %dma_start3A_862 = tpu.memref_slice %arg11[%rem3A_580, %dma_start3A_860, %dma_start3A_861] : memref<3x4x128xi32, #tpu.memory_space<vmem>> -> memref<1x4x128xi32, #tpu.memory_space<vmem>>
        %dma_start3A_863 = tpu.memref_squeeze %dma_start3A_862 : memref<1x4x128xi32, #tpu.memory_space<vmem>> -> memref<4x128xi32, #tpu.memory_space<vmem>>
        %dma_start3A_864 = arith.constant 0 : i32
        %dma_start3A_865 = tpu.memref_slice %arg5[%mul3A_859, %dma_start3A_864] : memref<50000x128xi32, #tpu.memory_space<hbm>> -> memref<4x128xi32, #tpu.memory_space<hbm>>
        %dma_start3A_866 = arith.constant 0 : i32
        %dma_start3A_867 = arith.constant 0 : i32
        %dma_start3A_868 = tpu.memref_slice %arg11[%rem3A_580, %dma_start3A_866, %dma_start3A_867] : memref<3x4x128xi32, #tpu.memory_space<vmem>> -> memref<1x4x128xi32, #tpu.memory_space<vmem>>
        %dma_start3A_869 = tpu.memref_squeeze %dma_start3A_868 : memref<1x4x128xi32, #tpu.memory_space<vmem>> -> memref<4x128xi32, #tpu.memory_space<vmem>>
        %dma_start3A_870 = arith.constant 0 : i32
        %dma_start3A_871 = tpu.memref_slice %arg5[%mul3A_859, %dma_start3A_870] : memref<50000x128xi32, #tpu.memory_space<hbm>> -> memref<4x128xi32, #tpu.memory_space<hbm>>
        tpu.enqueue_dma source(%dma_start3A_871 : memref<4x128xi32, #tpu.memory_space<hbm>>) target(%dma_start3A_869 : memref<4x128xi32, #tpu.memory_space<vmem>>) target_semaphore(%arg17 : memref<!tpu.dma_semaphore, #tpu.memory_space<semaphore_mem>>)
        %mul3A_872 = arith.constant 128 : i32
        %mul3A_873 = arith.muli %add3A_857, %mul3A_872 : i32
        %add3A_874 = arith.constant 1600000 : i32
        %add3A_875 = arith.addi %add3A_874, %mul3A_873 : i32
        %dma_start3A_876 = arith.constant 0 : i32
        %dma_start3A_877 = tpu.memref_slice %arg12[%rem3A_580, %dma_start3A_876] : memref<3x128xi32, #tpu.memory_space<vmem>> -> memref<1x128xi32, #tpu.memory_space<vmem>>
        %dma_start3A_878 = tpu.memref_squeeze %dma_start3A_877 : memref<1x128xi32, #tpu.memory_space<vmem>> -> memref<128xi32, #tpu.memory_space<vmem>>
        %dma_start3A_879 = tpu.memref_slice %arg6[%add3A_875] : memref<3200000xi32, #tpu.memory_space<hbm>> -> memref<128xi32, #tpu.memory_space<hbm>>
        %dma_start3A_880 = arith.constant 0 : i32
        %dma_start3A_881 = tpu.memref_slice %arg12[%rem3A_580, %dma_start3A_880] : memref<3x128xi32, #tpu.memory_space<vmem>> -> memref<1x128xi32, #tpu.memory_space<vmem>>
        %dma_start3A_882 = tpu.memref_squeeze %dma_start3A_881 : memref<1x128xi32, #tpu.memory_space<vmem>> -> memref<128xi32, #tpu.memory_space<vmem>>
        %dma_start3A_883 = tpu.memref_slice %arg6[%add3A_875] : memref<3200000xi32, #tpu.memory_space<hbm>> -> memref<128xi32, #tpu.memory_space<hbm>>
        tpu.enqueue_dma source(%dma_start3A_883 : memref<128xi32, #tpu.memory_space<hbm>>) target(%dma_start3A_882 : memref<128xi32, #tpu.memory_space<vmem>>) target_semaphore(%arg17 : memref<!tpu.dma_semaphore, #tpu.memory_space<semaphore_mem>>)
      } else {
      }
      %mul3A_771 = arith.constant 2 : i32
      %mul3A_772 = arith.muli %mul3A_771, %rem3A_576 : i32
      %add3A_773 = arith.constant 0 : i32
      %add3A_774 = arith.addi %mul3A_772, %add3A_773 : i32
      %dma_wait3A_775 = arith.constant 0 : i32
      %dma_wait3A_776 = arith.constant 0 : i32
      %dma_wait3A_777 = arith.constant 0 : i32
      %dma_wait3A_778 = arith.constant 0 : i32
      %dma_wait3A_779 = tpu.memref_slice %arg16[%add3A_774, %dma_wait3A_777, %dma_wait3A_778] : memref<6x128x32xf32, #tpu.memory_space<vmem>> -> memref<1x128x32xf32, #tpu.memory_space<vmem>>
      %dma_wait3A_780 = tpu.memref_squeeze %dma_wait3A_779 : memref<1x128x32xf32, #tpu.memory_space<vmem>> -> memref<128x32xf32, #tpu.memory_space<vmem>>
      %dma_wait3A_781 = arith.constant 0 : i32
      %dma_wait3A_782 = tpu.memref_slice %arg11[%rem3A_576, %dma_wait3A_776, %dma_wait3A_781] : memref<3x4x128xi32, #tpu.memory_space<vmem>> -> memref<1x1x128xi32, #tpu.memory_space<vmem>>
      %dma_wait3A_783 = tpu.memref_squeeze %dma_wait3A_782 : memref<1x1x128xi32, #tpu.memory_space<vmem>> -> memref<128xi32, #tpu.memory_space<vmem>>
      %dma_wait3A_784 = arith.constant 0 : i32
      %dma_wait3A_785 = arith.constant 0 : i32
      %dma_wait3A_786 = tpu.memref_slice %arg3[%dma_wait3A_775, %dma_wait3A_784, %dma_wait3A_785] : memref<4x1000x32xf32, #tpu.memory_space<hbm>> -> memref<1x1000x32xf32, #tpu.memory_space<hbm>>
      %dma_wait3A_787 = tpu.memref_squeeze %dma_wait3A_786 : memref<1x1000x32xf32, #tpu.memory_space<hbm>> -> memref<1000x32xf32, #tpu.memory_space<hbm>>
      %dma_wait3A_788 = arith.constant 0 : i32
      %dma_wait3A_789 = arith.constant 0 : i32
      %dma_wait3A_790 = tpu.memref_slice %dma_wait3A_787[%dma_wait3A_788, %dma_wait3A_789] : memref<1000x32xf32, #tpu.memory_space<hbm>> -> memref<1000x32xf32, #tpu.memory_space<hbm>>
      tpu.wait_indirect_dma semaphore(%arg18 : memref<!tpu.dma_semaphore, #tpu.memory_space<semaphore_mem>>) src(%dma_wait3A_790 : memref<1000x32xf32, #tpu.memory_space<hbm>>) dst(%dma_wait3A_780 : memref<128x32xf32, #tpu.memory_space<vmem>>)
      %mul3A_791 = arith.constant 2 : i32
      %mul3A_792 = arith.muli %mul3A_791, %rem3A_576 : i32
      %add3A_793 = arith.constant 1 : i32
      %add3A_794 = arith.addi %mul3A_792, %add3A_793 : i32
      %dma_wait3A_795 = arith.constant 1 : i32
      %dma_wait3A_796 = arith.constant 1 : i32
      %dma_wait3A_797 = arith.constant 0 : i32
      %dma_wait3A_798 = arith.constant 0 : i32
      %dma_wait3A_799 = tpu.memref_slice %arg16[%add3A_794, %dma_wait3A_797, %dma_wait3A_798] : memref<6x128x32xf32, #tpu.memory_space<vmem>> -> memref<1x128x32xf32, #tpu.memory_space<vmem>>
      %dma_wait3A_800 = tpu.memref_squeeze %dma_wait3A_799 : memref<1x128x32xf32, #tpu.memory_space<vmem>> -> memref<128x32xf32, #tpu.memory_space<vmem>>
      %dma_wait3A_801 = arith.constant 0 : i32
      %dma_wait3A_802 = tpu.memref_slice %arg11[%rem3A_576, %dma_wait3A_796, %dma_wait3A_801] : memref<3x4x128xi32, #tpu.memory_space<vmem>> -> memref<1x1x128xi32, #tpu.memory_space<vmem>>
      %dma_wait3A_803 = tpu.memref_squeeze %dma_wait3A_802 : memref<1x1x128xi32, #tpu.memory_space<vmem>> -> memref<128xi32, #tpu.memory_space<vmem>>
      %dma_wait3A_804 = arith.constant 0 : i32
      %dma_wait3A_805 = arith.constant 0 : i32
      %dma_wait3A_806 = tpu.memref_slice %arg3[%dma_wait3A_795, %dma_wait3A_804, %dma_wait3A_805] : memref<4x1000x32xf32, #tpu.memory_space<hbm>> -> memref<1x1000x32xf32, #tpu.memory_space<hbm>>
      %dma_wait3A_807 = tpu.memref_squeeze %dma_wait3A_806 : memref<1x1000x32xf32, #tpu.memory_space<hbm>> -> memref<1000x32xf32, #tpu.memory_space<hbm>>
      %dma_wait3A_808 = arith.constant 0 : i32
      %dma_wait3A_809 = arith.constant 0 : i32
      %dma_wait3A_810 = tpu.memref_slice %dma_wait3A_807[%dma_wait3A_808, %dma_wait3A_809] : memref<1000x32xf32, #tpu.memory_space<hbm>> -> memref<1000x32xf32, #tpu.memory_space<hbm>>
      tpu.wait_indirect_dma semaphore(%arg18 : memref<!tpu.dma_semaphore, #tpu.memory_space<semaphore_mem>>) src(%dma_wait3A_810 : memref<1000x32xf32, #tpu.memory_space<hbm>>) dst(%dma_wait3A_800 : memref<128x32xf32, #tpu.memory_space<vmem>>)
      %mul3A_811 = arith.constant 2 : i32
      %mul3A_812 = arith.muli %mul3A_811, %rem3A_576 : i32
      %dma_start3A_813 = arith.constant 2 : i32
      %dma_start3A_814 = arith.constant 2 : i32
      %dma_start3A_815 = arith.constant 0 : i32
      %dma_start3A_816 = arith.constant 0 : i32
      %dma_start3A_817 = tpu.memref_slice %arg16[%mul3A_812, %dma_start3A_815, %dma_start3A_816] : memref<6x128x32xf32, #tpu.memory_space<vmem>> -> memref<1x128x32xf32, #tpu.memory_space<vmem>>
      %dma_start3A_818 = tpu.memref_squeeze %dma_start3A_817 : memref<1x128x32xf32, #tpu.memory_space<vmem>> -> memref<128x32xf32, #tpu.memory_space<vmem>>
      %dma_start3A_819 = arith.constant 0 : i32
      %dma_start3A_820 = tpu.memref_slice %arg11[%rem3A_576, %dma_start3A_814, %dma_start3A_819] : memref<3x4x128xi32, #tpu.memory_space<vmem>> -> memref<1x1x128xi32, #tpu.memory_space<vmem>>
      %dma_start3A_821 = tpu.memref_squeeze %dma_start3A_820 : memref<1x1x128xi32, #tpu.memory_space<vmem>> -> memref<128xi32, #tpu.memory_space<vmem>>
      %dma_start3A_822 = arith.constant 0 : i32
      %dma_start3A_823 = arith.constant 0 : i32
      %dma_start3A_824 = tpu.memref_slice %arg3[%dma_start3A_813, %dma_start3A_822, %dma_start3A_823] : memref<4x1000x32xf32, #tpu.memory_space<hbm>> -> memref<1x1000x32xf32, #tpu.memory_space<hbm>>
      %dma_start3A_825 = tpu.memref_squeeze %dma_start3A_824 : memref<1x1000x32xf32, #tpu.memory_space<hbm>> -> memref<1000x32xf32, #tpu.memory_space<hbm>>
      %dma_start3A_826 = arith.constant 0 : i32
      %dma_start3A_827 = arith.constant 0 : i32
      %dma_start3A_828 = tpu.memref_slice %dma_start3A_825[%dma_start3A_826, %dma_start3A_827] : memref<1000x32xf32, #tpu.memory_space<hbm>> -> memref<1000x32xf32, #tpu.memory_space<hbm>>
      tpu.enqueue_indirect_dma source(%dma_start3A_828 : memref<1000x32xf32, #tpu.memory_space<hbm>>) target(%dma_start3A_818 : memref<128x32xf32, #tpu.memory_space<vmem>>) offsets(%dma_start3A_821 : memref<128xi32, #tpu.memory_space<vmem>>) semaphore(%arg19 : memref<!tpu.dma_semaphore, #tpu.memory_space<semaphore_mem>>) {add = true}
      %mul3A_829 = arith.constant 2 : i32
      %mul3A_830 = arith.muli %mul3A_829, %rem3A_576 : i32
      %add3A_831 = arith.constant 1 : i32
      %add3A_832 = arith.addi %mul3A_830, %add3A_831 : i32
      %dma_start3A_833 = arith.constant 3 : i32
      %dma_start3A_834 = arith.constant 3 : i32
      %dma_start3A_835 = arith.constant 0 : i32
      %dma_start3A_836 = arith.constant 0 : i32
      %dma_start3A_837 = tpu.memref_slice %arg16[%add3A_832, %dma_start3A_835, %dma_start3A_836] : memref<6x128x32xf32, #tpu.memory_space<vmem>> -> memref<1x128x32xf32, #tpu.memory_space<vmem>>
      %dma_start3A_838 = tpu.memref_squeeze %dma_start3A_837 : memref<1x128x32xf32, #tpu.memory_space<vmem>> -> memref<128x32xf32, #tpu.memory_space<vmem>>
      %dma_start3A_839 = arith.constant 0 : i32
      %dma_start3A_840 = tpu.memref_slice %arg11[%rem3A_576, %dma_start3A_834, %dma_start3A_839] : memref<3x4x128xi32, #tpu.memory_space<vmem>> -> memref<1x1x128xi32, #tpu.memory_space<vmem>>
      %dma_start3A_841 = tpu.memref_squeeze %dma_start3A_840 : memref<1x1x128xi32, #tpu.memory_space<vmem>> -> memref<128xi32, #tpu.memory_space<vmem>>
      %dma_start3A_842 = arith.constant 0 : i32
      %dma_start3A_843 = arith.constant 0 : i32
      %dma_start3A_844 = tpu.memref_slice %arg3[%dma_start3A_833, %dma_start3A_842, %dma_start3A_843] : memref<4x1000x32xf32, #tpu.memory_space<hbm>> -> memref<1x1000x32xf32, #tpu.memory_space<hbm>>
      %dma_start3A_845 = tpu.memref_squeeze %dma_start3A_844 : memref<1x1000x32xf32, #tpu.memory_space<hbm>> -> memref<1000x32xf32, #tpu.memory_space<hbm>>
      %dma_start3A_846 = arith.constant 0 : i32
      %dma_start3A_847 = arith.constant 0 : i32
      %dma_start3A_848 = tpu.memref_slice %dma_start3A_845[%dma_start3A_846, %dma_start3A_847] : memref<1000x32xf32, #tpu.memory_space<hbm>> -> memref<1000x32xf32, #tpu.memory_space<hbm>>
      tpu.enqueue_indirect_dma source(%dma_start3A_848 : memref<1000x32xf32, #tpu.memory_space<hbm>>) target(%dma_start3A_838 : memref<128x32xf32, #tpu.memory_space<vmem>>) offsets(%dma_start3A_841 : memref<128xi32, #tpu.memory_space<vmem>>) semaphore(%arg19 : memref<!tpu.dma_semaphore, #tpu.memory_space<semaphore_mem>>) {add = true}
      %add3A_849 = arith.constant 1 : i32
      %add3A_850 = arith.addi %while3A_570, %add3A_849 : i32
      %lt3A_851 = arith.cmpi slt, %add3A_850, %select_n3A_273 : i32
      %convert_element_type3A_852 = arith.extui %lt3A_851 : i1 to i32
      %cond3A_853 = arith.constant 0 : i32
      %cond3A_854 = arith.cmpi ne, %convert_element_type3A_852, %cond3A_853 : i32
      scf.if %cond3A_854 {
        %mul3A_856 = arith.constant 2 : i32
        %mul3A_857 = arith.muli %mul3A_856, %rem3A_584 : i32
        %dma_start3A_858 = arith.constant 0 : i32
        %dma_start3A_859 = arith.constant 0 : i32
        %dma_start3A_860 = arith.constant 0 : i32
        %dma_start3A_861 = arith.constant 0 : i32
        %dma_start3A_862 = tpu.memref_slice %arg16[%mul3A_857, %dma_start3A_860, %dma_start3A_861] : memref<6x128x32xf32, #tpu.memory_space<vmem>> -> memref<1x128x32xf32, #tpu.memory_space<vmem>>
        %dma_start3A_863 = tpu.memref_squeeze %dma_start3A_862 : memref<1x128x32xf32, #tpu.memory_space<vmem>> -> memref<128x32xf32, #tpu.memory_space<vmem>>
        %dma_start3A_864 = arith.constant 0 : i32
        %dma_start3A_865 = tpu.memref_slice %arg11[%rem3A_584, %dma_start3A_859, %dma_start3A_864] : memref<3x4x128xi32, #tpu.memory_space<vmem>> -> memref<1x1x128xi32, #tpu.memory_space<vmem>>
        %dma_start3A_866 = tpu.memref_squeeze %dma_start3A_865 : memref<1x1x128xi32, #tpu.memory_space<vmem>> -> memref<128xi32, #tpu.memory_space<vmem>>
        %dma_start3A_867 = arith.constant 0 : i32
        %dma_start3A_868 = arith.constant 0 : i32
        %dma_start3A_869 = tpu.memref_slice %arg3[%dma_start3A_858, %dma_start3A_867, %dma_start3A_868] : memref<4x1000x32xf32, #tpu.memory_space<hbm>> -> memref<1x1000x32xf32, #tpu.memory_space<hbm>>
        %dma_start3A_870 = tpu.memref_squeeze %dma_start3A_869 : memref<1x1000x32xf32, #tpu.memory_space<hbm>> -> memref<1000x32xf32, #tpu.memory_space<hbm>>
        %dma_start3A_871 = arith.constant 0 : i32
        %dma_start3A_872 = arith.constant 0 : i32
        %dma_start3A_873 = tpu.memref_slice %dma_start3A_870[%dma_start3A_871, %dma_start3A_872] : memref<1000x32xf32, #tpu.memory_space<hbm>> -> memref<1000x32xf32, #tpu.memory_space<hbm>>
        tpu.enqueue_indirect_dma source(%dma_start3A_873 : memref<1000x32xf32, #tpu.memory_space<hbm>>) target(%dma_start3A_863 : memref<128x32xf32, #tpu.memory_space<vmem>>) offsets(%dma_start3A_866 : memref<128xi32, #tpu.memory_space<vmem>>) semaphore(%arg18 : memref<!tpu.dma_semaphore, #tpu.memory_space<semaphore_mem>>)
        %mul3A_874 = arith.constant 2 : i32
        %mul3A_875 = arith.muli %mul3A_874, %rem3A_584 : i32
        %add3A_876 = arith.constant 1 : i32
        %add3A_877 = arith.addi %mul3A_875, %add3A_876 : i32
        %dma_start3A_878 = arith.constant 1 : i32
        %dma_start3A_879 = arith.constant 1 : i32
        %dma_start3A_880 = arith.constant 0 : i32
        %dma_start3A_881 = arith.constant 0 : i32
        %dma_start3A_882 = tpu.memref_slice %arg16[%add3A_877, %dma_start3A_880, %dma_start3A_881] : memref<6x128x32xf32, #tpu.memory_space<vmem>> -> memref<1x128x32xf32, #tpu.memory_space<vmem>>
        %dma_start3A_883 = tpu.memref_squeeze %dma_start3A_882 : memref<1x128x32xf32, #tpu.memory_space<vmem>> -> memref<128x32xf32, #tpu.memory_space<vmem>>
        %dma_start3A_884 = arith.constant 0 : i32
        %dma_start3A_885 = tpu.memref_slice %arg11[%rem3A_584, %dma_start3A_879, %dma_start3A_884] : memref<3x4x128xi32, #tpu.memory_space<vmem>> -> memref<1x1x128xi32, #tpu.memory_space<vmem>>
        %dma_start3A_886 = tpu.memref_squeeze %dma_start3A_885 : memref<1x1x128xi32, #tpu.memory_space<vmem>> -> memref<128xi32, #tpu.memory_space<vmem>>
        %dma_start3A_887 = arith.constant 0 : i32
        %dma_start3A_888 = arith.constant 0 : i32
        %dma_start3A_889 = tpu.memref_slice %arg3[%dma_start3A_878, %dma_start3A_887, %dma_start3A_888] : memref<4x1000x32xf32, #tpu.memory_space<hbm>> -> memref<1x1000x32xf32, #tpu.memory_space<hbm>>
        %dma_start3A_890 = tpu.memref_squeeze %dma_start3A_889 : memref<1x1000x32xf32, #tpu.memory_space<hbm>> -> memref<1000x32xf32, #tpu.memory_space<hbm>>
        %dma_start3A_891 = arith.constant 0 : i32
        %dma_start3A_892 = arith.constant 0 : i32
        %dma_start3A_893 = tpu.memref_slice %dma_start3A_890[%dma_start3A_891, %dma_start3A_892] : memref<1000x32xf32, #tpu.memory_space<hbm>> -> memref<1000x32xf32, #tpu.memory_space<hbm>>
        tpu.enqueue_indirect_dma source(%dma_start3A_893 : memref<1000x32xf32, #tpu.memory_space<hbm>>) target(%dma_start3A_883 : memref<128x32xf32, #tpu.memory_space<vmem>>) offsets(%dma_start3A_886 : memref<128xi32, #tpu.memory_space<vmem>>) semaphore(%arg18 : memref<!tpu.dma_semaphore, #tpu.memory_space<semaphore_mem>>)
      } else {
      }
      %while3A_855 = arith.constant 0 : i32
      scf.yield %while3A_855 : i32
    }
    %sub3A_408 = arith.constant 1 : i32
    %sub3A_409 = arith.subi %select_n3A_273, %sub3A_408 : i32
    %rem3A_410 = arith.constant 3 : i32
    %rem3A_411 = arith.remsi %sub3A_409, %rem3A_410 : i32
    %add3A_412 = arith.constant 2 : i32
    %add3A_413 = arith.addi %sub3A_409, %add3A_412 : i32
    %rem3A_414 = arith.constant 3 : i32
    %rem3A_415 = arith.remsi %add3A_413, %rem3A_414 : i32
    %mul3A_416 = arith.constant 2 : i32
    %mul3A_417 = arith.muli %mul3A_416, %rem3A_415 : i32
    %add3A_418 = arith.constant 0 : i32
    %add3A_419 = arith.addi %mul3A_417, %add3A_418 : i32
    %dma_wait3A_420 = arith.constant 0 : i32
    %dma_wait3A_421 = arith.constant 0 : i32
    %dma_wait3A_422 = tpu.memref_slice %arg16[%add3A_419, %dma_wait3A_420, %dma_wait3A_421] : memref<6x128x32xf32, #tpu.memory_space<vmem>> -> memref<1x128x32xf32, #tpu.memory_space<vmem>>
    %dma_wait3A_423 = tpu.memref_squeeze %dma_wait3A_422 : memref<1x128x32xf32, #tpu.memory_space<vmem>> -> memref<128x32xf32, #tpu.memory_space<vmem>>
    %dma_wait3A_424 = arith.constant 0 : i32
    %dma_wait3A_425 = tpu.memref_slice %arg13[%rem3A_415, %dma_wait3A_424] : memref<3x128xi32, #tpu.memory_space<vmem>> -> memref<1x128xi32, #tpu.memory_space<vmem>>
    %dma_wait3A_426 = tpu.memref_squeeze %dma_wait3A_425 : memref<1x128xi32, #tpu.memory_space<vmem>> -> memref<128xi32, #tpu.memory_space<vmem>>
    %dma_wait3A_427 = arith.constant 0 : i32
    %dma_wait3A_428 = arith.constant 0 : i32
    %dma_wait3A_429 = tpu.memref_slice %arg8[%dma_wait3A_427, %dma_wait3A_428] : memref<50176x32xf32, #tpu.memory_space<vmem_shared>> -> memref<50176x32xf32, #tpu.memory_space<vmem_shared>>
    tpu.wait_indirect_dma semaphore(%arg20 : memref<!tpu.dma_semaphore, #tpu.memory_space<semaphore_mem>>) src(%dma_wait3A_423 : memref<128x32xf32, #tpu.memory_space<vmem>>) dst(%dma_wait3A_429 : memref<50176x32xf32, #tpu.memory_space<vmem_shared>>)
    %mul3A_430 = arith.constant 2 : i32
    %mul3A_431 = arith.muli %mul3A_430, %rem3A_415 : i32
    %add3A_432 = arith.constant 1 : i32
    %add3A_433 = arith.addi %mul3A_431, %add3A_432 : i32
    %dma_wait3A_434 = arith.constant 0 : i32
    %dma_wait3A_435 = arith.constant 0 : i32
    %dma_wait3A_436 = tpu.memref_slice %arg16[%add3A_433, %dma_wait3A_434, %dma_wait3A_435] : memref<6x128x32xf32, #tpu.memory_space<vmem>> -> memref<1x128x32xf32, #tpu.memory_space<vmem>>
    %dma_wait3A_437 = tpu.memref_squeeze %dma_wait3A_436 : memref<1x128x32xf32, #tpu.memory_space<vmem>> -> memref<128x32xf32, #tpu.memory_space<vmem>>
    %dma_wait3A_438 = arith.constant 0 : i32
    %dma_wait3A_439 = tpu.memref_slice %arg13[%rem3A_415, %dma_wait3A_438] : memref<3x128xi32, #tpu.memory_space<vmem>> -> memref<1x128xi32, #tpu.memory_space<vmem>>
    %dma_wait3A_440 = tpu.memref_squeeze %dma_wait3A_439 : memref<1x128xi32, #tpu.memory_space<vmem>> -> memref<128xi32, #tpu.memory_space<vmem>>
    %dma_wait3A_441 = arith.constant 0 : i32
    %dma_wait3A_442 = arith.constant 0 : i32
    %dma_wait3A_443 = tpu.memref_slice %arg8[%dma_wait3A_441, %dma_wait3A_442] : memref<50176x32xf32, #tpu.memory_space<vmem_shared>> -> memref<50176x32xf32, #tpu.memory_space<vmem_shared>>
    tpu.wait_indirect_dma semaphore(%arg20 : memref<!tpu.dma_semaphore, #tpu.memory_space<semaphore_mem>>) src(%dma_wait3A_437 : memref<128x32xf32, #tpu.memory_space<vmem>>) dst(%dma_wait3A_443 : memref<50176x32xf32, #tpu.memory_space<vmem_shared>>)
    %mul3A_444 = arith.constant 2 : i32
    %mul3A_445 = arith.muli %mul3A_444, %rem3A_411 : i32
    %add3A_446 = arith.constant 0 : i32
    %add3A_447 = arith.addi %mul3A_445, %add3A_446 : i32
    %dma_wait3A_448 = arith.constant 0 : i32
    %dma_wait3A_449 = arith.constant 0 : i32
    %dma_wait3A_450 = arith.constant 0 : i32
    %dma_wait3A_451 = arith.constant 0 : i32
    %dma_wait3A_452 = tpu.memref_slice %arg16[%add3A_447, %dma_wait3A_450, %dma_wait3A_451] : memref<6x128x32xf32, #tpu.memory_space<vmem>> -> memref<1x128x32xf32, #tpu.memory_space<vmem>>
    %dma_wait3A_453 = tpu.memref_squeeze %dma_wait3A_452 : memref<1x128x32xf32, #tpu.memory_space<vmem>> -> memref<128x32xf32, #tpu.memory_space<vmem>>
    %dma_wait3A_454 = arith.constant 0 : i32
    %dma_wait3A_455 = tpu.memref_slice %arg11[%rem3A_411, %dma_wait3A_449, %dma_wait3A_454] : memref<3x4x128xi32, #tpu.memory_space<vmem>> -> memref<1x1x128xi32, #tpu.memory_space<vmem>>
    %dma_wait3A_456 = tpu.memref_squeeze %dma_wait3A_455 : memref<1x1x128xi32, #tpu.memory_space<vmem>> -> memref<128xi32, #tpu.memory_space<vmem>>
    %dma_wait3A_457 = arith.constant 0 : i32
    %dma_wait3A_458 = arith.constant 0 : i32
    %dma_wait3A_459 = tpu.memref_slice %arg3[%dma_wait3A_448, %dma_wait3A_457, %dma_wait3A_458] : memref<4x1000x32xf32, #tpu.memory_space<hbm>> -> memref<1x1000x32xf32, #tpu.memory_space<hbm>>
    %dma_wait3A_460 = tpu.memref_squeeze %dma_wait3A_459 : memref<1x1000x32xf32, #tpu.memory_space<hbm>> -> memref<1000x32xf32, #tpu.memory_space<hbm>>
    %dma_wait3A_461 = arith.constant 0 : i32
    %dma_wait3A_462 = arith.constant 0 : i32
    %dma_wait3A_463 = tpu.memref_slice %dma_wait3A_460[%dma_wait3A_461, %dma_wait3A_462] : memref<1000x32xf32, #tpu.memory_space<hbm>> -> memref<1000x32xf32, #tpu.memory_space<hbm>>
    tpu.wait_indirect_dma semaphore(%arg19 : memref<!tpu.dma_semaphore, #tpu.memory_space<semaphore_mem>>) src(%dma_wait3A_463 : memref<1000x32xf32, #tpu.memory_space<hbm>>) dst(%dma_wait3A_453 : memref<128x32xf32, #tpu.memory_space<vmem>>)
    %mul3A_464 = arith.constant 2 : i32
    %mul3A_465 = arith.muli %mul3A_464, %rem3A_411 : i32
    %add3A_466 = arith.constant 1 : i32
    %add3A_467 = arith.addi %mul3A_465, %add3A_466 : i32
    %dma_wait3A_468 = arith.constant 1 : i32
    %dma_wait3A_469 = arith.constant 1 : i32
    %dma_wait3A_470 = arith.constant 0 : i32
    %dma_wait3A_471 = arith.constant 0 : i32
    %dma_wait3A_472 = tpu.memref_slice %arg16[%add3A_467, %dma_wait3A_470, %dma_wait3A_471] : memref<6x128x32xf32, #tpu.memory_space<vmem>> -> memref<1x128x32xf32, #tpu.memory_space<vmem>>
    %dma_wait3A_473 = tpu.memref_squeeze %dma_wait3A_472 : memref<1x128x32xf32, #tpu.memory_space<vmem>> -> memref<128x32xf32, #tpu.memory_space<vmem>>
    %dma_wait3A_474 = arith.constant 0 : i32
    %dma_wait3A_475 = tpu.memref_slice %arg11[%rem3A_411, %dma_wait3A_469, %dma_wait3A_474] : memref<3x4x128xi32, #tpu.memory_space<vmem>> -> memref<1x1x128xi32, #tpu.memory_space<vmem>>
    %dma_wait3A_476 = tpu.memref_squeeze %dma_wait3A_475 : memref<1x1x128xi32, #tpu.memory_space<vmem>> -> memref<128xi32, #tpu.memory_space<vmem>>
    %dma_wait3A_477 = arith.constant 0 : i32
    %dma_wait3A_478 = arith.constant 0 : i32
    %dma_wait3A_479 = tpu.memref_slice %arg3[%dma_wait3A_468, %dma_wait3A_477, %dma_wait3A_478] : memref<4x1000x32xf32, #tpu.memory_space<hbm>> -> memref<1x1000x32xf32, #tpu.memory_space<hbm>>
    %dma_wait3A_480 = tpu.memref_squeeze %dma_wait3A_479 : memref<1x1000x32xf32, #tpu.memory_space<hbm>> -> memref<1000x32xf32, #tpu.memory_space<hbm>>
    %dma_wait3A_481 = arith.constant 0 : i32
    %dma_wait3A_482 = arith.constant 0 : i32
    %dma_wait3A_483 = tpu.memref_slice %dma_wait3A_480[%dma_wait3A_481, %dma_wait3A_482] : memref<1000x32xf32, #tpu.memory_space<hbm>> -> memref<1000x32xf32, #tpu.memory_space<hbm>>
    tpu.wait_indirect_dma semaphore(%arg19 : memref<!tpu.dma_semaphore, #tpu.memory_space<semaphore_mem>>) src(%dma_wait3A_483 : memref<1000x32xf32, #tpu.memory_space<hbm>>) dst(%dma_wait3A_473 : memref<128x32xf32, #tpu.memory_space<vmem>>)
    %mul3A_484 = arith.constant 2 : i32
    %mul3A_485 = arith.muli %mul3A_484, %rem3A_411 : i32
    %add3A_486 = arith.constant 0 : i32
    %add3A_487 = arith.addi %mul3A_485, %add3A_486 : i32
    %dma_start3A_488 = arith.constant 0 : i32
    %dma_start3A_489 = arith.constant 0 : i32
    %dma_start3A_490 = tpu.memref_slice %arg16[%add3A_487, %dma_start3A_488, %dma_start3A_489] : memref<6x128x32xf32, #tpu.memory_space<vmem>> -> memref<1x128x32xf32, #tpu.memory_space<vmem>>
    %dma_start3A_491 = tpu.memref_squeeze %dma_start3A_490 : memref<1x128x32xf32, #tpu.memory_space<vmem>> -> memref<128x32xf32, #tpu.memory_space<vmem>>
    %dma_start3A_492 = arith.constant 0 : i32
    %dma_start3A_493 = tpu.memref_slice %arg13[%rem3A_411, %dma_start3A_492] : memref<3x128xi32, #tpu.memory_space<vmem>> -> memref<1x128xi32, #tpu.memory_space<vmem>>
    %dma_start3A_494 = tpu.memref_squeeze %dma_start3A_493 : memref<1x128xi32, #tpu.memory_space<vmem>> -> memref<128xi32, #tpu.memory_space<vmem>>
    %dma_start3A_495 = arith.constant 0 : i32
    %dma_start3A_496 = arith.constant 0 : i32
    %dma_start3A_497 = tpu.memref_slice %arg8[%dma_start3A_495, %dma_start3A_496] : memref<50176x32xf32, #tpu.memory_space<vmem_shared>> -> memref<50176x32xf32, #tpu.memory_space<vmem_shared>>
    tpu.enqueue_indirect_dma source(%dma_start3A_491 : memref<128x32xf32, #tpu.memory_space<vmem>>) target(%dma_start3A_497 : memref<50176x32xf32, #tpu.memory_space<vmem_shared>>) offsets(%dma_start3A_494 : memref<128xi32, #tpu.memory_space<vmem>>) semaphore(%arg20 : memref<!tpu.dma_semaphore, #tpu.memory_space<semaphore_mem>>) {add = true}
    %mul3A_498 = arith.constant 2 : i32
    %mul3A_499 = arith.muli %mul3A_498, %rem3A_411 : i32
    %add3A_500 = arith.constant 1 : i32
    %add3A_501 = arith.addi %mul3A_499, %add3A_500 : i32
    %dma_start3A_502 = arith.constant 0 : i32
    %dma_start3A_503 = arith.constant 0 : i32
    %dma_start3A_504 = tpu.memref_slice %arg16[%add3A_501, %dma_start3A_502, %dma_start3A_503] : memref<6x128x32xf32, #tpu.memory_space<vmem>> -> memref<1x128x32xf32, #tpu.memory_space<vmem>>
    %dma_start3A_505 = tpu.memref_squeeze %dma_start3A_504 : memref<1x128x32xf32, #tpu.memory_space<vmem>> -> memref<128x32xf32, #tpu.memory_space<vmem>>
    %dma_start3A_506 = arith.constant 0 : i32
    %dma_start3A_507 = tpu.memref_slice %arg13[%rem3A_411, %dma_start3A_506] : memref<3x128xi32, #tpu.memory_space<vmem>> -> memref<1x128xi32, #tpu.memory_space<vmem>>
    %dma_start3A_508 = tpu.memref_squeeze %dma_start3A_507 : memref<1x128xi32, #tpu.memory_space<vmem>> -> memref<128xi32, #tpu.memory_space<vmem>>
    %dma_start3A_509 = arith.constant 0 : i32
    %dma_start3A_510 = arith.constant 0 : i32
    %dma_start3A_511 = tpu.memref_slice %arg8[%dma_start3A_509, %dma_start3A_510] : memref<50176x32xf32, #tpu.memory_space<vmem_shared>> -> memref<50176x32xf32, #tpu.memory_space<vmem_shared>>
    tpu.enqueue_indirect_dma source(%dma_start3A_505 : memref<128x32xf32, #tpu.memory_space<vmem>>) target(%dma_start3A_511 : memref<50176x32xf32, #tpu.memory_space<vmem_shared>>) offsets(%dma_start3A_508 : memref<128xi32, #tpu.memory_space<vmem>>) semaphore(%arg20 : memref<!tpu.dma_semaphore, #tpu.memory_space<semaphore_mem>>) {add = true}
    %mul3A_512 = arith.constant 2 : i32
    %mul3A_513 = arith.muli %mul3A_512, %rem3A_411 : i32
    %add3A_514 = arith.constant 0 : i32
    %add3A_515 = arith.addi %mul3A_513, %add3A_514 : i32
    %dma_wait3A_516 = arith.constant 0 : i32
    %dma_wait3A_517 = arith.constant 0 : i32
    %dma_wait3A_518 = tpu.memref_slice %arg16[%add3A_515, %dma_wait3A_516, %dma_wait3A_517] : memref<6x128x32xf32, #tpu.memory_space<vmem>> -> memref<1x128x32xf32, #tpu.memory_space<vmem>>
    %dma_wait3A_519 = tpu.memref_squeeze %dma_wait3A_518 : memref<1x128x32xf32, #tpu.memory_space<vmem>> -> memref<128x32xf32, #tpu.memory_space<vmem>>
    %dma_wait3A_520 = arith.constant 0 : i32
    %dma_wait3A_521 = tpu.memref_slice %arg13[%rem3A_411, %dma_wait3A_520] : memref<3x128xi32, #tpu.memory_space<vmem>> -> memref<1x128xi32, #tpu.memory_space<vmem>>
    %dma_wait3A_522 = tpu.memref_squeeze %dma_wait3A_521 : memref<1x128xi32, #tpu.memory_space<vmem>> -> memref<128xi32, #tpu.memory_space<vmem>>
    %dma_wait3A_523 = arith.constant 0 : i32
    %dma_wait3A_524 = arith.constant 0 : i32
    %dma_wait3A_525 = tpu.memref_slice %arg8[%dma_wait3A_523, %dma_wait3A_524] : memref<50176x32xf32, #tpu.memory_space<vmem_shared>> -> memref<50176x32xf32, #tpu.memory_space<vmem_shared>>
    tpu.wait_indirect_dma semaphore(%arg20 : memref<!tpu.dma_semaphore, #tpu.memory_space<semaphore_mem>>) src(%dma_wait3A_519 : memref<128x32xf32, #tpu.memory_space<vmem>>) dst(%dma_wait3A_525 : memref<50176x32xf32, #tpu.memory_space<vmem_shared>>)
    %mul3A_526 = arith.constant 2 : i32
    %mul3A_527 = arith.muli %mul3A_526, %rem3A_411 : i32
    %add3A_528 = arith.constant 1 : i32
    %add3A_529 = arith.addi %mul3A_527, %add3A_528 : i32
    %dma_wait3A_530 = arith.constant 0 : i32
    %dma_wait3A_531 = arith.constant 0 : i32
    %dma_wait3A_532 = tpu.memref_slice %arg16[%add3A_529, %dma_wait3A_530, %dma_wait3A_531] : memref<6x128x32xf32, #tpu.memory_space<vmem>> -> memref<1x128x32xf32, #tpu.memory_space<vmem>>
    %dma_wait3A_533 = tpu.memref_squeeze %dma_wait3A_532 : memref<1x128x32xf32, #tpu.memory_space<vmem>> -> memref<128x32xf32, #tpu.memory_space<vmem>>
    %dma_wait3A_534 = arith.constant 0 : i32
    %dma_wait3A_535 = tpu.memref_slice %arg13[%rem3A_411, %dma_wait3A_534] : memref<3x128xi32, #tpu.memory_space<vmem>> -> memref<1x128xi32, #tpu.memory_space<vmem>>
    %dma_wait3A_536 = tpu.memref_squeeze %dma_wait3A_535 : memref<1x128xi32, #tpu.memory_space<vmem>> -> memref<128xi32, #tpu.memory_space<vmem>>
    %dma_wait3A_537 = arith.constant 0 : i32
    %dma_wait3A_538 = arith.constant 0 : i32
    %dma_wait3A_539 = tpu.memref_slice %arg8[%dma_wait3A_537, %dma_wait3A_538] : memref<50176x32xf32, #tpu.memory_space<vmem_shared>> -> memref<50176x32xf32, #tpu.memory_space<vmem_shared>>
    tpu.wait_indirect_dma semaphore(%arg20 : memref<!tpu.dma_semaphore, #tpu.memory_space<semaphore_mem>>) src(%dma_wait3A_533 : memref<128x32xf32, #tpu.memory_space<vmem>>) dst(%dma_wait3A_539 : memref<50176x32xf32, #tpu.memory_space<vmem_shared>>)
    %barrier3A_540 = arith.constant 0 : index
    tpu.barrier barrier_id(%barrier3A_540)
    %while3A_541 = arith.constant 0 : i32
    %while3A_542 = arith.constant 0 : i32
    %while3A_543 = arith.subi %select_n3A_81, %while3A_541 : i32
    %while3A_544 = arith.addi %while3A_541, %while3A_543 : i32
    %while3A_545 = arith.constant 1 : i32
    %while3A_546 = arith.divsi %while3A_543, %while3A_545 : i32
    %while3A_547 = arith.muli %while3A_546, %while3A_545 : i32
    %while3A_548 = arith.addi %while3A_541, %while3A_547 : i32
    %while3A_549 = arith.constant 1 : i32
    %while3A_550 = scf.for %while3A_570 = %while3A_541 to %while3A_548 step %while3A_549 iter_args(%while3A_571 = %while3A_542) -> (i32)  : i32 {
      %mul3A_572 = arith.constant 16 : i32
      %mul3A_573 = arith.muli %while3A_570, %mul3A_572 : i32
      %add3A_574 = arith.addi %arg1, %mul3A_573 : i32
      %mul3A_575 = arith.constant 128 : i32
      %mul3A_576 = arith.muli %add3A_574, %mul3A_575 : i32
      %mul3A_577 = arith.constant 128 : i32
      %mul3A_578 = arith.muli %add3A_574, %mul3A_577 : i32
      %add3A_579 = arith.addi %mul3A_0, %mul3A_578 : i32
      %dma_start3A_580 = arith.constant 0 : i32
      %dma_start3A_581 = tpu.memref_slice %arg7[%add3A_579, %dma_start3A_580] : memref<100000x32xf32, #tpu.memory_space<hbm>> -> memref<128x32xf32, #tpu.memory_space<hbm>>
      %dma_start3A_582 = arith.constant 0 : i32
      %dma_start3A_583 = tpu.memref_slice %arg8[%mul3A_576, %dma_start3A_582] : memref<50176x32xf32, #tpu.memory_space<vmem_shared>> -> memref<128x32xf32, #tpu.memory_space<vmem_shared>>
      tpu.enqueue_dma source(%dma_start3A_583 : memref<128x32xf32, #tpu.memory_space<vmem_shared>>) target(%dma_start3A_581 : memref<128x32xf32, #tpu.memory_space<hbm>>) target_semaphore(%arg20 : memref<!tpu.dma_semaphore, #tpu.memory_space<semaphore_mem>>)
      %while3A_584 = arith.constant 0 : i32
      scf.yield %while3A_584 : i32
    }
    %while3A_551 = arith.constant 1 : i32
    %while3A_552 = scf.for %while3A_570 = %while3A_548 to %while3A_544 step %while3A_551 iter_args(%while3A_571 = %while3A_550) -> (i32)  : i32 {
      %mul3A_572 = arith.constant 16 : i32
      %mul3A_573 = arith.muli %while3A_570, %mul3A_572 : i32
      %add3A_574 = arith.addi %arg1, %mul3A_573 : i32
      %mul3A_575 = arith.constant 128 : i32
      %mul3A_576 = arith.muli %add3A_574, %mul3A_575 : i32
      %mul3A_577 = arith.constant 128 : i32
      %mul3A_578 = arith.muli %add3A_574, %mul3A_577 : i32
      %add3A_579 = arith.addi %mul3A_0, %mul3A_578 : i32
      %dma_start3A_580 = arith.constant 0 : i32
      %dma_start3A_581 = tpu.memref_slice %arg7[%add3A_579, %dma_start3A_580] : memref<100000x32xf32, #tpu.memory_space<hbm>> -> memref<128x32xf32, #tpu.memory_space<hbm>>
      %dma_start3A_582 = arith.constant 0 : i32
      %dma_start3A_583 = tpu.memref_slice %arg8[%mul3A_576, %dma_start3A_582] : memref<50176x32xf32, #tpu.memory_space<vmem_shared>> -> memref<128x32xf32, #tpu.memory_space<vmem_shared>>
      tpu.enqueue_dma source(%dma_start3A_583 : memref<128x32xf32, #tpu.memory_space<vmem_shared>>) target(%dma_start3A_581 : memref<128x32xf32, #tpu.memory_space<hbm>>) target_semaphore(%arg20 : memref<!tpu.dma_semaphore, #tpu.memory_space<semaphore_mem>>)
      %while3A_584 = arith.constant 0 : i32
      scf.yield %while3A_584 : i32
    }
    %while3A_553 = arith.constant 0 : i32
    %while3A_554 = arith.constant 0 : i32
    %while3A_555 = arith.subi %select_n3A_81, %while3A_553 : i32
    %while3A_556 = arith.addi %while3A_553, %while3A_555 : i32
    %while3A_557 = arith.constant 1 : i32
    %while3A_558 = arith.divsi %while3A_555, %while3A_557 : i32
    %while3A_559 = arith.muli %while3A_558, %while3A_557 : i32
    %while3A_560 = arith.addi %while3A_553, %while3A_559 : i32
    %while3A_561 = arith.constant 1 : i32
    %while3A_562 = scf.for %while3A_570 = %while3A_553 to %while3A_560 step %while3A_561 iter_args(%while3A_571 = %while3A_554) -> (i32)  : i32 {
      %mul3A_572 = arith.constant 128 : i32
      %mul3A_573 = arith.muli %arg1, %mul3A_572 : i32
      %mul3A_574 = arith.constant 128 : i32
      %mul3A_575 = arith.muli %arg1, %mul3A_574 : i32
      %add3A_576 = arith.addi %mul3A_0, %mul3A_575 : i32
      %dma_wait3A_577 = arith.constant 0 : i32
      %dma_wait3A_578 = tpu.memref_slice %arg7[%add3A_576, %dma_wait3A_577] : memref<100000x32xf32, #tpu.memory_space<hbm>> -> memref<128x32xf32, #tpu.memory_space<hbm>>
      %dma_wait3A_579 = arith.constant 0 : i32
      %dma_wait3A_580 = tpu.memref_slice %arg8[%mul3A_573, %dma_wait3A_579] : memref<50176x32xf32, #tpu.memory_space<vmem_shared>> -> memref<128x32xf32, #tpu.memory_space<vmem_shared>>
      tpu.wait_dma2 semaphore(%arg20 : memref<!tpu.dma_semaphore, #tpu.memory_space<semaphore_mem>>) src(%dma_wait3A_580 : memref<128x32xf32, #tpu.memory_space<vmem_shared>>) dst(%dma_wait3A_578 : memref<128x32xf32, #tpu.memory_space<hbm>>)
      %while3A_581 = arith.constant 0 : i32
      scf.yield %while3A_581 : i32
    }
    %while3A_563 = arith.constant 1 : i32
    %while3A_564 = scf.for %while3A_570 = %while3A_560 to %while3A_556 step %while3A_563 iter_args(%while3A_571 = %while3A_562) -> (i32)  : i32 {
      %mul3A_572 = arith.constant 128 : i32
      %mul3A_573 = arith.muli %arg1, %mul3A_572 : i32
      %mul3A_574 = arith.constant 128 : i32
      %mul3A_575 = arith.muli %arg1, %mul3A_574 : i32
      %add3A_576 = arith.addi %mul3A_0, %mul3A_575 : i32
      %dma_wait3A_577 = arith.constant 0 : i32
      %dma_wait3A_578 = tpu.memref_slice %arg7[%add3A_576, %dma_wait3A_577] : memref<100000x32xf32, #tpu.memory_space<hbm>> -> memref<128x32xf32, #tpu.memory_space<hbm>>
      %dma_wait3A_579 = arith.constant 0 : i32
      %dma_wait3A_580 = tpu.memref_slice %arg8[%mul3A_573, %dma_wait3A_579] : memref<50176x32xf32, #tpu.memory_space<vmem_shared>> -> memref<128x32xf32, #tpu.memory_space<vmem_shared>>
      tpu.wait_dma2 semaphore(%arg20 : memref<!tpu.dma_semaphore, #tpu.memory_space<semaphore_mem>>) src(%dma_wait3A_580 : memref<128x32xf32, #tpu.memory_space<vmem_shared>>) dst(%dma_wait3A_578 : memref<128x32xf32, #tpu.memory_space<hbm>>)
      %while3A_581 = arith.constant 0 : i32
      scf.yield %while3A_581 : i32
    }
    %eq3A_565 = arith.constant 0 : i32
    %eq3A_566 = arith.cmpi eq, %arg1, %eq3A_565 : i32
    %convert_element_type3A_567 = arith.extui %eq3A_566 : i1 to i32
    %cond3A_568 = arith.constant 0 : i32
    %cond3A_569 = arith.cmpi ne, %convert_element_type3A_567, %cond3A_568 : i32
    scf.if %cond3A_569 {
      %add3A_570 = arith.constant 49920 : i32
      %add3A_571 = arith.addi %mul3A_0, %add3A_570 : i32
      "tpu.region"() ({
        %run_scoped3A = tpu.sem_alloc : memref<!tpu.dma_semaphore, #tpu.memory_space<semaphore_mem>>
        %dma_start3A_572 = arith.constant 0 : i32
        %dma_start3A_573 = tpu.memref_slice %arg7[%add3A_571, %dma_start3A_572] : memref<100000x32xf32, #tpu.memory_space<hbm>> -> memref<80x32xf32, #tpu.memory_space<hbm>>
        %dma_start3A_574 = arith.constant 49920 : i32
        %dma_start3A_575 = arith.constant 0 : i32
        %dma_start3A_576 = tpu.memref_slice %arg8[%dma_start3A_574, %dma_start3A_575] : memref<50176x32xf32, #tpu.memory_space<vmem_shared>> -> memref<80x32xf32, #tpu.memory_space<vmem_shared>>
        tpu.enqueue_dma source(%dma_start3A_576 : memref<80x32xf32, #tpu.memory_space<vmem_shared>>) target(%dma_start3A_573 : memref<80x32xf32, #tpu.memory_space<hbm>>) target_semaphore(%run_scoped3A : memref<!tpu.dma_semaphore, #tpu.memory_space<semaphore_mem>>)
        %dma_wait3A_577 = arith.constant 0 : i32
        %dma_wait3A_578 = tpu.memref_slice %arg7[%add3A_571, %dma_wait3A_577] : memref<100000x32xf32, #tpu.memory_space<hbm>> -> memref<80x32xf32, #tpu.memory_space<hbm>>
        %dma_wait3A_579 = arith.constant 49920 : i32
        %dma_wait3A_580 = arith.constant 0 : i32
        %dma_wait3A_581 = tpu.memref_slice %arg8[%dma_wait3A_579, %dma_wait3A_580] : memref<50176x32xf32, #tpu.memory_space<vmem_shared>> -> memref<80x32xf32, #tpu.memory_space<vmem_shared>>
        tpu.wait_dma2 semaphore(%run_scoped3A : memref<!tpu.dma_semaphore, #tpu.memory_space<semaphore_mem>>) src(%dma_wait3A_581 : memref<80x32xf32, #tpu.memory_space<vmem_shared>>) dst(%dma_wait3A_578 : memref<80x32xf32, #tpu.memory_space<hbm>>)
        tpu.yield
      }) : () -> ()
    } else {
    }
    return
  }
}

module attributes {stable_mosaic.version = 14 : i64} {
  func.func @body(%arg0: i32, %arg1: memref<2000x32xf32, #tpu.memory_space<vmem>>, %arg2: memref<32x64xf32, #tpu.memory_space<vmem>>, %arg3: memref<64x32xf32, #tpu.memory_space<vmem>>, %arg4: memref<2000x32xf32, #tpu.memory_space<vmem>>) attributes {dimension_semantics = [#tpu.dimension_semantics<arbitrary>], iteration_bounds = array<i64: 50>, scalar_prefetch = 0 : i64, scratch_operands = 0 : i64, tpu.core_type = #tpu.core_type<tc>, window_params = [{transform_indices = @transform_0, window_bounds = array<i64: 2000, 32>}, {pipeline_mode = #tpu.pipeline_mode<synchronous>, transform_indices = @transform_1, window_bounds = array<i64: 32, 64>}, {pipeline_mode = #tpu.pipeline_mode<synchronous>, transform_indices = @transform_2, window_bounds = array<i64: 64, 32>}, {transform_indices = @transform_3, window_bounds = array<i64: 2000, 32>}]} {
    %get3A = arith.constant 0 : index
    %get3A_0 = arith.constant 0 : index
    %get3A_1 = vector.load %arg1[%get3A, %get3A_0] : memref<2000x32xf32, #tpu.memory_space<vmem>>, vector<2000x32xf32>
    %get3A_2 = arith.constant 0 : index
    %get3A_3 = arith.constant 0 : index
    %get3A_4 = vector.load %arg2[%get3A_2, %get3A_3] : memref<32x64xf32, #tpu.memory_space<vmem>>, vector<32x64xf32>
    %dot_general3A = arith.constant dense<0.000000e+00> : vector<2000x64xf32>
    %dot_general3A_5 = tpu.matmul %get3A_1, %get3A_4, %dot_general3A {dimension_numbers = #tpu.dot_dimension_numbers<[1], [0], [0], [1], [0, 0, 1, 1], [], []>, transpose_lhs_hint = false} : vector<2000x32xf32>, vector<32x64xf32>, vector<2000x64xf32> -> vector<2000x64xf32>
    %max3A = arith.constant 0.000000e+00 : f32
    %max3A_6 = vector.broadcast %max3A : f32 to vector<2000x64xf32>
    %max3A_7 = arith.maximumf %dot_general3A_5, %max3A_6 : vector<2000x64xf32>
    %get3A_8 = arith.constant 0 : index
    %get3A_9 = arith.constant 0 : index
    %get3A_10 = vector.load %arg3[%get3A_8, %get3A_9] : memref<64x32xf32, #tpu.memory_space<vmem>>, vector<64x32xf32>
    %dot_general3A_11 = arith.constant dense<0.000000e+00> : vector<2000x32xf32>
    %dot_general3A_12 = tpu.matmul %max3A_7, %get3A_10, %dot_general3A_11 {dimension_numbers = #tpu.dot_dimension_numbers<[1], [0], [0], [1], [0, 0, 1, 1], [], []>, transpose_lhs_hint = false} : vector<2000x64xf32>, vector<64x32xf32>, vector<2000x32xf32> -> vector<2000x32xf32>
    %swap3A = arith.constant 0 : index
    %swap3A_13 = arith.constant 0 : index
    %swap3A_14 = vector.load %arg4[%swap3A, %swap3A_13] : memref<2000x32xf32, #tpu.memory_space<vmem>>, vector<2000x32xf32>
    tpu.vector_store %arg4[%swap3A, %swap3A_13], %dot_general3A_12 {strides = array<i32>} : memref<2000x32xf32, #tpu.memory_space<vmem>>, vector<2000x32xf32>,
    return
  }
  func.func @transform_0(%arg0: i32) -> (i32, i32) {
    %c0_i32 = arith.constant 0 : i32
    %c0_i32_0 = arith.constant 0 : i32
    return %arg0, %c0_i32 : i32, i32
  }
  func.func @transform_1(%arg0: i32) -> (i32, i32) {
    %c0_i32 = arith.constant 0 : i32
    %c0_i32_0 = arith.constant 0 : i32
    %c0_i32_1 = arith.constant 0 : i32
    return %c0_i32, %c0_i32_0 : i32, i32
  }
  func.func @transform_2(%arg0: i32) -> (i32, i32) {
    %c0_i32 = arith.constant 0 : i32
    %c0_i32_0 = arith.constant 0 : i32
    %c0_i32_1 = arith.constant 0 : i32
    return %c0_i32, %c0_i32_0 : i32, i32
  }
  func.func @transform_3(%arg0: i32) -> (i32, i32) {
    %c0_i32 = arith.constant 0 : i32
    %c0_i32_0 = arith.constant 0 : i32
    return %arg0, %c0_i32 : i32, i32
  }
}

</mosaic_0001>

<sc_bundles>
// kernel: kernel.4.cloned.1.call-start
scs
__scs_entry_jumppad:
0x0: {  	(pc) =	sbr.rel $0x88, $3  }
0x1: {  	(tag) =	ssettag $0x0;
	lr =	simm.s32 $0x1  }
0x2: {  	[smem:$0x3F9A] =	sst lr;
	_ =	strace $0xD0000000  }
0x3: {  	_ = 	snop  }
0x4: {  	_ = 	snop  }
0x5: {  	_ = 	snop  }
0x6: {  	_ = 	snop  }
0x7: {  	_ = 	snop  }
__scs_overlays_trampoline_lowered:
0x8: {  	[smem:$0x3FA9] =	sst s0  }
0x9: {  	[smem:$0x3FAA] =	sst s1  }
0xa: {  	[smem:$0x3FAB] =	sst s2  }
0xb: {  	[smem:$0x3FAC] =	sst s3  }
0xc: {  	[smem:$0x3FAD] =	sst s4  }
0xd: {  	[smem:$0x3FAE] =	sst s5  }
0xe: {  	[smem:$0x3FAF] =	sst s6  }
0xf: {  	[smem:$0x3FB0] =	sst s7  }
0x10: {  	[smem:$0x3FB1] =	sst s8  }
0x11: {  	[smem:$0x3FB2] =	sst s9;
	s0 =	simm.s32 @!p0 $0x0  }
0x12: {  	s1 =	sld [smem:$0x3F98];
	s0 =	simm.s32 @p0 $0x1  }
0x13: {  	[smem:$0x3FB3] =	sst s0;
	s0 =	simm.s32 @!p1 $0x0  }
0x14: {  	s2 =	sld [smem:$0x3F97];
	s0 =	simm.s32 @p1 $0x1  }
0x15: {  	[smem:$0x3FB4] =	sst s0;
	s0 =	simm.s32 @!p2 $0x0  }
0x16: {  	s3 =	sld [smem:$0x3FDB];
	s0 =	simm.s32 @p2 $0x1  }
0x17: {  	s4 =	simm.s32 $0x1BF5;
	[smem:$0x3FB6] =	sst s0  }
0x18: {  	s0 =	sld [smem:$0x3F99];
	_ =	swait.ge [sflag:s4], $0x0  }
0x19: {  	s7 =	sld [smem:$0x3F9A]  }
0x1a: {  	s8 =	sadd.s32 $0xFFFFE003, lr  }
0x1b: {  	s9 =	sadd.s32 $0xFFFFFEF7, lr;
	s5 =	simm.s32 $0xFFFFFFFF;
	p2 =	slt.u32 s8, $0xFFFFF086  }
0x1c: {  	p1 =	slt.u32 s9, $0xF7A;
	s5 =	simm.s32 @!p2 $0x0  }
0x1d: {  	s5 =	simm.s32 @p1 $0x1;
	p0 =	seq.s32 s7, s2  }
0x1e: {  	s7 =	smul.u32 @!p0 $0xF7A, s2;
	p2 =	seq.s32 @!p0 s5, $0x0  }
0x1f: {  	s9 =	smul.u32 $0xF7A, s1;
	s8 =	simm.s32 @!p0 $0x1BF5;
	p2 =	por !p2, p0  }
0x20: {  	[sflag:s8] =	ssyncset.s32 @!p0 $0xFFFFF086;
	s6 =	sadd.s32 @!p0 s3, s7;
	s7 =	simm.s32 @!p0 $0x108  }
0x21: {  	s3 =	sadd.s32 s3, s9;
	s6 =	sadd.s32 @!p0 $0x88, s6;
	s7 =	simm.s32 @p2 $0x1082  }
0x22: {  	[simem:s7], [sflag:s8] =	dma.local @!p0 [hbm:s6], $0xF7A  }
0x23: {  	s9 =	sor.u32 $0xD0000000, s2;
	s6 =	simm.s32 $0x108;
	_ =	swait.ge @!p0 [sflag:s8], $0x0  }
0x24: {  	s3 =	sadd.s32 $0x88, s3;
	s6 =	simm.s32 @!p1 $0x1082;
	[sflag:s4] =	ssyncset.s32 $0xFFFFF086  }
0x25: {  	[simem:s6], [sflag:s4] =	dma.local [hbm:s3], $0xF7A  }
0x26: {  	[smem:$0x3F9A] =	sst s1;
	(tag) =	ssettag s2;
	_ =	strace s9  }
0x27: {  	s1 =	sld [smem:$0x3FAA]  }
0x28: {  	s2 =	sld [smem:$0x3FAB]  }
0x29: {  	s4 =	sld [smem:$0x3FAD]  }
0x2a: {  	p0 =	seq.s32 s5, $0x0;
	s5 =	sld [smem:$0x3FAE]  }
0x2b: {  	s6 =	sld [smem:$0x3FAF]  }
0x2c: {  	s7 =	sld [smem:$0x3FB0]  }
0x2d: {  	s3 =	simm.s32 $0x108;
	s8 =	sld [smem:$0x3FB1]  }
0x2e: {  	s3 =	simm.s32 @!p0 $0x1082;
	s9 =	sld [smem:$0x3FB2]  }
0x2f: {  	lr =	sadd.s32 s0, s3;
	s0 =	sld [smem:$0x3FA9]  }
0x30: {  	s3 =	sld [smem:$0x3FAC]  }
0x31: {  	[smem:$0x3FB5] =	sst s10  }
0x32: {  	s10 =	sld [smem:$0x3FB3];
	_ =	sdelay $0x3  }
0x33: {  	p0 =	seq.s32 s10, $0x1;
	s10 =	sld [smem:$0x3FB5];
	_ =	sdelay $0x3  }
0x34: {  	[smem:$0x3FB5] =	sst s10  }
0x35: {  	s10 =	sld [smem:$0x3FB4];
	_ =	sdelay $0x3  }
0x36: {  	p1 =	seq.s32 s10, $0x1;
	s10 =	sld [smem:$0x3FB5];
	_ =	sdelay $0x3  }
0x37: {  	[smem:$0x3FB5] =	sst s10  }
0x38: {  	s10 =	sld [smem:$0x3FB6]  }
0x39: {  	_ = 	snop;
	(pc) =	sbr.ind lr, $3  }
0x3a: {  	_ = 	snop  }
0x3b: {  	_ = 	snop  }
0x3c: {  	p2 =	seq.s32 s10, $0x1;
	s10 =	sld [smem:$0x3FB5]  }
0x3d: {  	_ =	shalt  }
0x3e: {  	_ =	shalt  }
0x3f: {  	_ =	shalt  }
0x40: {  	_ =	shalt  }
0x41: {  	_ =	shalt  }
0x42: {  	_ =	shalt  }
0x43: {  	_ =	shalt  }
0x44: {  	_ =	shalt  }
0x45: {  	_ =	shalt  }
0x46: {  	_ =	shalt  }
0x47: {  	_ =	shalt  }
0x48: {  	_ =	shalt  }
0x49: {  	_ =	shalt  }
0x4a: {  	_ =	shalt  }
0x4b: {  	_ =	shalt  }
0x4c: {  	_ =	shalt  }
0x4d: {  	_ =	shalt  }
0x4e: {  	_ =	shalt  }
0x4f: {  	_ =	shalt  }
0x50: {  	_ =	shalt  }
0x51: {  	_ =	shalt  }
0x52: {  	_ =	shalt  }
0x53: {  	_ =	shalt  }
0x54: {  	_ =	shalt  }
0x55: {  	_ =	shalt  }
0x56: {  	_ =	shalt  }
0x57: {  	_ =	shalt  }
0x58: {  	_ =	shalt  }
0x59: {  	_ =	shalt  }
0x5a: {  	_ =	shalt  }
0x5b: {  	_ =	shalt  }
0x5c: {  	_ =	shalt  }
0x5d: {  	_ =	shalt  }
0x5e: {  	_ =	shalt  }
0x5f: {  	_ =	shalt  }
0x60: {  	_ =	shalt  }
0x61: {  	_ =	shalt  }
0x62: {  	_ =	shalt  }
0x63: {  	_ =	shalt  }
0x64: {  	_ =	shalt  }
0x65: {  	_ =	shalt  }
0x66: {  	_ =	shalt  }
0x67: {  	_ =	shalt  }
0x68: {  	_ =	shalt  }
0x69: {  	_ =	shalt  }
0x6a: {  	_ =	shalt  }
0x6b: {  	_ =	shalt  }
0x6c: {  	_ =	shalt  }
0x6d: {  	_ =	shalt  }
0x6e: {  	_ =	shalt  }
0x6f: {  	_ =	shalt  }
0x70: {  	_ =	shalt  }
0x71: {  	_ =	shalt  }
0x72: {  	_ =	shalt  }
0x73: {  	_ =	shalt  }
0x74: {  	_ =	shalt  }
0x75: {  	_ =	shalt  }
0x76: {  	_ =	shalt  }
0x77: {  	_ =	shalt  }
0x78: {  	_ =	shalt  }
0x79: {  	_ =	shalt  }
0x7a: {  	_ =	shalt  }
0x7b: {  	_ =	shalt  }
0x7c: {  	_ =	shalt  }
0x7d: {  	_ =	shalt  }
0x7e: {  	_ =	shalt  }
0x7f: {  	_ =	shalt  }
0x80: {  	_ =	shalt  }
0x81: {  	_ =	shalt  }
0x82: {  	_ =	shalt  }
0x83: {  	_ =	shalt  }
0x84: {  	_ =	shalt  }
0x85: {  	_ =	shalt  }
0x86: {  	_ =	shalt  }
0x87: {  	_ =	shalt  }
.Lfunc_end0:
.L_simem_size_0:
called_computation_lowered:
.L_overlay_start_0:
0x88: {  	s2 =	sld [smem:$0x3FD9]  }
0x89: {  	s3 =	sld [smem:$0x3FFE];
	_ =	sdelay $0x1  }
0x8a: {  	s1 =	srdreg.scid  }
0x8b: {  	s0 =	sand.u32 $0x1, s1  }
0x8c: {  	s17 =	sshll.u32 s0, $0xA;
	s2 =	sadd.s32 s3, s2  }
0x8d: {  	s2 =	sadd.s32 s2, s17  }
0x8e: {  	[smem:$0x3FC1] =	sst s2  }
0x8f: {  	_ = 	snop  }
0x90: {  	s2 =	sld [smem:$0x3FD0];
	(tm) =	ssettm $0x1  }
0x91: {  	s18 =	sld [smem:$0x3FFB];
	_ =	sdelay $0x3  }
0x92: {  	_ =	strace s18  }
0x93: {  	s3 =	sld [smem:$0x3FFC];
	_ =	sdelay $0x3  }
0x94: {  	_ =	strace s3  }
0x95: {  	s3 =	sld [smem:$0x3FFD];
	_ =	sdelay $0x3  }
0x96: {  	_ =	strace s3  }
0x97: {  	_ =	strace $0x8FFFFFFF  }
0x98: {  	s19 =	sld [smem:$0x3FDB];
	_ =	sdelay $0x1  }
0x99: {  	s4 =	simm.s32 $_scs_section_size  }
0x9a: {  	s5 =	simm.s32 $_size__tile_overlayer_lowered;
	s6 =	simm.s32 $_tile_overlayer_lowered  }
0x9b: {  	s22 =	simm.s32 $0x1BFF;
	s21 =	sshll.u32 s6, $0x1;
	s3 =	sadd.s32 s4, s19  }
0x9c: {  	s7 =	simm.s32 $0x0;
	s20 =	sshll.u32 s5, $0x1;
	s5 =	sadd.s32 s21, s3  }
0x9d: {  	[timem:s7], [sflag:s22] =	dma.local [hbm:s5], s20  }
0x9e: {  	_ =	swait.ge [sflag:s22], s20  }
0x9f: {  	s4 =	ssub.s32 $0x0, s20;
	[sflag:s22] =	ssyncset.done $0x0  }
0xa0: {  	[sflag:s22] =	ssyncadd.s32 s4;
	_ =	sdelay $0x1  }
0xa1: {  	s23 =	simm.s32 $0x1B8B  }
0xa2: {  	_ =	swait.ge [sflag:s23], $0x1  }
0xa3: {  	[sflag:s23] =	ssyncset.done $0x0  }
0xa4: {  	s25 =	simm.s32 $0x1B8E;
	s24 =	sld [smem:$0x3FFE];
	[sflag:s23] =	ssyncadd.s32 $0xFFFFFFFF  }
0xa5: {  	s26 =	simm.s32 $execute0_lowered;
	[smem:$0x3FD2] =	sst s25  }
0xa6: {  	s5 =	sshll.u32 s26, $0x1;
	_ =	strace $0x80000046;
	[dreg:$0x1] =	wrdreg $0xFFFFFFFF  }
0xa7: {  	s28 =	simm.s32 $_size_execute0_lowered;
	s3 =	sadd.s32 s3, s5;
	[dreg:$0x0] =	wrdreg $0x0  }
0xa8: {  	s5 =	sshll.u32 s28, $0x1;
	[dreg:$0x2] =	wrdreg s3  }
0xa9: {  	[dreg:$0x3] =	wrdreg s5  }
0xaa: {  	[dreg:$0x4] =	wrdreg $0xC0  }
0xab: {  	_ =	task [dreg:s7], $0x5FFFF  }
0xac: {  	[dreg:$0x1] =	wrdreg $0xFFFFFFFF  }
0xad: {  	[dreg:$0x0] =	wrdreg $0x60  }
0xae: {  	[dreg:$0x2] =	wrdreg s24  }
0xaf: {  	[dreg:$0x3] =	wrdreg s2  }
0xb0: {  	[dreg:$0x4] =	wrdreg $0x0  }
0xb1: {  	[dreg:$0x5] =	wrdreg $0x9  }
0xb2: {  	_ =	task.clear_ibuf [dreg:s7], $0x6FFFF;
	_ =	strace $0x90000046  }
0xb3: {  	s29 =	simm.s32 $0x9;
	_ =	strace $0x80000048  }
0xb4: {  	_ =	swait.ge [sflag:s29], $0x1  }
0xb5: {  	[sflag:s29] =	ssyncadd.s32 $0xFFFFFFFF  }
0xb6: {  	_ =	strace $0x90000048  }
0xb7: {  	_ =	sfence  }
0xb8: {  	s30 =	sld [smem:$0x0];
	_ =	sdelay $0x2  }
0xb9: {  	s31 =	sshll.u32 s1, $0xD;
	s1 =	sshrl.u32 s1, $0x2  }
0xba: {  	s3 =	sand.u32 $0x4000, s31;
	s1 =	sadd.s32 s1, s30  }
0xbb: {  	s0 =	sor.u32 s3, s0;
	s1 =	sshll.u32 s1, $0x11  }
0xbc: {  	s0 =	sor.u32 s1, s0  }
0xbd: {  	s0 =	sadd.s32 $0x8F2B, s0  }
0xbe: {  	[sflag:s0] =	ssyncadd.remote.s32 $0x1  }
0xbf: {  	_ =	sfence.sel $0xFFFF  }
0xc0: {  	[dreg:$0x0] =	wrdreg $0xFFFFFFFF;
	(pc) =	sbr.abs _section_cstart, $3  }
0xc1: {  	[dreg:$0x1] =	wrdreg $0xFFFFFFFF  }
0xc2: {  	_ =	task.clear_ibuf [dreg:s7], $0x2FFFF;
	_ =	strace $0x9FFFFFFF  }
0xc3: {  	(tm) =	ssettm $0x7FFFFFFF  }
tec
execute0_lowered:
.L_overlay_start_1:
0x0: {  	(tag) =	ssettag $0x1  }
0x1: {  	s5 =	rddreg [dreg:$0x0]  }
0x2: {  	s0 =	rddreg [dreg:$0x1]  }
0x3: {  	s1 =	rddreg [dreg:$0x2];
	s3 =	simm.s32 $0x0  }
0x4: {  	s2 =	srdreg.scid;
	[smem:$0x7FF] =	sst s3  }
0x5: {  	s7 =	sand.u32 $0x1, s2;
	s19 =	sadd.s32 $0xC4200, s5;
	s9 =	sadd.s32 $0xE0A00, s5  }
0x6: {  	s3 =	stileid.u32;
	s29 =	sadd.s32 $0xCF9100, s5;
	s30 =	sadd.s32 $0xE1E080, s5  }
0x7: {  	s31 =	sadd.s32 $0xE7FB00, s5;
	_ =	strace $0x80000047;
	s2 =	ssub.s32 $0x2, s7  }
0x8: {  	s8 =	ssub.s32 $0x30E3, s3;
	s11 =	ssub.s32 $0x195, s3;
	[dreg:$0xd] =	wrdreg s19  }
0x9: {  	s20 =	sshll.u32 s3, $0x7;
	[smem:$0x7FC] =	sst s29;
	s4 =	sshrl.u32 s2, $0x1  }
0xa: {  	s23 =	sshrl.u32 s11, $0x4;
	[dreg:$0xe] =	wrdreg s20;
	s6 =	ssub.s32 s2, s4  }
0xb: {  	s4 =	sshrl.u32 s8, $0x4;
	s2 =	smul.u32 $0xC350, s7;
	s8 =	sshll.u32 s3, $0x9  }
0xc: {  	s24 =	sshll.u32 s23, $0xB;
	[dreg:$0x10] =	wrdreg s23;
	s10 =	sadd.s32 $0xFFFFFFFF, s4  }
0xd: {  	s18 =	sadd.s32 s8, s1;
	[dreg:$0x4] =	wrdreg s24;
	s12 =	smul.u32 $0x5556, s10  }
0xe: {  	s11 =	sadd.s32 s20, s2;
	s14 =	sshrl.u32 s2, $0x3;
	[dreg:$0xf] =	wrdreg s18  }
0xf: {  	s13 =	sshrl.u32 s11, $0x3;
	s15 =	sadd.s32 $0xAB660, s11;
	s26 =	sadd.s32 $0x92FC0, s11  }
0x10: {  	s17 =	sadd.s32 $0x7A920, s11;
	s24 =	sadd.s32 $0x62280, s11;
	s12 =	sshrl.u32 s12, $0x10  }
0x11: {  	s22 =	sadd.s32 s19, s13;
	s13 =	sadd.s32 s19, s14;
	s25 =	sshrl.u32 s15, $0x3  }
0x12: {  	s16 =	sshrl.u32 s26, $0x3;
	s26 =	sadd.s32 $0x49BE0, s11;
	[dreg:$0x5] =	wrdreg s25  }
0x13: {  	s12 =	smul.u32 $0x3, s12;
	s14 =	sadd.s32 $0x1860, s13;
	[dreg:$0x6] =	wrdreg s16  }
0x14: {  	s21 =	sadd.s32 $0x4934, s13;
	s25 =	sshrl.u32 s24, $0x3;
	[dreg:$0x11] =	wrdreg s22  }
0x15: {  	s15 =	sshrl.u32 s26, $0x3;
	s26 =	smul.u32 $0x186A00, s7;
	[dreg:$0x12] =	wrdreg s14  }
0x16: {  	s16 =	sor.u32 $0x10, s3;
	s7 =	smul.u32 $0x30D40, s7;
	[dreg:$0x13] =	wrdreg s21  }
0x17: {  	s14 =	sshrl.u32 s20, $0x3;
	s21 =	sshrl.u32 s17, $0x3;
	[dreg:$0x8] =	wrdreg s25  }
0x18: {  	s17 =	sadd.s32 $0x31540, s11;
	[dreg:$0x9] =	wrdreg s15;
	s24 =	sshll.u32 s16, $0x4  }
0x19: {  	s25 =	sadd.s32 $0x18EA0, s11;
	s11 =	sadd.s32 $0x800, s11;
	[dreg:$0x7] =	wrdreg s21  }
0x1a: {  	s10 =	ssub.s32 s10, s12;
	s21 =	sshrl.u32 s17, $0x3;
	[dreg:$0xc] =	wrdreg s11  }
0x1b: {  	s15 =	sadd.s32 s24, s0;
	s12 =	sshrl.u32 s25, $0x3;
	[dreg:$0xa] =	wrdreg s21  }
0x1c: {  	s24 =	sshrl.u32 s26, $0x3;
	s26 =	sadd.s32 $0xAADC, s13;
	[dreg:$0xb] =	wrdreg s12  }
0x1d: {  	s25 =	sadd.s32 s7, s9;
	s7 =	sadd.s32 $0xDBB0, s13;
	[dreg:$0x15] =	wrdreg s26  }
0x1e: {  	s14 =	sadd.s32 s0, s14;
	s11 =	sadd.s32 $0x16E2C, s13;
	[dreg:$0x17] =	wrdreg s7  }
0x1f: {  	s17 =	sshll.u32 s3, $0x4;
	s21 =	sadd.s32 $0x7A08, s13;
	[dreg:$0x1a] =	wrdreg s11  }
0x20: {  	s17 =	sadd.s32 s17, s0;
	s0 =	sadd.s32 s8, s25;
	[dreg:$0x14] =	wrdreg s21  }
0x21: {  	s12 =	sadd.s32 s9, s24;
	s8 =	sadd.s32 $0x10C84, s13;
	[dreg:$0x16] =	wrdreg s0  }
0x22: {  	s9 =	sadd.s32 $0x13D58, s13;
	s13 =	sadd.s32 $0x30D40, s14;
	[dreg:$0x18] =	wrdreg s8  }
0x23: {  	s14 =	sshll.u32 s16, $0x6;
	s15 =	sadd.s32 $0x30D40, s15;
	[dreg:$0x19] =	wrdreg s9  }
0x24: {  	s16 =	sand.u32 $0xFFFF, s10;
	s24 =	sadd.s32 $0xC35C00, s5;
	[dreg:$0x1b] =	wrdreg s13  }
0x25: {  	s11 =	sadd.s32 $0xC00, s5;
	s25 =	sadd.s32 $0xC97680, s5;
	[dreg:$0x1c] =	wrdreg s15  }
0x26: {  	s10 =	sadd.s32 $0xD5AB80, s5;
	s26 =	sadd.s32 $0xDBC600, s5;
	[dreg:$0x1d] =	wrdreg s24  }
0x27: {  	s21 =	sadd.s32 $0xDCA00, s5;
	s0 =	sadd.s32 s11, s14;
	[dreg:$0x1f] =	wrdreg s25  }
0x28: {  	s13 =	sshll.u32 s3, $0x6;
	s9 =	sadd.s32 $0xDD9A0, s5;
	[smem:$0x7FD] =	sst s10  }
0x29: {  	s14 =	sadd.s32 $0xDE940, s5;
	s15 =	sshll.u32 s16, $0xD;
	[dreg:$0x1e] =	wrdreg s0  }
0x2a: {  	s7 =	sshll.u32 s16, $0x7;
	[smem:$0x7E9] =	sst s13;
	s8 =	sadd.s32 s11, s13  }
0x2b: {  	s0 =	sadd.s32 $0xEE1580, s5;
	[smem:$0x7EA] =	sst s14;
	s16 =	sor.u32 $0x19C50, s15  }
0x2c: {  	s11 =	sadd.s32 $0xDF8E0, s5;
	s5 =	sadd.s32 $0x1AC50, s15;
	[smem:$0x7EB] =	sst s16  }
0x2d: {  	p0 =	sne.s32 s3, $0x0;
	s14 =	sadd.s32 $0x19980, s7;
	[smem:$0x7EC] =	sst s5  }
0x2e: {  	s3 =	sshll.u32 s3, $0xC;
	s15 =	sadd.s32 $0x30C00, s12;
	[smem:$0x7ED] =	sst s14  }
0x2f: {  	s3 =	sadd.s32 s3, s1;
	[smem:$0x7EE] =	sst s15  }
0x30: {  	s7 =	sadd.s32 $0x30D4, s22;
	[smem:$0x7F1] =	sst s3  }
0x31: {  	s12 =	sadd.s32 $0x61A8, s22;
	[smem:$0x7F3] =	sst s7  }
0x32: {  	s13 =	sadd.s32 $0x927C, s22;
	[smem:$0x7F4] =	sst s12  }
0x33: {  	[smem:$0x7F5] =	sst s13  }
0x34: {  	s16 =	smax.u32 s6, $0x1;
	[smem:$0x7FA] =	sst s8  }
0x35: {  	s28 =	simm.s32 $0x80;
	s6 =	sadd.s32 $0x30F40, s17;
	[smem:$0x7EF] =	sst s16  }
0x36: {  	s5 =	sadd.s32 $0x186000, s1;
	s14 =	sadd.s32 $0xC350, s22;
	[smem:$0x7F0] =	sst s6  }
0x37: {  	v0 =	vlaneseq.u32;
	s15 =	sadd.s32 $0xF424, s22;
	s17 =	sadd.s32 $0x155CC, s22;
	[smem:$0x7F6] =	sst s14  }
0x38: {  	v2 =	vimm.f32 $0.0e+00;
	v3 =	vor.u32 $0xC300, v0;
	v4 =	vor.u32 $0xC310, v0;
	s12 =	sshll.u32 s4, $0x9;
	s3 =	sshrl.u32 @!p0 s5, $0x3;
	[smem:$0x7F7] =	sst s15  }
0x39: {  	v5 =	vor.u32 $0xC320, v0;
	v6 =	vor.u32 $0xC330, v0;
	v7 =	vor.u32 $0xC340, v0;
	s16 =	sadd.s32 $0x124F8, s22;
	[smem:$0x7F9] =	sst s17;
	s22 =	sadd.s32 $0x800, s8  }
0x3a: {  	v8 =	vor.u32 $0xC350, v0;
	v9 =	vor.u32 $0xC360, v0;
	v10 =	vor.u32 $0xC370, v0;
	s5 =	simm.s32 $0x18800;
	s17 =	simm.s32 $0x1;
	[smem:$0x7F2] =	sst s3  }
0x3b: {  	v11 =	vor.u32 $0xC380, v0;
	v12 =	vor.u32 $0xC390, v0;
	v13 =	vor.u32 $0xC3A0, v0;
	s8 =	simm.s32 $0x3;
	s6 =	simm.s32 $0x0;
	[smem:$0x7F8] =	sst s16  }
0x3c: {  	v14 =	vor.u32 $0xC3B0, v0;
	v15 =	vor.u32 $0xC3C0, v0;
	v1 =	vmov s2;
	[smem:$0x7FB] =	sst s22;
	s16 =	simm.s32 $0x4;
	s22 =	simm.s32 $0x2  }
.LBB2_1:
0x3d: {  	[tilespmem:$0x18800] =	vst v2  }
0x3e: {  	[tilespmem:$0x18810] =	vst v2  }
0x3f: {  	[tilespmem:$0x18820] =	vst v2  }
0x40: {  	[tilespmem:$0x18830] =	vst v2  }
0x41: {  	[tilespmem:$0x18840] =	vst v2  }
0x42: {  	[tilespmem:$0x18850] =	vst v2  }
0x43: {  	[tilespmem:$0x18860] =	vst v2  }
0x44: {  	[tilespmem:$0x18870] =	vst v2  }
0x45: {  	[tilespmem:$0x18880] =	vst v2  }
0x46: {  	[tilespmem:$0x18890] =	vst v2  }
0x47: {  	[tilespmem:$0x188A0] =	vst v2  }
0x48: {  	[tilespmem:$0x188B0] =	vst v2  }
0x49: {  	[tilespmem:$0x188C0] =	vst v2  }
0x4a: {  	[tilespmem:$0x188D0] =	vst v2  }
0x4b: {  	[tilespmem:$0x188E0] =	vst v2  }
0x4c: {  	[tilespmem:$0x188F0] =	vst v2  }
0x4d: {  	[tilespmem:$0x18900] =	vst v2  }
0x4e: {  	[tilespmem:$0x18910] =	vst v2  }
0x4f: {  	[tilespmem:$0x18920] =	vst v2  }
0x50: {  	[tilespmem:$0x18930] =	vst v2  }
0x51: {  	[tilespmem:$0x18940] =	vst v2  }
0x52: {  	[tilespmem:$0x18950] =	vst v2  }
0x53: {  	[tilespmem:$0x18960] =	vst v2  }
0x54: {  	[tilespmem:$0x18970] =	vst v2  }
0x55: {  	[tilespmem:$0x18980] =	vst v2  }
0x56: {  	[tilespmem:$0x18990] =	vst v2  }
0x57: {  	[tilespmem:$0x189A0] =	vst v2  }
0x58: {  	[tilespmem:$0x189B0] =	vst v2  }
0x59: {  	[tilespmem:$0x189C0] =	vst v2  }
0x5a: {  	[tilespmem:$0x189D0] =	vst v2  }
0x5b: {  	[tilespmem:$0x189E0] =	vst v2  }
0x5c: {  	[tilespmem:$0x189F0] =	vst v2;
	s2 =	simm.s32 $0x0  }
.LBB2_2:
0x5d: {  	p1 =	sne.s32 s2, $0x618000  }
.Ltmp0:
0x5e: {  	_ = 	snop;
	(pc) =	sbr.rel @p1 .LBB2_2-.Ltmp0, $4  }
0x5f: {  	_ = 	snop  }
0x60: {  	s3 =	sshra.s32 s2, $0x2  }
0x61: {  	s2 =	sadd.s32 $0x8000, s2;
	s3 =	sadd.s32 s3, s18  }
0x62: {  	[spmem:s3] =	stream.linear.scatter [tilespmem:s5], [sflag:$0x4], $0x200, $0x38;
	[tilespmem:$0x1FC50] =	vst v63  }
0x63: {  	[smem:$0x7E8] =	sst s6  }
0x64: {  	_ =	swait.ge [sflag:s16], $0x200  }
0x65: {  	s2 =	simm.s32 $0xC3;
	[sflag:s16] =	ssyncset.done $0x0  }
.LBB2_4:
0x66: {  	p1 =	sne.s32 s2, $0x1;
	s2 =	sadd.s32 $0xFFFFFFFF, s2;
	[sflag:s16] =	ssyncadd.s32 $0xFFFFFE00  }
.Ltmp1:
0x67: {  	(pc) =	sbr.rel @p1 .LBB2_4-.Ltmp1, $3  }
0x68: {  	_ =	sdelay $0x1  }
0x69: {  	_ =	swait.ge [sflag:s16], $0x200  }
0x6a: {  	[sflag:s16] =	ssyncset.done $0x0  }
0x6b: {  	[sflag:s16] =	ssyncadd.s32 $0xFFFFFE00  }
0x6c: {  	[bflag:$0x0] =	sbarrier.arrive $0xFFFF  }
0x6d: {  	s3 =	rddreg [dreg:$0x11]  }
0x6e: {  	s2 =	simm.s32 $0x0;
	s5 =	simm.s32 $0x18A00;
	s7 =	sld [smem:$0x7F3]  }
0x6f: {  	[tilespmem:s5], [sflag:$0x1] =	stream.linear.gather [hbm4b:s3+s2], $0x80, $0x38;
	[tilespmem:$0x1FC50] =	vst v63  }
0x70: {  	s10 =	simm.s32 $0x18A80;
	s13 =	sld [smem:$0x7F4]  }
0x71: {  	[tilespmem:s10], [sflag:$0x1] =	stream.linear.gather [hbm4b:s7+s2], $0x80, $0x38;
	[tilespmem:$0x1FC50] =	vst v63  }
0x72: {  	s14 =	simm.s32 $0x18B00;
	s15 =	sld [smem:$0x7F5]  }
0x73: {  	[tilespmem:s14], [sflag:$0x1] =	stream.linear.gather [hbm4b:s13+s2], $0x80, $0x38;
	[tilespmem:$0x1FC50] =	vst v63  }
0x74: {  	s18 =	simm.s32 $0x18B80;
	s5 =	sld [smem:$0x7F6]  }
0x75: {  	[tilespmem:s18], [sflag:$0x1] =	stream.linear.gather [hbm4b:s15+s2], $0x80, $0x38;
	[tilespmem:$0x1FC50] =	vst v63  }
0x76: {  	s6 =	simm.s32 $0x18C00;
	s7 =	sld [smem:$0x7F7]  }
0x77: {  	[tilespmem:s6], [sflag:$0x1] =	stream.linear.gather [hbm4b:s5+s2], $0x80, $0x38;
	[tilespmem:$0x1FC50] =	vst v63  }
0x78: {  	s10 =	simm.s32 $0x18C80;
	s13 =	sld [smem:$0x7F8]  }
0x79: {  	[tilespmem:s10], [sflag:$0x1] =	stream.linear.gather [hbm4b:s7+s2], $0x80, $0x38;
	[tilespmem:$0x1FC50] =	vst v63  }
0x7a: {  	s14 =	simm.s32 $0x18D00;
	s15 =	sld [smem:$0x7F9];
	s18 =	simm.s32 $0x18D80  }
0x7b: {  	[tilespmem:s14], [sflag:$0x1] =	stream.linear.gather [hbm4b:s13+s2], $0x80, $0x38;
	[tilespmem:$0x1FC50] =	vst v63  }
0x7c: {  	s5 =	simm.s32 $0x1;
	s10 =	sld [smem:$0x7FD];
	s13 =	smov.u32 s19  }
0x7d: {  	[tilespmem:s18], [sflag:$0x1] =	stream.linear.gather [hbm4b:s15+s2], $0x80, $0x38;
	[tilespmem:$0x1FC50] =	vst v63  }
.LBB2_6:
0x7e: {  	_ =	swait.ge [sflag:s17], $0x80  }
0x7f: {  	[sflag:s17] =	ssyncset.done $0x0  }
0x80: {  	[sflag:s17] =	ssyncadd.s32 $0xFFFFFF80  }
0x81: {  	_ =	swait.ge [sflag:s17], $0x80  }
0x82: {  	[sflag:s17] =	ssyncset.done $0x0  }
0x83: {  	[sflag:s17] =	ssyncadd.s32 $0xFFFFFF80  }
0x84: {  	_ =	swait.ge [sflag:s17], $0x80  }
0x85: {  	[sflag:s17] =	ssyncset.done $0x0  }
0x86: {  	[sflag:s17] =	ssyncadd.s32 $0xFFFFFF80  }
0x87: {  	_ =	swait.ge [sflag:s17], $0x80  }
0x88: {  	[sflag:s17] =	ssyncset.done $0x0  }
0x89: {  	[sflag:s17] =	ssyncadd.s32 $0xFFFFFF80  }
0x8a: {  	_ =	swait.ge [sflag:s17], $0x80  }
0x8b: {  	[sflag:s17] =	ssyncset.done $0x0  }
0x8c: {  	[sflag:s17] =	ssyncadd.s32 $0xFFFFFF80  }
0x8d: {  	_ =	swait.ge [sflag:s17], $0x80  }
0x8e: {  	[sflag:s17] =	ssyncset.done $0x0  }
0x8f: {  	[sflag:s17] =	ssyncadd.s32 $0xFFFFFF80  }
0x90: {  	_ =	swait.ge [sflag:s17], $0x80  }
0x91: {  	[sflag:s17] =	ssyncset.done $0x0  }
0x92: {  	s3 =	sadd.s32 $0xFFFFFFFF, s5;
	[sflag:s17] =	ssyncadd.s32 $0xFFFFFF80  }
0x93: {  	s7 =	sand.u32 $0x1, s3;
	_ =	swait.ge [sflag:s17], $0x80  }
0x94: {  	p1 =	sge.u32 s5, s23;
	s3 =	sshll.u32 s7, $0xA;
	s6 =	rddreg [dreg:$0xc]  }
0x95: {  	s18 =	simm.s32 @!p1 $0x0;
	s14 =	sxor.u32 @!p1 $0x400, s3;
	s6 =	sadd.s32 @!p1 s2, s6  }
0x96: {  	s14 =	sadd.s32 @!p1 $0x18A00, s14;
	[sflag:s17] =	ssyncset.done $0x0;
	s6 =	sshrl.u32 @!p1 s6, $0x3  }
0x97: {  	s15 =	rddreg [dreg:$0xb];
	[sflag:s17] =	ssyncadd.s32 $0xFFFFFF80;
	s6 =	sadd.s32 @!p1 s19, s6  }
0x98: {  	[tilespmem:s14], [sflag:$0x1] =	stream.linear.gather @!p1 [hbm4b:s6+s18], $0x80, $0x38;
	[tilespmem:$0x1FC50] =	vst v63  }
0x99: {  	s6 =	ssub.s32 @!p1 $0x18E80, s3;
	s14 =	sadd.s32 @!p1 s13, s15;
	s15 =	rddreg [dreg:$0xa]  }
0x9a: {  	[tilespmem:s6], [sflag:$0x1] =	stream.linear.gather @!p1 [hbm4b:s14+s18], $0x80, $0x38;
	[tilespmem:$0x1FC50] =	vst v63  }
0x9b: {  	s15 =	sadd.s32 @!p1 s13, s15;
	s6 =	rddreg [dreg:$0x9];
	s14 =	ssub.s32 @!p1 $0x18F00, s3  }
0x9c: {  	[tilespmem:s14], [sflag:$0x1] =	stream.linear.gather @!p1 [hbm4b:s15+s18], $0x80, $0x38;
	[tilespmem:$0x1FC50] =	vst v63  }
0x9d: {  	s6 =	sadd.s32 @!p1 s13, s6;
	s14 =	ssub.s32 @!p1 $0x18F80, s3;
	s15 =	rddreg [dreg:$0x8]  }
0x9e: {  	[tilespmem:s14], [sflag:$0x1] =	stream.linear.gather @!p1 [hbm4b:s6+s18], $0x80, $0x38;
	[tilespmem:$0x1FC50] =	vst v63  }
0x9f: {  	s15 =	sadd.s32 @!p1 s13, s15;
	s6 =	rddreg [dreg:$0x7];
	s14 =	ssub.s32 @!p1 $0x19000, s3  }
0xa0: {  	[tilespmem:s14], [sflag:$0x1] =	stream.linear.gather @!p1 [hbm4b:s15+s18], $0x80, $0x38;
	[tilespmem:$0x1FC50] =	vst v63  }
0xa1: {  	s6 =	sadd.s32 @!p1 s13, s6;
	s14 =	ssub.s32 @!p1 $0x19080, s3;
	s15 =	rddreg [dreg:$0x6]  }
0xa2: {  	[tilespmem:s14], [sflag:$0x1] =	stream.linear.gather @!p1 [hbm4b:s6+s18], $0x80, $0x38;
	[tilespmem:$0x1FC50] =	vst v63  }
0xa3: {  	s15 =	sadd.s32 @!p1 s13, s15;
	s6 =	rddreg [dreg:$0x5];
	s14 =	ssub.s32 @!p1 $0x19100, s3  }
0xa4: {  	[tilespmem:s14], [sflag:$0x1] =	stream.linear.gather @!p1 [hbm4b:s15+s18], $0x80, $0x38;
	[tilespmem:$0x1FC50] =	vst v63  }
0xa5: {  	s6 =	sadd.s32 @!p1 s13, s6;
	s14 =	ssub.s32 @!p1 $0x19180, s3  }
0xa6: {  	[tilespmem:s14], [sflag:$0x1] =	stream.linear.gather @!p1 [hbm4b:s6+s18], $0x80, $0x38;
	[tilespmem:$0x1FC50] =	vst v63  }
0xa7: {  	s14 =	sadd.s32 s2, s20  }
0xa8: {  	s6 =	sshll.u32 s7, $0x7;
	v16 =	vor.u32 s14, v0;
	s18 =	sadd.s32 $0x10, s14  }
0xa9: {  	[tilespmem:s6+$0x19B00] =	vst v16;
	v16 =	vor.u32 s18, v0;
	s18 =	sadd.s32 $0x20, s14  }
0xaa: {  	[tilespmem:s6+$0x19B10] =	vst v16;
	v16 =	vor.u32 s18, v0;
	s18 =	sadd.s32 $0x30, s14  }
0xab: {  	[tilespmem:s6+$0x19B20] =	vst v16;
	v16 =	vor.u32 s18, v0;
	s18 =	sadd.s32 $0x40, s14  }
0xac: {  	[tilespmem:s6+$0x19B30] =	vst v16;
	v16 =	vor.u32 s18, v0;
	s18 =	sadd.s32 $0x50, s14  }
0xad: {  	[tilespmem:s6+$0x19B40] =	vst v16;
	v16 =	vor.u32 s18, v0;
	s18 =	sadd.s32 $0x60, s14  }
0xae: {  	s14 =	sadd.s32 $0x70, s14;
	[tilespmem:s6+$0x19B50] =	vst v16;
	v16 =	vor.u32 s18, v0  }
0xaf: {  	s7 =	sshll.u32 s7, $0xD;
	[tilespmem:s6+$0x19B60] =	vst v16;
	v16 =	vor.u32 s14, v0  }
0xb0: {  	s15 =	sor.u32 $0x19C50, s7;
	s18 =	sor.u32 $0x18A00, s3;
	[tilespmem:s6+$0x19B70] =	vst v16  }
0xb1: {  	[tilespmem:s15], [sflag:$0x2] =	stream.indirect.gather [hbm4b:s24+s28], $0x20, s18, s28, $0xb8;
	[tilespmem:$0x1FC50] =	vst v63  }
0xb2: {  	s7 =	sadd.s32 $0x1AC50, s7;
	s18 =	sor.u32 $0x18A80, s3  }
0xb3: {  	[tilespmem:s7], [sflag:$0x2] =	stream.indirect.gather [hbm4b:s25+s28], $0x20, s18, s28, $0xb8;
	[tilespmem:$0x1FC50] =	vst v63  }
0xb4: {  	_ =	swait.ge [sflag:s22], $0x1000  }
0xb5: {  	[sflag:s22] =	ssyncset.done $0x0  }
0xb6: {  	[sflag:s22] =	ssyncadd.s32 $0xFFFFF000  }
0xb7: {  	_ =	swait.ge [sflag:s22], $0x1000  }
0xb8: {  	[sflag:s22] =	ssyncset.done $0x0  }
0xb9: {  	s18 =	sor.u32 $0x18B00, s3;
	[sflag:s22] =	ssyncadd.s32 $0xFFFFF000  }
0xba: {  	[tilespmem:s15], [sflag:$0x2] =	stream.indirect.gather.add.f32 [hbm:s29], $0x20, s18, s28, $0xb8;
	[tilespmem:$0x1FC50] =	vst v63  }
0xbb: {  	s18 =	sor.u32 $0x18B80, s3  }
0xbc: {  	[tilespmem:s7], [sflag:$0x2] =	stream.indirect.gather.add.f32 [hbm:s10], $0x20, s18, s28, $0xb8;
	[tilespmem:$0x1FC50] =	vst v63  }
0xbd: {  	_ =	swait.ge [sflag:s22], $0x1000  }
0xbe: {  	[sflag:s22] =	ssyncset.done $0x0  }
0xbf: {  	[sflag:s22] =	ssyncadd.s32 $0xFFFFF000  }
0xc0: {  	_ =	swait.ge [sflag:s22], $0x1000  }
0xc1: {  	[sflag:s22] =	ssyncset.done $0x0  }
0xc2: {  	s18 =	sadd.s32 $0x18C00, s3;
	[sflag:s22] =	ssyncadd.s32 $0xFFFFF000  }
0xc3: {  	[tilespmem:s15], [sflag:$0x2] =	stream.indirect.gather.add.f32 [hbm:s26], $0x20, s18, s28, $0xb8;
	[tilespmem:$0x1FC50] =	vst v63  }
0xc4: {  	s18 =	sadd.s32 $0x18C80, s3  }
0xc5: {  	[tilespmem:s7], [sflag:$0x2] =	stream.indirect.gather.add.f32 [hbm:s30], $0x20, s18, s28, $0xb8;
	[tilespmem:$0x1FC50] =	vst v63  }
0xc6: {  	_ =	swait.ge [sflag:s22], $0x1000  }
0xc7: {  	[sflag:s22] =	ssyncset.done $0x0  }
0xc8: {  	[sflag:s22] =	ssyncadd.s32 $0xFFFFF000  }
0xc9: {  	_ =	swait.ge [sflag:s22], $0x1000  }
0xca: {  	[sflag:s22] =	ssyncset.done $0x0  }
0xcb: {  	s18 =	sadd.s32 $0x18D00, s3;
	[sflag:s22] =	ssyncadd.s32 $0xFFFFF000  }
0xcc: {  	[tilespmem:s15], [sflag:$0x2] =	stream.indirect.gather.add.f32 [hbm:s31], $0x20, s18, s28, $0xb8;
	[tilespmem:$0x1FC50] =	vst v63  }
0xcd: {  	s3 =	sadd.s32 $0x18D80, s3  }
0xce: {  	[tilespmem:s7], [sflag:$0x2] =	stream.indirect.gather.add.f32 [hbm:s0], $0x20, s3, s28, $0xb8;
	[tilespmem:$0x1FC50] =	vst v63  }
0xcf: {  	_ =	swait.ge [sflag:s22], $0x1000  }
0xd0: {  	[sflag:s22] =	ssyncset.done $0x0  }
0xd1: {  	[sflag:s22] =	ssyncadd.s32 $0xFFFFF000  }
0xd2: {  	_ =	swait.ge [sflag:s22], $0x1000  }
0xd3: {  	p1 =	seq.s32 s2, $0x0;
	[sflag:s22] =	ssyncset.done $0x0  }
0xd4: {  	s3 =	simm.s32 @!p1 $0x4;
	[sflag:s22] =	ssyncadd.s32 $0xFFFFF000  }
0xd5: {  	_ =	swait.ge @!p1 [sflag:s3], $0x1000  }
0xd6: {  	[sflag:s3] =	ssyncset.done @!p1 $0x0  }
0xd7: {  	[sflag:s3] =	ssyncadd.s32 @!p1 $0xFFFFF000  }
0xd8: {  	_ =	swait.ge @!p1 [sflag:s3], $0x1000  }
0xd9: {  	s2 =	sadd.s32 $0x800, s2;
	[sflag:s3] =	ssyncset.done @!p1 $0x0;
	s18 =	rddreg [dreg:$0x4]  }
0xda: {  	[sflag:s3] =	ssyncadd.s32 @!p1 $0xFFFFF000;
	p1 =	sne.s32 s18, s2  }
.Ltmp2:
0xdb: {  	_ = 	snop;
	(pc) =	sbr.rel @p1 .LBB2_6-.Ltmp2, $4  }
0xdc: {  	s14 =	sor.u32 $0x19B00, s6  }
0xdd: {  	[spmem:s1] =	stream.indirect.scatter.add.f32 [tilespmem:s15], [sflag:$0x4], $0x20, s14, s28, $0xb8;
	[tilespmem:$0x1FC50] =	vst v63  }
0xde: {  	s5 =	sadd.s32 $0x1, s5;
	s13 =	sadd.s32 $0x100, s13  }
0xdf: {  	[spmem:s1] =	stream.indirect.scatter.add.f32 [tilespmem:s7], [sflag:$0x4], $0x20, s14, s28, $0xb8;
	[tilespmem:$0x1FC50] =	vst v63  }
0xe0: {  	_ =	swait.ge [sflag:s16], $0x1000  }
.Ltmp3:
0xe1: {  	[sflag:s16] =	ssyncset.done $0x0;
	(pc) =	sbr.rel @p0 .LBB2_9-.Ltmp3, $4  }
0xe2: {  	[sflag:s16] =	ssyncadd.s32 $0xFFFFF000  }
0xe3: {  	_ =	swait.ge [sflag:s16], $0x1000  }
0xe4: {  	[sflag:s16] =	ssyncset.done $0x0  }
0xe5: {  	[sflag:s16] =	ssyncadd.s32 $0xFFFFF000  }
0xe6: {  	[tilespmem:$0x19C00] =	vst v3  }
0xe7: {  	[tilespmem:$0x19C10] =	vst v4  }
0xe8: {  	[tilespmem:$0x19C20] =	vst v5  }
0xe9: {  	[tilespmem:$0x19C30] =	vst v6  }
0xea: {  	[tilespmem:$0x19C40] =	vst v7;
	s2 =	simm.s32 $0x0;
	s3 =	rddreg [dreg:$0x12];
	s5 =	simm.s32 $0x18A00  }
0xeb: {  	[tilespmem:s5], [sflag:$0x1] =	stream.linear.gather [hbm4b:s3+s2], $0x50, $0x38;
	[tilespmem:$0x1FC50] =	vst v63  }
0xec: {  	s7 =	rddreg [dreg:$0x13];
	s6 =	simm.s32 $0x18A80  }
0xed: {  	[tilespmem:s6], [sflag:$0x1] =	stream.linear.gather [hbm4b:s7+s2], $0x50, $0x38;
	[tilespmem:$0x1FC50] =	vst v63  }
0xee: {  	s10 =	rddreg [dreg:$0x14];
	s7 =	simm.s32 $0x18B00  }
0xef: {  	[tilespmem:s7], [sflag:$0x1] =	stream.linear.gather [hbm4b:s10+s2], $0x50, $0x38;
	[tilespmem:$0x1FC50] =	vst v63  }
0xf0: {  	s13 =	rddreg [dreg:$0x15];
	s10 =	simm.s32 $0x18B80  }
0xf1: {  	[tilespmem:s10], [sflag:$0x1] =	stream.linear.gather [hbm4b:s13+s2], $0x50, $0x38;
	[tilespmem:$0x1FC50] =	vst v63  }
0xf2: {  	s14 =	rddreg [dreg:$0x17];
	s13 =	simm.s32 $0x18C00  }
0xf3: {  	[tilespmem:s13], [sflag:$0x1] =	stream.linear.gather [hbm4b:s14+s2], $0x50, $0x38;
	[tilespmem:$0x1FC50] =	vst v63  }
0xf4: {  	s15 =	rddreg [dreg:$0x18];
	s14 =	simm.s32 $0x18C80  }
0xf5: {  	[tilespmem:s14], [sflag:$0x1] =	stream.linear.gather [hbm4b:s15+s2], $0x50, $0x38;
	[tilespmem:$0x1FC50] =	vst v63  }
0xf6: {  	s18 =	rddreg [dreg:$0x19];
	s15 =	simm.s32 $0x18D00  }
0xf7: {  	[tilespmem:s15], [sflag:$0x1] =	stream.linear.gather [hbm4b:s18+s2], $0x50, $0x38;
	[tilespmem:$0x1FC50] =	vst v63  }
0xf8: {  	s19 =	rddreg [dreg:$0x1a];
	s18 =	simm.s32 $0x18D80  }
0xf9: {  	[tilespmem:s18], [sflag:$0x1] =	stream.linear.gather [hbm4b:s19+s2], $0x50, $0x38;
	[tilespmem:$0x1FC50] =	vst v63  }
0xfa: {  	_ =	swait.ge [sflag:s17], $0x50  }
0xfb: {  	[sflag:s17] =	ssyncset.done $0x0  }
0xfc: {  	[sflag:s17] =	ssyncadd.s32 $0xFFFFFFB0  }
0xfd: {  	_ =	swait.ge [sflag:s17], $0x50  }
0xfe: {  	[sflag:s17] =	ssyncset.done $0x0  }
0xff: {  	[sflag:s17] =	ssyncadd.s32 $0xFFFFFFB0  }
0x100: {  	_ =	swait.ge [sflag:s17], $0x50  }
0x101: {  	[sflag:s17] =	ssyncset.done $0x0  }
0x102: {  	[sflag:s17] =	ssyncadd.s32 $0xFFFFFFB0  }
0x103: {  	_ =	swait.ge [sflag:s17], $0x50  }
0x104: {  	[sflag:s17] =	ssyncset.done $0x0  }
0x105: {  	[sflag:s17] =	ssyncadd.s32 $0xFFFFFFB0  }
0x106: {  	_ =	swait.ge [sflag:s17], $0x50  }
0x107: {  	[sflag:s17] =	ssyncset.done $0x0  }
0x108: {  	[sflag:s17] =	ssyncadd.s32 $0xFFFFFFB0  }
0x109: {  	_ =	swait.ge [sflag:s17], $0x50  }
0x10a: {  	[sflag:s17] =	ssyncset.done $0x0  }
0x10b: {  	[sflag:s17] =	ssyncadd.s32 $0xFFFFFFB0  }
0x10c: {  	_ =	swait.ge [sflag:s17], $0x50  }
0x10d: {  	[sflag:s17] =	ssyncset.done $0x0  }
0x10e: {  	[sflag:s17] =	ssyncadd.s32 $0xFFFFFFB0  }
0x10f: {  	_ =	swait.ge [sflag:s17], $0x50  }
0x110: {  	[sflag:s17] =	ssyncset.done $0x0  }
0x111: {  	s20 =	simm.s32 $0x50;
	s19 =	simm.s32 $0x19C50;
	[sflag:s17] =	ssyncadd.s32 $0xFFFFFFB0  }
0x112: {  	[tilespmem:s19], [sflag:$0x2] =	stream.indirect.gather [hbm4b:s24+s20], $0x20, s5, s20, $0xb8;
	[tilespmem:$0x1FC50] =	vst v63  }
0x113: {  	s23 =	simm.s32 $0x1AC50  }
0x114: {  	[tilespmem:s23], [sflag:$0x2] =	stream.indirect.gather [hbm4b:s25+s20], $0x20, s6, s20, $0xb8;
	[tilespmem:$0x1FC50] =	vst v63  }
0x115: {  	_ =	swait.ge [sflag:s22], $0xA00  }
0x116: {  	[sflag:s22] =	ssyncset.done $0x0  }
0x117: {  	[sflag:s22] =	ssyncadd.s32 $0xFFFFF600  }
0x118: {  	_ =	swait.ge [sflag:s22], $0xA00  }
0x119: {  	[sflag:s22] =	ssyncset.done $0x0  }
0x11a: {  	s24 =	sld [smem:$0x7FD];
	[sflag:s22] =	ssyncadd.s32 $0xFFFFF600  }
0x11b: {  	[tilespmem:s19], [sflag:$0x2] =	stream.indirect.gather.add.f32 [hbm:s29], $0x20, s7, s20, $0xb8;
	[tilespmem:$0x1FC50] =	vst v63  }
0x11c: {  	_ = 	snop  }
0x11d: {  	[tilespmem:s23], [sflag:$0x2] =	stream.indirect.gather.add.f32 [hbm:s24], $0x20, s10, s20, $0xb8;
	[tilespmem:$0x1FC50] =	vst v63  }
0x11e: {  	_ =	swait.ge [sflag:s22], $0xA00  }
0x11f: {  	[sflag:s22] =	ssyncset.done $0x0  }
0x120: {  	[sflag:s22] =	ssyncadd.s32 $0xFFFFF600  }
0x121: {  	_ =	swait.ge [sflag:s22], $0xA00  }
0x122: {  	[sflag:s22] =	ssyncset.done $0x0  }
0x123: {  	[sflag:s22] =	ssyncadd.s32 $0xFFFFF600  }
0x124: {  	[tilespmem:s19], [sflag:$0x2] =	stream.indirect.gather.add.f32 [hbm:s26], $0x20, s13, s20, $0xb8;
	[tilespmem:$0x1FC50] =	vst v63  }
0x125: {  	_ = 	snop  }
0x126: {  	[tilespmem:s23], [sflag:$0x2] =	stream.indirect.gather.add.f32 [hbm:s30], $0x20, s14, s20, $0xb8;
	[tilespmem:$0x1FC50] =	vst v63  }
0x127: {  	_ =	swait.ge [sflag:s22], $0xA00  }
0x128: {  	[sflag:s22] =	ssyncset.done $0x0  }
0x129: {  	[sflag:s22] =	ssyncadd.s32 $0xFFFFF600  }
0x12a: {  	_ =	swait.ge [sflag:s22], $0xA00  }
0x12b: {  	[sflag:s22] =	ssyncset.done $0x0  }
0x12c: {  	[sflag:s22] =	ssyncadd.s32 $0xFFFFF600  }
0x12d: {  	[tilespmem:s19], [sflag:$0x2] =	stream.indirect.gather.add.f32 [hbm:s31], $0x20, s15, s20, $0xb8;
	[tilespmem:$0x1FC50] =	vst v63  }
0x12e: {  	_ = 	snop  }
0x12f: {  	[tilespmem:s23], [sflag:$0x2] =	stream.indirect.gather.add.f32 [hbm:s0], $0x20, s18, s20, $0xb8;
	[tilespmem:$0x1FC50] =	vst v63  }
0x130: {  	_ =	swait.ge [sflag:s22], $0xA00  }
0x131: {  	[sflag:s22] =	ssyncset.done $0x0  }
0x132: {  	[sflag:s22] =	ssyncadd.s32 $0xFFFFF600  }
0x133: {  	_ =	swait.ge [sflag:s22], $0xA00  }
0x134: {  	[sflag:s22] =	ssyncset.done $0x0  }
0x135: {  	s25 =	simm.s32 $0x19C00;
	s29 =	simm.s32 $0x5;
	[sflag:s22] =	ssyncadd.s32 $0xFFFFF600  }
0x136: {  	[spmem:s1] =	stream.indirect.scatter.add.f32 [tilespmem:s19], [sflag:$0x5], $0x20, s25, s20, $0xb8;
	[tilespmem:$0x1FC50] =	vst v63  }
0x137: {  	_ =	swait.ge [sflag:s29], $0xA00  }
0x138: {  	[sflag:s29] =	ssyncset.done $0x0  }
0x139: {  	[sflag:s29] =	ssyncadd.s32 $0xFFFFF600  }
0x13a: {  	[spmem:s1] =	stream.indirect.scatter.add.f32 [tilespmem:s23], [sflag:$0x5], $0x20, s25, s20, $0xb8;
	[tilespmem:$0x1FC50] =	vst v63  }
0x13b: {  	_ =	swait.ge [sflag:s29], $0xA00  }
0x13c: {  	[sflag:s29] =	ssyncset.done $0x0  }
0x13d: {  	[sflag:s29] =	ssyncadd.s32 $0xFFFFF600  }
.LBB2_9:
0x13e: {  	s2 =	sld [smem:$0x7FA];
	_ =	sdelay $0x1  }
0x13f: {  	s5 =	simm.s32 $0x0;
	s3 =	simm.s32 $0x19200  }
0x140: {  	[tilespmem:s3], [sflag:$0x1] =	stream.linear.gather [hbm4b:s2+s5], $0x200, $0x38;
	[tilespmem:$0x1FC50] =	vst v63  }
0x141: {  	s14 =	rddreg [dreg:$0x1b];
	s6 =	simm.s32 $0x19800;
	s18 =	simm.s32 $0x1  }
0x142: {  	[tilespmem:s6], [sflag:$0x1] =	stream.linear.gather [hbm4b:s14+s5], $0x80, $0x38;
	[tilespmem:$0x1FC50] =	vst v63  }
0x143: {  	_ =	swait.ge [sflag:s18], $0x200  }
0x144: {  	[sflag:s18] =	ssyncset.done $0x0  }
0x145: {  	[sflag:s18] =	ssyncadd.s32 $0xFFFFFE00  }
0x146: {  	_ =	swait.ge [sflag:s18], $0x80  }
0x147: {  	[sflag:s18] =	ssyncset.done $0x0  }
0x148: {  	s13 =	simm.s32 $0x19C50;
	s20 =	rddreg [dreg:$0x1e];
	[sflag:s18] =	ssyncadd.s32 $0xFFFFFF80  }
0x149: {  	[tilespmem:s13], [sflag:$0x2] =	stream.indirect.gather [hbm4b:s21+s28], $0x20, s3, s28, $0xb8;
	[tilespmem:$0x1FC50] =	vst v63  }
0x14a: {  	s15 =	simm.s32 $0x1AC50;
	s19 =	simm.s32 $0x19280;
	s24 =	rddreg [dreg:$0x1c]  }
0x14b: {  	[tilespmem:s15], [sflag:$0x2] =	stream.indirect.gather [hbm4b:s9+s28], $0x20, s19, s28, $0xb8;
	[tilespmem:$0x1FC50] =	vst v63  }
.Ltmp4:
0x14c: {  	s23 =	simm.s32 $0x19400;
	s10 =	sld [smem:$0x7EA];
	(pc) =	sbr.rel .LBB2_10-.Ltmp4, $4  }
0x14d: {  	s25 =	simm.s32 $0x19880;
	s29 =	simm.s32 $0x2;
	s15 =	sld [smem:$0x7FB]  }
0x14e: {  	[tilespmem:s23], [sflag:$0x1] =	stream.linear.gather [hbm4b:s20+s5], $0x200, $0x38;
	[tilespmem:$0x1FC50] =	vst v63  }
0x14f: {  	s2 =	simm.s32 $0x0;
	s14 =	simm.s32 $0x0;
	s19 =	sld [smem:$0x7F0]  }
0x150: {  	[tilespmem:s25], [sflag:$0x1] =	stream.linear.gather [hbm4b:s24+s5], $0x80, $0x38;
	[tilespmem:$0x1FC50] =	vst v63  }
.LBB2_11:
0x151: {  	_ =	swait.ge [sflag:s16], $0x1000  }
0x152: {  	[sflag:s16] =	ssyncset.done $0x0  }
0x153: {  	[sflag:s16] =	ssyncadd.s32 $0xFFFFF000  }
0x154: {  	_ =	swait.ge [sflag:s16], $0x1000  }
0x155: {  	[sflag:s16] =	ssyncset.done $0x0  }
0x156: {  	[sflag:s16] =	ssyncadd.s32 $0xFFFFF000  }
.LBB2_13:
0x157: {  	_ =	swait.ge [sflag:s8], $0x1000  }
0x158: {  	s24 =	smul.u32 $0x18000, s23;
	[sflag:s8] =	ssyncset.done $0x0  }
0x159: {  	[sflag:s8] =	ssyncadd.s32 $0xFFFFF000  }
0x15a: {  	s24 =	ssub.s32 $0x10000, s24;
	_ =	swait.ge [sflag:s8], $0x1000  }
0x15b: {  	s25 =	sadd.s32 $0x19A80, s20;
	s24 =	sshra.s32 s24, $0x2;
	[sflag:s8] =	ssyncset.done $0x0  }
0x15c: {  	s7 =	sadd.s32 s7, s25;
	s24 =	sadd.s32 s24, s13;
	[sflag:s8] =	ssyncadd.s32 $0xFFFFF000  }
0x15d: {  	[spmem:s1] =	stream.indirect.scatter.add.f32 [tilespmem:s24], [sflag:$0x4], $0x20, s7, s28, $0xb8;
	[tilespmem:$0x1FC50] =	vst v63  }
0x15e: {  	s24 =	sadd.s32 $0x1000, s24  }
0x15f: {  	[spmem:s1] =	stream.indirect.scatter.add.f32 [tilespmem:s24], [sflag:$0x4], $0x20, s7, s28, $0xb8;
	[tilespmem:$0x1FC50] =	vst v63  }
.LBB2_14:
0x160: {  	s7 =	smul.u32 $0xFFFFE800, s23  }
0x161: {  	s5 =	sadd.s32 $0x2, s5;
	s25 =	smulhi.u32 $0xAAAAAAAB, s18  }
0x162: {  	s20 =	sadd.s32 $0x19900, s20;
	p2 =	sge.u32 s5, s4;
	s7 =	sshra.s32 s7, $0x2  }
0x163: {  	s24 =	smul.u32 $0xFFFFE800, s3;
	s5 =	sadd.s32 $0x19600, s7;
	s7 =	sshra.s32 @!p2 s2, $0x2  }
0x164: {  	s23 =	sshra.s32 @!p2 s14, $0x2;
	s5 =	sadd.s32 @!p2 s7, s5;
	s7 =	simm.s32 @!p2 $0x0  }
0x165: {  	[tilespmem:s5], [sflag:$0x1] =	stream.linear.gather @!p2 [hbm4b:s15+s7], $0x200, $0x38;
	[tilespmem:$0x1FC50] =	vst v63  }
0x166: {  	s20 =	sadd.s32 @!p2 s23, s20;
	s23 =	smul.u32 $0x18000, s3  }
0x167: {  	[tilespmem:s20], [sflag:$0x1] =	stream.linear.gather @!p2 [hbm4b:s19+s7], $0x80, $0x38;
	[tilespmem:$0x1FC50] =	vst v63  }
0x168: {  	s24 =	sshra.s32 s24, $0x2;
	_ =	swait.ge [sflag:s22], $0x1000  }
0x169: {  	s5 =	sshrl.u32 s25, $0x1;
	s3 =	ssub.s32 $0x4000, s23;
	[sflag:s22] =	ssyncset.done $0x0  }
0x16a: {  	s25 =	sshra.s32 s2, $0x2;
	s3 =	sshra.s32 s3, $0x2;
	[sflag:s22] =	ssyncadd.s32 $0xFFFFF000  }
0x16b: {  	s7 =	smul.u32 $0xFFFFE800, s5;
	s20 =	sadd.s32 $0x19200, s24;
	_ =	swait.ge [sflag:s22], $0x1000  }
0x16c: {  	s3 =	sadd.s32 s3, s13;
	s20 =	sadd.s32 s25, s20;
	[sflag:s22] =	ssyncset.done $0x0  }
0x16d: {  	s24 =	sadd.s32 $0xFFFFF000, s3;
	s25 =	sadd.s32 $0x100, s20;
	[sflag:s22] =	ssyncadd.s32 $0xFFFFF000  }
0x16e: {  	[tilespmem:s24], [sflag:$0x3] =	stream.indirect.gather.add.f32 [hbm:s10], $0x20, s25, s28, $0xb8;
	[tilespmem:$0x1FC50] =	vst v63  }
0x16f: {  	s5 =	smul.u32 $0xFFFE8000, s5;
	s7 =	sshra.s32 s7, $0x2;
	s20 =	sadd.s32 $0x180, s20  }
0x170: {  	[tilespmem:s3], [sflag:$0x3] =	stream.indirect.gather.add.f32 [hbm:s11], $0x20, s20, s28, $0xb8;
	[tilespmem:$0x1FC50] =	vst v63  }
0x171: {  	s5 =	sshra.s32 @!p1 s5, $0x2;
	s3 =	sadd.s32 $0x19200, s7;
	s7 =	sshra.s32 @!p1 s2, $0x2  }
0x172: {  	s5 =	sadd.s32 @!p1 s5, s13;
	s3 =	sadd.s32 @!p1 s7, s3  }
0x173: {  	s23 =	simm.s32 @!p1 $0x80;
	s7 =	sadd.s32 @!p1 $0x2000, s5;
	s20 =	sadd.s32 @!p1 $0x200, s3  }
0x174: {  	[tilespmem:s7], [sflag:$0x2] =	stream.indirect.gather @!p1 [hbm4b:s21+s23], $0x20, s20, s23, $0xb8;
	[tilespmem:$0x1FC50] =	vst v63  }
0x175: {  	s14 =	sadd.s32 $0x200, s14;
	s5 =	sadd.s32 @!p1 $0x3000, s5;
	s3 =	sadd.s32 @!p1 $0x280, s3  }
0x176: {  	[tilespmem:s5], [sflag:$0x2] =	stream.indirect.gather @!p1 [hbm4b:s9+s23], $0x20, s3, s23, $0xb8;
	[tilespmem:$0x1FC50] =	vst v63  }
0x177: {  	p1 =	sne.s32 s12, s14  }
.Ltmp5:
0x178: {  	_ = 	snop;
	(pc) =	sbr.rel @!p1 .LBB2_15-.Ltmp5, $4  }
0x179: {  	_ = 	snop  }
0x17a: {  	s18 =	sadd.s32 $0x1, s18  }
0x17b: {  	s29 =	sadd.s32 $0x1, s29;
	s15 =	sadd.s32 $0x400, s15;
	s19 =	sadd.s32 $0x100, s19  }
0x17c: {  	s13 =	sadd.s32 $0x2000, s13;
	s2 =	sadd.s32 $0x800, s2;
	s5 =	smov.u32 s6  }
.LBB2_10:
0x17d: {  	s6 =	sadd.s32 $0x1, s5  }
0x17e: {  	s3 =	smulhi.u32 $0xAAAAAAAB, s5;
	p1 =	sge.u32 s6, s4  }
0x17f: {  	s20 =	simm.s32 @!p1 $0x1  }
0x180: {  	s3 =	sshrl.u32 s3, $0x1;
	_ =	swait.ge @!p1 [sflag:s20], $0x200  }
0x181: {  	s7 =	smul.u32 $0xFFFFFA00, s3;
	[sflag:s20] =	ssyncset.done @!p1 $0x0  }
0x182: {  	[sflag:s20] =	ssyncadd.s32 @!p1 $0xFFFFFE00  }
0x183: {  	s23 =	sshra.s32 s7, $0x2;
	_ =	swait.ge @!p1 [sflag:s20], $0x80  }
0x184: {  	s7 =	sshra.s32 s14, $0x2;
	s24 =	sadd.s32 $0x19800, s23;
	[sflag:s20] =	ssyncset.done @!p1 $0x0  }
0x185: {  	s25 =	sadd.s32 s7, s24;
	[sflag:s20] =	ssyncadd.s32 @!p1 $0xFFFFFF80  }
0x186: {  	v16 =	vld [tilespmem:s25+$0x0];
	_ =	sdelay $0x4  }
0x187: {  	v17 =	vsub.s32 v16, v1  }
0x188: {  	vm0 =	vge.s32 v16, v1;
	vm1 =	vlt.s32 v17, $0xC350  }
0x189: {  	s23 =	sadd.s32 $0x19980, s23;
	vm0 =	vmand vm0, vm1  }
0x18a: {  	s24 =	sadd.s32 s7, s23;
	v16 =	vsel vm0, v17, v8  }
0x18b: {  	[tilespmem:s24+$0x0] =	vst v16  }
0x18c: {  	v16 =	vld [tilespmem:s25+$0x10];
	_ =	sdelay $0x4  }
0x18d: {  	v17 =	vsub.s32 v16, v1  }
0x18e: {  	vm14 =	vge.s32 v16, v1;
	vm15 =	vlt.s32 v17, $0xC350  }
0x18f: {  	vm0 =	vmand vm14, vm15  }
0x190: {  	v16 =	vsel vm0, v17, v9  }
0x191: {  	[tilespmem:s24+$0x10] =	vst v16  }
0x192: {  	v16 =	vld [tilespmem:s25+$0x20];
	_ =	sdelay $0x4  }
0x193: {  	v17 =	vsub.s32 v16, v1  }
0x194: {  	vm4 =	vge.s32 v16, v1;
	vm5 =	vlt.s32 v17, $0xC350  }
0x195: {  	vm0 =	vmand vm4, vm5  }
0x196: {  	v16 =	vsel vm0, v17, v10  }
0x197: {  	[tilespmem:s24+$0x20] =	vst v16  }
0x198: {  	v16 =	vld [tilespmem:s25+$0x30];
	_ =	sdelay $0x4  }
0x199: {  	v17 =	vsub.s32 v16, v1  }
0x19a: {  	vm6 =	vge.s32 v16, v1;
	vm7 =	vlt.s32 v17, $0xC350  }
0x19b: {  	vm0 =	vmand vm6, vm7  }
0x19c: {  	v16 =	vsel vm0, v17, v11  }
0x19d: {  	[tilespmem:s24+$0x30] =	vst v16  }
0x19e: {  	v16 =	vld [tilespmem:s25+$0x40];
	_ =	sdelay $0x4  }
0x19f: {  	v17 =	vsub.s32 v16, v1  }
0x1a0: {  	vm8 =	vge.s32 v16, v1;
	vm9 =	vlt.s32 v17, $0xC350  }
0x1a1: {  	vm0 =	vmand vm8, vm9  }
0x1a2: {  	v16 =	vsel vm0, v17, v12  }
0x1a3: {  	[tilespmem:s24+$0x40] =	vst v16  }
0x1a4: {  	v16 =	vld [tilespmem:s25+$0x50];
	_ =	sdelay $0x4  }
0x1a5: {  	v17 =	vsub.s32 v16, v1  }
0x1a6: {  	vm10 =	vge.s32 v16, v1;
	vm11 =	vlt.s32 v17, $0xC350  }
0x1a7: {  	vm0 =	vmand vm10, vm11  }
0x1a8: {  	v16 =	vsel vm0, v17, v13  }
0x1a9: {  	[tilespmem:s24+$0x50] =	vst v16  }
0x1aa: {  	v16 =	vld [tilespmem:s25+$0x60];
	_ =	sdelay $0x4  }
0x1ab: {  	v17 =	vsub.s32 v16, v1  }
0x1ac: {  	vm12 =	vge.s32 v16, v1;
	vm13 =	vlt.s32 v17, $0xC350  }
0x1ad: {  	vm0 =	vmand vm12, vm13  }
0x1ae: {  	v16 =	vsel vm0, v17, v14  }
0x1af: {  	[tilespmem:s24+$0x60] =	vst v16  }
0x1b0: {  	v16 =	vld [tilespmem:s25+$0x70];
	_ =	sdelay $0x3  }
0x1b1: {  	p2 =	slt.u32 s5, $0x2;
	s25 =	smulhi.u32 $0xAAAAAAAB, s29  }
.Ltmp6:
0x1b2: {  	v17 =	vsub.s32 v16, v1;
	(pc) =	sbr.rel @!p2 .LBB2_11-.Ltmp6, $4  }
0x1b3: {  	s23 =	sshrl.u32 s25, $0x1;
	vm14 =	vge.s32 v16, v1;
	vm15 =	vlt.s32 v17, $0xC350  }
0x1b4: {  	s20 =	smul.u32 $0xFFFFFA00, s23;
	vm0 =	vmand vm14, vm15  }
0x1b5: {  	v16 =	vsel vm0, v17, v15  }
0x1b6: {  	s20 =	sshra.s32 s20, $0x2;
	[tilespmem:s24+$0x70] =	vst v16  }
0x1b7: {  	p2 =	seq.s32 s14, $0x0  }
.Ltmp7:
0x1b8: {  	_ = 	snop;
	(pc) =	sbr.rel @!p2 .LBB2_13-.Ltmp7, $4  }
.Ltmp8:
0x1b9: {  	_ = 	snop;
	(pc) =	sbr.rel @p2 .LBB2_14-.Ltmp8, $4  }
0x1ba: {  	_ = 	snop  }
0x1bb: {  	_ = 	snop  }
0x1bc: {  	_ = 	snop  }
0x1bd: {  	_ = 	snop  }
.LBB2_15:
0x1be: {  	_ =	swait.ge [sflag:s16], $0x1000  }
0x1bf: {  	[sflag:s16] =	ssyncset.done $0x0  }
0x1c0: {  	[sflag:s16] =	ssyncadd.s32 $0xFFFFF000  }
0x1c1: {  	_ =	swait.ge [sflag:s16], $0x1000  }
0x1c2: {  	[sflag:s16] =	ssyncset.done $0x0  }
0x1c3: {  	[sflag:s16] =	ssyncadd.s32 $0xFFFFF000  }
0x1c4: {  	_ =	swait.ge [sflag:s8], $0x1000  }
0x1c5: {  	[sflag:s8] =	ssyncset.done $0x0  }
0x1c6: {  	[sflag:s8] =	ssyncadd.s32 $0xFFFFF000  }
0x1c7: {  	_ =	swait.ge [sflag:s8], $0x1000  }
0x1c8: {  	s2 =	sld [smem:$0x7EB]  }
0x1c9: {  	s3 =	sld [smem:$0x7ED]  }
0x1ca: {  	[sflag:s8] =	ssyncset.done $0x0  }
0x1cb: {  	s24 =	sld [smem:$0x7EC];
	[sflag:s8] =	ssyncadd.s32 $0xFFFFF000  }
0x1cc: {  	[spmem:s1] =	stream.indirect.scatter.add.f32 [tilespmem:s2], [sflag:$0x4], $0x20, s3, s28, $0xb8;
	[tilespmem:$0x1FC50] =	vst v63  }
0x1cd: {  	_ = 	snop  }
0x1ce: {  	[spmem:s1] =	stream.indirect.scatter.add.f32 [tilespmem:s24], [sflag:$0x4], $0x20, s3, s28, $0xb8;
	[tilespmem:$0x1FC50] =	vst v63  }
0x1cf: {  	_ =	swait.ge [sflag:s16], $0x1000  }
0x1d0: {  	[sflag:s16] =	ssyncset.done $0x0  }
0x1d1: {  	[sflag:s16] =	ssyncadd.s32 $0xFFFFF000  }
0x1d2: {  	_ =	swait.ge [sflag:s16], $0x1000  }
0x1d3: {  	[sflag:s16] =	ssyncset.done $0x0  }
0x1d4: {  	[sflag:s16] =	ssyncadd.s32 $0xFFFFF000  }
0x1d5: {  	[bflag:$0x0] =	sbarrier.arrive $0xFFFF  }
0x1d6: {  	s25 =	sld [smem:$0x7E9]  }
0x1d7: {  	s6 =	sld [smem:$0x7F1];
	_ =	sdelay $0x2  }
0x1d8: {  	s5 =	rddreg [dreg:$0x16];
	s2 =	sor.u32 $0x1C04, s25;
	s29 =	sshrl.u32 s6, $0x3  }
0x1d9: {  	[hbm:s5], [sflag:s2] =	dma.local [spmem:s29], $0x200  }
0x1da: {  	s23 =	rddreg [dreg:$0x10]  }
0x1db: {  	p1 =	sne.s32 s23, $0x1  }
.Ltmp9:
0x1dc: {  	_ = 	snop;
	(pc) =	sbr.rel @!p1 .LBB2_17-.Ltmp9, $2  }
0x1dd: {  	_ =	sdelay $0x2  }
0x1de: {  	s3 =	sadd.s32 $0xFFFFFFFF, s23  }
.LBB2_16:
0x1df: {  	p2 =	sne.s32 s3, $0x1  }
.Ltmp10:
0x1e0: {  	_ = 	snop;
	(pc) =	sbr.rel @p2 .LBB2_16-.Ltmp10, $4  }
0x1e1: {  	_ = 	snop  }
0x1e2: {  	s5 =	sadd.s32 $0x2000, s5;
	s6 =	sadd.s32 $0x10000, s6  }
0x1e3: {  	s3 =	sadd.s32 $0xFFFFFFFF, s3;
	s7 =	sshrl.u32 s6, $0x3  }
0x1e4: {  	[hbm:s5], [sflag:s2] =	dma.local [spmem:s7], $0x200  }
.LBB2_17:
0x1e5: {  	_ =	swait.ge [sflag:s16], $0x200  }
0x1e6: {  	s19 =	rddreg [dreg:$0xd]  }
.Ltmp11:
0x1e7: {  	s20 =	rddreg [dreg:$0xe];
	(pc) =	sbr.rel @!p1 .LBB2_19-.Ltmp11, $4  }
0x1e8: {  	s18 =	rddreg [dreg:$0xf]  }
0x1e9: {  	s24 =	rddreg [dreg:$0x1d]  }
0x1ea: {  	s25 =	rddreg [dreg:$0x1f]  }
0x1eb: {  	s2 =	sadd.s32 $0xFFFFFFFF, s23;
	[sflag:s16] =	ssyncset.done $0x0;
	s29 =	sld [smem:$0x7FC]  }
.LBB2_18:
0x1ec: {  	p1 =	sne.s32 s2, $0x1;
	s2 =	sadd.s32 $0xFFFFFFFF, s2;
	[sflag:s16] =	ssyncadd.s32 $0xFFFFFE00  }
.Ltmp12:
0x1ed: {  	(pc) =	sbr.rel @p1 .LBB2_18-.Ltmp12, $3  }
0x1ee: {  	_ =	sdelay $0x1  }
0x1ef: {  	_ =	swait.ge [sflag:s16], $0x200  }
0x1f0: {  	[sflag:s16] =	ssyncset.done $0x0  }
.LBB2_19:
0x1f1: {  	s3 =	sld [smem:$0x7EE]  }
0x1f2: {  	s5 =	sld [smem:$0x7F2];
	_ =	sdelay $0x1  }
0x1f3: {  	[sflag:s16] =	ssyncadd.s32 $0xFFFFFE00;
	s2 =	simm.s32 @!p0 $0x1C05  }
0x1f4: {  	[hbm:s3], [sflag:s2] =	dma.local @!p0 [spmem:s5], $0x140  }
0x1f5: {  	s2 =	simm.s32 @!p0 $0x5  }
0x1f6: {  	_ =	swait.ge @!p0 [sflag:s2], $0x140  }
0x1f7: {  	s6 =	sld [smem:$0x7E8]  }
0x1f8: {  	s15 =	sld [smem:$0x7EF];
	_ =	sdelay $0x1  }
0x1f9: {  	s6 =	sadd.s32 $0x1, s6  }
0x1fa: {  	p1 =	sne.s32 s6, s15  }
.Ltmp13:
0x1fb: {  	_ = 	snop;
	(pc) =	sbr.rel @p1 .LBB2_1-.Ltmp13, $3  }
0x1fc: {  	_ =	sdelay $0x1  }
0x1fd: {  	[sflag:s2] =	ssyncset.done @!p0 $0x0  }
0x1fe: {  	s5 =	simm.s32 $0x18800;
	[sflag:s2] =	ssyncadd.s32 @!p0 $0xFFFFFEC0  }
0x1ff: {  	_ =	sfence.sel $0x180000  }
0x200: {  	[bflag:$0x0] =	sbarrier.arrive $0xFFFF  }
0x201: {  	_ =	strace $0x90000047  }
0x202: {  	[bflag:$0x2] =	sbarrier.arrive $0xFFFF  }
0x203: {  	s0 =	rddreg [dreg:$0x3]  }
0x204: {  	s0 =	sadd.s32 @!p0 $0x100000, s0  }
0x205: {  	[sflag:s0] =	ssyncadd.tile.s32 @!p0 $0x1;
	_ =	shalt  }
.Lfunc_end2:
_tile_overlayer_lowered:
.L_overlay_start_2:
0x206: {  	(tag) =	ssettag $0x2  }
0x207: {  	s0 =	rddreg [dreg:$0x0];
	s2 =	stileid.u32  }
0x208: {  	s1 =	rddreg [dreg:$0x1];
	p0 =	sne.s32 s2, $0x0  }
0x209: {  	s3 =	rddreg [dreg:$0x2];
	[bflag:$0x3] =	sbarrier.arrive $0xFFFF;
	s2 =	simm.s32 @!p0 $0x1C05  }
0x20a: {  	[timem:s3], [sflag:s2] =	dma.local @!p0 [hbm:s0], s1  }
0x20b: {  	s0 =	simm.s32 @!p0 $0x5  }
0x20c: {  	_ =	swait.ge @!p0 [sflag:s0], s1  }
0x20d: {  	s1 =	ssub.s32 @!p0 $0x0, s1;
	[sflag:s0] =	ssyncset.done @!p0 $0x0  }
0x20e: {  	[sflag:s0] =	ssyncadd.s32 @!p0 s1  }
0x20f: {  	[bflag:$0x3] =	sbarrier.arrive $0xFFFF  }
0x210: {  	_ =	shalt  }

</sc_bundles>
